<compile_context>
chip_gen: v7x
topology: tpu7x:2x2x1
jax: 0.10.2.dev20260603
libtpu: 0.0.44.dev20260713+nightly
codegen_flags: <defaults>
</compile_context>

<pallas_src>
import functools

import jax
import jax.numpy as jnp
from jax import lax
from jax.experimental import pallas as pl
from jax.experimental.pallas import tpu as pltpu
from jax.experimental.pallas import tpu_sc as plsc

N = 10000
D = 128
E = 320000
NC = 2
NS = 16
NWORK = NC * NS
B = 128
EPW = 10240
NWIN = EPW // B
EPAD = NWORK * EPW
NPAD = N + 112
RPT = NPAD // NS
NBUF = 2
CHUNK = 8
NCHUNK = NWIN // CHUNK
_SLAB_CHUNKS = [(o, 64) for o in range(0, 512, 64)] + [(512, 64), (576, 56)]

_PASS_CACHE = {}


def _sc_pass(with_c, WB):
    if (with_c, WB) in _PASS_CACHE:
        return _PASS_CACHE[(with_c, WB)]
    NWINB = EPW // WB
    NCHUNKB = NWINB // CHUNK
    mesh = plsc.VectorSubcoreMesh(core_axis_name="c", subcore_axis_name="s")
    out_type = [jax.ShapeDtypeStruct((NC * NPAD, D), jnp.float32)]
    scratch = [pltpu.VMEM_SHARED((NPAD, D), jnp.float32)]
    nsem = 2 * NBUF
    if with_c:
        out_type.append(jax.ShapeDtypeStruct((NC * NPAD, 16), jnp.float32))
        scratch.append(pltpu.VMEM_SHARED((NPAD, 16), jnp.float32))
        nsem = 4 * NBUF
    scratch += [pltpu.SemaphoreType.DMA] * nsem
    tile_scratch = [
        pltpu.VMEM((CHUNK, WB), jnp.int32),
        pltpu.VMEM((CHUNK, WB), jnp.int32),
        *[pltpu.VMEM((WB, D), jnp.float32) for _ in range(NBUF)],
    ]
    if with_c:
        tile_scratch += [
            pltpu.VMEM((CHUNK, WB), jnp.int32),
            *[pltpu.VMEM((WB, 16), jnp.float32) for _ in range(NBUF)],
        ]

    def _inner(refs, *tiles):
        if with_c:
            (table, gA, sA, t16, sB, z128, z16,
             outS, outC, accS, accC) = refs[:11]
            sems = refs[11:]
            gi, si, bufs, si2, bufs2 = (
                tiles[0], tiles[1], tiles[2:2 + NBUF],
                tiles[2 + NBUF], tiles[3 + NBUF:])
            gsem2 = sems[2 * NBUF:3 * NBUF]
            ssem2 = sems[3 * NBUF:]
        else:
            table, gA, sA, z128, outS, accS = refs[:6]
            sems = refs[6:]
            gi, si, bufs = tiles[0], tiles[1], tiles[2:]
        gsem = sems[:NBUF]
        ssem = sems[NBUF:2 * NBUF]
        c = lax.axis_index("c")
        s = lax.axis_index("s")
        wid = s * NC + c
        for off, sz in _SLAB_CHUNKS:
            pltpu.sync_copy(z128.at[pl.ds(s * RPT + off, sz)],
                            accS.at[pl.ds(s * RPT + off, sz)])
            if with_c:
                pltpu.sync_copy(z16.at[pl.ds(s * RPT + off, sz)],
                                accC.at[pl.ds(s * RPT + off, sz)])
        plsc.subcore_barrier()

        def chunk_(kc, carry):
            pltpu.sync_copy(gA.at[wid * NCHUNKB + kc], gi)
            pltpu.sync_copy(sA.at[wid * NCHUNKB + kc], si)
            if with_c:
                pltpu.sync_copy(sB.at[wid * NCHUNKB + kc], si2)

            def round_(k, carry2):
                for j in range(NBUF):
                    w = k * NBUF + j
                    pltpu.async_copy(table.at[gi.at[w]], bufs[j], gsem[j])
                    if with_c:
                        pltpu.async_copy(t16.at[si.at[w]], bufs2[j], gsem2[j])
                for j in range(NBUF):
                    w = k * NBUF + j
                    pltpu.make_async_copy(z128.at[pl.ds(0, WB)], bufs[j],
                                          gsem[j]).wait()
                    pltpu.async_copy(bufs[j], accS.at[si.at[w]], ssem[j],
                                     add=True)
                    if with_c:
                        pltpu.make_async_copy(z16.at[pl.ds(0, WB)], bufs2[j],
                                              gsem2[j]).wait()
                        pltpu.async_copy(bufs2[j], accC.at[si2.at[w]],
                                         ssem2[j], add=True)
                for j in range(NBUF):
                    w = k * NBUF + j
                    pltpu.make_async_copy(bufs[j], accS.at[si.at[w]],
                                          ssem[j]).wait()
                    if with_c:
                        pltpu.make_async_copy(bufs2[j], accC.at[si2.at[w]],
                                              ssem2[j]).wait()
                return carry2

            lax.fori_loop(0, CHUNK // NBUF, round_, 0)
            return carry

        lax.fori_loop(0, NCHUNKB, chunk_, 0)
        plsc.subcore_barrier()
        for off, sz in _SLAB_CHUNKS:
            pltpu.sync_copy(accS.at[pl.ds(s * RPT + off, sz)],
                            outS.at[pl.ds(c * NPAD + s * RPT + off, sz)])
            if with_c:
                pltpu.sync_copy(accC.at[pl.ds(s * RPT + off, sz)],
                                outC.at[pl.ds(c * NPAD + s * RPT + off, sz)])

    @functools.partial(
        pl.kernel,
        out_type=out_type if with_c else out_type[0],
        mesh=mesh,
        compiler_params=pltpu.CompilerParams(use_tc_tiling_on_sc=False),
        scratch_types=scratch,
    )
    def body(*refs):
        pl.run_scoped(functools.partial(_inner, refs), *tile_scratch)

    _PASS_CACHE[(with_c, WB)] = body
    return body


_HIST_CACHE = []
_HNB = 8


def _histones(sidx, zeros):
    if _HIST_CACHE:
        return _HIST_CACHE[0](sidx, zeros)
    mesh = plsc.VectorSubcoreMesh(core_axis_name="c", subcore_axis_name="s")

    def _inner(s_ref, z_ref, out_ref, acc, sems, si, buf):
        c = lax.axis_index("c")
        s = lax.axis_index("s")
        wid = s * NC + c
        ones = jnp.ones((16,), jnp.float32)

        def fill(i, carry):
            buf[i, pl.ds(0, 16)] = ones
            return carry

        lax.fori_loop(0, B, fill, 0)
        for off, sz in _SLAB_CHUNKS:
            pltpu.sync_copy(z_ref.at[pl.ds(s * RPT + off, sz)],
                            acc.at[pl.ds(s * RPT + off, sz)])
        plsc.subcore_barrier()

        def chunk_(kc, carry):
            pltpu.sync_copy(s_ref.at[wid * NCHUNK + kc], si)

            def round_(k, carry2):
                for j in range(_HNB):
                    w = k * _HNB + j
                    pltpu.async_copy(buf, acc.at[si.at[w]], sems[j], add=True)
                for j in range(_HNB):
                    w = k * _HNB + j
                    pltpu.make_async_copy(buf, acc.at[si.at[w]], sems[j]).wait()
                return carry2

            lax.fori_loop(0, CHUNK // _HNB, round_, 0)
            return carry

        lax.fori_loop(0, NCHUNK, chunk_, 0)
        plsc.subcore_barrier()
        for off, sz in _SLAB_CHUNKS:
            pltpu.sync_copy(acc.at[pl.ds(s * RPT + off, sz)],
                            out_ref.at[pl.ds(c * NPAD + s * RPT + off, sz)])

    @functools.partial(
        pl.kernel,
        out_type=jax.ShapeDtypeStruct((NC * NPAD, 16), jnp.float32),
        mesh=mesh,
        compiler_params=pltpu.CompilerParams(use_tc_tiling_on_sc=False),
        scratch_types=[
            pltpu.VMEM_SHARED((NPAD, 16), jnp.float32),
            *[pltpu.SemaphoreType.DMA for _ in range(_HNB)],
        ],
    )
    def body(s_ref, z_ref, out_ref, acc, *sems):
        pl.run_scoped(
            functools.partial(_inner, s_ref, z_ref, out_ref, acc, sems),
            pltpu.VMEM((CHUNK, B), jnp.int32),
            pltpu.VMEM((B, 16), jnp.float32),
        )

    _HIST_CACHE.append(body)
    return body(sidx, zeros)


BR = 1000


def _tc1_body(x_ref, w_ref, d_ref, g_ref, dinv_ref):
    deg = 1.0 + d_ref[0] + d_ref[1]
    dinv = lax.rsqrt(deg)
    dinv_ref[...] = dinv
    g_ref[...] = dinv[:, :1] * jnp.dot(
        x_ref[...], w_ref[...], preferred_element_type=jnp.float32)


def _tc1(x, w1, degp):
    return pl.pallas_call(
        _tc1_body,
        grid=(N // BR,),
        in_specs=[
            pl.BlockSpec((BR, D), lambda i: (i, 0)),
            pl.BlockSpec((D, D), lambda i: (0, 0)),
            pl.BlockSpec((NC, BR, 16), lambda i: (0, i, 0)),
        ],
        out_specs=[
            pl.BlockSpec((BR, D), lambda i: (i, 0)),
            pl.BlockSpec((BR, 16), lambda i: (i, 0)),
        ],
        out_shape=[
            jax.ShapeDtypeStruct((N, D), jnp.float32),
            jax.ShapeDtypeStruct((N, 16), jnp.float32),
        ],
    )(x, w1, degp)


def _tc2_body(s_ref, g_ref, dv_ref, b_ref, w_ref, out_ref):
    dcol = dv_ref[:, :1]
    h = jnp.maximum(dcol * (s_ref[0] + s_ref[1] + g_ref[...]) + b_ref[...], 0.0)
    out_ref[...] = dcol * jnp.dot(h, w_ref[...], preferred_element_type=jnp.float32)


def _tc2(sp, g1, dinv16, b1, w2):
    return pl.pallas_call(
        _tc2_body,
        grid=(N // BR,),
        in_specs=[
            pl.BlockSpec((NC, BR, D), lambda i: (0, i, 0)),
            pl.BlockSpec((BR, D), lambda i: (i, 0)),
            pl.BlockSpec((BR, 16), lambda i: (i, 0)),
            pl.BlockSpec((1, D), lambda i: (0, 0)),
            pl.BlockSpec((D, D), lambda i: (0, 0)),
        ],
        out_specs=pl.BlockSpec((BR, D), lambda i: (i, 0)),
        out_shape=jax.ShapeDtypeStruct((N, D), jnp.float32),
    )(sp, g1, dinv16, b1, w2)


def _tc3_body(s_ref, g_ref, dv_ref, c_ref, b2_ref, w3_ref, b3_ref,
              out_ref, acc_ref):
    i = pl.program_id(0)

    @pl.when(i == 0)
    def _():
        acc_ref[...] = jnp.zeros_like(acc_ref)

    dv = dv_ref[...]
    dcol = dv[:, :1]
    h2 = jnp.maximum(dcol * (s_ref[0] + s_ref[1] + g_ref[...]) + b2_ref[...], 0.0)
    w16 = dv * (dv + c_ref[0] + c_ref[1])
    acc_ref[...] += jnp.sum(w16[:, :1] * h2, axis=0, keepdims=True)

    @pl.when(i == pl.num_programs(0) - 1)
    def _():
        out_ref[...] = jnp.dot(
            acc_ref[...], w3_ref[...], preferred_element_type=jnp.float32
        ) * (1.0 / N) + b3_ref[...]


def _tc3(sp, g2, dinv16, cp, b2, w3, b3):
    return pl.pallas_call(
        _tc3_body,
        grid=(N // BR,),
        in_specs=[
            pl.BlockSpec((NC, BR, D), lambda i: (0, i, 0)),
            pl.BlockSpec((BR, D), lambda i: (i, 0)),
            pl.BlockSpec((BR, 16), lambda i: (i, 0)),
            pl.BlockSpec((NC, BR, 16), lambda i: (0, i, 0)),
            pl.BlockSpec((1, D), lambda i: (0, 0)),
            pl.BlockSpec((D, D), lambda i: (0, 0)),
            pl.BlockSpec((1, D), lambda i: (0, 0)),
        ],
        out_specs=pl.BlockSpec((1, D), lambda i: (0, 0)),
        out_shape=jax.ShapeDtypeStruct((1, D), jnp.float32),
        scratch_shapes=[pltpu.VMEM((1, D), jnp.float32)],
    )(sp, g2, dinv16, cp, b2, w3, b3)


def kernel(x, edge_index, W1, b1, W2, b2, W3, b3):
    ei = edge_index.astype(jnp.int32)
    src, dst = ei[0], ei[1]
    pad = EPAD - E
    padidx = jnp.arange(pad, dtype=jnp.int32)
    zpad = (padidx * 37) % N
    trash = N + padidx % 112
    def _shape(a, wb):
        return a.reshape(NWORK * (EPW // wb) // CHUNK, CHUNK, wb)

    src_gf = jnp.concatenate([src, zpad])
    dst_sf = jnp.concatenate([dst, trash])
    src_sf = jnp.concatenate([src, trash])
    src_g, dst_s = _shape(src_gf, B), _shape(dst_sf, B)

    zeros128 = jnp.zeros((NPAD, D), jnp.float32)
    zeros16 = jnp.zeros((NPAD, 16), jnp.float32)

    degp = _histones(dst_s, zeros16).reshape(NC, NPAD, 16)
    g1, dinv16 = _tc1(x, W1, degp)

    dinv16p = jnp.pad(dinv16, ((0, NPAD - N), (0, 0)))
    s1p, cp = _sc_pass(True, B)(g1, src_g, dst_s, dinv16p,
                                _shape(src_sf, B), zeros128, zeros16)
    g2 = _tc2(s1p.reshape(NC, NPAD, D), g1, dinv16, b1.reshape(1, D), W2)

    s2p = _sc_pass(False, B)(g2, src_g, dst_s, zeros128)
    out = _tc3(s2p.reshape(NC, NPAD, D), g2, dinv16,
               cp.reshape(NC, NPAD, 16),
               b2.reshape(1, D), W3, b3.reshape(1, D))
    return out[0]

# --- scband reference (transcript-rebuilt; emitter-appended) ---
"""Pipeline reference for scband-gcnembedder-multi-16896401343161 (READ-ONLY COPY).

The authoritative reference and input builder live on the scoring server;
editing this copy changes nothing except your own understanding.
"""

import jax, jax.numpy as jnp
import numpy as np

N_NODES = 10000
D_IN = 128
D_HID = 128
D_OUT = 128
N_EDGES = 320000


def glorot(key, shape):
    fan_in, fan_out = shape[0], shape[1]
    limit = float(np.sqrt(6.0 / (fan_in + fan_out)))
    return jax.random.uniform(key, shape, minval=-limit, maxval=limit, dtype=jnp.float32)


def setup_inputs(seed: int = 0) -> dict:
    key = jax.random.key(seed)
    ks = jax.random.split(key, 8)
    x = jax.random.normal(ks[0], (N_NODES, D_IN), dtype=jnp.float32)
    edge_index = jax.random.randint(ks[1], (2, N_EDGES), 0, N_NODES, dtype=jnp.int64)
    W1 = glorot(ks[2], (D_IN, D_HID))
    b1 = jnp.zeros((D_HID,), dtype=jnp.float32)
    W2 = glorot(ks[3], (D_HID, D_HID))
    b2 = jnp.zeros((D_HID,), dtype=jnp.float32)
    W3 = glorot(ks[4], (D_HID, D_OUT))
    b3 = jnp.zeros((D_OUT,), dtype=jnp.float32)
    return {"x": x, "edge_index": edge_index, "W1": W1, "b1": b1, "W2": W2, "b2": b2, "W3": W3, "b3": b3}


def gcn_conv(x, src, dst, W, b, num_nodes):
    # x' = D^{-1/2} (A + I) D^{-1/2} (x W) + b   (PyG GCNConv semantics)
    h = x @ W
    deg = jnp.zeros((num_nodes,), dtype=jnp.float32).at[dst].add(1.0)
    dinv = jnp.where(deg > 0, jax.lax.rsqrt(jnp.maximum(deg, 1e-12)), 0.0)
    norm = dinv[src] * dinv[dst]
    msg = h[src] * norm[:, None]
    out = jnp.zeros((num_nodes, h.shape[1]), dtype=h.dtype).at[dst].add(msg)
    return out + b


def reference(x, edge_index, W1, b1, W2, b2, W3, b3):
    num_nodes = x.shape[0]
    loop = jnp.arange(num_nodes, dtype=edge_index.dtype)
    src = jnp.concatenate([edge_index[0], loop])
    dst = jnp.concatenate([edge_index[1], loop])
    h = jax.nn.relu(gcn_conv(x, src, dst, W1, b1, num_nodes))
    h = jax.nn.relu(gcn_conv(h, src, dst, W2, b2, num_nodes))
    h = gcn_conv(h, src, dst, W3, b3, num_nodes)
    return jnp.mean(h, axis=0)

if __name__ == "__main__":
    import jax
    _d = setup_inputs()
    print(jax.jit(kernel)(*tuple(_d.values())))

</pallas_src>

<mosaic_0001>
#map = affine_map<(d0, d1) -> (0, 0)>
#map1 = affine_map<(d0, d1) -> (0, 0, 0)>
module attributes {stable_mosaic.version = 14 : i64} {
  func.func @body(%arg0: i32, %arg1: i32, %arg2: memref<10000x128xf32, #tpu.memory_space<hbm>>, %arg3: memref<320x8x128xi32, #tpu.memory_space<hbm>>, %arg4: memref<320x8x128xi32, #tpu.memory_space<hbm>>, %arg5: memref<10112x16xf32, #tpu.memory_space<hbm>>, %arg6: memref<320x8x128xi32, #tpu.memory_space<hbm>>, %arg7: memref<10112x128xf32, #tpu.memory_space<hbm>>, %arg8: memref<10112x16xf32, #tpu.memory_space<hbm>>, %arg9: memref<20224x128xf32, #tpu.memory_space<hbm>>, %arg10: memref<20224x16xf32, #tpu.memory_space<hbm>>, %arg11: memref<10112x128xf32, #tpu.memory_space<vmem_shared>>, %arg12: memref<10112x16xf32, #tpu.memory_space<vmem_shared>>, %arg13: memref<!tpu.dma_semaphore, #tpu.memory_space<semaphore_mem>>, %arg14: memref<!tpu.dma_semaphore, #tpu.memory_space<semaphore_mem>>, %arg15: memref<!tpu.dma_semaphore, #tpu.memory_space<semaphore_mem>>, %arg16: memref<!tpu.dma_semaphore, #tpu.memory_space<semaphore_mem>>, %arg17: memref<!tpu.dma_semaphore, #tpu.memory_space<semaphore_mem>>, %arg18: memref<!tpu.dma_semaphore, #tpu.memory_space<semaphore_mem>>, %arg19: memref<!tpu.dma_semaphore, #tpu.memory_space<semaphore_mem>>, %arg20: memref<!tpu.dma_semaphore, #tpu.memory_space<semaphore_mem>>) attributes {dimension_semantics = [#tpu.dimension_semantics<core_parallel>, #tpu.dimension_semantics<subcore_parallel>], iteration_bounds = array<i64: 2, 16>, scalar_prefetch = 0 : i64, scratch_operands = 10 : i64, tpu.core_type = #tpu.core_type<sc_vector_subcore>, window_params = [{transform_indices = #map}, {transform_indices = #map1}, {transform_indices = #map1}, {transform_indices = #map}, {transform_indices = #map1}, {transform_indices = #map}, {transform_indices = #map}, {transform_indices = #map}, {transform_indices = #map}]} {
    "tpu.region"() ({
      %run_scoped3A = memref.alloca() : memref<8x128xi32, #tpu.memory_space<vmem>>
      %run_scoped3A_0 = memref.alloca() : memref<8x128xi32, #tpu.memory_space<vmem>>
      %run_scoped3A_1 = memref.alloca() : memref<128x128xf32, #tpu.memory_space<vmem>>
      %run_scoped3A_2 = memref.alloca() : memref<128x128xf32, #tpu.memory_space<vmem>>
      %run_scoped3A_3 = memref.alloca() : memref<8x128xi32, #tpu.memory_space<vmem>>
      %run_scoped3A_4 = memref.alloca() : memref<128x16xf32, #tpu.memory_space<vmem>>
      %run_scoped3A_5 = memref.alloca() : memref<128x16xf32, #tpu.memory_space<vmem>>
      %mul3A = arith.constant 2 : i32
      %mul3A_6 = arith.muli %arg1, %mul3A : i32
      %add3A = arith.addi %mul3A_6, %arg0 : i32
      %mul3A_7 = arith.constant 632 : i32
      %mul3A_8 = arith.muli %arg1, %mul3A_7 : i32
      %add3A_9 = arith.constant 0 : i32
      %add3A_10 = arith.addi %mul3A_8, %add3A_9 : i32
      %mul3A_11 = arith.constant 632 : i32
      %mul3A_12 = arith.muli %arg1, %mul3A_11 : i32
      %add3A_13 = arith.constant 0 : i32
      %add3A_14 = arith.addi %mul3A_12, %add3A_13 : i32
      "tpu.region"() ({
        %run_scoped3A_393 = tpu.sem_alloc : memref<!tpu.dma_semaphore, #tpu.memory_space<semaphore_mem>>
        %dma_start3A = arith.constant 0 : i32
        %dma_start3A_394 = tpu.memref_slice %arg11[%add3A_14, %dma_start3A] : memref<10112x128xf32, #tpu.memory_space<vmem_shared>> -> memref<64x128xf32, #tpu.memory_space<vmem_shared>>
        %dma_start3A_395 = arith.constant 0 : i32
        %dma_start3A_396 = tpu.memref_slice %arg7[%add3A_10, %dma_start3A_395] : memref<10112x128xf32, #tpu.memory_space<hbm>> -> memref<64x128xf32, #tpu.memory_space<hbm>>
        tpu.enqueue_dma source(%dma_start3A_396 : memref<64x128xf32, #tpu.memory_space<hbm>>) target(%dma_start3A_394 : memref<64x128xf32, #tpu.memory_space<vmem_shared>>) target_semaphore(%run_scoped3A_393 : memref<!tpu.dma_semaphore, #tpu.memory_space<semaphore_mem>>)
        %dma_wait3A = arith.constant 0 : i32
        %dma_wait3A_397 = tpu.memref_slice %arg11[%add3A_14, %dma_wait3A] : memref<10112x128xf32, #tpu.memory_space<vmem_shared>> -> memref<64x128xf32, #tpu.memory_space<vmem_shared>>
        %dma_wait3A_398 = arith.constant 0 : i32
        %dma_wait3A_399 = tpu.memref_slice %arg7[%add3A_10, %dma_wait3A_398] : memref<10112x128xf32, #tpu.memory_space<hbm>> -> memref<64x128xf32, #tpu.memory_space<hbm>>
        tpu.wait_dma2 semaphore(%run_scoped3A_393 : memref<!tpu.dma_semaphore, #tpu.memory_space<semaphore_mem>>) src(%dma_wait3A_399 : memref<64x128xf32, #tpu.memory_space<hbm>>) dst(%dma_wait3A_397 : memref<64x128xf32, #tpu.memory_space<vmem_shared>>)
        tpu.yield
      }) : () -> ()
      %mul3A_15 = arith.constant 632 : i32
      %mul3A_16 = arith.muli %arg1, %mul3A_15 : i32
      %add3A_17 = arith.constant 0 : i32
      %add3A_18 = arith.addi %mul3A_16, %add3A_17 : i32
      %mul3A_19 = arith.constant 632 : i32
      %mul3A_20 = arith.muli %arg1, %mul3A_19 : i32
      %add3A_21 = arith.constant 0 : i32
      %add3A_22 = arith.addi %mul3A_20, %add3A_21 : i32
      "tpu.region"() ({
        %run_scoped3A_393 = tpu.sem_alloc : memref<!tpu.dma_semaphore, #tpu.memory_space<semaphore_mem>>
        %dma_start3A = arith.constant 0 : i32
        %dma_start3A_394 = tpu.memref_slice %arg12[%add3A_22, %dma_start3A] : memref<10112x16xf32, #tpu.memory_space<vmem_shared>> -> memref<64x16xf32, #tpu.memory_space<vmem_shared>>
        %dma_start3A_395 = arith.constant 0 : i32
        %dma_start3A_396 = tpu.memref_slice %arg8[%add3A_18, %dma_start3A_395] : memref<10112x16xf32, #tpu.memory_space<hbm>> -> memref<64x16xf32, #tpu.memory_space<hbm>>
        tpu.enqueue_dma source(%dma_start3A_396 : memref<64x16xf32, #tpu.memory_space<hbm>>) target(%dma_start3A_394 : memref<64x16xf32, #tpu.memory_space<vmem_shared>>) target_semaphore(%run_scoped3A_393 : memref<!tpu.dma_semaphore, #tpu.memory_space<semaphore_mem>>)
        %dma_wait3A = arith.constant 0 : i32
        %dma_wait3A_397 = tpu.memref_slice %arg12[%add3A_22, %dma_wait3A] : memref<10112x16xf32, #tpu.memory_space<vmem_shared>> -> memref<64x16xf32, #tpu.memory_space<vmem_shared>>
        %dma_wait3A_398 = arith.constant 0 : i32
        %dma_wait3A_399 = tpu.memref_slice %arg8[%add3A_18, %dma_wait3A_398] : memref<10112x16xf32, #tpu.memory_space<hbm>> -> memref<64x16xf32, #tpu.memory_space<hbm>>
        tpu.wait_dma2 semaphore(%run_scoped3A_393 : memref<!tpu.dma_semaphore, #tpu.memory_space<semaphore_mem>>) src(%dma_wait3A_399 : memref<64x16xf32, #tpu.memory_space<hbm>>) dst(%dma_wait3A_397 : memref<64x16xf32, #tpu.memory_space<vmem_shared>>)
        tpu.yield
      }) : () -> ()
      %mul3A_23 = arith.constant 632 : i32
      %mul3A_24 = arith.muli %arg1, %mul3A_23 : i32
      %add3A_25 = arith.constant 64 : i32
      %add3A_26 = arith.addi %mul3A_24, %add3A_25 : i32
      %mul3A_27 = arith.constant 632 : i32
      %mul3A_28 = arith.muli %arg1, %mul3A_27 : i32
      %add3A_29 = arith.constant 64 : i32
      %add3A_30 = arith.addi %mul3A_28, %add3A_29 : i32
      "tpu.region"() ({
        %run_scoped3A_393 = tpu.sem_alloc : memref<!tpu.dma_semaphore, #tpu.memory_space<semaphore_mem>>
        %dma_start3A = arith.constant 0 : i32
        %dma_start3A_394 = tpu.memref_slice %arg11[%add3A_30, %dma_start3A] : memref<10112x128xf32, #tpu.memory_space<vmem_shared>> -> memref<64x128xf32, #tpu.memory_space<vmem_shared>>
        %dma_start3A_395 = arith.constant 0 : i32
        %dma_start3A_396 = tpu.memref_slice %arg7[%add3A_26, %dma_start3A_395] : memref<10112x128xf32, #tpu.memory_space<hbm>> -> memref<64x128xf32, #tpu.memory_space<hbm>>
        tpu.enqueue_dma source(%dma_start3A_396 : memref<64x128xf32, #tpu.memory_space<hbm>>) target(%dma_start3A_394 : memref<64x128xf32, #tpu.memory_space<vmem_shared>>) target_semaphore(%run_scoped3A_393 : memref<!tpu.dma_semaphore, #tpu.memory_space<semaphore_mem>>)
        %dma_wait3A = arith.constant 0 : i32
        %dma_wait3A_397 = tpu.memref_slice %arg11[%add3A_30, %dma_wait3A] : memref<10112x128xf32, #tpu.memory_space<vmem_shared>> -> memref<64x128xf32, #tpu.memory_space<vmem_shared>>
        %dma_wait3A_398 = arith.constant 0 : i32
        %dma_wait3A_399 = tpu.memref_slice %arg7[%add3A_26, %dma_wait3A_398] : memref<10112x128xf32, #tpu.memory_space<hbm>> -> memref<64x128xf32, #tpu.memory_space<hbm>>
        tpu.wait_dma2 semaphore(%run_scoped3A_393 : memref<!tpu.dma_semaphore, #tpu.memory_space<semaphore_mem>>) src(%dma_wait3A_399 : memref<64x128xf32, #tpu.memory_space<hbm>>) dst(%dma_wait3A_397 : memref<64x128xf32, #tpu.memory_space<vmem_shared>>)
        tpu.yield
      }) : () -> ()
      %mul3A_31 = arith.constant 632 : i32
      %mul3A_32 = arith.muli %arg1, %mul3A_31 : i32
      %add3A_33 = arith.constant 64 : i32
      %add3A_34 = arith.addi %mul3A_32, %add3A_33 : i32
      %mul3A_35 = arith.constant 632 : i32
      %mul3A_36 = arith.muli %arg1, %mul3A_35 : i32
      %add3A_37 = arith.constant 64 : i32
      %add3A_38 = arith.addi %mul3A_36, %add3A_37 : i32
      "tpu.region"() ({
        %run_scoped3A_393 = tpu.sem_alloc : memref<!tpu.dma_semaphore, #tpu.memory_space<semaphore_mem>>
        %dma_start3A = arith.constant 0 : i32
        %dma_start3A_394 = tpu.memref_slice %arg12[%add3A_38, %dma_start3A] : memref<10112x16xf32, #tpu.memory_space<vmem_shared>> -> memref<64x16xf32, #tpu.memory_space<vmem_shared>>
        %dma_start3A_395 = arith.constant 0 : i32
        %dma_start3A_396 = tpu.memref_slice %arg8[%add3A_34, %dma_start3A_395] : memref<10112x16xf32, #tpu.memory_space<hbm>> -> memref<64x16xf32, #tpu.memory_space<hbm>>
        tpu.enqueue_dma source(%dma_start3A_396 : memref<64x16xf32, #tpu.memory_space<hbm>>) target(%dma_start3A_394 : memref<64x16xf32, #tpu.memory_space<vmem_shared>>) target_semaphore(%run_scoped3A_393 : memref<!tpu.dma_semaphore, #tpu.memory_space<semaphore_mem>>)
        %dma_wait3A = arith.constant 0 : i32
        %dma_wait3A_397 = tpu.memref_slice %arg12[%add3A_38, %dma_wait3A] : memref<10112x16xf32, #tpu.memory_space<vmem_shared>> -> memref<64x16xf32, #tpu.memory_space<vmem_shared>>
        %dma_wait3A_398 = arith.constant 0 : i32
        %dma_wait3A_399 = tpu.memref_slice %arg8[%add3A_34, %dma_wait3A_398] : memref<10112x16xf32, #tpu.memory_space<hbm>> -> memref<64x16xf32, #tpu.memory_space<hbm>>
        tpu.wait_dma2 semaphore(%run_scoped3A_393 : memref<!tpu.dma_semaphore, #tpu.memory_space<semaphore_mem>>) src(%dma_wait3A_399 : memref<64x16xf32, #tpu.memory_space<hbm>>) dst(%dma_wait3A_397 : memref<64x16xf32, #tpu.memory_space<vmem_shared>>)
        tpu.yield
      }) : () -> ()
      %mul3A_39 = arith.constant 632 : i32
      %mul3A_40 = arith.muli %arg1, %mul3A_39 : i32
      %add3A_41 = arith.constant 128 : i32
      %add3A_42 = arith.addi %mul3A_40, %add3A_41 : i32
      %mul3A_43 = arith.constant 632 : i32
      %mul3A_44 = arith.muli %arg1, %mul3A_43 : i32
      %add3A_45 = arith.constant 128 : i32
      %add3A_46 = arith.addi %mul3A_44, %add3A_45 : i32
      "tpu.region"() ({
        %run_scoped3A_393 = tpu.sem_alloc : memref<!tpu.dma_semaphore, #tpu.memory_space<semaphore_mem>>
        %dma_start3A = arith.constant 0 : i32
        %dma_start3A_394 = tpu.memref_slice %arg11[%add3A_46, %dma_start3A] : memref<10112x128xf32, #tpu.memory_space<vmem_shared>> -> memref<64x128xf32, #tpu.memory_space<vmem_shared>>
        %dma_start3A_395 = arith.constant 0 : i32
        %dma_start3A_396 = tpu.memref_slice %arg7[%add3A_42, %dma_start3A_395] : memref<10112x128xf32, #tpu.memory_space<hbm>> -> memref<64x128xf32, #tpu.memory_space<hbm>>
        tpu.enqueue_dma source(%dma_start3A_396 : memref<64x128xf32, #tpu.memory_space<hbm>>) target(%dma_start3A_394 : memref<64x128xf32, #tpu.memory_space<vmem_shared>>) target_semaphore(%run_scoped3A_393 : memref<!tpu.dma_semaphore, #tpu.memory_space<semaphore_mem>>)
        %dma_wait3A = arith.constant 0 : i32
        %dma_wait3A_397 = tpu.memref_slice %arg11[%add3A_46, %dma_wait3A] : memref<10112x128xf32, #tpu.memory_space<vmem_shared>> -> memref<64x128xf32, #tpu.memory_space<vmem_shared>>
        %dma_wait3A_398 = arith.constant 0 : i32
        %dma_wait3A_399 = tpu.memref_slice %arg7[%add3A_42, %dma_wait3A_398] : memref<10112x128xf32, #tpu.memory_space<hbm>> -> memref<64x128xf32, #tpu.memory_space<hbm>>
        tpu.wait_dma2 semaphore(%run_scoped3A_393 : memref<!tpu.dma_semaphore, #tpu.memory_space<semaphore_mem>>) src(%dma_wait3A_399 : memref<64x128xf32, #tpu.memory_space<hbm>>) dst(%dma_wait3A_397 : memref<64x128xf32, #tpu.memory_space<vmem_shared>>)
        tpu.yield
      }) : () -> ()
      %mul3A_47 = arith.constant 632 : i32
      %mul3A_48 = arith.muli %arg1, %mul3A_47 : i32
      %add3A_49 = arith.constant 128 : i32
      %add3A_50 = arith.addi %mul3A_48, %add3A_49 : i32
      %mul3A_51 = arith.constant 632 : i32
      %mul3A_52 = arith.muli %arg1, %mul3A_51 : i32
      %add3A_53 = arith.constant 128 : i32
      %add3A_54 = arith.addi %mul3A_52, %add3A_53 : i32
      "tpu.region"() ({
        %run_scoped3A_393 = tpu.sem_alloc : memref<!tpu.dma_semaphore, #tpu.memory_space<semaphore_mem>>
        %dma_start3A = arith.constant 0 : i32
        %dma_start3A_394 = tpu.memref_slice %arg12[%add3A_54, %dma_start3A] : memref<10112x16xf32, #tpu.memory_space<vmem_shared>> -> memref<64x16xf32, #tpu.memory_space<vmem_shared>>
        %dma_start3A_395 = arith.constant 0 : i32
        %dma_start3A_396 = tpu.memref_slice %arg8[%add3A_50, %dma_start3A_395] : memref<10112x16xf32, #tpu.memory_space<hbm>> -> memref<64x16xf32, #tpu.memory_space<hbm>>
        tpu.enqueue_dma source(%dma_start3A_396 : memref<64x16xf32, #tpu.memory_space<hbm>>) target(%dma_start3A_394 : memref<64x16xf32, #tpu.memory_space<vmem_shared>>) target_semaphore(%run_scoped3A_393 : memref<!tpu.dma_semaphore, #tpu.memory_space<semaphore_mem>>)
        %dma_wait3A = arith.constant 0 : i32
        %dma_wait3A_397 = tpu.memref_slice %arg12[%add3A_54, %dma_wait3A] : memref<10112x16xf32, #tpu.memory_space<vmem_shared>> -> memref<64x16xf32, #tpu.memory_space<vmem_shared>>
        %dma_wait3A_398 = arith.constant 0 : i32
        %dma_wait3A_399 = tpu.memref_slice %arg8[%add3A_50, %dma_wait3A_398] : memref<10112x16xf32, #tpu.memory_space<hbm>> -> memref<64x16xf32, #tpu.memory_space<hbm>>
        tpu.wait_dma2 semaphore(%run_scoped3A_393 : memref<!tpu.dma_semaphore, #tpu.memory_space<semaphore_mem>>) src(%dma_wait3A_399 : memref<64x16xf32, #tpu.memory_space<hbm>>) dst(%dma_wait3A_397 : memref<64x16xf32, #tpu.memory_space<vmem_shared>>)
        tpu.yield
      }) : () -> ()
      %mul3A_55 = arith.constant 632 : i32
      %mul3A_56 = arith.muli %arg1, %mul3A_55 : i32
      %add3A_57 = arith.constant 192 : i32
      %add3A_58 = arith.addi %mul3A_56, %add3A_57 : i32
      %mul3A_59 = arith.constant 632 : i32
      %mul3A_60 = arith.muli %arg1, %mul3A_59 : i32
      %add3A_61 = arith.constant 192 : i32
      %add3A_62 = arith.addi %mul3A_60, %add3A_61 : i32
      "tpu.region"() ({
        %run_scoped3A_393 = tpu.sem_alloc : memref<!tpu.dma_semaphore, #tpu.memory_space<semaphore_mem>>
        %dma_start3A = arith.constant 0 : i32
        %dma_start3A_394 = tpu.memref_slice %arg11[%add3A_62, %dma_start3A] : memref<10112x128xf32, #tpu.memory_space<vmem_shared>> -> memref<64x128xf32, #tpu.memory_space<vmem_shared>>
        %dma_start3A_395 = arith.constant 0 : i32
        %dma_start3A_396 = tpu.memref_slice %arg7[%add3A_58, %dma_start3A_395] : memref<10112x128xf32, #tpu.memory_space<hbm>> -> memref<64x128xf32, #tpu.memory_space<hbm>>
        tpu.enqueue_dma source(%dma_start3A_396 : memref<64x128xf32, #tpu.memory_space<hbm>>) target(%dma_start3A_394 : memref<64x128xf32, #tpu.memory_space<vmem_shared>>) target_semaphore(%run_scoped3A_393 : memref<!tpu.dma_semaphore, #tpu.memory_space<semaphore_mem>>)
        %dma_wait3A = arith.constant 0 : i32
        %dma_wait3A_397 = tpu.memref_slice %arg11[%add3A_62, %dma_wait3A] : memref<10112x128xf32, #tpu.memory_space<vmem_shared>> -> memref<64x128xf32, #tpu.memory_space<vmem_shared>>
        %dma_wait3A_398 = arith.constant 0 : i32
        %dma_wait3A_399 = tpu.memref_slice %arg7[%add3A_58, %dma_wait3A_398] : memref<10112x128xf32, #tpu.memory_space<hbm>> -> memref<64x128xf32, #tpu.memory_space<hbm>>
        tpu.wait_dma2 semaphore(%run_scoped3A_393 : memref<!tpu.dma_semaphore, #tpu.memory_space<semaphore_mem>>) src(%dma_wait3A_399 : memref<64x128xf32, #tpu.memory_space<hbm>>) dst(%dma_wait3A_397 : memref<64x128xf32, #tpu.memory_space<vmem_shared>>)
        tpu.yield
      }) : () -> ()
      %mul3A_63 = arith.constant 632 : i32
      %mul3A_64 = arith.muli %arg1, %mul3A_63 : i32
      %add3A_65 = arith.constant 192 : i32
      %add3A_66 = arith.addi %mul3A_64, %add3A_65 : i32
      %mul3A_67 = arith.constant 632 : i32
      %mul3A_68 = arith.muli %arg1, %mul3A_67 : i32
      %add3A_69 = arith.constant 192 : i32
      %add3A_70 = arith.addi %mul3A_68, %add3A_69 : i32
      "tpu.region"() ({
        %run_scoped3A_393 = tpu.sem_alloc : memref<!tpu.dma_semaphore, #tpu.memory_space<semaphore_mem>>
        %dma_start3A = arith.constant 0 : i32
        %dma_start3A_394 = tpu.memref_slice %arg12[%add3A_70, %dma_start3A] : memref<10112x16xf32, #tpu.memory_space<vmem_shared>> -> memref<64x16xf32, #tpu.memory_space<vmem_shared>>
        %dma_start3A_395 = arith.constant 0 : i32
        %dma_start3A_396 = tpu.memref_slice %arg8[%add3A_66, %dma_start3A_395] : memref<10112x16xf32, #tpu.memory_space<hbm>> -> memref<64x16xf32, #tpu.memory_space<hbm>>
        tpu.enqueue_dma source(%dma_start3A_396 : memref<64x16xf32, #tpu.memory_space<hbm>>) target(%dma_start3A_394 : memref<64x16xf32, #tpu.memory_space<vmem_shared>>) target_semaphore(%run_scoped3A_393 : memref<!tpu.dma_semaphore, #tpu.memory_space<semaphore_mem>>)
        %dma_wait3A = arith.constant 0 : i32
        %dma_wait3A_397 = tpu.memref_slice %arg12[%add3A_70, %dma_wait3A] : memref<10112x16xf32, #tpu.memory_space<vmem_shared>> -> memref<64x16xf32, #tpu.memory_space<vmem_shared>>
        %dma_wait3A_398 = arith.constant 0 : i32
        %dma_wait3A_399 = tpu.memref_slice %arg8[%add3A_66, %dma_wait3A_398] : memref<10112x16xf32, #tpu.memory_space<hbm>> -> memref<64x16xf32, #tpu.memory_space<hbm>>
        tpu.wait_dma2 semaphore(%run_scoped3A_393 : memref<!tpu.dma_semaphore, #tpu.memory_space<semaphore_mem>>) src(%dma_wait3A_399 : memref<64x16xf32, #tpu.memory_space<hbm>>) dst(%dma_wait3A_397 : memref<64x16xf32, #tpu.memory_space<vmem_shared>>)
        tpu.yield
      }) : () -> ()
      %mul3A_71 = arith.constant 632 : i32
      %mul3A_72 = arith.muli %arg1, %mul3A_71 : i32
      %add3A_73 = arith.constant 256 : i32
      %add3A_74 = arith.addi %mul3A_72, %add3A_73 : i32
      %mul3A_75 = arith.constant 632 : i32
      %mul3A_76 = arith.muli %arg1, %mul3A_75 : i32
      %add3A_77 = arith.constant 256 : i32
      %add3A_78 = arith.addi %mul3A_76, %add3A_77 : i32
      "tpu.region"() ({
        %run_scoped3A_393 = tpu.sem_alloc : memref<!tpu.dma_semaphore, #tpu.memory_space<semaphore_mem>>
        %dma_start3A = arith.constant 0 : i32
        %dma_start3A_394 = tpu.memref_slice %arg11[%add3A_78, %dma_start3A] : memref<10112x128xf32, #tpu.memory_space<vmem_shared>> -> memref<64x128xf32, #tpu.memory_space<vmem_shared>>
        %dma_start3A_395 = arith.constant 0 : i32
        %dma_start3A_396 = tpu.memref_slice %arg7[%add3A_74, %dma_start3A_395] : memref<10112x128xf32, #tpu.memory_space<hbm>> -> memref<64x128xf32, #tpu.memory_space<hbm>>
        tpu.enqueue_dma source(%dma_start3A_396 : memref<64x128xf32, #tpu.memory_space<hbm>>) target(%dma_start3A_394 : memref<64x128xf32, #tpu.memory_space<vmem_shared>>) target_semaphore(%run_scoped3A_393 : memref<!tpu.dma_semaphore, #tpu.memory_space<semaphore_mem>>)
        %dma_wait3A = arith.constant 0 : i32
        %dma_wait3A_397 = tpu.memref_slice %arg11[%add3A_78, %dma_wait3A] : memref<10112x128xf32, #tpu.memory_space<vmem_shared>> -> memref<64x128xf32, #tpu.memory_space<vmem_shared>>
        %dma_wait3A_398 = arith.constant 0 : i32
        %dma_wait3A_399 = tpu.memref_slice %arg7[%add3A_74, %dma_wait3A_398] : memref<10112x128xf32, #tpu.memory_space<hbm>> -> memref<64x128xf32, #tpu.memory_space<hbm>>
        tpu.wait_dma2 semaphore(%run_scoped3A_393 : memref<!tpu.dma_semaphore, #tpu.memory_space<semaphore_mem>>) src(%dma_wait3A_399 : memref<64x128xf32, #tpu.memory_space<hbm>>) dst(%dma_wait3A_397 : memref<64x128xf32, #tpu.memory_space<vmem_shared>>)
        tpu.yield
      }) : () -> ()
      %mul3A_79 = arith.constant 632 : i32
      %mul3A_80 = arith.muli %arg1, %mul3A_79 : i32
      %add3A_81 = arith.constant 256 : i32
      %add3A_82 = arith.addi %mul3A_80, %add3A_81 : i32
      %mul3A_83 = arith.constant 632 : i32
      %mul3A_84 = arith.muli %arg1, %mul3A_83 : i32
      %add3A_85 = arith.constant 256 : i32
      %add3A_86 = arith.addi %mul3A_84, %add3A_85 : i32
      "tpu.region"() ({
        %run_scoped3A_393 = tpu.sem_alloc : memref<!tpu.dma_semaphore, #tpu.memory_space<semaphore_mem>>
        %dma_start3A = arith.constant 0 : i32
        %dma_start3A_394 = tpu.memref_slice %arg12[%add3A_86, %dma_start3A] : memref<10112x16xf32, #tpu.memory_space<vmem_shared>> -> memref<64x16xf32, #tpu.memory_space<vmem_shared>>
        %dma_start3A_395 = arith.constant 0 : i32
        %dma_start3A_396 = tpu.memref_slice %arg8[%add3A_82, %dma_start3A_395] : memref<10112x16xf32, #tpu.memory_space<hbm>> -> memref<64x16xf32, #tpu.memory_space<hbm>>
        tpu.enqueue_dma source(%dma_start3A_396 : memref<64x16xf32, #tpu.memory_space<hbm>>) target(%dma_start3A_394 : memref<64x16xf32, #tpu.memory_space<vmem_shared>>) target_semaphore(%run_scoped3A_393 : memref<!tpu.dma_semaphore, #tpu.memory_space<semaphore_mem>>)
        %dma_wait3A = arith.constant 0 : i32
        %dma_wait3A_397 = tpu.memref_slice %arg12[%add3A_86, %dma_wait3A] : memref<10112x16xf32, #tpu.memory_space<vmem_shared>> -> memref<64x16xf32, #tpu.memory_space<vmem_shared>>
        %dma_wait3A_398 = arith.constant 0 : i32
        %dma_wait3A_399 = tpu.memref_slice %arg8[%add3A_82, %dma_wait3A_398] : memref<10112x16xf32, #tpu.memory_space<hbm>> -> memref<64x16xf32, #tpu.memory_space<hbm>>
        tpu.wait_dma2 semaphore(%run_scoped3A_393 : memref<!tpu.dma_semaphore, #tpu.memory_space<semaphore_mem>>) src(%dma_wait3A_399 : memref<64x16xf32, #tpu.memory_space<hbm>>) dst(%dma_wait3A_397 : memref<64x16xf32, #tpu.memory_space<vmem_shared>>)
        tpu.yield
      }) : () -> ()
      %mul3A_87 = arith.constant 632 : i32
      %mul3A_88 = arith.muli %arg1, %mul3A_87 : i32
      %add3A_89 = arith.constant 320 : i32
      %add3A_90 = arith.addi %mul3A_88, %add3A_89 : i32
      %mul3A_91 = arith.constant 632 : i32
      %mul3A_92 = arith.muli %arg1, %mul3A_91 : i32
      %add3A_93 = arith.constant 320 : i32
      %add3A_94 = arith.addi %mul3A_92, %add3A_93 : i32
      "tpu.region"() ({
        %run_scoped3A_393 = tpu.sem_alloc : memref<!tpu.dma_semaphore, #tpu.memory_space<semaphore_mem>>
        %dma_start3A = arith.constant 0 : i32
        %dma_start3A_394 = tpu.memref_slice %arg11[%add3A_94, %dma_start3A] : memref<10112x128xf32, #tpu.memory_space<vmem_shared>> -> memref<64x128xf32, #tpu.memory_space<vmem_shared>>
        %dma_start3A_395 = arith.constant 0 : i32
        %dma_start3A_396 = tpu.memref_slice %arg7[%add3A_90, %dma_start3A_395] : memref<10112x128xf32, #tpu.memory_space<hbm>> -> memref<64x128xf32, #tpu.memory_space<hbm>>
        tpu.enqueue_dma source(%dma_start3A_396 : memref<64x128xf32, #tpu.memory_space<hbm>>) target(%dma_start3A_394 : memref<64x128xf32, #tpu.memory_space<vmem_shared>>) target_semaphore(%run_scoped3A_393 : memref<!tpu.dma_semaphore, #tpu.memory_space<semaphore_mem>>)
        %dma_wait3A = arith.constant 0 : i32
        %dma_wait3A_397 = tpu.memref_slice %arg11[%add3A_94, %dma_wait3A] : memref<10112x128xf32, #tpu.memory_space<vmem_shared>> -> memref<64x128xf32, #tpu.memory_space<vmem_shared>>
        %dma_wait3A_398 = arith.constant 0 : i32
        %dma_wait3A_399 = tpu.memref_slice %arg7[%add3A_90, %dma_wait3A_398] : memref<10112x128xf32, #tpu.memory_space<hbm>> -> memref<64x128xf32, #tpu.memory_space<hbm>>
        tpu.wait_dma2 semaphore(%run_scoped3A_393 : memref<!tpu.dma_semaphore, #tpu.memory_space<semaphore_mem>>) src(%dma_wait3A_399 : memref<64x128xf32, #tpu.memory_space<hbm>>) dst(%dma_wait3A_397 : memref<64x128xf32, #tpu.memory_space<vmem_shared>>)
        tpu.yield
      }) : () -> ()
      %mul3A_95 = arith.constant 632 : i32
      %mul3A_96 = arith.muli %arg1, %mul3A_95 : i32
      %add3A_97 = arith.constant 320 : i32
      %add3A_98 = arith.addi %mul3A_96, %add3A_97 : i32
      %mul3A_99 = arith.constant 632 : i32
      %mul3A_100 = arith.muli %arg1, %mul3A_99 : i32
      %add3A_101 = arith.constant 320 : i32
      %add3A_102 = arith.addi %mul3A_100, %add3A_101 : i32
      "tpu.region"() ({
        %run_scoped3A_393 = tpu.sem_alloc : memref<!tpu.dma_semaphore, #tpu.memory_space<semaphore_mem>>
        %dma_start3A = arith.constant 0 : i32
        %dma_start3A_394 = tpu.memref_slice %arg12[%add3A_102, %dma_start3A] : memref<10112x16xf32, #tpu.memory_space<vmem_shared>> -> memref<64x16xf32, #tpu.memory_space<vmem_shared>>
        %dma_start3A_395 = arith.constant 0 : i32
        %dma_start3A_396 = tpu.memref_slice %arg8[%add3A_98, %dma_start3A_395] : memref<10112x16xf32, #tpu.memory_space<hbm>> -> memref<64x16xf32, #tpu.memory_space<hbm>>
        tpu.enqueue_dma source(%dma_start3A_396 : memref<64x16xf32, #tpu.memory_space<hbm>>) target(%dma_start3A_394 : memref<64x16xf32, #tpu.memory_space<vmem_shared>>) target_semaphore(%run_scoped3A_393 : memref<!tpu.dma_semaphore, #tpu.memory_space<semaphore_mem>>)
        %dma_wait3A = arith.constant 0 : i32
        %dma_wait3A_397 = tpu.memref_slice %arg12[%add3A_102, %dma_wait3A] : memref<10112x16xf32, #tpu.memory_space<vmem_shared>> -> memref<64x16xf32, #tpu.memory_space<vmem_shared>>
        %dma_wait3A_398 = arith.constant 0 : i32
        %dma_wait3A_399 = tpu.memref_slice %arg8[%add3A_98, %dma_wait3A_398] : memref<10112x16xf32, #tpu.memory_space<hbm>> -> memref<64x16xf32, #tpu.memory_space<hbm>>
        tpu.wait_dma2 semaphore(%run_scoped3A_393 : memref<!tpu.dma_semaphore, #tpu.memory_space<semaphore_mem>>) src(%dma_wait3A_399 : memref<64x16xf32, #tpu.memory_space<hbm>>) dst(%dma_wait3A_397 : memref<64x16xf32, #tpu.memory_space<vmem_shared>>)
        tpu.yield
      }) : () -> ()
      %mul3A_103 = arith.constant 632 : i32
      %mul3A_104 = arith.muli %arg1, %mul3A_103 : i32
      %add3A_105 = arith.constant 384 : i32
      %add3A_106 = arith.addi %mul3A_104, %add3A_105 : i32
      %mul3A_107 = arith.constant 632 : i32
      %mul3A_108 = arith.muli %arg1, %mul3A_107 : i32
      %add3A_109 = arith.constant 384 : i32
      %add3A_110 = arith.addi %mul3A_108, %add3A_109 : i32
      "tpu.region"() ({
        %run_scoped3A_393 = tpu.sem_alloc : memref<!tpu.dma_semaphore, #tpu.memory_space<semaphore_mem>>
        %dma_start3A = arith.constant 0 : i32
        %dma_start3A_394 = tpu.memref_slice %arg11[%add3A_110, %dma_start3A] : memref<10112x128xf32, #tpu.memory_space<vmem_shared>> -> memref<64x128xf32, #tpu.memory_space<vmem_shared>>
        %dma_start3A_395 = arith.constant 0 : i32
        %dma_start3A_396 = tpu.memref_slice %arg7[%add3A_106, %dma_start3A_395] : memref<10112x128xf32, #tpu.memory_space<hbm>> -> memref<64x128xf32, #tpu.memory_space<hbm>>
        tpu.enqueue_dma source(%dma_start3A_396 : memref<64x128xf32, #tpu.memory_space<hbm>>) target(%dma_start3A_394 : memref<64x128xf32, #tpu.memory_space<vmem_shared>>) target_semaphore(%run_scoped3A_393 : memref<!tpu.dma_semaphore, #tpu.memory_space<semaphore_mem>>)
        %dma_wait3A = arith.constant 0 : i32
        %dma_wait3A_397 = tpu.memref_slice %arg11[%add3A_110, %dma_wait3A] : memref<10112x128xf32, #tpu.memory_space<vmem_shared>> -> memref<64x128xf32, #tpu.memory_space<vmem_shared>>
        %dma_wait3A_398 = arith.constant 0 : i32
        %dma_wait3A_399 = tpu.memref_slice %arg7[%add3A_106, %dma_wait3A_398] : memref<10112x128xf32, #tpu.memory_space<hbm>> -> memref<64x128xf32, #tpu.memory_space<hbm>>
        tpu.wait_dma2 semaphore(%run_scoped3A_393 : memref<!tpu.dma_semaphore, #tpu.memory_space<semaphore_mem>>) src(%dma_wait3A_399 : memref<64x128xf32, #tpu.memory_space<hbm>>) dst(%dma_wait3A_397 : memref<64x128xf32, #tpu.memory_space<vmem_shared>>)
        tpu.yield
      }) : () -> ()
      %mul3A_111 = arith.constant 632 : i32
      %mul3A_112 = arith.muli %arg1, %mul3A_111 : i32
      %add3A_113 = arith.constant 384 : i32
      %add3A_114 = arith.addi %mul3A_112, %add3A_113 : i32
      %mul3A_115 = arith.constant 632 : i32
      %mul3A_116 = arith.muli %arg1, %mul3A_115 : i32
      %add3A_117 = arith.constant 384 : i32
      %add3A_118 = arith.addi %mul3A_116, %add3A_117 : i32
      "tpu.region"() ({
        %run_scoped3A_393 = tpu.sem_alloc : memref<!tpu.dma_semaphore, #tpu.memory_space<semaphore_mem>>
        %dma_start3A = arith.constant 0 : i32
        %dma_start3A_394 = tpu.memref_slice %arg12[%add3A_118, %dma_start3A] : memref<10112x16xf32, #tpu.memory_space<vmem_shared>> -> memref<64x16xf32, #tpu.memory_space<vmem_shared>>
        %dma_start3A_395 = arith.constant 0 : i32
        %dma_start3A_396 = tpu.memref_slice %arg8[%add3A_114, %dma_start3A_395] : memref<10112x16xf32, #tpu.memory_space<hbm>> -> memref<64x16xf32, #tpu.memory_space<hbm>>
        tpu.enqueue_dma source(%dma_start3A_396 : memref<64x16xf32, #tpu.memory_space<hbm>>) target(%dma_start3A_394 : memref<64x16xf32, #tpu.memory_space<vmem_shared>>) target_semaphore(%run_scoped3A_393 : memref<!tpu.dma_semaphore, #tpu.memory_space<semaphore_mem>>)
        %dma_wait3A = arith.constant 0 : i32
        %dma_wait3A_397 = tpu.memref_slice %arg12[%add3A_118, %dma_wait3A] : memref<10112x16xf32, #tpu.memory_space<vmem_shared>> -> memref<64x16xf32, #tpu.memory_space<vmem_shared>>
        %dma_wait3A_398 = arith.constant 0 : i32
        %dma_wait3A_399 = tpu.memref_slice %arg8[%add3A_114, %dma_wait3A_398] : memref<10112x16xf32, #tpu.memory_space<hbm>> -> memref<64x16xf32, #tpu.memory_space<hbm>>
        tpu.wait_dma2 semaphore(%run_scoped3A_393 : memref<!tpu.dma_semaphore, #tpu.memory_space<semaphore_mem>>) src(%dma_wait3A_399 : memref<64x16xf32, #tpu.memory_space<hbm>>) dst(%dma_wait3A_397 : memref<64x16xf32, #tpu.memory_space<vmem_shared>>)
        tpu.yield
      }) : () -> ()
      %mul3A_119 = arith.constant 632 : i32
      %mul3A_120 = arith.muli %arg1, %mul3A_119 : i32
      %add3A_121 = arith.constant 448 : i32
      %add3A_122 = arith.addi %mul3A_120, %add3A_121 : i32
      %mul3A_123 = arith.constant 632 : i32
      %mul3A_124 = arith.muli %arg1, %mul3A_123 : i32
      %add3A_125 = arith.constant 448 : i32
      %add3A_126 = arith.addi %mul3A_124, %add3A_125 : i32
      "tpu.region"() ({
        %run_scoped3A_393 = tpu.sem_alloc : memref<!tpu.dma_semaphore, #tpu.memory_space<semaphore_mem>>
        %dma_start3A = arith.constant 0 : i32
        %dma_start3A_394 = tpu.memref_slice %arg11[%add3A_126, %dma_start3A] : memref<10112x128xf32, #tpu.memory_space<vmem_shared>> -> memref<64x128xf32, #tpu.memory_space<vmem_shared>>
        %dma_start3A_395 = arith.constant 0 : i32
        %dma_start3A_396 = tpu.memref_slice %arg7[%add3A_122, %dma_start3A_395] : memref<10112x128xf32, #tpu.memory_space<hbm>> -> memref<64x128xf32, #tpu.memory_space<hbm>>
        tpu.enqueue_dma source(%dma_start3A_396 : memref<64x128xf32, #tpu.memory_space<hbm>>) target(%dma_start3A_394 : memref<64x128xf32, #tpu.memory_space<vmem_shared>>) target_semaphore(%run_scoped3A_393 : memref<!tpu.dma_semaphore, #tpu.memory_space<semaphore_mem>>)
        %dma_wait3A = arith.constant 0 : i32
        %dma_wait3A_397 = tpu.memref_slice %arg11[%add3A_126, %dma_wait3A] : memref<10112x128xf32, #tpu.memory_space<vmem_shared>> -> memref<64x128xf32, #tpu.memory_space<vmem_shared>>
        %dma_wait3A_398 = arith.constant 0 : i32
        %dma_wait3A_399 = tpu.memref_slice %arg7[%add3A_122, %dma_wait3A_398] : memref<10112x128xf32, #tpu.memory_space<hbm>> -> memref<64x128xf32, #tpu.memory_space<hbm>>
        tpu.wait_dma2 semaphore(%run_scoped3A_393 : memref<!tpu.dma_semaphore, #tpu.memory_space<semaphore_mem>>) src(%dma_wait3A_399 : memref<64x128xf32, #tpu.memory_space<hbm>>) dst(%dma_wait3A_397 : memref<64x128xf32, #tpu.memory_space<vmem_shared>>)
        tpu.yield
      }) : () -> ()
      %mul3A_127 = arith.constant 632 : i32
      %mul3A_128 = arith.muli %arg1, %mul3A_127 : i32
      %add3A_129 = arith.constant 448 : i32
      %add3A_130 = arith.addi %mul3A_128, %add3A_129 : i32
      %mul3A_131 = arith.constant 632 : i32
      %mul3A_132 = arith.muli %arg1, %mul3A_131 : i32
      %add3A_133 = arith.constant 448 : i32
      %add3A_134 = arith.addi %mul3A_132, %add3A_133 : i32
      "tpu.region"() ({
        %run_scoped3A_393 = tpu.sem_alloc : memref<!tpu.dma_semaphore, #tpu.memory_space<semaphore_mem>>
        %dma_start3A = arith.constant 0 : i32
        %dma_start3A_394 = tpu.memref_slice %arg12[%add3A_134, %dma_start3A] : memref<10112x16xf32, #tpu.memory_space<vmem_shared>> -> memref<64x16xf32, #tpu.memory_space<vmem_shared>>
        %dma_start3A_395 = arith.constant 0 : i32
        %dma_start3A_396 = tpu.memref_slice %arg8[%add3A_130, %dma_start3A_395] : memref<10112x16xf32, #tpu.memory_space<hbm>> -> memref<64x16xf32, #tpu.memory_space<hbm>>
        tpu.enqueue_dma source(%dma_start3A_396 : memref<64x16xf32, #tpu.memory_space<hbm>>) target(%dma_start3A_394 : memref<64x16xf32, #tpu.memory_space<vmem_shared>>) target_semaphore(%run_scoped3A_393 : memref<!tpu.dma_semaphore, #tpu.memory_space<semaphore_mem>>)
        %dma_wait3A = arith.constant 0 : i32
        %dma_wait3A_397 = tpu.memref_slice %arg12[%add3A_134, %dma_wait3A] : memref<10112x16xf32, #tpu.memory_space<vmem_shared>> -> memref<64x16xf32, #tpu.memory_space<vmem_shared>>
        %dma_wait3A_398 = arith.constant 0 : i32
        %dma_wait3A_399 = tpu.memref_slice %arg8[%add3A_130, %dma_wait3A_398] : memref<10112x16xf32, #tpu.memory_space<hbm>> -> memref<64x16xf32, #tpu.memory_space<hbm>>
        tpu.wait_dma2 semaphore(%run_scoped3A_393 : memref<!tpu.dma_semaphore, #tpu.memory_space<semaphore_mem>>) src(%dma_wait3A_399 : memref<64x16xf32, #tpu.memory_space<hbm>>) dst(%dma_wait3A_397 : memref<64x16xf32, #tpu.memory_space<vmem_shared>>)
        tpu.yield
      }) : () -> ()
      %mul3A_135 = arith.constant 632 : i32
      %mul3A_136 = arith.muli %arg1, %mul3A_135 : i32
      %add3A_137 = arith.constant 512 : i32
      %add3A_138 = arith.addi %mul3A_136, %add3A_137 : i32
      %mul3A_139 = arith.constant 632 : i32
      %mul3A_140 = arith.muli %arg1, %mul3A_139 : i32
      %add3A_141 = arith.constant 512 : i32
      %add3A_142 = arith.addi %mul3A_140, %add3A_141 : i32
      "tpu.region"() ({
        %run_scoped3A_393 = tpu.sem_alloc : memref<!tpu.dma_semaphore, #tpu.memory_space<semaphore_mem>>
        %dma_start3A = arith.constant 0 : i32
        %dma_start3A_394 = tpu.memref_slice %arg11[%add3A_142, %dma_start3A] : memref<10112x128xf32, #tpu.memory_space<vmem_shared>> -> memref<64x128xf32, #tpu.memory_space<vmem_shared>>
        %dma_start3A_395 = arith.constant 0 : i32
        %dma_start3A_396 = tpu.memref_slice %arg7[%add3A_138, %dma_start3A_395] : memref<10112x128xf32, #tpu.memory_space<hbm>> -> memref<64x128xf32, #tpu.memory_space<hbm>>
        tpu.enqueue_dma source(%dma_start3A_396 : memref<64x128xf32, #tpu.memory_space<hbm>>) target(%dma_start3A_394 : memref<64x128xf32, #tpu.memory_space<vmem_shared>>) target_semaphore(%run_scoped3A_393 : memref<!tpu.dma_semaphore, #tpu.memory_space<semaphore_mem>>)
        %dma_wait3A = arith.constant 0 : i32
        %dma_wait3A_397 = tpu.memref_slice %arg11[%add3A_142, %dma_wait3A] : memref<10112x128xf32, #tpu.memory_space<vmem_shared>> -> memref<64x128xf32, #tpu.memory_space<vmem_shared>>
        %dma_wait3A_398 = arith.constant 0 : i32
        %dma_wait3A_399 = tpu.memref_slice %arg7[%add3A_138, %dma_wait3A_398] : memref<10112x128xf32, #tpu.memory_space<hbm>> -> memref<64x128xf32, #tpu.memory_space<hbm>>
        tpu.wait_dma2 semaphore(%run_scoped3A_393 : memref<!tpu.dma_semaphore, #tpu.memory_space<semaphore_mem>>) src(%dma_wait3A_399 : memref<64x128xf32, #tpu.memory_space<hbm>>) dst(%dma_wait3A_397 : memref<64x128xf32, #tpu.memory_space<vmem_shared>>)
        tpu.yield
      }) : () -> ()
      %mul3A_143 = arith.constant 632 : i32
      %mul3A_144 = arith.muli %arg1, %mul3A_143 : i32
      %add3A_145 = arith.constant 512 : i32
      %add3A_146 = arith.addi %mul3A_144, %add3A_145 : i32
      %mul3A_147 = arith.constant 632 : i32
      %mul3A_148 = arith.muli %arg1, %mul3A_147 : i32
      %add3A_149 = arith.constant 512 : i32
      %add3A_150 = arith.addi %mul3A_148, %add3A_149 : i32
      "tpu.region"() ({
        %run_scoped3A_393 = tpu.sem_alloc : memref<!tpu.dma_semaphore, #tpu.memory_space<semaphore_mem>>
        %dma_start3A = arith.constant 0 : i32
        %dma_start3A_394 = tpu.memref_slice %arg12[%add3A_150, %dma_start3A] : memref<10112x16xf32, #tpu.memory_space<vmem_shared>> -> memref<64x16xf32, #tpu.memory_space<vmem_shared>>
        %dma_start3A_395 = arith.constant 0 : i32
        %dma_start3A_396 = tpu.memref_slice %arg8[%add3A_146, %dma_start3A_395] : memref<10112x16xf32, #tpu.memory_space<hbm>> -> memref<64x16xf32, #tpu.memory_space<hbm>>
        tpu.enqueue_dma source(%dma_start3A_396 : memref<64x16xf32, #tpu.memory_space<hbm>>) target(%dma_start3A_394 : memref<64x16xf32, #tpu.memory_space<vmem_shared>>) target_semaphore(%run_scoped3A_393 : memref<!tpu.dma_semaphore, #tpu.memory_space<semaphore_mem>>)
        %dma_wait3A = arith.constant 0 : i32
        %dma_wait3A_397 = tpu.memref_slice %arg12[%add3A_150, %dma_wait3A] : memref<10112x16xf32, #tpu.memory_space<vmem_shared>> -> memref<64x16xf32, #tpu.memory_space<vmem_shared>>
        %dma_wait3A_398 = arith.constant 0 : i32
        %dma_wait3A_399 = tpu.memref_slice %arg8[%add3A_146, %dma_wait3A_398] : memref<10112x16xf32, #tpu.memory_space<hbm>> -> memref<64x16xf32, #tpu.memory_space<hbm>>
        tpu.wait_dma2 semaphore(%run_scoped3A_393 : memref<!tpu.dma_semaphore, #tpu.memory_space<semaphore_mem>>) src(%dma_wait3A_399 : memref<64x16xf32, #tpu.memory_space<hbm>>) dst(%dma_wait3A_397 : memref<64x16xf32, #tpu.memory_space<vmem_shared>>)
        tpu.yield
      }) : () -> ()
      %mul3A_151 = arith.constant 632 : i32
      %mul3A_152 = arith.muli %arg1, %mul3A_151 : i32
      %add3A_153 = arith.constant 576 : i32
      %add3A_154 = arith.addi %mul3A_152, %add3A_153 : i32
      %mul3A_155 = arith.constant 632 : i32
      %mul3A_156 = arith.muli %arg1, %mul3A_155 : i32
      %add3A_157 = arith.constant 576 : i32
      %add3A_158 = arith.addi %mul3A_156, %add3A_157 : i32
      "tpu.region"() ({
        %run_scoped3A_393 = tpu.sem_alloc : memref<!tpu.dma_semaphore, #tpu.memory_space<semaphore_mem>>
        %dma_start3A = arith.constant 0 : i32
        %dma_start3A_394 = tpu.memref_slice %arg11[%add3A_158, %dma_start3A] : memref<10112x128xf32, #tpu.memory_space<vmem_shared>> -> memref<56x128xf32, #tpu.memory_space<vmem_shared>>
        %dma_start3A_395 = arith.constant 0 : i32
        %dma_start3A_396 = tpu.memref_slice %arg7[%add3A_154, %dma_start3A_395] : memref<10112x128xf32, #tpu.memory_space<hbm>> -> memref<56x128xf32, #tpu.memory_space<hbm>>
        tpu.enqueue_dma source(%dma_start3A_396 : memref<56x128xf32, #tpu.memory_space<hbm>>) target(%dma_start3A_394 : memref<56x128xf32, #tpu.memory_space<vmem_shared>>) target_semaphore(%run_scoped3A_393 : memref<!tpu.dma_semaphore, #tpu.memory_space<semaphore_mem>>)
        %dma_wait3A = arith.constant 0 : i32
        %dma_wait3A_397 = tpu.memref_slice %arg11[%add3A_158, %dma_wait3A] : memref<10112x128xf32, #tpu.memory_space<vmem_shared>> -> memref<56x128xf32, #tpu.memory_space<vmem_shared>>
        %dma_wait3A_398 = arith.constant 0 : i32
        %dma_wait3A_399 = tpu.memref_slice %arg7[%add3A_154, %dma_wait3A_398] : memref<10112x128xf32, #tpu.memory_space<hbm>> -> memref<56x128xf32, #tpu.memory_space<hbm>>
        tpu.wait_dma2 semaphore(%run_scoped3A_393 : memref<!tpu.dma_semaphore, #tpu.memory_space<semaphore_mem>>) src(%dma_wait3A_399 : memref<56x128xf32, #tpu.memory_space<hbm>>) dst(%dma_wait3A_397 : memref<56x128xf32, #tpu.memory_space<vmem_shared>>)
        tpu.yield
      }) : () -> ()
      %mul3A_159 = arith.constant 632 : i32
      %mul3A_160 = arith.muli %arg1, %mul3A_159 : i32
      %add3A_161 = arith.constant 576 : i32
      %add3A_162 = arith.addi %mul3A_160, %add3A_161 : i32
      %mul3A_163 = arith.constant 632 : i32
      %mul3A_164 = arith.muli %arg1, %mul3A_163 : i32
      %add3A_165 = arith.constant 576 : i32
      %add3A_166 = arith.addi %mul3A_164, %add3A_165 : i32
      "tpu.region"() ({
        %run_scoped3A_393 = tpu.sem_alloc : memref<!tpu.dma_semaphore, #tpu.memory_space<semaphore_mem>>
        %dma_start3A = arith.constant 0 : i32
        %dma_start3A_394 = tpu.memref_slice %arg12[%add3A_166, %dma_start3A] : memref<10112x16xf32, #tpu.memory_space<vmem_shared>> -> memref<56x16xf32, #tpu.memory_space<vmem_shared>>
        %dma_start3A_395 = arith.constant 0 : i32
        %dma_start3A_396 = tpu.memref_slice %arg8[%add3A_162, %dma_start3A_395] : memref<10112x16xf32, #tpu.memory_space<hbm>> -> memref<56x16xf32, #tpu.memory_space<hbm>>
        tpu.enqueue_dma source(%dma_start3A_396 : memref<56x16xf32, #tpu.memory_space<hbm>>) target(%dma_start3A_394 : memref<56x16xf32, #tpu.memory_space<vmem_shared>>) target_semaphore(%run_scoped3A_393 : memref<!tpu.dma_semaphore, #tpu.memory_space<semaphore_mem>>)
        %dma_wait3A = arith.constant 0 : i32
        %dma_wait3A_397 = tpu.memref_slice %arg12[%add3A_166, %dma_wait3A] : memref<10112x16xf32, #tpu.memory_space<vmem_shared>> -> memref<56x16xf32, #tpu.memory_space<vmem_shared>>
        %dma_wait3A_398 = arith.constant 0 : i32
        %dma_wait3A_399 = tpu.memref_slice %arg8[%add3A_162, %dma_wait3A_398] : memref<10112x16xf32, #tpu.memory_space<hbm>> -> memref<56x16xf32, #tpu.memory_space<hbm>>
        tpu.wait_dma2 semaphore(%run_scoped3A_393 : memref<!tpu.dma_semaphore, #tpu.memory_space<semaphore_mem>>) src(%dma_wait3A_399 : memref<56x16xf32, #tpu.memory_space<hbm>>) dst(%dma_wait3A_397 : memref<56x16xf32, #tpu.memory_space<vmem_shared>>)
        tpu.yield
      }) : () -> ()
      %barrier3A = arith.constant 0 : index
      tpu.barrier barrier_id(%barrier3A)
      %scan3A = arith.constant 0 : i32
      %scan3A_167 = arith.constant 0 : i32
      %scan3A_168 = arith.constant 10 : i32
      %scan3A_169 = arith.addi %scan3A_167, %scan3A_168 : i32
      %scan3A_170 = arith.constant 1 : i32
      scf.for %scan3A_393 = %scan3A_167 to %scan3A_169 step %scan3A_170  : i32 {
        %mul3A_394 = arith.constant 10 : i32
        %mul3A_395 = arith.muli %add3A, %mul3A_394 : i32
        %add3A_396 = arith.addi %mul3A_395, %scan3A_393 : i32
        "tpu.region"() ({
          %run_scoped3A_409 = tpu.sem_alloc : memref<!tpu.dma_semaphore, #tpu.memory_space<semaphore_mem>>
          %dma_start3A = arith.constant 0 : i32
          %dma_start3A_410 = arith.constant 0 : i32
          %dma_start3A_411 = tpu.memref_slice %arg3[%add3A_396, %dma_start3A, %dma_start3A_410] : memref<320x8x128xi32, #tpu.memory_space<hbm>> -> memref<1x8x128xi32, #tpu.memory_space<hbm>>
          %dma_start3A_412 = tpu.memref_squeeze %dma_start3A_411 : memref<1x8x128xi32, #tpu.memory_space<hbm>> -> memref<8x128xi32, #tpu.memory_space<hbm>>
          %dma_start3A_413 = arith.constant 0 : i32
          %dma_start3A_414 = arith.constant 0 : i32
          %dma_start3A_415 = tpu.memref_slice %arg3[%add3A_396, %dma_start3A_413, %dma_start3A_414] : memref<320x8x128xi32, #tpu.memory_space<hbm>> -> memref<1x8x128xi32, #tpu.memory_space<hbm>>
          %dma_start3A_416 = tpu.memref_squeeze %dma_start3A_415 : memref<1x8x128xi32, #tpu.memory_space<hbm>> -> memref<8x128xi32, #tpu.memory_space<hbm>>
          tpu.enqueue_dma source(%dma_start3A_416 : memref<8x128xi32, #tpu.memory_space<hbm>>) target(%run_scoped3A : memref<8x128xi32, #tpu.memory_space<vmem>>) target_semaphore(%run_scoped3A_409 : memref<!tpu.dma_semaphore, #tpu.memory_space<semaphore_mem>>)
          %dma_wait3A = arith.constant 0 : i32
          %dma_wait3A_417 = arith.constant 0 : i32
          %dma_wait3A_418 = tpu.memref_slice %arg3[%add3A_396, %dma_wait3A, %dma_wait3A_417] : memref<320x8x128xi32, #tpu.memory_space<hbm>> -> memref<1x8x128xi32, #tpu.memory_space<hbm>>
          %dma_wait3A_419 = tpu.memref_squeeze %dma_wait3A_418 : memref<1x8x128xi32, #tpu.memory_space<hbm>> -> memref<8x128xi32, #tpu.memory_space<hbm>>
          %dma_wait3A_420 = arith.constant 0 : i32
          %dma_wait3A_421 = arith.constant 0 : i32
          %dma_wait3A_422 = tpu.memref_slice %arg3[%add3A_396, %dma_wait3A_420, %dma_wait3A_421] : memref<320x8x128xi32, #tpu.memory_space<hbm>> -> memref<1x8x128xi32, #tpu.memory_space<hbm>>
          %dma_wait3A_423 = tpu.memref_squeeze %dma_wait3A_422 : memref<1x8x128xi32, #tpu.memory_space<hbm>> -> memref<8x128xi32, #tpu.memory_space<hbm>>
          tpu.wait_dma2 semaphore(%run_scoped3A_409 : memref<!tpu.dma_semaphore, #tpu.memory_space<semaphore_mem>>) src(%dma_wait3A_423 : memref<8x128xi32, #tpu.memory_space<hbm>>) dst(%run_scoped3A : memref<8x128xi32, #tpu.memory_space<vmem>>)
          tpu.yield
        }) : () -> ()
        %mul3A_397 = arith.constant 10 : i32
        %mul3A_398 = arith.muli %add3A, %mul3A_397 : i32
        %add3A_399 = arith.addi %mul3A_398, %scan3A_393 : i32
        "tpu.region"() ({
          %run_scoped3A_409 = tpu.sem_alloc : memref<!tpu.dma_semaphore, #tpu.memory_space<semaphore_mem>>
          %dma_start3A = arith.constant 0 : i32
          %dma_start3A_410 = arith.constant 0 : i32
          %dma_start3A_411 = tpu.memref_slice %arg4[%add3A_399, %dma_start3A, %dma_start3A_410] : memref<320x8x128xi32, #tpu.memory_space<hbm>> -> memref<1x8x128xi32, #tpu.memory_space<hbm>>
          %dma_start3A_412 = tpu.memref_squeeze %dma_start3A_411 : memref<1x8x128xi32, #tpu.memory_space<hbm>> -> memref<8x128xi32, #tpu.memory_space<hbm>>
          %dma_start3A_413 = arith.constant 0 : i32
          %dma_start3A_414 = arith.constant 0 : i32
          %dma_start3A_415 = tpu.memref_slice %arg4[%add3A_399, %dma_start3A_413, %dma_start3A_414] : memref<320x8x128xi32, #tpu.memory_space<hbm>> -> memref<1x8x128xi32, #tpu.memory_space<hbm>>
          %dma_start3A_416 = tpu.memref_squeeze %dma_start3A_415 : memref<1x8x128xi32, #tpu.memory_space<hbm>> -> memref<8x128xi32, #tpu.memory_space<hbm>>
          tpu.enqueue_dma source(%dma_start3A_416 : memref<8x128xi32, #tpu.memory_space<hbm>>) target(%run_scoped3A_0 : memref<8x128xi32, #tpu.memory_space<vmem>>) target_semaphore(%run_scoped3A_409 : memref<!tpu.dma_semaphore, #tpu.memory_space<semaphore_mem>>)
          %dma_wait3A = arith.constant 0 : i32
          %dma_wait3A_417 = arith.constant 0 : i32
          %dma_wait3A_418 = tpu.memref_slice %arg4[%add3A_399, %dma_wait3A, %dma_wait3A_417] : memref<320x8x128xi32, #tpu.memory_space<hbm>> -> memref<1x8x128xi32, #tpu.memory_space<hbm>>
          %dma_wait3A_419 = tpu.memref_squeeze %dma_wait3A_418 : memref<1x8x128xi32, #tpu.memory_space<hbm>> -> memref<8x128xi32, #tpu.memory_space<hbm>>
          %dma_wait3A_420 = arith.constant 0 : i32
          %dma_wait3A_421 = arith.constant 0 : i32
          %dma_wait3A_422 = tpu.memref_slice %arg4[%add3A_399, %dma_wait3A_420, %dma_wait3A_421] : memref<320x8x128xi32, #tpu.memory_space<hbm>> -> memref<1x8x128xi32, #tpu.memory_space<hbm>>
          %dma_wait3A_423 = tpu.memref_squeeze %dma_wait3A_422 : memref<1x8x128xi32, #tpu.memory_space<hbm>> -> memref<8x128xi32, #tpu.memory_space<hbm>>
          tpu.wait_dma2 semaphore(%run_scoped3A_409 : memref<!tpu.dma_semaphore, #tpu.memory_space<semaphore_mem>>) src(%dma_wait3A_423 : memref<8x128xi32, #tpu.memory_space<hbm>>) dst(%run_scoped3A_0 : memref<8x128xi32, #tpu.memory_space<vmem>>)
          tpu.yield
        }) : () -> ()
        %mul3A_400 = arith.constant 10 : i32
        %mul3A_401 = arith.muli %add3A, %mul3A_400 : i32
        %add3A_402 = arith.addi %mul3A_401, %scan3A_393 : i32
        "tpu.region"() ({
          %run_scoped3A_409 = tpu.sem_alloc : memref<!tpu.dma_semaphore, #tpu.memory_space<semaphore_mem>>
          %dma_start3A = arith.constant 0 : i32
          %dma_start3A_410 = arith.constant 0 : i32
          %dma_start3A_411 = tpu.memref_slice %arg6[%add3A_402, %dma_start3A, %dma_start3A_410] : memref<320x8x128xi32, #tpu.memory_space<hbm>> -> memref<1x8x128xi32, #tpu.memory_space<hbm>>
          %dma_start3A_412 = tpu.memref_squeeze %dma_start3A_411 : memref<1x8x128xi32, #tpu.memory_space<hbm>> -> memref<8x128xi32, #tpu.memory_space<hbm>>
          %dma_start3A_413 = arith.constant 0 : i32
          %dma_start3A_414 = arith.constant 0 : i32
          %dma_start3A_415 = tpu.memref_slice %arg6[%add3A_402, %dma_start3A_413, %dma_start3A_414] : memref<320x8x128xi32, #tpu.memory_space<hbm>> -> memref<1x8x128xi32, #tpu.memory_space<hbm>>
          %dma_start3A_416 = tpu.memref_squeeze %dma_start3A_415 : memref<1x8x128xi32, #tpu.memory_space<hbm>> -> memref<8x128xi32, #tpu.memory_space<hbm>>
          tpu.enqueue_dma source(%dma_start3A_416 : memref<8x128xi32, #tpu.memory_space<hbm>>) target(%run_scoped3A_3 : memref<8x128xi32, #tpu.memory_space<vmem>>) target_semaphore(%run_scoped3A_409 : memref<!tpu.dma_semaphore, #tpu.memory_space<semaphore_mem>>)
          %dma_wait3A = arith.constant 0 : i32
          %dma_wait3A_417 = arith.constant 0 : i32
          %dma_wait3A_418 = tpu.memref_slice %arg6[%add3A_402, %dma_wait3A, %dma_wait3A_417] : memref<320x8x128xi32, #tpu.memory_space<hbm>> -> memref<1x8x128xi32, #tpu.memory_space<hbm>>
          %dma_wait3A_419 = tpu.memref_squeeze %dma_wait3A_418 : memref<1x8x128xi32, #tpu.memory_space<hbm>> -> memref<8x128xi32, #tpu.memory_space<hbm>>
          %dma_wait3A_420 = arith.constant 0 : i32
          %dma_wait3A_421 = arith.constant 0 : i32
          %dma_wait3A_422 = tpu.memref_slice %arg6[%add3A_402, %dma_wait3A_420, %dma_wait3A_421] : memref<320x8x128xi32, #tpu.memory_space<hbm>> -> memref<1x8x128xi32, #tpu.memory_space<hbm>>
          %dma_wait3A_423 = tpu.memref_squeeze %dma_wait3A_422 : memref<1x8x128xi32, #tpu.memory_space<hbm>> -> memref<8x128xi32, #tpu.memory_space<hbm>>
          tpu.wait_dma2 semaphore(%run_scoped3A_409 : memref<!tpu.dma_semaphore, #tpu.memory_space<semaphore_mem>>) src(%dma_wait3A_423 : memref<8x128xi32, #tpu.memory_space<hbm>>) dst(%run_scoped3A_3 : memref<8x128xi32, #tpu.memory_space<vmem>>)
          tpu.yield
        }) : () -> ()
        %scan3A_403 = arith.constant 0 : i32
        %scan3A_404 = arith.constant 0 : i32
        %scan3A_405 = arith.constant 4 : i32
        %scan3A_406 = arith.addi %scan3A_404, %scan3A_405 : i32
        %scan3A_407 = arith.constant 1 : i32
        scf.for %scan3A_409 = %scan3A_404 to %scan3A_406 step %scan3A_407  : i32 {
          %mul3A_410 = arith.constant 2 : i32
          %mul3A_411 = arith.muli %scan3A_409, %mul3A_410 : i32
          %add3A_412 = arith.constant 0 : i32
          %add3A_413 = arith.addi %mul3A_411, %add3A_412 : i32
          %dma_start3A = arith.constant 0 : i32
          %dma_start3A_414 = tpu.memref_slice %run_scoped3A[%add3A_413, %dma_start3A] : memref<8x128xi32, #tpu.memory_space<vmem>> -> memref<1x128xi32, #tpu.memory_space<vmem>>
          %dma_start3A_415 = tpu.memref_squeeze %dma_start3A_414 : memref<1x128xi32, #tpu.memory_space<vmem>> -> memref<128xi32, #tpu.memory_space<vmem>>
          %dma_start3A_416 = arith.constant 0 : i32
          %dma_start3A_417 = arith.constant 0 : i32
          %dma_start3A_418 = tpu.memref_slice %arg2[%dma_start3A_416, %dma_start3A_417] : memref<10000x128xf32, #tpu.memory_space<hbm>> -> memref<10000x128xf32, #tpu.memory_space<hbm>>
          tpu.enqueue_indirect_dma source(%dma_start3A_418 : memref<10000x128xf32, #tpu.memory_space<hbm>>) target(%run_scoped3A_1 : memref<128x128xf32, #tpu.memory_space<vmem>>) offsets(%dma_start3A_415 : memref<128xi32, #tpu.memory_space<vmem>>) semaphore(%arg13 : memref<!tpu.dma_semaphore, #tpu.memory_space<semaphore_mem>>)
          %dma_start3A_419 = arith.constant 0 : i32
          %dma_start3A_420 = tpu.memref_slice %run_scoped3A_0[%add3A_413, %dma_start3A_419] : memref<8x128xi32, #tpu.memory_space<vmem>> -> memref<1x128xi32, #tpu.memory_space<vmem>>
          %dma_start3A_421 = tpu.memref_squeeze %dma_start3A_420 : memref<1x128xi32, #tpu.memory_space<vmem>> -> memref<128xi32, #tpu.memory_space<vmem>>
          %dma_start3A_422 = arith.constant 0 : i32
          %dma_start3A_423 = arith.constant 0 : i32
          %dma_start3A_424 = tpu.memref_slice %arg5[%dma_start3A_422, %dma_start3A_423] : memref<10112x16xf32, #tpu.memory_space<hbm>> -> memref<10112x16xf32, #tpu.memory_space<hbm>>
          tpu.enqueue_indirect_dma source(%dma_start3A_424 : memref<10112x16xf32, #tpu.memory_space<hbm>>) target(%run_scoped3A_4 : memref<128x16xf32, #tpu.memory_space<vmem>>) offsets(%dma_start3A_421 : memref<128xi32, #tpu.memory_space<vmem>>) semaphore(%arg17 : memref<!tpu.dma_semaphore, #tpu.memory_space<semaphore_mem>>)
          %mul3A_425 = arith.constant 2 : i32
          %mul3A_426 = arith.muli %scan3A_409, %mul3A_425 : i32
          %add3A_427 = arith.constant 1 : i32
          %add3A_428 = arith.addi %mul3A_426, %add3A_427 : i32
          %dma_start3A_429 = arith.constant 0 : i32
          %dma_start3A_430 = tpu.memref_slice %run_scoped3A[%add3A_428, %dma_start3A_429] : memref<8x128xi32, #tpu.memory_space<vmem>> -> memref<1x128xi32, #tpu.memory_space<vmem>>
          %dma_start3A_431 = tpu.memref_squeeze %dma_start3A_430 : memref<1x128xi32, #tpu.memory_space<vmem>> -> memref<128xi32, #tpu.memory_space<vmem>>
          %dma_start3A_432 = arith.constant 0 : i32
          %dma_start3A_433 = arith.constant 0 : i32
          %dma_start3A_434 = tpu.memref_slice %arg2[%dma_start3A_432, %dma_start3A_433] : memref<10000x128xf32, #tpu.memory_space<hbm>> -> memref<10000x128xf32, #tpu.memory_space<hbm>>
          tpu.enqueue_indirect_dma source(%dma_start3A_434 : memref<10000x128xf32, #tpu.memory_space<hbm>>) target(%run_scoped3A_2 : memref<128x128xf32, #tpu.memory_space<vmem>>) offsets(%dma_start3A_431 : memref<128xi32, #tpu.memory_space<vmem>>) semaphore(%arg14 : memref<!tpu.dma_semaphore, #tpu.memory_space<semaphore_mem>>)
          %dma_start3A_435 = arith.constant 0 : i32
          %dma_start3A_436 = tpu.memref_slice %run_scoped3A_0[%add3A_428, %dma_start3A_435] : memref<8x128xi32, #tpu.memory_space<vmem>> -> memref<1x128xi32, #tpu.memory_space<vmem>>
          %dma_start3A_437 = tpu.memref_squeeze %dma_start3A_436 : memref<1x128xi32, #tpu.memory_space<vmem>> -> memref<128xi32, #tpu.memory_space<vmem>>
          %dma_start3A_438 = arith.constant 0 : i32
          %dma_start3A_439 = arith.constant 0 : i32
          %dma_start3A_440 = tpu.memref_slice %arg5[%dma_start3A_438, %dma_start3A_439] : memref<10112x16xf32, #tpu.memory_space<hbm>> -> memref<10112x16xf32, #tpu.memory_space<hbm>>
          tpu.enqueue_indirect_dma source(%dma_start3A_440 : memref<10112x16xf32, #tpu.memory_space<hbm>>) target(%run_scoped3A_5 : memref<128x16xf32, #tpu.memory_space<vmem>>) offsets(%dma_start3A_437 : memref<128xi32, #tpu.memory_space<vmem>>) semaphore(%arg18 : memref<!tpu.dma_semaphore, #tpu.memory_space<semaphore_mem>>)
          %mul3A_441 = arith.constant 2 : i32
          %mul3A_442 = arith.muli %scan3A_409, %mul3A_441 : i32
          %add3A_443 = arith.constant 0 : i32
          %add3A_444 = arith.addi %mul3A_442, %add3A_443 : i32
          %dma_wait3A = arith.constant 0 : i32
          %dma_wait3A_445 = arith.constant 0 : i32
          %dma_wait3A_446 = tpu.memref_slice %arg7[%dma_wait3A, %dma_wait3A_445] : memref<10112x128xf32, #tpu.memory_space<hbm>> -> memref<128x128xf32, #tpu.memory_space<hbm>>
          %dma_wait3A_447 = arith.constant 0 : i32
          %dma_wait3A_448 = arith.constant 0 : i32
          %dma_wait3A_449 = tpu.memref_slice %arg7[%dma_wait3A_447, %dma_wait3A_448] : memref<10112x128xf32, #tpu.memory_space<hbm>> -> memref<128x128xf32, #tpu.memory_space<hbm>>
          tpu.wait_dma2 semaphore(%arg13 : memref<!tpu.dma_semaphore, #tpu.memory_space<semaphore_mem>>) src(%dma_wait3A_449 : memref<128x128xf32, #tpu.memory_space<hbm>>) dst(%run_scoped3A_1 : memref<128x128xf32, #tpu.memory_space<vmem>>)
          %dma_start3A_450 = arith.constant 0 : i32
          %dma_start3A_451 = tpu.memref_slice %run_scoped3A_0[%add3A_444, %dma_start3A_450] : memref<8x128xi32, #tpu.memory_space<vmem>> -> memref<1x128xi32, #tpu.memory_space<vmem>>
          %dma_start3A_452 = tpu.memref_squeeze %dma_start3A_451 : memref<1x128xi32, #tpu.memory_space<vmem>> -> memref<128xi32, #tpu.memory_space<vmem>>
          %dma_start3A_453 = arith.constant 0 : i32
          %dma_start3A_454 = arith.constant 0 : i32
          %dma_start3A_455 = tpu.memref_slice %arg11[%dma_start3A_453, %dma_start3A_454] : memref<10112x128xf32, #tpu.memory_space<vmem_shared>> -> memref<10112x128xf32, #tpu.memory_space<vmem_shared>>
          tpu.enqueue_indirect_dma source(%run_scoped3A_1 : memref<128x128xf32, #tpu.memory_space<vmem>>) target(%dma_start3A_455 : memref<10112x128xf32, #tpu.memory_space<vmem_shared>>) offsets(%dma_start3A_452 : memref<128xi32, #tpu.memory_space<vmem>>) semaphore(%arg15 : memref<!tpu.dma_semaphore, #tpu.memory_space<semaphore_mem>>) {add = true}
          %dma_wait3A_456 = arith.constant 0 : i32
          %dma_wait3A_457 = arith.constant 0 : i32
          %dma_wait3A_458 = tpu.memref_slice %arg8[%dma_wait3A_456, %dma_wait3A_457] : memref<10112x16xf32, #tpu.memory_space<hbm>> -> memref<128x16xf32, #tpu.memory_space<hbm>>
          %dma_wait3A_459 = arith.constant 0 : i32
          %dma_wait3A_460 = arith.constant 0 : i32
          %dma_wait3A_461 = tpu.memref_slice %arg8[%dma_wait3A_459, %dma_wait3A_460] : memref<10112x16xf32, #tpu.memory_space<hbm>> -> memref<128x16xf32, #tpu.memory_space<hbm>>
          tpu.wait_dma2 semaphore(%arg17 : memref<!tpu.dma_semaphore, #tpu.memory_space<semaphore_mem>>) src(%dma_wait3A_461 : memref<128x16xf32, #tpu.memory_space<hbm>>) dst(%run_scoped3A_4 : memref<128x16xf32, #tpu.memory_space<vmem>>)
          %dma_start3A_462 = arith.constant 0 : i32
          %dma_start3A_463 = tpu.memref_slice %run_scoped3A_3[%add3A_444, %dma_start3A_462] : memref<8x128xi32, #tpu.memory_space<vmem>> -> memref<1x128xi32, #tpu.memory_space<vmem>>
          %dma_start3A_464 = tpu.memref_squeeze %dma_start3A_463 : memref<1x128xi32, #tpu.memory_space<vmem>> -> memref<128xi32, #tpu.memory_space<vmem>>
          %dma_start3A_465 = arith.constant 0 : i32
          %dma_start3A_466 = arith.constant 0 : i32
          %dma_start3A_467 = tpu.memref_slice %arg12[%dma_start3A_465, %dma_start3A_466] : memref<10112x16xf32, #tpu.memory_space<vmem_shared>> -> memref<10112x16xf32, #tpu.memory_space<vmem_shared>>
          tpu.enqueue_indirect_dma source(%run_scoped3A_4 : memref<128x16xf32, #tpu.memory_space<vmem>>) target(%dma_start3A_467 : memref<10112x16xf32, #tpu.memory_space<vmem_shared>>) offsets(%dma_start3A_464 : memref<128xi32, #tpu.memory_space<vmem>>) semaphore(%arg19 : memref<!tpu.dma_semaphore, #tpu.memory_space<semaphore_mem>>) {add = true}
          %mul3A_468 = arith.constant 2 : i32
          %mul3A_469 = arith.muli %scan3A_409, %mul3A_468 : i32
          %add3A_470 = arith.constant 1 : i32
          %add3A_471 = arith.addi %mul3A_469, %add3A_470 : i32
          %dma_wait3A_472 = arith.constant 0 : i32
          %dma_wait3A_473 = arith.constant 0 : i32
          %dma_wait3A_474 = tpu.memref_slice %arg7[%dma_wait3A_472, %dma_wait3A_473] : memref<10112x128xf32, #tpu.memory_space<hbm>> -> memref<128x128xf32, #tpu.memory_space<hbm>>
          %dma_wait3A_475 = arith.constant 0 : i32
          %dma_wait3A_476 = arith.constant 0 : i32
          %dma_wait3A_477 = tpu.memref_slice %arg7[%dma_wait3A_475, %dma_wait3A_476] : memref<10112x128xf32, #tpu.memory_space<hbm>> -> memref<128x128xf32, #tpu.memory_space<hbm>>
          tpu.wait_dma2 semaphore(%arg14 : memref<!tpu.dma_semaphore, #tpu.memory_space<semaphore_mem>>) src(%dma_wait3A_477 : memref<128x128xf32, #tpu.memory_space<hbm>>) dst(%run_scoped3A_2 : memref<128x128xf32, #tpu.memory_space<vmem>>)
          %dma_start3A_478 = arith.constant 0 : i32
          %dma_start3A_479 = tpu.memref_slice %run_scoped3A_0[%add3A_471, %dma_start3A_478] : memref<8x128xi32, #tpu.memory_space<vmem>> -> memref<1x128xi32, #tpu.memory_space<vmem>>
          %dma_start3A_480 = tpu.memref_squeeze %dma_start3A_479 : memref<1x128xi32, #tpu.memory_space<vmem>> -> memref<128xi32, #tpu.memory_space<vmem>>
          %dma_start3A_481 = arith.constant 0 : i32
          %dma_start3A_482 = arith.constant 0 : i32
          %dma_start3A_483 = tpu.memref_slice %arg11[%dma_start3A_481, %dma_start3A_482] : memref<10112x128xf32, #tpu.memory_space<vmem_shared>> -> memref<10112x128xf32, #tpu.memory_space<vmem_shared>>
          tpu.enqueue_indirect_dma source(%run_scoped3A_2 : memref<128x128xf32, #tpu.memory_space<vmem>>) target(%dma_start3A_483 : memref<10112x128xf32, #tpu.memory_space<vmem_shared>>) offsets(%dma_start3A_480 : memref<128xi32, #tpu.memory_space<vmem>>) semaphore(%arg16 : memref<!tpu.dma_semaphore, #tpu.memory_space<semaphore_mem>>) {add = true}
          %dma_wait3A_484 = arith.constant 0 : i32
          %dma_wait3A_485 = arith.constant 0 : i32
          %dma_wait3A_486 = tpu.memref_slice %arg8[%dma_wait3A_484, %dma_wait3A_485] : memref<10112x16xf32, #tpu.memory_space<hbm>> -> memref<128x16xf32, #tpu.memory_space<hbm>>
          %dma_wait3A_487 = arith.constant 0 : i32
          %dma_wait3A_488 = arith.constant 0 : i32
          %dma_wait3A_489 = tpu.memref_slice %arg8[%dma_wait3A_487, %dma_wait3A_488] : memref<10112x16xf32, #tpu.memory_space<hbm>> -> memref<128x16xf32, #tpu.memory_space<hbm>>
          tpu.wait_dma2 semaphore(%arg18 : memref<!tpu.dma_semaphore, #tpu.memory_space<semaphore_mem>>) src(%dma_wait3A_489 : memref<128x16xf32, #tpu.memory_space<hbm>>) dst(%run_scoped3A_5 : memref<128x16xf32, #tpu.memory_space<vmem>>)
          %dma_start3A_490 = arith.constant 0 : i32
          %dma_start3A_491 = tpu.memref_slice %run_scoped3A_3[%add3A_471, %dma_start3A_490] : memref<8x128xi32, #tpu.memory_space<vmem>> -> memref<1x128xi32, #tpu.memory_space<vmem>>
          %dma_start3A_492 = tpu.memref_squeeze %dma_start3A_491 : memref<1x128xi32, #tpu.memory_space<vmem>> -> memref<128xi32, #tpu.memory_space<vmem>>
          %dma_start3A_493 = arith.constant 0 : i32
          %dma_start3A_494 = arith.constant 0 : i32
          %dma_start3A_495 = tpu.memref_slice %arg12[%dma_start3A_493, %dma_start3A_494] : memref<10112x16xf32, #tpu.memory_space<vmem_shared>> -> memref<10112x16xf32, #tpu.memory_space<vmem_shared>>
          tpu.enqueue_indirect_dma source(%run_scoped3A_5 : memref<128x16xf32, #tpu.memory_space<vmem>>) target(%dma_start3A_495 : memref<10112x16xf32, #tpu.memory_space<vmem_shared>>) offsets(%dma_start3A_492 : memref<128xi32, #tpu.memory_space<vmem>>) semaphore(%arg20 : memref<!tpu.dma_semaphore, #tpu.memory_space<semaphore_mem>>) {add = true}
          %mul3A_496 = arith.constant 2 : i32
          %mul3A_497 = arith.muli %scan3A_409, %mul3A_496 : i32
          %add3A_498 = arith.constant 0 : i32
          %add3A_499 = arith.addi %mul3A_497, %add3A_498 : i32
          %dma_wait3A_500 = arith.constant 0 : i32
          %dma_wait3A_501 = tpu.memref_slice %run_scoped3A_0[%add3A_499, %dma_wait3A_500] : memref<8x128xi32, #tpu.memory_space<vmem>> -> memref<1x128xi32, #tpu.memory_space<vmem>>
          %dma_wait3A_502 = tpu.memref_squeeze %dma_wait3A_501 : memref<1x128xi32, #tpu.memory_space<vmem>> -> memref<128xi32, #tpu.memory_space<vmem>>
          %dma_wait3A_503 = arith.constant 0 : i32
          %dma_wait3A_504 = arith.constant 0 : i32
          %dma_wait3A_505 = tpu.memref_slice %arg11[%dma_wait3A_503, %dma_wait3A_504] : memref<10112x128xf32, #tpu.memory_space<vmem_shared>> -> memref<10112x128xf32, #tpu.memory_space<vmem_shared>>
          tpu.wait_indirect_dma semaphore(%arg15 : memref<!tpu.dma_semaphore, #tpu.memory_space<semaphore_mem>>) src(%run_scoped3A_1 : memref<128x128xf32, #tpu.memory_space<vmem>>) dst(%dma_wait3A_505 : memref<10112x128xf32, #tpu.memory_space<vmem_shared>>)
          %dma_wait3A_506 = arith.constant 0 : i32
          %dma_wait3A_507 = tpu.memref_slice %run_scoped3A_3[%add3A_499, %dma_wait3A_506] : memref<8x128xi32, #tpu.memory_space<vmem>> -> memref<1x128xi32, #tpu.memory_space<vmem>>
          %dma_wait3A_508 = tpu.memref_squeeze %dma_wait3A_507 : memref<1x128xi32, #tpu.memory_space<vmem>> -> memref<128xi32, #tpu.memory_space<vmem>>
          %dma_wait3A_509 = arith.constant 0 : i32
          %dma_wait3A_510 = arith.constant 0 : i32
          %dma_wait3A_511 = tpu.memref_slice %arg12[%dma_wait3A_509, %dma_wait3A_510] : memref<10112x16xf32, #tpu.memory_space<vmem_shared>> -> memref<10112x16xf32, #tpu.memory_space<vmem_shared>>
          tpu.wait_indirect_dma semaphore(%arg19 : memref<!tpu.dma_semaphore, #tpu.memory_space<semaphore_mem>>) src(%run_scoped3A_4 : memref<128x16xf32, #tpu.memory_space<vmem>>) dst(%dma_wait3A_511 : memref<10112x16xf32, #tpu.memory_space<vmem_shared>>)
          %mul3A_512 = arith.constant 2 : i32
          %mul3A_513 = arith.muli %scan3A_409, %mul3A_512 : i32
          %add3A_514 = arith.constant 1 : i32
          %add3A_515 = arith.addi %mul3A_513, %add3A_514 : i32
          %dma_wait3A_516 = arith.constant 0 : i32
          %dma_wait3A_517 = tpu.memref_slice %run_scoped3A_0[%add3A_515, %dma_wait3A_516] : memref<8x128xi32, #tpu.memory_space<vmem>> -> memref<1x128xi32, #tpu.memory_space<vmem>>
          %dma_wait3A_518 = tpu.memref_squeeze %dma_wait3A_517 : memref<1x128xi32, #tpu.memory_space<vmem>> -> memref<128xi32, #tpu.memory_space<vmem>>
          %dma_wait3A_519 = arith.constant 0 : i32
          %dma_wait3A_520 = arith.constant 0 : i32
          %dma_wait3A_521 = tpu.memref_slice %arg11[%dma_wait3A_519, %dma_wait3A_520] : memref<10112x128xf32, #tpu.memory_space<vmem_shared>> -> memref<10112x128xf32, #tpu.memory_space<vmem_shared>>
          tpu.wait_indirect_dma semaphore(%arg16 : memref<!tpu.dma_semaphore, #tpu.memory_space<semaphore_mem>>) src(%run_scoped3A_2 : memref<128x128xf32, #tpu.memory_space<vmem>>) dst(%dma_wait3A_521 : memref<10112x128xf32, #tpu.memory_space<vmem_shared>>)
          %dma_wait3A_522 = arith.constant 0 : i32
          %dma_wait3A_523 = tpu.memref_slice %run_scoped3A_3[%add3A_515, %dma_wait3A_522] : memref<8x128xi32, #tpu.memory_space<vmem>> -> memref<1x128xi32, #tpu.memory_space<vmem>>
          %dma_wait3A_524 = tpu.memref_squeeze %dma_wait3A_523 : memref<1x128xi32, #tpu.memory_space<vmem>> -> memref<128xi32, #tpu.memory_space<vmem>>
          %dma_wait3A_525 = arith.constant 0 : i32
          %dma_wait3A_526 = arith.constant 0 : i32
          %dma_wait3A_527 = tpu.memref_slice %arg12[%dma_wait3A_525, %dma_wait3A_526] : memref<10112x16xf32, #tpu.memory_space<vmem_shared>> -> memref<10112x16xf32, #tpu.memory_space<vmem_shared>>
          tpu.wait_indirect_dma semaphore(%arg20 : memref<!tpu.dma_semaphore, #tpu.memory_space<semaphore_mem>>) src(%run_scoped3A_5 : memref<128x16xf32, #tpu.memory_space<vmem>>) dst(%dma_wait3A_527 : memref<10112x16xf32, #tpu.memory_space<vmem_shared>>)
        }
        %scan3A_408 = arith.constant 4 : i32
      }
      %scan3A_171 = arith.constant 10 : i32
      %barrier3A_172 = arith.constant 0 : index
      tpu.barrier barrier_id(%barrier3A_172)
      %mul3A_173 = arith.constant 632 : i32
      %mul3A_174 = arith.muli %arg1, %mul3A_173 : i32
      %add3A_175 = arith.constant 0 : i32
      %add3A_176 = arith.addi %mul3A_174, %add3A_175 : i32
      %mul3A_177 = arith.constant 10112 : i32
      %mul3A_178 = arith.muli %arg0, %mul3A_177 : i32
      %mul3A_179 = arith.constant 632 : i32
      %mul3A_180 = arith.muli %arg1, %mul3A_179 : i32
      %add3A_181 = arith.addi %mul3A_178, %mul3A_180 : i32
      %add3A_182 = arith.constant 0 : i32
      %add3A_183 = arith.addi %add3A_181, %add3A_182 : i32
      "tpu.region"() ({
        %run_scoped3A_393 = tpu.sem_alloc : memref<!tpu.dma_semaphore, #tpu.memory_space<semaphore_mem>>
        %dma_start3A = arith.constant 0 : i32
        %dma_start3A_394 = tpu.memref_slice %arg9[%add3A_183, %dma_start3A] : memref<20224x128xf32, #tpu.memory_space<hbm>> -> memref<64x128xf32, #tpu.memory_space<hbm>>
        %dma_start3A_395 = arith.constant 0 : i32
        %dma_start3A_396 = tpu.memref_slice %arg11[%add3A_176, %dma_start3A_395] : memref<10112x128xf32, #tpu.memory_space<vmem_shared>> -> memref<64x128xf32, #tpu.memory_space<vmem_shared>>
        tpu.enqueue_dma source(%dma_start3A_396 : memref<64x128xf32, #tpu.memory_space<vmem_shared>>) target(%dma_start3A_394 : memref<64x128xf32, #tpu.memory_space<hbm>>) target_semaphore(%run_scoped3A_393 : memref<!tpu.dma_semaphore, #tpu.memory_space<semaphore_mem>>)
        %dma_wait3A = arith.constant 0 : i32
        %dma_wait3A_397 = tpu.memref_slice %arg9[%add3A_183, %dma_wait3A] : memref<20224x128xf32, #tpu.memory_space<hbm>> -> memref<64x128xf32, #tpu.memory_space<hbm>>
        %dma_wait3A_398 = arith.constant 0 : i32
        %dma_wait3A_399 = tpu.memref_slice %arg11[%add3A_176, %dma_wait3A_398] : memref<10112x128xf32, #tpu.memory_space<vmem_shared>> -> memref<64x128xf32, #tpu.memory_space<vmem_shared>>
        tpu.wait_dma2 semaphore(%run_scoped3A_393 : memref<!tpu.dma_semaphore, #tpu.memory_space<semaphore_mem>>) src(%dma_wait3A_399 : memref<64x128xf32, #tpu.memory_space<vmem_shared>>) dst(%dma_wait3A_397 : memref<64x128xf32, #tpu.memory_space<hbm>>)
        tpu.yield
      }) : () -> ()
      %mul3A_184 = arith.constant 632 : i32
      %mul3A_185 = arith.muli %arg1, %mul3A_184 : i32
      %add3A_186 = arith.constant 0 : i32
      %add3A_187 = arith.addi %mul3A_185, %add3A_186 : i32
      %mul3A_188 = arith.constant 10112 : i32
      %mul3A_189 = arith.muli %arg0, %mul3A_188 : i32
      %mul3A_190 = arith.constant 632 : i32
      %mul3A_191 = arith.muli %arg1, %mul3A_190 : i32
      %add3A_192 = arith.addi %mul3A_189, %mul3A_191 : i32
      %add3A_193 = arith.constant 0 : i32
      %add3A_194 = arith.addi %add3A_192, %add3A_193 : i32
      "tpu.region"() ({
        %run_scoped3A_393 = tpu.sem_alloc : memref<!tpu.dma_semaphore, #tpu.memory_space<semaphore_mem>>
        %dma_start3A = arith.constant 0 : i32
        %dma_start3A_394 = tpu.memref_slice %arg10[%add3A_194, %dma_start3A] : memref<20224x16xf32, #tpu.memory_space<hbm>> -> memref<64x16xf32, #tpu.memory_space<hbm>>
        %dma_start3A_395 = arith.constant 0 : i32
        %dma_start3A_396 = tpu.memref_slice %arg12[%add3A_187, %dma_start3A_395] : memref<10112x16xf32, #tpu.memory_space<vmem_shared>> -> memref<64x16xf32, #tpu.memory_space<vmem_shared>>
        tpu.enqueue_dma source(%dma_start3A_396 : memref<64x16xf32, #tpu.memory_space<vmem_shared>>) target(%dma_start3A_394 : memref<64x16xf32, #tpu.memory_space<hbm>>) target_semaphore(%run_scoped3A_393 : memref<!tpu.dma_semaphore, #tpu.memory_space<semaphore_mem>>)
        %dma_wait3A = arith.constant 0 : i32
        %dma_wait3A_397 = tpu.memref_slice %arg10[%add3A_194, %dma_wait3A] : memref<20224x16xf32, #tpu.memory_space<hbm>> -> memref<64x16xf32, #tpu.memory_space<hbm>>
        %dma_wait3A_398 = arith.constant 0 : i32
        %dma_wait3A_399 = tpu.memref_slice %arg12[%add3A_187, %dma_wait3A_398] : memref<10112x16xf32, #tpu.memory_space<vmem_shared>> -> memref<64x16xf32, #tpu.memory_space<vmem_shared>>
        tpu.wait_dma2 semaphore(%run_scoped3A_393 : memref<!tpu.dma_semaphore, #tpu.memory_space<semaphore_mem>>) src(%dma_wait3A_399 : memref<64x16xf32, #tpu.memory_space<vmem_shared>>) dst(%dma_wait3A_397 : memref<64x16xf32, #tpu.memory_space<hbm>>)
        tpu.yield
      }) : () -> ()
      %mul3A_195 = arith.constant 632 : i32
      %mul3A_196 = arith.muli %arg1, %mul3A_195 : i32
      %add3A_197 = arith.constant 64 : i32
      %add3A_198 = arith.addi %mul3A_196, %add3A_197 : i32
      %mul3A_199 = arith.constant 10112 : i32
      %mul3A_200 = arith.muli %arg0, %mul3A_199 : i32
      %mul3A_201 = arith.constant 632 : i32
      %mul3A_202 = arith.muli %arg1, %mul3A_201 : i32
      %add3A_203 = arith.addi %mul3A_200, %mul3A_202 : i32
      %add3A_204 = arith.constant 64 : i32
      %add3A_205 = arith.addi %add3A_203, %add3A_204 : i32
      "tpu.region"() ({
        %run_scoped3A_393 = tpu.sem_alloc : memref<!tpu.dma_semaphore, #tpu.memory_space<semaphore_mem>>
        %dma_start3A = arith.constant 0 : i32
        %dma_start3A_394 = tpu.memref_slice %arg9[%add3A_205, %dma_start3A] : memref<20224x128xf32, #tpu.memory_space<hbm>> -> memref<64x128xf32, #tpu.memory_space<hbm>>
        %dma_start3A_395 = arith.constant 0 : i32
        %dma_start3A_396 = tpu.memref_slice %arg11[%add3A_198, %dma_start3A_395] : memref<10112x128xf32, #tpu.memory_space<vmem_shared>> -> memref<64x128xf32, #tpu.memory_space<vmem_shared>>
        tpu.enqueue_dma source(%dma_start3A_396 : memref<64x128xf32, #tpu.memory_space<vmem_shared>>) target(%dma_start3A_394 : memref<64x128xf32, #tpu.memory_space<hbm>>) target_semaphore(%run_scoped3A_393 : memref<!tpu.dma_semaphore, #tpu.memory_space<semaphore_mem>>)
        %dma_wait3A = arith.constant 0 : i32
        %dma_wait3A_397 = tpu.memref_slice %arg9[%add3A_205, %dma_wait3A] : memref<20224x128xf32, #tpu.memory_space<hbm>> -> memref<64x128xf32, #tpu.memory_space<hbm>>
        %dma_wait3A_398 = arith.constant 0 : i32
        %dma_wait3A_399 = tpu.memref_slice %arg11[%add3A_198, %dma_wait3A_398] : memref<10112x128xf32, #tpu.memory_space<vmem_shared>> -> memref<64x128xf32, #tpu.memory_space<vmem_shared>>
        tpu.wait_dma2 semaphore(%run_scoped3A_393 : memref<!tpu.dma_semaphore, #tpu.memory_space<semaphore_mem>>) src(%dma_wait3A_399 : memref<64x128xf32, #tpu.memory_space<vmem_shared>>) dst(%dma_wait3A_397 : memref<64x128xf32, #tpu.memory_space<hbm>>)
        tpu.yield
      }) : () -> ()
      %mul3A_206 = arith.constant 632 : i32
      %mul3A_207 = arith.muli %arg1, %mul3A_206 : i32
      %add3A_208 = arith.constant 64 : i32
      %add3A_209 = arith.addi %mul3A_207, %add3A_208 : i32
      %mul3A_210 = arith.constant 10112 : i32
      %mul3A_211 = arith.muli %arg0, %mul3A_210 : i32
      %mul3A_212 = arith.constant 632 : i32
      %mul3A_213 = arith.muli %arg1, %mul3A_212 : i32
      %add3A_214 = arith.addi %mul3A_211, %mul3A_213 : i32
      %add3A_215 = arith.constant 64 : i32
      %add3A_216 = arith.addi %add3A_214, %add3A_215 : i32
      "tpu.region"() ({
        %run_scoped3A_393 = tpu.sem_alloc : memref<!tpu.dma_semaphore, #tpu.memory_space<semaphore_mem>>
        %dma_start3A = arith.constant 0 : i32
        %dma_start3A_394 = tpu.memref_slice %arg10[%add3A_216, %dma_start3A] : memref<20224x16xf32, #tpu.memory_space<hbm>> -> memref<64x16xf32, #tpu.memory_space<hbm>>
        %dma_start3A_395 = arith.constant 0 : i32
        %dma_start3A_396 = tpu.memref_slice %arg12[%add3A_209, %dma_start3A_395] : memref<10112x16xf32, #tpu.memory_space<vmem_shared>> -> memref<64x16xf32, #tpu.memory_space<vmem_shared>>
        tpu.enqueue_dma source(%dma_start3A_396 : memref<64x16xf32, #tpu.memory_space<vmem_shared>>) target(%dma_start3A_394 : memref<64x16xf32, #tpu.memory_space<hbm>>) target_semaphore(%run_scoped3A_393 : memref<!tpu.dma_semaphore, #tpu.memory_space<semaphore_mem>>)
        %dma_wait3A = arith.constant 0 : i32
        %dma_wait3A_397 = tpu.memref_slice %arg10[%add3A_216, %dma_wait3A] : memref<20224x16xf32, #tpu.memory_space<hbm>> -> memref<64x16xf32, #tpu.memory_space<hbm>>
        %dma_wait3A_398 = arith.constant 0 : i32
        %dma_wait3A_399 = tpu.memref_slice %arg12[%add3A_209, %dma_wait3A_398] : memref<10112x16xf32, #tpu.memory_space<vmem_shared>> -> memref<64x16xf32, #tpu.memory_space<vmem_shared>>
        tpu.wait_dma2 semaphore(%run_scoped3A_393 : memref<!tpu.dma_semaphore, #tpu.memory_space<semaphore_mem>>) src(%dma_wait3A_399 : memref<64x16xf32, #tpu.memory_space<vmem_shared>>) dst(%dma_wait3A_397 : memref<64x16xf32, #tpu.memory_space<hbm>>)
        tpu.yield
      }) : () -> ()
      %mul3A_217 = arith.constant 632 : i32
      %mul3A_218 = arith.muli %arg1, %mul3A_217 : i32
      %add3A_219 = arith.constant 128 : i32
      %add3A_220 = arith.addi %mul3A_218, %add3A_219 : i32
      %mul3A_221 = arith.constant 10112 : i32
      %mul3A_222 = arith.muli %arg0, %mul3A_221 : i32
      %mul3A_223 = arith.constant 632 : i32
      %mul3A_224 = arith.muli %arg1, %mul3A_223 : i32
      %add3A_225 = arith.addi %mul3A_222, %mul3A_224 : i32
      %add3A_226 = arith.constant 128 : i32
      %add3A_227 = arith.addi %add3A_225, %add3A_226 : i32
      "tpu.region"() ({
        %run_scoped3A_393 = tpu.sem_alloc : memref<!tpu.dma_semaphore, #tpu.memory_space<semaphore_mem>>
        %dma_start3A = arith.constant 0 : i32
        %dma_start3A_394 = tpu.memref_slice %arg9[%add3A_227, %dma_start3A] : memref<20224x128xf32, #tpu.memory_space<hbm>> -> memref<64x128xf32, #tpu.memory_space<hbm>>
        %dma_start3A_395 = arith.constant 0 : i32
        %dma_start3A_396 = tpu.memref_slice %arg11[%add3A_220, %dma_start3A_395] : memref<10112x128xf32, #tpu.memory_space<vmem_shared>> -> memref<64x128xf32, #tpu.memory_space<vmem_shared>>
        tpu.enqueue_dma source(%dma_start3A_396 : memref<64x128xf32, #tpu.memory_space<vmem_shared>>) target(%dma_start3A_394 : memref<64x128xf32, #tpu.memory_space<hbm>>) target_semaphore(%run_scoped3A_393 : memref<!tpu.dma_semaphore, #tpu.memory_space<semaphore_mem>>)
        %dma_wait3A = arith.constant 0 : i32
        %dma_wait3A_397 = tpu.memref_slice %arg9[%add3A_227, %dma_wait3A] : memref<20224x128xf32, #tpu.memory_space<hbm>> -> memref<64x128xf32, #tpu.memory_space<hbm>>
        %dma_wait3A_398 = arith.constant 0 : i32
        %dma_wait3A_399 = tpu.memref_slice %arg11[%add3A_220, %dma_wait3A_398] : memref<10112x128xf32, #tpu.memory_space<vmem_shared>> -> memref<64x128xf32, #tpu.memory_space<vmem_shared>>
        tpu.wait_dma2 semaphore(%run_scoped3A_393 : memref<!tpu.dma_semaphore, #tpu.memory_space<semaphore_mem>>) src(%dma_wait3A_399 : memref<64x128xf32, #tpu.memory_space<vmem_shared>>) dst(%dma_wait3A_397 : memref<64x128xf32, #tpu.memory_space<hbm>>)
        tpu.yield
      }) : () -> ()
      %mul3A_228 = arith.constant 632 : i32
      %mul3A_229 = arith.muli %arg1, %mul3A_228 : i32
      %add3A_230 = arith.constant 128 : i32
      %add3A_231 = arith.addi %mul3A_229, %add3A_230 : i32
      %mul3A_232 = arith.constant 10112 : i32
      %mul3A_233 = arith.muli %arg0, %mul3A_232 : i32
      %mul3A_234 = arith.constant 632 : i32
      %mul3A_235 = arith.muli %arg1, %mul3A_234 : i32
      %add3A_236 = arith.addi %mul3A_233, %mul3A_235 : i32
      %add3A_237 = arith.constant 128 : i32
      %add3A_238 = arith.addi %add3A_236, %add3A_237 : i32
      "tpu.region"() ({
        %run_scoped3A_393 = tpu.sem_alloc : memref<!tpu.dma_semaphore, #tpu.memory_space<semaphore_mem>>
        %dma_start3A = arith.constant 0 : i32
        %dma_start3A_394 = tpu.memref_slice %arg10[%add3A_238, %dma_start3A] : memref<20224x16xf32, #tpu.memory_space<hbm>> -> memref<64x16xf32, #tpu.memory_space<hbm>>
        %dma_start3A_395 = arith.constant 0 : i32
        %dma_start3A_396 = tpu.memref_slice %arg12[%add3A_231, %dma_start3A_395] : memref<10112x16xf32, #tpu.memory_space<vmem_shared>> -> memref<64x16xf32, #tpu.memory_space<vmem_shared>>
        tpu.enqueue_dma source(%dma_start3A_396 : memref<64x16xf32, #tpu.memory_space<vmem_shared>>) target(%dma_start3A_394 : memref<64x16xf32, #tpu.memory_space<hbm>>) target_semaphore(%run_scoped3A_393 : memref<!tpu.dma_semaphore, #tpu.memory_space<semaphore_mem>>)
        %dma_wait3A = arith.constant 0 : i32
        %dma_wait3A_397 = tpu.memref_slice %arg10[%add3A_238, %dma_wait3A] : memref<20224x16xf32, #tpu.memory_space<hbm>> -> memref<64x16xf32, #tpu.memory_space<hbm>>
        %dma_wait3A_398 = arith.constant 0 : i32
        %dma_wait3A_399 = tpu.memref_slice %arg12[%add3A_231, %dma_wait3A_398] : memref<10112x16xf32, #tpu.memory_space<vmem_shared>> -> memref<64x16xf32, #tpu.memory_space<vmem_shared>>
        tpu.wait_dma2 semaphore(%run_scoped3A_393 : memref<!tpu.dma_semaphore, #tpu.memory_space<semaphore_mem>>) src(%dma_wait3A_399 : memref<64x16xf32, #tpu.memory_space<vmem_shared>>) dst(%dma_wait3A_397 : memref<64x16xf32, #tpu.memory_space<hbm>>)
        tpu.yield
      }) : () -> ()
      %mul3A_239 = arith.constant 632 : i32
      %mul3A_240 = arith.muli %arg1, %mul3A_239 : i32
      %add3A_241 = arith.constant 192 : i32
      %add3A_242 = arith.addi %mul3A_240, %add3A_241 : i32
      %mul3A_243 = arith.constant 10112 : i32
      %mul3A_244 = arith.muli %arg0, %mul3A_243 : i32
      %mul3A_245 = arith.constant 632 : i32
      %mul3A_246 = arith.muli %arg1, %mul3A_245 : i32
      %add3A_247 = arith.addi %mul3A_244, %mul3A_246 : i32
      %add3A_248 = arith.constant 192 : i32
      %add3A_249 = arith.addi %add3A_247, %add3A_248 : i32
      "tpu.region"() ({
        %run_scoped3A_393 = tpu.sem_alloc : memref<!tpu.dma_semaphore, #tpu.memory_space<semaphore_mem>>
        %dma_start3A = arith.constant 0 : i32
        %dma_start3A_394 = tpu.memref_slice %arg9[%add3A_249, %dma_start3A] : memref<20224x128xf32, #tpu.memory_space<hbm>> -> memref<64x128xf32, #tpu.memory_space<hbm>>
        %dma_start3A_395 = arith.constant 0 : i32
        %dma_start3A_396 = tpu.memref_slice %arg11[%add3A_242, %dma_start3A_395] : memref<10112x128xf32, #tpu.memory_space<vmem_shared>> -> memref<64x128xf32, #tpu.memory_space<vmem_shared>>
        tpu.enqueue_dma source(%dma_start3A_396 : memref<64x128xf32, #tpu.memory_space<vmem_shared>>) target(%dma_start3A_394 : memref<64x128xf32, #tpu.memory_space<hbm>>) target_semaphore(%run_scoped3A_393 : memref<!tpu.dma_semaphore, #tpu.memory_space<semaphore_mem>>)
        %dma_wait3A = arith.constant 0 : i32
        %dma_wait3A_397 = tpu.memref_slice %arg9[%add3A_249, %dma_wait3A] : memref<20224x128xf32, #tpu.memory_space<hbm>> -> memref<64x128xf32, #tpu.memory_space<hbm>>
        %dma_wait3A_398 = arith.constant 0 : i32
        %dma_wait3A_399 = tpu.memref_slice %arg11[%add3A_242, %dma_wait3A_398] : memref<10112x128xf32, #tpu.memory_space<vmem_shared>> -> memref<64x128xf32, #tpu.memory_space<vmem_shared>>
        tpu.wait_dma2 semaphore(%run_scoped3A_393 : memref<!tpu.dma_semaphore, #tpu.memory_space<semaphore_mem>>) src(%dma_wait3A_399 : memref<64x128xf32, #tpu.memory_space<vmem_shared>>) dst(%dma_wait3A_397 : memref<64x128xf32, #tpu.memory_space<hbm>>)
        tpu.yield
      }) : () -> ()
      %mul3A_250 = arith.constant 632 : i32
      %mul3A_251 = arith.muli %arg1, %mul3A_250 : i32
      %add3A_252 = arith.constant 192 : i32
      %add3A_253 = arith.addi %mul3A_251, %add3A_252 : i32
      %mul3A_254 = arith.constant 10112 : i32
      %mul3A_255 = arith.muli %arg0, %mul3A_254 : i32
      %mul3A_256 = arith.constant 632 : i32
      %mul3A_257 = arith.muli %arg1, %mul3A_256 : i32
      %add3A_258 = arith.addi %mul3A_255, %mul3A_257 : i32
      %add3A_259 = arith.constant 192 : i32
      %add3A_260 = arith.addi %add3A_258, %add3A_259 : i32
      "tpu.region"() ({
        %run_scoped3A_393 = tpu.sem_alloc : memref<!tpu.dma_semaphore, #tpu.memory_space<semaphore_mem>>
        %dma_start3A = arith.constant 0 : i32
        %dma_start3A_394 = tpu.memref_slice %arg10[%add3A_260, %dma_start3A] : memref<20224x16xf32, #tpu.memory_space<hbm>> -> memref<64x16xf32, #tpu.memory_space<hbm>>
        %dma_start3A_395 = arith.constant 0 : i32
        %dma_start3A_396 = tpu.memref_slice %arg12[%add3A_253, %dma_start3A_395] : memref<10112x16xf32, #tpu.memory_space<vmem_shared>> -> memref<64x16xf32, #tpu.memory_space<vmem_shared>>
        tpu.enqueue_dma source(%dma_start3A_396 : memref<64x16xf32, #tpu.memory_space<vmem_shared>>) target(%dma_start3A_394 : memref<64x16xf32, #tpu.memory_space<hbm>>) target_semaphore(%run_scoped3A_393 : memref<!tpu.dma_semaphore, #tpu.memory_space<semaphore_mem>>)
        %dma_wait3A = arith.constant 0 : i32
        %dma_wait3A_397 = tpu.memref_slice %arg10[%add3A_260, %dma_wait3A] : memref<20224x16xf32, #tpu.memory_space<hbm>> -> memref<64x16xf32, #tpu.memory_space<hbm>>
        %dma_wait3A_398 = arith.constant 0 : i32
        %dma_wait3A_399 = tpu.memref_slice %arg12[%add3A_253, %dma_wait3A_398] : memref<10112x16xf32, #tpu.memory_space<vmem_shared>> -> memref<64x16xf32, #tpu.memory_space<vmem_shared>>
        tpu.wait_dma2 semaphore(%run_scoped3A_393 : memref<!tpu.dma_semaphore, #tpu.memory_space<semaphore_mem>>) src(%dma_wait3A_399 : memref<64x16xf32, #tpu.memory_space<vmem_shared>>) dst(%dma_wait3A_397 : memref<64x16xf32, #tpu.memory_space<hbm>>)
        tpu.yield
      }) : () -> ()
      %mul3A_261 = arith.constant 632 : i32
      %mul3A_262 = arith.muli %arg1, %mul3A_261 : i32
      %add3A_263 = arith.constant 256 : i32
      %add3A_264 = arith.addi %mul3A_262, %add3A_263 : i32
      %mul3A_265 = arith.constant 10112 : i32
      %mul3A_266 = arith.muli %arg0, %mul3A_265 : i32
      %mul3A_267 = arith.constant 632 : i32
      %mul3A_268 = arith.muli %arg1, %mul3A_267 : i32
      %add3A_269 = arith.addi %mul3A_266, %mul3A_268 : i32
      %add3A_270 = arith.constant 256 : i32
      %add3A_271 = arith.addi %add3A_269, %add3A_270 : i32
      "tpu.region"() ({
        %run_scoped3A_393 = tpu.sem_alloc : memref<!tpu.dma_semaphore, #tpu.memory_space<semaphore_mem>>
        %dma_start3A = arith.constant 0 : i32
        %dma_start3A_394 = tpu.memref_slice %arg9[%add3A_271, %dma_start3A] : memref<20224x128xf32, #tpu.memory_space<hbm>> -> memref<64x128xf32, #tpu.memory_space<hbm>>
        %dma_start3A_395 = arith.constant 0 : i32
        %dma_start3A_396 = tpu.memref_slice %arg11[%add3A_264, %dma_start3A_395] : memref<10112x128xf32, #tpu.memory_space<vmem_shared>> -> memref<64x128xf32, #tpu.memory_space<vmem_shared>>
        tpu.enqueue_dma source(%dma_start3A_396 : memref<64x128xf32, #tpu.memory_space<vmem_shared>>) target(%dma_start3A_394 : memref<64x128xf32, #tpu.memory_space<hbm>>) target_semaphore(%run_scoped3A_393 : memref<!tpu.dma_semaphore, #tpu.memory_space<semaphore_mem>>)
        %dma_wait3A = arith.constant 0 : i32
        %dma_wait3A_397 = tpu.memref_slice %arg9[%add3A_271, %dma_wait3A] : memref<20224x128xf32, #tpu.memory_space<hbm>> -> memref<64x128xf32, #tpu.memory_space<hbm>>
        %dma_wait3A_398 = arith.constant 0 : i32
        %dma_wait3A_399 = tpu.memref_slice %arg11[%add3A_264, %dma_wait3A_398] : memref<10112x128xf32, #tpu.memory_space<vmem_shared>> -> memref<64x128xf32, #tpu.memory_space<vmem_shared>>
        tpu.wait_dma2 semaphore(%run_scoped3A_393 : memref<!tpu.dma_semaphore, #tpu.memory_space<semaphore_mem>>) src(%dma_wait3A_399 : memref<64x128xf32, #tpu.memory_space<vmem_shared>>) dst(%dma_wait3A_397 : memref<64x128xf32, #tpu.memory_space<hbm>>)
        tpu.yield
      }) : () -> ()
      %mul3A_272 = arith.constant 632 : i32
      %mul3A_273 = arith.muli %arg1, %mul3A_272 : i32
      %add3A_274 = arith.constant 256 : i32
      %add3A_275 = arith.addi %mul3A_273, %add3A_274 : i32
      %mul3A_276 = arith.constant 10112 : i32
      %mul3A_277 = arith.muli %arg0, %mul3A_276 : i32
      %mul3A_278 = arith.constant 632 : i32
      %mul3A_279 = arith.muli %arg1, %mul3A_278 : i32
      %add3A_280 = arith.addi %mul3A_277, %mul3A_279 : i32
      %add3A_281 = arith.constant 256 : i32
      %add3A_282 = arith.addi %add3A_280, %add3A_281 : i32
      "tpu.region"() ({
        %run_scoped3A_393 = tpu.sem_alloc : memref<!tpu.dma_semaphore, #tpu.memory_space<semaphore_mem>>
        %dma_start3A = arith.constant 0 : i32
        %dma_start3A_394 = tpu.memref_slice %arg10[%add3A_282, %dma_start3A] : memref<20224x16xf32, #tpu.memory_space<hbm>> -> memref<64x16xf32, #tpu.memory_space<hbm>>
        %dma_start3A_395 = arith.constant 0 : i32
        %dma_start3A_396 = tpu.memref_slice %arg12[%add3A_275, %dma_start3A_395] : memref<10112x16xf32, #tpu.memory_space<vmem_shared>> -> memref<64x16xf32, #tpu.memory_space<vmem_shared>>
        tpu.enqueue_dma source(%dma_start3A_396 : memref<64x16xf32, #tpu.memory_space<vmem_shared>>) target(%dma_start3A_394 : memref<64x16xf32, #tpu.memory_space<hbm>>) target_semaphore(%run_scoped3A_393 : memref<!tpu.dma_semaphore, #tpu.memory_space<semaphore_mem>>)
        %dma_wait3A = arith.constant 0 : i32
        %dma_wait3A_397 = tpu.memref_slice %arg10[%add3A_282, %dma_wait3A] : memref<20224x16xf32, #tpu.memory_space<hbm>> -> memref<64x16xf32, #tpu.memory_space<hbm>>
        %dma_wait3A_398 = arith.constant 0 : i32
        %dma_wait3A_399 = tpu.memref_slice %arg12[%add3A_275, %dma_wait3A_398] : memref<10112x16xf32, #tpu.memory_space<vmem_shared>> -> memref<64x16xf32, #tpu.memory_space<vmem_shared>>
        tpu.wait_dma2 semaphore(%run_scoped3A_393 : memref<!tpu.dma_semaphore, #tpu.memory_space<semaphore_mem>>) src(%dma_wait3A_399 : memref<64x16xf32, #tpu.memory_space<vmem_shared>>) dst(%dma_wait3A_397 : memref<64x16xf32, #tpu.memory_space<hbm>>)
        tpu.yield
      }) : () -> ()
      %mul3A_283 = arith.constant 632 : i32
      %mul3A_284 = arith.muli %arg1, %mul3A_283 : i32
      %add3A_285 = arith.constant 320 : i32
      %add3A_286 = arith.addi %mul3A_284, %add3A_285 : i32
      %mul3A_287 = arith.constant 10112 : i32
      %mul3A_288 = arith.muli %arg0, %mul3A_287 : i32
      %mul3A_289 = arith.constant 632 : i32
      %mul3A_290 = arith.muli %arg1, %mul3A_289 : i32
      %add3A_291 = arith.addi %mul3A_288, %mul3A_290 : i32
      %add3A_292 = arith.constant 320 : i32
      %add3A_293 = arith.addi %add3A_291, %add3A_292 : i32
      "tpu.region"() ({
        %run_scoped3A_393 = tpu.sem_alloc : memref<!tpu.dma_semaphore, #tpu.memory_space<semaphore_mem>>
        %dma_start3A = arith.constant 0 : i32
        %dma_start3A_394 = tpu.memref_slice %arg9[%add3A_293, %dma_start3A] : memref<20224x128xf32, #tpu.memory_space<hbm>> -> memref<64x128xf32, #tpu.memory_space<hbm>>
        %dma_start3A_395 = arith.constant 0 : i32
        %dma_start3A_396 = tpu.memref_slice %arg11[%add3A_286, %dma_start3A_395] : memref<10112x128xf32, #tpu.memory_space<vmem_shared>> -> memref<64x128xf32, #tpu.memory_space<vmem_shared>>
        tpu.enqueue_dma source(%dma_start3A_396 : memref<64x128xf32, #tpu.memory_space<vmem_shared>>) target(%dma_start3A_394 : memref<64x128xf32, #tpu.memory_space<hbm>>) target_semaphore(%run_scoped3A_393 : memref<!tpu.dma_semaphore, #tpu.memory_space<semaphore_mem>>)
        %dma_wait3A = arith.constant 0 : i32
        %dma_wait3A_397 = tpu.memref_slice %arg9[%add3A_293, %dma_wait3A] : memref<20224x128xf32, #tpu.memory_space<hbm>> -> memref<64x128xf32, #tpu.memory_space<hbm>>
        %dma_wait3A_398 = arith.constant 0 : i32
        %dma_wait3A_399 = tpu.memref_slice %arg11[%add3A_286, %dma_wait3A_398] : memref<10112x128xf32, #tpu.memory_space<vmem_shared>> -> memref<64x128xf32, #tpu.memory_space<vmem_shared>>
        tpu.wait_dma2 semaphore(%run_scoped3A_393 : memref<!tpu.dma_semaphore, #tpu.memory_space<semaphore_mem>>) src(%dma_wait3A_399 : memref<64x128xf32, #tpu.memory_space<vmem_shared>>) dst(%dma_wait3A_397 : memref<64x128xf32, #tpu.memory_space<hbm>>)
        tpu.yield
      }) : () -> ()
      %mul3A_294 = arith.constant 632 : i32
      %mul3A_295 = arith.muli %arg1, %mul3A_294 : i32
      %add3A_296 = arith.constant 320 : i32
      %add3A_297 = arith.addi %mul3A_295, %add3A_296 : i32
      %mul3A_298 = arith.constant 10112 : i32
      %mul3A_299 = arith.muli %arg0, %mul3A_298 : i32
      %mul3A_300 = arith.constant 632 : i32
      %mul3A_301 = arith.muli %arg1, %mul3A_300 : i32
      %add3A_302 = arith.addi %mul3A_299, %mul3A_301 : i32
      %add3A_303 = arith.constant 320 : i32
      %add3A_304 = arith.addi %add3A_302, %add3A_303 : i32
      "tpu.region"() ({
        %run_scoped3A_393 = tpu.sem_alloc : memref<!tpu.dma_semaphore, #tpu.memory_space<semaphore_mem>>
        %dma_start3A = arith.constant 0 : i32
        %dma_start3A_394 = tpu.memref_slice %arg10[%add3A_304, %dma_start3A] : memref<20224x16xf32, #tpu.memory_space<hbm>> -> memref<64x16xf32, #tpu.memory_space<hbm>>
        %dma_start3A_395 = arith.constant 0 : i32
        %dma_start3A_396 = tpu.memref_slice %arg12[%add3A_297, %dma_start3A_395] : memref<10112x16xf32, #tpu.memory_space<vmem_shared>> -> memref<64x16xf32, #tpu.memory_space<vmem_shared>>
        tpu.enqueue_dma source(%dma_start3A_396 : memref<64x16xf32, #tpu.memory_space<vmem_shared>>) target(%dma_start3A_394 : memref<64x16xf32, #tpu.memory_space<hbm>>) target_semaphore(%run_scoped3A_393 : memref<!tpu.dma_semaphore, #tpu.memory_space<semaphore_mem>>)
        %dma_wait3A = arith.constant 0 : i32
        %dma_wait3A_397 = tpu.memref_slice %arg10[%add3A_304, %dma_wait3A] : memref<20224x16xf32, #tpu.memory_space<hbm>> -> memref<64x16xf32, #tpu.memory_space<hbm>>
        %dma_wait3A_398 = arith.constant 0 : i32
        %dma_wait3A_399 = tpu.memref_slice %arg12[%add3A_297, %dma_wait3A_398] : memref<10112x16xf32, #tpu.memory_space<vmem_shared>> -> memref<64x16xf32, #tpu.memory_space<vmem_shared>>
        tpu.wait_dma2 semaphore(%run_scoped3A_393 : memref<!tpu.dma_semaphore, #tpu.memory_space<semaphore_mem>>) src(%dma_wait3A_399 : memref<64x16xf32, #tpu.memory_space<vmem_shared>>) dst(%dma_wait3A_397 : memref<64x16xf32, #tpu.memory_space<hbm>>)
        tpu.yield
      }) : () -> ()
      %mul3A_305 = arith.constant 632 : i32
      %mul3A_306 = arith.muli %arg1, %mul3A_305 : i32
      %add3A_307 = arith.constant 384 : i32
      %add3A_308 = arith.addi %mul3A_306, %add3A_307 : i32
      %mul3A_309 = arith.constant 10112 : i32
      %mul3A_310 = arith.muli %arg0, %mul3A_309 : i32
      %mul3A_311 = arith.constant 632 : i32
      %mul3A_312 = arith.muli %arg1, %mul3A_311 : i32
      %add3A_313 = arith.addi %mul3A_310, %mul3A_312 : i32
      %add3A_314 = arith.constant 384 : i32
      %add3A_315 = arith.addi %add3A_313, %add3A_314 : i32
      "tpu.region"() ({
        %run_scoped3A_393 = tpu.sem_alloc : memref<!tpu.dma_semaphore, #tpu.memory_space<semaphore_mem>>
        %dma_start3A = arith.constant 0 : i32
        %dma_start3A_394 = tpu.memref_slice %arg9[%add3A_315, %dma_start3A] : memref<20224x128xf32, #tpu.memory_space<hbm>> -> memref<64x128xf32, #tpu.memory_space<hbm>>
        %dma_start3A_395 = arith.constant 0 : i32
        %dma_start3A_396 = tpu.memref_slice %arg11[%add3A_308, %dma_start3A_395] : memref<10112x128xf32, #tpu.memory_space<vmem_shared>> -> memref<64x128xf32, #tpu.memory_space<vmem_shared>>
        tpu.enqueue_dma source(%dma_start3A_396 : memref<64x128xf32, #tpu.memory_space<vmem_shared>>) target(%dma_start3A_394 : memref<64x128xf32, #tpu.memory_space<hbm>>) target_semaphore(%run_scoped3A_393 : memref<!tpu.dma_semaphore, #tpu.memory_space<semaphore_mem>>)
        %dma_wait3A = arith.constant 0 : i32
        %dma_wait3A_397 = tpu.memref_slice %arg9[%add3A_315, %dma_wait3A] : memref<20224x128xf32, #tpu.memory_space<hbm>> -> memref<64x128xf32, #tpu.memory_space<hbm>>
        %dma_wait3A_398 = arith.constant 0 : i32
        %dma_wait3A_399 = tpu.memref_slice %arg11[%add3A_308, %dma_wait3A_398] : memref<10112x128xf32, #tpu.memory_space<vmem_shared>> -> memref<64x128xf32, #tpu.memory_space<vmem_shared>>
        tpu.wait_dma2 semaphore(%run_scoped3A_393 : memref<!tpu.dma_semaphore, #tpu.memory_space<semaphore_mem>>) src(%dma_wait3A_399 : memref<64x128xf32, #tpu.memory_space<vmem_shared>>) dst(%dma_wait3A_397 : memref<64x128xf32, #tpu.memory_space<hbm>>)
        tpu.yield
      }) : () -> ()
      %mul3A_316 = arith.constant 632 : i32
      %mul3A_317 = arith.muli %arg1, %mul3A_316 : i32
      %add3A_318 = arith.constant 384 : i32
      %add3A_319 = arith.addi %mul3A_317, %add3A_318 : i32
      %mul3A_320 = arith.constant 10112 : i32
      %mul3A_321 = arith.muli %arg0, %mul3A_320 : i32
      %mul3A_322 = arith.constant 632 : i32
      %mul3A_323 = arith.muli %arg1, %mul3A_322 : i32
      %add3A_324 = arith.addi %mul3A_321, %mul3A_323 : i32
      %add3A_325 = arith.constant 384 : i32
      %add3A_326 = arith.addi %add3A_324, %add3A_325 : i32
      "tpu.region"() ({
        %run_scoped3A_393 = tpu.sem_alloc : memref<!tpu.dma_semaphore, #tpu.memory_space<semaphore_mem>>
        %dma_start3A = arith.constant 0 : i32
        %dma_start3A_394 = tpu.memref_slice %arg10[%add3A_326, %dma_start3A] : memref<20224x16xf32, #tpu.memory_space<hbm>> -> memref<64x16xf32, #tpu.memory_space<hbm>>
        %dma_start3A_395 = arith.constant 0 : i32
        %dma_start3A_396 = tpu.memref_slice %arg12[%add3A_319, %dma_start3A_395] : memref<10112x16xf32, #tpu.memory_space<vmem_shared>> -> memref<64x16xf32, #tpu.memory_space<vmem_shared>>
        tpu.enqueue_dma source(%dma_start3A_396 : memref<64x16xf32, #tpu.memory_space<vmem_shared>>) target(%dma_start3A_394 : memref<64x16xf32, #tpu.memory_space<hbm>>) target_semaphore(%run_scoped3A_393 : memref<!tpu.dma_semaphore, #tpu.memory_space<semaphore_mem>>)
        %dma_wait3A = arith.constant 0 : i32
        %dma_wait3A_397 = tpu.memref_slice %arg10[%add3A_326, %dma_wait3A] : memref<20224x16xf32, #tpu.memory_space<hbm>> -> memref<64x16xf32, #tpu.memory_space<hbm>>
        %dma_wait3A_398 = arith.constant 0 : i32
        %dma_wait3A_399 = tpu.memref_slice %arg12[%add3A_319, %dma_wait3A_398] : memref<10112x16xf32, #tpu.memory_space<vmem_shared>> -> memref<64x16xf32, #tpu.memory_space<vmem_shared>>
        tpu.wait_dma2 semaphore(%run_scoped3A_393 : memref<!tpu.dma_semaphore, #tpu.memory_space<semaphore_mem>>) src(%dma_wait3A_399 : memref<64x16xf32, #tpu.memory_space<vmem_shared>>) dst(%dma_wait3A_397 : memref<64x16xf32, #tpu.memory_space<hbm>>)
        tpu.yield
      }) : () -> ()
      %mul3A_327 = arith.constant 632 : i32
      %mul3A_328 = arith.muli %arg1, %mul3A_327 : i32
      %add3A_329 = arith.constant 448 : i32
      %add3A_330 = arith.addi %mul3A_328, %add3A_329 : i32
      %mul3A_331 = arith.constant 10112 : i32
      %mul3A_332 = arith.muli %arg0, %mul3A_331 : i32
      %mul3A_333 = arith.constant 632 : i32
      %mul3A_334 = arith.muli %arg1, %mul3A_333 : i32
      %add3A_335 = arith.addi %mul3A_332, %mul3A_334 : i32
      %add3A_336 = arith.constant 448 : i32
      %add3A_337 = arith.addi %add3A_335, %add3A_336 : i32
      "tpu.region"() ({
        %run_scoped3A_393 = tpu.sem_alloc : memref<!tpu.dma_semaphore, #tpu.memory_space<semaphore_mem>>
        %dma_start3A = arith.constant 0 : i32
        %dma_start3A_394 = tpu.memref_slice %arg9[%add3A_337, %dma_start3A] : memref<20224x128xf32, #tpu.memory_space<hbm>> -> memref<64x128xf32, #tpu.memory_space<hbm>>
        %dma_start3A_395 = arith.constant 0 : i32
        %dma_start3A_396 = tpu.memref_slice %arg11[%add3A_330, %dma_start3A_395] : memref<10112x128xf32, #tpu.memory_space<vmem_shared>> -> memref<64x128xf32, #tpu.memory_space<vmem_shared>>
        tpu.enqueue_dma source(%dma_start3A_396 : memref<64x128xf32, #tpu.memory_space<vmem_shared>>) target(%dma_start3A_394 : memref<64x128xf32, #tpu.memory_space<hbm>>) target_semaphore(%run_scoped3A_393 : memref<!tpu.dma_semaphore, #tpu.memory_space<semaphore_mem>>)
        %dma_wait3A = arith.constant 0 : i32
        %dma_wait3A_397 = tpu.memref_slice %arg9[%add3A_337, %dma_wait3A] : memref<20224x128xf32, #tpu.memory_space<hbm>> -> memref<64x128xf32, #tpu.memory_space<hbm>>
        %dma_wait3A_398 = arith.constant 0 : i32
        %dma_wait3A_399 = tpu.memref_slice %arg11[%add3A_330, %dma_wait3A_398] : memref<10112x128xf32, #tpu.memory_space<vmem_shared>> -> memref<64x128xf32, #tpu.memory_space<vmem_shared>>
        tpu.wait_dma2 semaphore(%run_scoped3A_393 : memref<!tpu.dma_semaphore, #tpu.memory_space<semaphore_mem>>) src(%dma_wait3A_399 : memref<64x128xf32, #tpu.memory_space<vmem_shared>>) dst(%dma_wait3A_397 : memref<64x128xf32, #tpu.memory_space<hbm>>)
        tpu.yield
      }) : () -> ()
      %mul3A_338 = arith.constant 632 : i32
      %mul3A_339 = arith.muli %arg1, %mul3A_338 : i32
      %add3A_340 = arith.constant 448 : i32
      %add3A_341 = arith.addi %mul3A_339, %add3A_340 : i32
      %mul3A_342 = arith.constant 10112 : i32
      %mul3A_343 = arith.muli %arg0, %mul3A_342 : i32
      %mul3A_344 = arith.constant 632 : i32
      %mul3A_345 = arith.muli %arg1, %mul3A_344 : i32
      %add3A_346 = arith.addi %mul3A_343, %mul3A_345 : i32
      %add3A_347 = arith.constant 448 : i32
      %add3A_348 = arith.addi %add3A_346, %add3A_347 : i32
      "tpu.region"() ({
        %run_scoped3A_393 = tpu.sem_alloc : memref<!tpu.dma_semaphore, #tpu.memory_space<semaphore_mem>>
        %dma_start3A = arith.constant 0 : i32
        %dma_start3A_394 = tpu.memref_slice %arg10[%add3A_348, %dma_start3A] : memref<20224x16xf32, #tpu.memory_space<hbm>> -> memref<64x16xf32, #tpu.memory_space<hbm>>
        %dma_start3A_395 = arith.constant 0 : i32
        %dma_start3A_396 = tpu.memref_slice %arg12[%add3A_341, %dma_start3A_395] : memref<10112x16xf32, #tpu.memory_space<vmem_shared>> -> memref<64x16xf32, #tpu.memory_space<vmem_shared>>
        tpu.enqueue_dma source(%dma_start3A_396 : memref<64x16xf32, #tpu.memory_space<vmem_shared>>) target(%dma_start3A_394 : memref<64x16xf32, #tpu.memory_space<hbm>>) target_semaphore(%run_scoped3A_393 : memref<!tpu.dma_semaphore, #tpu.memory_space<semaphore_mem>>)
        %dma_wait3A = arith.constant 0 : i32
        %dma_wait3A_397 = tpu.memref_slice %arg10[%add3A_348, %dma_wait3A] : memref<20224x16xf32, #tpu.memory_space<hbm>> -> memref<64x16xf32, #tpu.memory_space<hbm>>
        %dma_wait3A_398 = arith.constant 0 : i32
        %dma_wait3A_399 = tpu.memref_slice %arg12[%add3A_341, %dma_wait3A_398] : memref<10112x16xf32, #tpu.memory_space<vmem_shared>> -> memref<64x16xf32, #tpu.memory_space<vmem_shared>>
        tpu.wait_dma2 semaphore(%run_scoped3A_393 : memref<!tpu.dma_semaphore, #tpu.memory_space<semaphore_mem>>) src(%dma_wait3A_399 : memref<64x16xf32, #tpu.memory_space<vmem_shared>>) dst(%dma_wait3A_397 : memref<64x16xf32, #tpu.memory_space<hbm>>)
        tpu.yield
      }) : () -> ()
      %mul3A_349 = arith.constant 632 : i32
      %mul3A_350 = arith.muli %arg1, %mul3A_349 : i32
      %add3A_351 = arith.constant 512 : i32
      %add3A_352 = arith.addi %mul3A_350, %add3A_351 : i32
      %mul3A_353 = arith.constant 10112 : i32
      %mul3A_354 = arith.muli %arg0, %mul3A_353 : i32
      %mul3A_355 = arith.constant 632 : i32
      %mul3A_356 = arith.muli %arg1, %mul3A_355 : i32
      %add3A_357 = arith.addi %mul3A_354, %mul3A_356 : i32
      %add3A_358 = arith.constant 512 : i32
      %add3A_359 = arith.addi %add3A_357, %add3A_358 : i32
      "tpu.region"() ({
        %run_scoped3A_393 = tpu.sem_alloc : memref<!tpu.dma_semaphore, #tpu.memory_space<semaphore_mem>>
        %dma_start3A = arith.constant 0 : i32
        %dma_start3A_394 = tpu.memref_slice %arg9[%add3A_359, %dma_start3A] : memref<20224x128xf32, #tpu.memory_space<hbm>> -> memref<64x128xf32, #tpu.memory_space<hbm>>
        %dma_start3A_395 = arith.constant 0 : i32
        %dma_start3A_396 = tpu.memref_slice %arg11[%add3A_352, %dma_start3A_395] : memref<10112x128xf32, #tpu.memory_space<vmem_shared>> -> memref<64x128xf32, #tpu.memory_space<vmem_shared>>
        tpu.enqueue_dma source(%dma_start3A_396 : memref<64x128xf32, #tpu.memory_space<vmem_shared>>) target(%dma_start3A_394 : memref<64x128xf32, #tpu.memory_space<hbm>>) target_semaphore(%run_scoped3A_393 : memref<!tpu.dma_semaphore, #tpu.memory_space<semaphore_mem>>)
        %dma_wait3A = arith.constant 0 : i32
        %dma_wait3A_397 = tpu.memref_slice %arg9[%add3A_359, %dma_wait3A] : memref<20224x128xf32, #tpu.memory_space<hbm>> -> memref<64x128xf32, #tpu.memory_space<hbm>>
        %dma_wait3A_398 = arith.constant 0 : i32
        %dma_wait3A_399 = tpu.memref_slice %arg11[%add3A_352, %dma_wait3A_398] : memref<10112x128xf32, #tpu.memory_space<vmem_shared>> -> memref<64x128xf32, #tpu.memory_space<vmem_shared>>
        tpu.wait_dma2 semaphore(%run_scoped3A_393 : memref<!tpu.dma_semaphore, #tpu.memory_space<semaphore_mem>>) src(%dma_wait3A_399 : memref<64x128xf32, #tpu.memory_space<vmem_shared>>) dst(%dma_wait3A_397 : memref<64x128xf32, #tpu.memory_space<hbm>>)
        tpu.yield
      }) : () -> ()
      %mul3A_360 = arith.constant 632 : i32
      %mul3A_361 = arith.muli %arg1, %mul3A_360 : i32
      %add3A_362 = arith.constant 512 : i32
      %add3A_363 = arith.addi %mul3A_361, %add3A_362 : i32
      %mul3A_364 = arith.constant 10112 : i32
      %mul3A_365 = arith.muli %arg0, %mul3A_364 : i32
      %mul3A_366 = arith.constant 632 : i32
      %mul3A_367 = arith.muli %arg1, %mul3A_366 : i32
      %add3A_368 = arith.addi %mul3A_365, %mul3A_367 : i32
      %add3A_369 = arith.constant 512 : i32
      %add3A_370 = arith.addi %add3A_368, %add3A_369 : i32
      "tpu.region"() ({
        %run_scoped3A_393 = tpu.sem_alloc : memref<!tpu.dma_semaphore, #tpu.memory_space<semaphore_mem>>
        %dma_start3A = arith.constant 0 : i32
        %dma_start3A_394 = tpu.memref_slice %arg10[%add3A_370, %dma_start3A] : memref<20224x16xf32, #tpu.memory_space<hbm>> -> memref<64x16xf32, #tpu.memory_space<hbm>>
        %dma_start3A_395 = arith.constant 0 : i32
        %dma_start3A_396 = tpu.memref_slice %arg12[%add3A_363, %dma_start3A_395] : memref<10112x16xf32, #tpu.memory_space<vmem_shared>> -> memref<64x16xf32, #tpu.memory_space<vmem_shared>>
        tpu.enqueue_dma source(%dma_start3A_396 : memref<64x16xf32, #tpu.memory_space<vmem_shared>>) target(%dma_start3A_394 : memref<64x16xf32, #tpu.memory_space<hbm>>) target_semaphore(%run_scoped3A_393 : memref<!tpu.dma_semaphore, #tpu.memory_space<semaphore_mem>>)
        %dma_wait3A = arith.constant 0 : i32
        %dma_wait3A_397 = tpu.memref_slice %arg10[%add3A_370, %dma_wait3A] : memref<20224x16xf32, #tpu.memory_space<hbm>> -> memref<64x16xf32, #tpu.memory_space<hbm>>
        %dma_wait3A_398 = arith.constant 0 : i32
        %dma_wait3A_399 = tpu.memref_slice %arg12[%add3A_363, %dma_wait3A_398] : memref<10112x16xf32, #tpu.memory_space<vmem_shared>> -> memref<64x16xf32, #tpu.memory_space<vmem_shared>>
        tpu.wait_dma2 semaphore(%run_scoped3A_393 : memref<!tpu.dma_semaphore, #tpu.memory_space<semaphore_mem>>) src(%dma_wait3A_399 : memref<64x16xf32, #tpu.memory_space<vmem_shared>>) dst(%dma_wait3A_397 : memref<64x16xf32, #tpu.memory_space<hbm>>)
        tpu.yield
      }) : () -> ()
      %mul3A_371 = arith.constant 632 : i32
      %mul3A_372 = arith.muli %arg1, %mul3A_371 : i32
      %add3A_373 = arith.constant 576 : i32
      %add3A_374 = arith.addi %mul3A_372, %add3A_373 : i32
      %mul3A_375 = arith.constant 10112 : i32
      %mul3A_376 = arith.muli %arg0, %mul3A_375 : i32
      %mul3A_377 = arith.constant 632 : i32
      %mul3A_378 = arith.muli %arg1, %mul3A_377 : i32
      %add3A_379 = arith.addi %mul3A_376, %mul3A_378 : i32
      %add3A_380 = arith.constant 576 : i32
      %add3A_381 = arith.addi %add3A_379, %add3A_380 : i32
      "tpu.region"() ({
        %run_scoped3A_393 = tpu.sem_alloc : memref<!tpu.dma_semaphore, #tpu.memory_space<semaphore_mem>>
        %dma_start3A = arith.constant 0 : i32
        %dma_start3A_394 = tpu.memref_slice %arg9[%add3A_381, %dma_start3A] : memref<20224x128xf32, #tpu.memory_space<hbm>> -> memref<56x128xf32, #tpu.memory_space<hbm>>
        %dma_start3A_395 = arith.constant 0 : i32
        %dma_start3A_396 = tpu.memref_slice %arg11[%add3A_374, %dma_start3A_395] : memref<10112x128xf32, #tpu.memory_space<vmem_shared>> -> memref<56x128xf32, #tpu.memory_space<vmem_shared>>
        tpu.enqueue_dma source(%dma_start3A_396 : memref<56x128xf32, #tpu.memory_space<vmem_shared>>) target(%dma_start3A_394 : memref<56x128xf32, #tpu.memory_space<hbm>>) target_semaphore(%run_scoped3A_393 : memref<!tpu.dma_semaphore, #tpu.memory_space<semaphore_mem>>)
        %dma_wait3A = arith.constant 0 : i32
        %dma_wait3A_397 = tpu.memref_slice %arg9[%add3A_381, %dma_wait3A] : memref<20224x128xf32, #tpu.memory_space<hbm>> -> memref<56x128xf32, #tpu.memory_space<hbm>>
        %dma_wait3A_398 = arith.constant 0 : i32
        %dma_wait3A_399 = tpu.memref_slice %arg11[%add3A_374, %dma_wait3A_398] : memref<10112x128xf32, #tpu.memory_space<vmem_shared>> -> memref<56x128xf32, #tpu.memory_space<vmem_shared>>
        tpu.wait_dma2 semaphore(%run_scoped3A_393 : memref<!tpu.dma_semaphore, #tpu.memory_space<semaphore_mem>>) src(%dma_wait3A_399 : memref<56x128xf32, #tpu.memory_space<vmem_shared>>) dst(%dma_wait3A_397 : memref<56x128xf32, #tpu.memory_space<hbm>>)
        tpu.yield
      }) : () -> ()
      %mul3A_382 = arith.constant 632 : i32
      %mul3A_383 = arith.muli %arg1, %mul3A_382 : i32
      %add3A_384 = arith.constant 576 : i32
      %add3A_385 = arith.addi %mul3A_383, %add3A_384 : i32
      %mul3A_386 = arith.constant 10112 : i32
      %mul3A_387 = arith.muli %arg0, %mul3A_386 : i32
      %mul3A_388 = arith.constant 632 : i32
      %mul3A_389 = arith.muli %arg1, %mul3A_388 : i32
      %add3A_390 = arith.addi %mul3A_387, %mul3A_389 : i32
      %add3A_391 = arith.constant 576 : i32
      %add3A_392 = arith.addi %add3A_390, %add3A_391 : i32
      "tpu.region"() ({
        %run_scoped3A_393 = tpu.sem_alloc : memref<!tpu.dma_semaphore, #tpu.memory_space<semaphore_mem>>
        %dma_start3A = arith.constant 0 : i32
        %dma_start3A_394 = tpu.memref_slice %arg10[%add3A_392, %dma_start3A] : memref<20224x16xf32, #tpu.memory_space<hbm>> -> memref<56x16xf32, #tpu.memory_space<hbm>>
        %dma_start3A_395 = arith.constant 0 : i32
        %dma_start3A_396 = tpu.memref_slice %arg12[%add3A_385, %dma_start3A_395] : memref<10112x16xf32, #tpu.memory_space<vmem_shared>> -> memref<56x16xf32, #tpu.memory_space<vmem_shared>>
        tpu.enqueue_dma source(%dma_start3A_396 : memref<56x16xf32, #tpu.memory_space<vmem_shared>>) target(%dma_start3A_394 : memref<56x16xf32, #tpu.memory_space<hbm>>) target_semaphore(%run_scoped3A_393 : memref<!tpu.dma_semaphore, #tpu.memory_space<semaphore_mem>>)
        %dma_wait3A = arith.constant 0 : i32
        %dma_wait3A_397 = tpu.memref_slice %arg10[%add3A_392, %dma_wait3A] : memref<20224x16xf32, #tpu.memory_space<hbm>> -> memref<56x16xf32, #tpu.memory_space<hbm>>
        %dma_wait3A_398 = arith.constant 0 : i32
        %dma_wait3A_399 = tpu.memref_slice %arg12[%add3A_385, %dma_wait3A_398] : memref<10112x16xf32, #tpu.memory_space<vmem_shared>> -> memref<56x16xf32, #tpu.memory_space<vmem_shared>>
        tpu.wait_dma2 semaphore(%run_scoped3A_393 : memref<!tpu.dma_semaphore, #tpu.memory_space<semaphore_mem>>) src(%dma_wait3A_399 : memref<56x16xf32, #tpu.memory_space<vmem_shared>>) dst(%dma_wait3A_397 : memref<56x16xf32, #tpu.memory_space<hbm>>)
        tpu.yield
      }) : () -> ()
      tpu.yield
    }) : () -> ()
    return
  }
}

#map = affine_map<(d0, d1) -> (0, 0, 0)>
#map1 = affine_map<(d0, d1) -> (0, 0)>
module attributes {stable_mosaic.version = 14 : i64} {
  func.func @body(%arg0: i32, %arg1: i32, %arg2: memref<320x8x128xi32, #tpu.memory_space<hbm>>, %arg3: memref<10112x16xf32, #tpu.memory_space<hbm>>, %arg4: memref<20224x16xf32, #tpu.memory_space<hbm>>, %arg5: memref<10112x16xf32, #tpu.memory_space<vmem_shared>>, %arg6: memref<!tpu.dma_semaphore, #tpu.memory_space<semaphore_mem>>, %arg7: memref<!tpu.dma_semaphore, #tpu.memory_space<semaphore_mem>>, %arg8: memref<!tpu.dma_semaphore, #tpu.memory_space<semaphore_mem>>, %arg9: memref<!tpu.dma_semaphore, #tpu.memory_space<semaphore_mem>>, %arg10: memref<!tpu.dma_semaphore, #tpu.memory_space<semaphore_mem>>, %arg11: memref<!tpu.dma_semaphore, #tpu.memory_space<semaphore_mem>>, %arg12: memref<!tpu.dma_semaphore, #tpu.memory_space<semaphore_mem>>, %arg13: memref<!tpu.dma_semaphore, #tpu.memory_space<semaphore_mem>>) attributes {dimension_semantics = [#tpu.dimension_semantics<core_parallel>, #tpu.dimension_semantics<subcore_parallel>], iteration_bounds = array<i64: 2, 16>, scalar_prefetch = 0 : i64, scratch_operands = 9 : i64, tpu.core_type = #tpu.core_type<sc_vector_subcore>, window_params = [{transform_indices = #map}, {transform_indices = #map1}, {transform_indices = #map1}]} {
    "tpu.region"() ({
      %run_scoped3A = memref.alloca() : memref<8x128xi32, #tpu.memory_space<vmem>>
      %run_scoped3A_0 = memref.alloca() : memref<128x16xf32, #tpu.memory_space<vmem>>
      %mul3A = arith.constant 2 : i32
      %mul3A_1 = arith.muli %arg1, %mul3A : i32
      %add3A = arith.addi %mul3A_1, %arg0 : i32
      %broadcast_in_dim3A = arith.constant 1.000000e+00 : f32
      %broadcast_in_dim3A_2 = vector.broadcast %broadcast_in_dim3A : f32 to vector<16xf32>
      %scan3A = arith.constant 0 : i32
      %scan3A_3 = arith.constant 0 : i32
      %scan3A_4 = arith.constant 128 : i32
      %scan3A_5 = arith.addi %scan3A_3, %scan3A_4 : i32
      %scan3A_6 = arith.constant 1 : i32
      scf.for %scan3A_205 = %scan3A_3 to %scan3A_5 step %scan3A_6  : i32 {
        %swap3A = arith.index_cast %scan3A_205 : i32 to index
        %swap3A_206 = arith.constant 0 : index
        %swap3A_207 = tpu.vector_load %run_scoped3A_0[%swap3A, %swap3A_206] {strides = array<i32>} : memref<128x16xf32, #tpu.memory_space<vmem>>, vector<1x16xf32>,
        %swap3A_208 = vector.shape_cast %swap3A_207 : vector<1x16xf32> to vector<16xf32>
        %swap3A_209 = vector.shape_cast %broadcast_in_dim3A_2 : vector<16xf32> to vector<1x16xf32>
        tpu.vector_store %run_scoped3A_0[%swap3A, %swap3A_206], %swap3A_209 {strides = array<i32>} : memref<128x16xf32, #tpu.memory_space<vmem>>, vector<1x16xf32>,
      }
      %scan3A_7 = arith.constant 128 : i32
      %mul3A_8 = arith.constant 632 : i32
      %mul3A_9 = arith.muli %arg1, %mul3A_8 : i32
      %add3A_10 = arith.constant 0 : i32
      %add3A_11 = arith.addi %mul3A_9, %add3A_10 : i32
      %mul3A_12 = arith.constant 632 : i32
      %mul3A_13 = arith.muli %arg1, %mul3A_12 : i32
      %add3A_14 = arith.constant 0 : i32
      %add3A_15 = arith.addi %mul3A_13, %add3A_14 : i32
      "tpu.region"() ({
        %run_scoped3A_205 = tpu.sem_alloc : memref<!tpu.dma_semaphore, #tpu.memory_space<semaphore_mem>>
        %dma_start3A = arith.constant 0 : i32
        %dma_start3A_206 = tpu.memref_slice %arg5[%add3A_15, %dma_start3A] : memref<10112x16xf32, #tpu.memory_space<vmem_shared>> -> memref<64x16xf32, #tpu.memory_space<vmem_shared>>
        %dma_start3A_207 = arith.constant 0 : i32
        %dma_start3A_208 = tpu.memref_slice %arg3[%add3A_11, %dma_start3A_207] : memref<10112x16xf32, #tpu.memory_space<hbm>> -> memref<64x16xf32, #tpu.memory_space<hbm>>
        tpu.enqueue_dma source(%dma_start3A_208 : memref<64x16xf32, #tpu.memory_space<hbm>>) target(%dma_start3A_206 : memref<64x16xf32, #tpu.memory_space<vmem_shared>>) target_semaphore(%run_scoped3A_205 : memref<!tpu.dma_semaphore, #tpu.memory_space<semaphore_mem>>)
        %dma_wait3A = arith.constant 0 : i32
        %dma_wait3A_209 = tpu.memref_slice %arg5[%add3A_15, %dma_wait3A] : memref<10112x16xf32, #tpu.memory_space<vmem_shared>> -> memref<64x16xf32, #tpu.memory_space<vmem_shared>>
        %dma_wait3A_210 = arith.constant 0 : i32
        %dma_wait3A_211 = tpu.memref_slice %arg3[%add3A_11, %dma_wait3A_210] : memref<10112x16xf32, #tpu.memory_space<hbm>> -> memref<64x16xf32, #tpu.memory_space<hbm>>
        tpu.wait_dma2 semaphore(%run_scoped3A_205 : memref<!tpu.dma_semaphore, #tpu.memory_space<semaphore_mem>>) src(%dma_wait3A_211 : memref<64x16xf32, #tpu.memory_space<hbm>>) dst(%dma_wait3A_209 : memref<64x16xf32, #tpu.memory_space<vmem_shared>>)
        tpu.yield
      }) : () -> ()
      %mul3A_16 = arith.constant 632 : i32
      %mul3A_17 = arith.muli %arg1, %mul3A_16 : i32
      %add3A_18 = arith.constant 64 : i32
      %add3A_19 = arith.addi %mul3A_17, %add3A_18 : i32
      %mul3A_20 = arith.constant 632 : i32
      %mul3A_21 = arith.muli %arg1, %mul3A_20 : i32
      %add3A_22 = arith.constant 64 : i32
      %add3A_23 = arith.addi %mul3A_21, %add3A_22 : i32
      "tpu.region"() ({
        %run_scoped3A_205 = tpu.sem_alloc : memref<!tpu.dma_semaphore, #tpu.memory_space<semaphore_mem>>
        %dma_start3A = arith.constant 0 : i32
        %dma_start3A_206 = tpu.memref_slice %arg5[%add3A_23, %dma_start3A] : memref<10112x16xf32, #tpu.memory_space<vmem_shared>> -> memref<64x16xf32, #tpu.memory_space<vmem_shared>>
        %dma_start3A_207 = arith.constant 0 : i32
        %dma_start3A_208 = tpu.memref_slice %arg3[%add3A_19, %dma_start3A_207] : memref<10112x16xf32, #tpu.memory_space<hbm>> -> memref<64x16xf32, #tpu.memory_space<hbm>>
        tpu.enqueue_dma source(%dma_start3A_208 : memref<64x16xf32, #tpu.memory_space<hbm>>) target(%dma_start3A_206 : memref<64x16xf32, #tpu.memory_space<vmem_shared>>) target_semaphore(%run_scoped3A_205 : memref<!tpu.dma_semaphore, #tpu.memory_space<semaphore_mem>>)
        %dma_wait3A = arith.constant 0 : i32
        %dma_wait3A_209 = tpu.memref_slice %arg5[%add3A_23, %dma_wait3A] : memref<10112x16xf32, #tpu.memory_space<vmem_shared>> -> memref<64x16xf32, #tpu.memory_space<vmem_shared>>
        %dma_wait3A_210 = arith.constant 0 : i32
        %dma_wait3A_211 = tpu.memref_slice %arg3[%add3A_19, %dma_wait3A_210] : memref<10112x16xf32, #tpu.memory_space<hbm>> -> memref<64x16xf32, #tpu.memory_space<hbm>>
        tpu.wait_dma2 semaphore(%run_scoped3A_205 : memref<!tpu.dma_semaphore, #tpu.memory_space<semaphore_mem>>) src(%dma_wait3A_211 : memref<64x16xf32, #tpu.memory_space<hbm>>) dst(%dma_wait3A_209 : memref<64x16xf32, #tpu.memory_space<vmem_shared>>)
        tpu.yield
      }) : () -> ()
      %mul3A_24 = arith.constant 632 : i32
      %mul3A_25 = arith.muli %arg1, %mul3A_24 : i32
      %add3A_26 = arith.constant 128 : i32
      %add3A_27 = arith.addi %mul3A_25, %add3A_26 : i32
      %mul3A_28 = arith.constant 632 : i32
      %mul3A_29 = arith.muli %arg1, %mul3A_28 : i32
      %add3A_30 = arith.constant 128 : i32
      %add3A_31 = arith.addi %mul3A_29, %add3A_30 : i32
      "tpu.region"() ({
        %run_scoped3A_205 = tpu.sem_alloc : memref<!tpu.dma_semaphore, #tpu.memory_space<semaphore_mem>>
        %dma_start3A = arith.constant 0 : i32
        %dma_start3A_206 = tpu.memref_slice %arg5[%add3A_31, %dma_start3A] : memref<10112x16xf32, #tpu.memory_space<vmem_shared>> -> memref<64x16xf32, #tpu.memory_space<vmem_shared>>
        %dma_start3A_207 = arith.constant 0 : i32
        %dma_start3A_208 = tpu.memref_slice %arg3[%add3A_27, %dma_start3A_207] : memref<10112x16xf32, #tpu.memory_space<hbm>> -> memref<64x16xf32, #tpu.memory_space<hbm>>
        tpu.enqueue_dma source(%dma_start3A_208 : memref<64x16xf32, #tpu.memory_space<hbm>>) target(%dma_start3A_206 : memref<64x16xf32, #tpu.memory_space<vmem_shared>>) target_semaphore(%run_scoped3A_205 : memref<!tpu.dma_semaphore, #tpu.memory_space<semaphore_mem>>)
        %dma_wait3A = arith.constant 0 : i32
        %dma_wait3A_209 = tpu.memref_slice %arg5[%add3A_31, %dma_wait3A] : memref<10112x16xf32, #tpu.memory_space<vmem_shared>> -> memref<64x16xf32, #tpu.memory_space<vmem_shared>>
        %dma_wait3A_210 = arith.constant 0 : i32
        %dma_wait3A_211 = tpu.memref_slice %arg3[%add3A_27, %dma_wait3A_210] : memref<10112x16xf32, #tpu.memory_space<hbm>> -> memref<64x16xf32, #tpu.memory_space<hbm>>
        tpu.wait_dma2 semaphore(%run_scoped3A_205 : memref<!tpu.dma_semaphore, #tpu.memory_space<semaphore_mem>>) src(%dma_wait3A_211 : memref<64x16xf32, #tpu.memory_space<hbm>>) dst(%dma_wait3A_209 : memref<64x16xf32, #tpu.memory_space<vmem_shared>>)
        tpu.yield
      }) : () -> ()
      %mul3A_32 = arith.constant 632 : i32
      %mul3A_33 = arith.muli %arg1, %mul3A_32 : i32
      %add3A_34 = arith.constant 192 : i32
      %add3A_35 = arith.addi %mul3A_33, %add3A_34 : i32
      %mul3A_36 = arith.constant 632 : i32
      %mul3A_37 = arith.muli %arg1, %mul3A_36 : i32
      %add3A_38 = arith.constant 192 : i32
      %add3A_39 = arith.addi %mul3A_37, %add3A_38 : i32
      "tpu.region"() ({
        %run_scoped3A_205 = tpu.sem_alloc : memref<!tpu.dma_semaphore, #tpu.memory_space<semaphore_mem>>
        %dma_start3A = arith.constant 0 : i32
        %dma_start3A_206 = tpu.memref_slice %arg5[%add3A_39, %dma_start3A] : memref<10112x16xf32, #tpu.memory_space<vmem_shared>> -> memref<64x16xf32, #tpu.memory_space<vmem_shared>>
        %dma_start3A_207 = arith.constant 0 : i32
        %dma_start3A_208 = tpu.memref_slice %arg3[%add3A_35, %dma_start3A_207] : memref<10112x16xf32, #tpu.memory_space<hbm>> -> memref<64x16xf32, #tpu.memory_space<hbm>>
        tpu.enqueue_dma source(%dma_start3A_208 : memref<64x16xf32, #tpu.memory_space<hbm>>) target(%dma_start3A_206 : memref<64x16xf32, #tpu.memory_space<vmem_shared>>) target_semaphore(%run_scoped3A_205 : memref<!tpu.dma_semaphore, #tpu.memory_space<semaphore_mem>>)
        %dma_wait3A = arith.constant 0 : i32
        %dma_wait3A_209 = tpu.memref_slice %arg5[%add3A_39, %dma_wait3A] : memref<10112x16xf32, #tpu.memory_space<vmem_shared>> -> memref<64x16xf32, #tpu.memory_space<vmem_shared>>
        %dma_wait3A_210 = arith.constant 0 : i32
        %dma_wait3A_211 = tpu.memref_slice %arg3[%add3A_35, %dma_wait3A_210] : memref<10112x16xf32, #tpu.memory_space<hbm>> -> memref<64x16xf32, #tpu.memory_space<hbm>>
        tpu.wait_dma2 semaphore(%run_scoped3A_205 : memref<!tpu.dma_semaphore, #tpu.memory_space<semaphore_mem>>) src(%dma_wait3A_211 : memref<64x16xf32, #tpu.memory_space<hbm>>) dst(%dma_wait3A_209 : memref<64x16xf32, #tpu.memory_space<vmem_shared>>)
        tpu.yield
      }) : () -> ()
      %mul3A_40 = arith.constant 632 : i32
      %mul3A_41 = arith.muli %arg1, %mul3A_40 : i32
      %add3A_42 = arith.constant 256 : i32
      %add3A_43 = arith.addi %mul3A_41, %add3A_42 : i32
      %mul3A_44 = arith.constant 632 : i32
      %mul3A_45 = arith.muli %arg1, %mul3A_44 : i32
      %add3A_46 = arith.constant 256 : i32
      %add3A_47 = arith.addi %mul3A_45, %add3A_46 : i32
      "tpu.region"() ({
        %run_scoped3A_205 = tpu.sem_alloc : memref<!tpu.dma_semaphore, #tpu.memory_space<semaphore_mem>>
        %dma_start3A = arith.constant 0 : i32
        %dma_start3A_206 = tpu.memref_slice %arg5[%add3A_47, %dma_start3A] : memref<10112x16xf32, #tpu.memory_space<vmem_shared>> -> memref<64x16xf32, #tpu.memory_space<vmem_shared>>
        %dma_start3A_207 = arith.constant 0 : i32
        %dma_start3A_208 = tpu.memref_slice %arg3[%add3A_43, %dma_start3A_207] : memref<10112x16xf32, #tpu.memory_space<hbm>> -> memref<64x16xf32, #tpu.memory_space<hbm>>
        tpu.enqueue_dma source(%dma_start3A_208 : memref<64x16xf32, #tpu.memory_space<hbm>>) target(%dma_start3A_206 : memref<64x16xf32, #tpu.memory_space<vmem_shared>>) target_semaphore(%run_scoped3A_205 : memref<!tpu.dma_semaphore, #tpu.memory_space<semaphore_mem>>)
        %dma_wait3A = arith.constant 0 : i32
        %dma_wait3A_209 = tpu.memref_slice %arg5[%add3A_47, %dma_wait3A] : memref<10112x16xf32, #tpu.memory_space<vmem_shared>> -> memref<64x16xf32, #tpu.memory_space<vmem_shared>>
        %dma_wait3A_210 = arith.constant 0 : i32
        %dma_wait3A_211 = tpu.memref_slice %arg3[%add3A_43, %dma_wait3A_210] : memref<10112x16xf32, #tpu.memory_space<hbm>> -> memref<64x16xf32, #tpu.memory_space<hbm>>
        tpu.wait_dma2 semaphore(%run_scoped3A_205 : memref<!tpu.dma_semaphore, #tpu.memory_space<semaphore_mem>>) src(%dma_wait3A_211 : memref<64x16xf32, #tpu.memory_space<hbm>>) dst(%dma_wait3A_209 : memref<64x16xf32, #tpu.memory_space<vmem_shared>>)
        tpu.yield
      }) : () -> ()
      %mul3A_48 = arith.constant 632 : i32
      %mul3A_49 = arith.muli %arg1, %mul3A_48 : i32
      %add3A_50 = arith.constant 320 : i32
      %add3A_51 = arith.addi %mul3A_49, %add3A_50 : i32
      %mul3A_52 = arith.constant 632 : i32
      %mul3A_53 = arith.muli %arg1, %mul3A_52 : i32
      %add3A_54 = arith.constant 320 : i32
      %add3A_55 = arith.addi %mul3A_53, %add3A_54 : i32
      "tpu.region"() ({
        %run_scoped3A_205 = tpu.sem_alloc : memref<!tpu.dma_semaphore, #tpu.memory_space<semaphore_mem>>
        %dma_start3A = arith.constant 0 : i32
        %dma_start3A_206 = tpu.memref_slice %arg5[%add3A_55, %dma_start3A] : memref<10112x16xf32, #tpu.memory_space<vmem_shared>> -> memref<64x16xf32, #tpu.memory_space<vmem_shared>>
        %dma_start3A_207 = arith.constant 0 : i32
        %dma_start3A_208 = tpu.memref_slice %arg3[%add3A_51, %dma_start3A_207] : memref<10112x16xf32, #tpu.memory_space<hbm>> -> memref<64x16xf32, #tpu.memory_space<hbm>>
        tpu.enqueue_dma source(%dma_start3A_208 : memref<64x16xf32, #tpu.memory_space<hbm>>) target(%dma_start3A_206 : memref<64x16xf32, #tpu.memory_space<vmem_shared>>) target_semaphore(%run_scoped3A_205 : memref<!tpu.dma_semaphore, #tpu.memory_space<semaphore_mem>>)
        %dma_wait3A = arith.constant 0 : i32
        %dma_wait3A_209 = tpu.memref_slice %arg5[%add3A_55, %dma_wait3A] : memref<10112x16xf32, #tpu.memory_space<vmem_shared>> -> memref<64x16xf32, #tpu.memory_space<vmem_shared>>
        %dma_wait3A_210 = arith.constant 0 : i32
        %dma_wait3A_211 = tpu.memref_slice %arg3[%add3A_51, %dma_wait3A_210] : memref<10112x16xf32, #tpu.memory_space<hbm>> -> memref<64x16xf32, #tpu.memory_space<hbm>>
        tpu.wait_dma2 semaphore(%run_scoped3A_205 : memref<!tpu.dma_semaphore, #tpu.memory_space<semaphore_mem>>) src(%dma_wait3A_211 : memref<64x16xf32, #tpu.memory_space<hbm>>) dst(%dma_wait3A_209 : memref<64x16xf32, #tpu.memory_space<vmem_shared>>)
        tpu.yield
      }) : () -> ()
      %mul3A_56 = arith.constant 632 : i32
      %mul3A_57 = arith.muli %arg1, %mul3A_56 : i32
      %add3A_58 = arith.constant 384 : i32
      %add3A_59 = arith.addi %mul3A_57, %add3A_58 : i32
      %mul3A_60 = arith.constant 632 : i32
      %mul3A_61 = arith.muli %arg1, %mul3A_60 : i32
      %add3A_62 = arith.constant 384 : i32
      %add3A_63 = arith.addi %mul3A_61, %add3A_62 : i32
      "tpu.region"() ({
        %run_scoped3A_205 = tpu.sem_alloc : memref<!tpu.dma_semaphore, #tpu.memory_space<semaphore_mem>>
        %dma_start3A = arith.constant 0 : i32
        %dma_start3A_206 = tpu.memref_slice %arg5[%add3A_63, %dma_start3A] : memref<10112x16xf32, #tpu.memory_space<vmem_shared>> -> memref<64x16xf32, #tpu.memory_space<vmem_shared>>
        %dma_start3A_207 = arith.constant 0 : i32
        %dma_start3A_208 = tpu.memref_slice %arg3[%add3A_59, %dma_start3A_207] : memref<10112x16xf32, #tpu.memory_space<hbm>> -> memref<64x16xf32, #tpu.memory_space<hbm>>
        tpu.enqueue_dma source(%dma_start3A_208 : memref<64x16xf32, #tpu.memory_space<hbm>>) target(%dma_start3A_206 : memref<64x16xf32, #tpu.memory_space<vmem_shared>>) target_semaphore(%run_scoped3A_205 : memref<!tpu.dma_semaphore, #tpu.memory_space<semaphore_mem>>)
        %dma_wait3A = arith.constant 0 : i32
        %dma_wait3A_209 = tpu.memref_slice %arg5[%add3A_63, %dma_wait3A] : memref<10112x16xf32, #tpu.memory_space<vmem_shared>> -> memref<64x16xf32, #tpu.memory_space<vmem_shared>>
        %dma_wait3A_210 = arith.constant 0 : i32
        %dma_wait3A_211 = tpu.memref_slice %arg3[%add3A_59, %dma_wait3A_210] : memref<10112x16xf32, #tpu.memory_space<hbm>> -> memref<64x16xf32, #tpu.memory_space<hbm>>
        tpu.wait_dma2 semaphore(%run_scoped3A_205 : memref<!tpu.dma_semaphore, #tpu.memory_space<semaphore_mem>>) src(%dma_wait3A_211 : memref<64x16xf32, #tpu.memory_space<hbm>>) dst(%dma_wait3A_209 : memref<64x16xf32, #tpu.memory_space<vmem_shared>>)
        tpu.yield
      }) : () -> ()
      %mul3A_64 = arith.constant 632 : i32
      %mul3A_65 = arith.muli %arg1, %mul3A_64 : i32
      %add3A_66 = arith.constant 448 : i32
      %add3A_67 = arith.addi %mul3A_65, %add3A_66 : i32
      %mul3A_68 = arith.constant 632 : i32
      %mul3A_69 = arith.muli %arg1, %mul3A_68 : i32
      %add3A_70 = arith.constant 448 : i32
      %add3A_71 = arith.addi %mul3A_69, %add3A_70 : i32
      "tpu.region"() ({
        %run_scoped3A_205 = tpu.sem_alloc : memref<!tpu.dma_semaphore, #tpu.memory_space<semaphore_mem>>
        %dma_start3A = arith.constant 0 : i32
        %dma_start3A_206 = tpu.memref_slice %arg5[%add3A_71, %dma_start3A] : memref<10112x16xf32, #tpu.memory_space<vmem_shared>> -> memref<64x16xf32, #tpu.memory_space<vmem_shared>>
        %dma_start3A_207 = arith.constant 0 : i32
        %dma_start3A_208 = tpu.memref_slice %arg3[%add3A_67, %dma_start3A_207] : memref<10112x16xf32, #tpu.memory_space<hbm>> -> memref<64x16xf32, #tpu.memory_space<hbm>>
        tpu.enqueue_dma source(%dma_start3A_208 : memref<64x16xf32, #tpu.memory_space<hbm>>) target(%dma_start3A_206 : memref<64x16xf32, #tpu.memory_space<vmem_shared>>) target_semaphore(%run_scoped3A_205 : memref<!tpu.dma_semaphore, #tpu.memory_space<semaphore_mem>>)
        %dma_wait3A = arith.constant 0 : i32
        %dma_wait3A_209 = tpu.memref_slice %arg5[%add3A_71, %dma_wait3A] : memref<10112x16xf32, #tpu.memory_space<vmem_shared>> -> memref<64x16xf32, #tpu.memory_space<vmem_shared>>
        %dma_wait3A_210 = arith.constant 0 : i32
        %dma_wait3A_211 = tpu.memref_slice %arg3[%add3A_67, %dma_wait3A_210] : memref<10112x16xf32, #tpu.memory_space<hbm>> -> memref<64x16xf32, #tpu.memory_space<hbm>>
        tpu.wait_dma2 semaphore(%run_scoped3A_205 : memref<!tpu.dma_semaphore, #tpu.memory_space<semaphore_mem>>) src(%dma_wait3A_211 : memref<64x16xf32, #tpu.memory_space<hbm>>) dst(%dma_wait3A_209 : memref<64x16xf32, #tpu.memory_space<vmem_shared>>)
        tpu.yield
      }) : () -> ()
      %mul3A_72 = arith.constant 632 : i32
      %mul3A_73 = arith.muli %arg1, %mul3A_72 : i32
      %add3A_74 = arith.constant 512 : i32
      %add3A_75 = arith.addi %mul3A_73, %add3A_74 : i32
      %mul3A_76 = arith.constant 632 : i32
      %mul3A_77 = arith.muli %arg1, %mul3A_76 : i32
      %add3A_78 = arith.constant 512 : i32
      %add3A_79 = arith.addi %mul3A_77, %add3A_78 : i32
      "tpu.region"() ({
        %run_scoped3A_205 = tpu.sem_alloc : memref<!tpu.dma_semaphore, #tpu.memory_space<semaphore_mem>>
        %dma_start3A = arith.constant 0 : i32
        %dma_start3A_206 = tpu.memref_slice %arg5[%add3A_79, %dma_start3A] : memref<10112x16xf32, #tpu.memory_space<vmem_shared>> -> memref<64x16xf32, #tpu.memory_space<vmem_shared>>
        %dma_start3A_207 = arith.constant 0 : i32
        %dma_start3A_208 = tpu.memref_slice %arg3[%add3A_75, %dma_start3A_207] : memref<10112x16xf32, #tpu.memory_space<hbm>> -> memref<64x16xf32, #tpu.memory_space<hbm>>
        tpu.enqueue_dma source(%dma_start3A_208 : memref<64x16xf32, #tpu.memory_space<hbm>>) target(%dma_start3A_206 : memref<64x16xf32, #tpu.memory_space<vmem_shared>>) target_semaphore(%run_scoped3A_205 : memref<!tpu.dma_semaphore, #tpu.memory_space<semaphore_mem>>)
        %dma_wait3A = arith.constant 0 : i32
        %dma_wait3A_209 = tpu.memref_slice %arg5[%add3A_79, %dma_wait3A] : memref<10112x16xf32, #tpu.memory_space<vmem_shared>> -> memref<64x16xf32, #tpu.memory_space<vmem_shared>>
        %dma_wait3A_210 = arith.constant 0 : i32
        %dma_wait3A_211 = tpu.memref_slice %arg3[%add3A_75, %dma_wait3A_210] : memref<10112x16xf32, #tpu.memory_space<hbm>> -> memref<64x16xf32, #tpu.memory_space<hbm>>
        tpu.wait_dma2 semaphore(%run_scoped3A_205 : memref<!tpu.dma_semaphore, #tpu.memory_space<semaphore_mem>>) src(%dma_wait3A_211 : memref<64x16xf32, #tpu.memory_space<hbm>>) dst(%dma_wait3A_209 : memref<64x16xf32, #tpu.memory_space<vmem_shared>>)
        tpu.yield
      }) : () -> ()
      %mul3A_80 = arith.constant 632 : i32
      %mul3A_81 = arith.muli %arg1, %mul3A_80 : i32
      %add3A_82 = arith.constant 576 : i32
      %add3A_83 = arith.addi %mul3A_81, %add3A_82 : i32
      %mul3A_84 = arith.constant 632 : i32
      %mul3A_85 = arith.muli %arg1, %mul3A_84 : i32
      %add3A_86 = arith.constant 576 : i32
      %add3A_87 = arith.addi %mul3A_85, %add3A_86 : i32
      "tpu.region"() ({
        %run_scoped3A_205 = tpu.sem_alloc : memref<!tpu.dma_semaphore, #tpu.memory_space<semaphore_mem>>
        %dma_start3A = arith.constant 0 : i32
        %dma_start3A_206 = tpu.memref_slice %arg5[%add3A_87, %dma_start3A] : memref<10112x16xf32, #tpu.memory_space<vmem_shared>> -> memref<56x16xf32, #tpu.memory_space<vmem_shared>>
        %dma_start3A_207 = arith.constant 0 : i32
        %dma_start3A_208 = tpu.memref_slice %arg3[%add3A_83, %dma_start3A_207] : memref<10112x16xf32, #tpu.memory_space<hbm>> -> memref<56x16xf32, #tpu.memory_space<hbm>>
        tpu.enqueue_dma source(%dma_start3A_208 : memref<56x16xf32, #tpu.memory_space<hbm>>) target(%dma_start3A_206 : memref<56x16xf32, #tpu.memory_space<vmem_shared>>) target_semaphore(%run_scoped3A_205 : memref<!tpu.dma_semaphore, #tpu.memory_space<semaphore_mem>>)
        %dma_wait3A = arith.constant 0 : i32
        %dma_wait3A_209 = tpu.memref_slice %arg5[%add3A_87, %dma_wait3A] : memref<10112x16xf32, #tpu.memory_space<vmem_shared>> -> memref<56x16xf32, #tpu.memory_space<vmem_shared>>
        %dma_wait3A_210 = arith.constant 0 : i32
        %dma_wait3A_211 = tpu.memref_slice %arg3[%add3A_83, %dma_wait3A_210] : memref<10112x16xf32, #tpu.memory_space<hbm>> -> memref<56x16xf32, #tpu.memory_space<hbm>>
        tpu.wait_dma2 semaphore(%run_scoped3A_205 : memref<!tpu.dma_semaphore, #tpu.memory_space<semaphore_mem>>) src(%dma_wait3A_211 : memref<56x16xf32, #tpu.memory_space<hbm>>) dst(%dma_wait3A_209 : memref<56x16xf32, #tpu.memory_space<vmem_shared>>)
        tpu.yield
      }) : () -> ()
      %barrier3A = arith.constant 0 : index
      tpu.barrier barrier_id(%barrier3A)
      %scan3A_88 = arith.constant 0 : i32
      %scan3A_89 = arith.constant 0 : i32
      %scan3A_90 = arith.constant 10 : i32
      %scan3A_91 = arith.addi %scan3A_89, %scan3A_90 : i32
      %scan3A_92 = arith.constant 1 : i32
      scf.for %scan3A_205 = %scan3A_89 to %scan3A_91 step %scan3A_92  : i32 {
        %mul3A_206 = arith.constant 10 : i32
        %mul3A_207 = arith.muli %add3A, %mul3A_206 : i32
        %add3A_208 = arith.addi %mul3A_207, %scan3A_205 : i32
        "tpu.region"() ({
          %run_scoped3A_370 = tpu.sem_alloc : memref<!tpu.dma_semaphore, #tpu.memory_space<semaphore_mem>>
          %dma_start3A_371 = arith.constant 0 : i32
          %dma_start3A_372 = arith.constant 0 : i32
          %dma_start3A_373 = tpu.memref_slice %arg2[%add3A_208, %dma_start3A_371, %dma_start3A_372] : memref<320x8x128xi32, #tpu.memory_space<hbm>> -> memref<1x8x128xi32, #tpu.memory_space<hbm>>
          %dma_start3A_374 = tpu.memref_squeeze %dma_start3A_373 : memref<1x8x128xi32, #tpu.memory_space<hbm>> -> memref<8x128xi32, #tpu.memory_space<hbm>>
          %dma_start3A_375 = arith.constant 0 : i32
          %dma_start3A_376 = arith.constant 0 : i32
          %dma_start3A_377 = tpu.memref_slice %arg2[%add3A_208, %dma_start3A_375, %dma_start3A_376] : memref<320x8x128xi32, #tpu.memory_space<hbm>> -> memref<1x8x128xi32, #tpu.memory_space<hbm>>
          %dma_start3A_378 = tpu.memref_squeeze %dma_start3A_377 : memref<1x8x128xi32, #tpu.memory_space<hbm>> -> memref<8x128xi32, #tpu.memory_space<hbm>>
          tpu.enqueue_dma source(%dma_start3A_378 : memref<8x128xi32, #tpu.memory_space<hbm>>) target(%run_scoped3A : memref<8x128xi32, #tpu.memory_space<vmem>>) target_semaphore(%run_scoped3A_370 : memref<!tpu.dma_semaphore, #tpu.memory_space<semaphore_mem>>)
          %dma_wait3A_379 = arith.constant 0 : i32
          %dma_wait3A_380 = arith.constant 0 : i32
          %dma_wait3A_381 = tpu.memref_slice %arg2[%add3A_208, %dma_wait3A_379, %dma_wait3A_380] : memref<320x8x128xi32, #tpu.memory_space<hbm>> -> memref<1x8x128xi32, #tpu.memory_space<hbm>>
          %dma_wait3A_382 = tpu.memref_squeeze %dma_wait3A_381 : memref<1x8x128xi32, #tpu.memory_space<hbm>> -> memref<8x128xi32, #tpu.memory_space<hbm>>
          %dma_wait3A_383 = arith.constant 0 : i32
          %dma_wait3A_384 = arith.constant 0 : i32
          %dma_wait3A_385 = tpu.memref_slice %arg2[%add3A_208, %dma_wait3A_383, %dma_wait3A_384] : memref<320x8x128xi32, #tpu.memory_space<hbm>> -> memref<1x8x128xi32, #tpu.memory_space<hbm>>
          %dma_wait3A_386 = tpu.memref_squeeze %dma_wait3A_385 : memref<1x8x128xi32, #tpu.memory_space<hbm>> -> memref<8x128xi32, #tpu.memory_space<hbm>>
          tpu.wait_dma2 semaphore(%run_scoped3A_370 : memref<!tpu.dma_semaphore, #tpu.memory_space<semaphore_mem>>) src(%dma_wait3A_386 : memref<8x128xi32, #tpu.memory_space<hbm>>) dst(%run_scoped3A : memref<8x128xi32, #tpu.memory_space<vmem>>)
          tpu.yield
        }) : () -> ()
        %scan3A_209 = arith.constant 0 : i32
        %scan3A_210 = arith.constant 0 : i32
        %mul3A_211 = arith.constant 8 : i32
        %mul3A_212 = arith.muli %scan3A_210, %mul3A_211 : i32
        %add3A_213 = arith.constant 0 : i32
        %add3A_214 = arith.addi %mul3A_212, %add3A_213 : i32
        %dma_start3A = arith.constant 0 : i32
        %dma_start3A_215 = tpu.memref_slice %run_scoped3A[%add3A_214, %dma_start3A] : memref<8x128xi32, #tpu.memory_space<vmem>> -> memref<1x128xi32, #tpu.memory_space<vmem>>
        %dma_start3A_216 = tpu.memref_squeeze %dma_start3A_215 : memref<1x128xi32, #tpu.memory_space<vmem>> -> memref<128xi32, #tpu.memory_space<vmem>>
        %dma_start3A_217 = arith.constant 0 : i32
        %dma_start3A_218 = arith.constant 0 : i32
        %dma_start3A_219 = tpu.memref_slice %arg5[%dma_start3A_217, %dma_start3A_218] : memref<10112x16xf32, #tpu.memory_space<vmem_shared>> -> memref<10112x16xf32, #tpu.memory_space<vmem_shared>>
        tpu.enqueue_indirect_dma source(%run_scoped3A_0 : memref<128x16xf32, #tpu.memory_space<vmem>>) target(%dma_start3A_219 : memref<10112x16xf32, #tpu.memory_space<vmem_shared>>) offsets(%dma_start3A_216 : memref<128xi32, #tpu.memory_space<vmem>>) semaphore(%arg6 : memref<!tpu.dma_semaphore, #tpu.memory_space<semaphore_mem>>) {add = true}
        %mul3A_220 = arith.constant 8 : i32
        %mul3A_221 = arith.muli %scan3A_210, %mul3A_220 : i32
        %add3A_222 = arith.constant 1 : i32
        %add3A_223 = arith.addi %mul3A_221, %add3A_222 : i32
        %dma_start3A_224 = arith.constant 0 : i32
        %dma_start3A_225 = tpu.memref_slice %run_scoped3A[%add3A_223, %dma_start3A_224] : memref<8x128xi32, #tpu.memory_space<vmem>> -> memref<1x128xi32, #tpu.memory_space<vmem>>
        %dma_start3A_226 = tpu.memref_squeeze %dma_start3A_225 : memref<1x128xi32, #tpu.memory_space<vmem>> -> memref<128xi32, #tpu.memory_space<vmem>>
        %dma_start3A_227 = arith.constant 0 : i32
        %dma_start3A_228 = arith.constant 0 : i32
        %dma_start3A_229 = tpu.memref_slice %arg5[%dma_start3A_227, %dma_start3A_228] : memref<10112x16xf32, #tpu.memory_space<vmem_shared>> -> memref<10112x16xf32, #tpu.memory_space<vmem_shared>>
        tpu.enqueue_indirect_dma source(%run_scoped3A_0 : memref<128x16xf32, #tpu.memory_space<vmem>>) target(%dma_start3A_229 : memref<10112x16xf32, #tpu.memory_space<vmem_shared>>) offsets(%dma_start3A_226 : memref<128xi32, #tpu.memory_space<vmem>>) semaphore(%arg7 : memref<!tpu.dma_semaphore, #tpu.memory_space<semaphore_mem>>) {add = true}
        %mul3A_230 = arith.constant 8 : i32
        %mul3A_231 = arith.muli %scan3A_210, %mul3A_230 : i32
        %add3A_232 = arith.constant 2 : i32
        %add3A_233 = arith.addi %mul3A_231, %add3A_232 : i32
        %dma_start3A_234 = arith.constant 0 : i32
        %dma_start3A_235 = tpu.memref_slice %run_scoped3A[%add3A_233, %dma_start3A_234] : memref<8x128xi32, #tpu.memory_space<vmem>> -> memref<1x128xi32, #tpu.memory_space<vmem>>
        %dma_start3A_236 = tpu.memref_squeeze %dma_start3A_235 : memref<1x128xi32, #tpu.memory_space<vmem>> -> memref<128xi32, #tpu.memory_space<vmem>>
        %dma_start3A_237 = arith.constant 0 : i32
        %dma_start3A_238 = arith.constant 0 : i32
        %dma_start3A_239 = tpu.memref_slice %arg5[%dma_start3A_237, %dma_start3A_238] : memref<10112x16xf32, #tpu.memory_space<vmem_shared>> -> memref<10112x16xf32, #tpu.memory_space<vmem_shared>>
        tpu.enqueue_indirect_dma source(%run_scoped3A_0 : memref<128x16xf32, #tpu.memory_space<vmem>>) target(%dma_start3A_239 : memref<10112x16xf32, #tpu.memory_space<vmem_shared>>) offsets(%dma_start3A_236 : memref<128xi32, #tpu.memory_space<vmem>>) semaphore(%arg8 : memref<!tpu.dma_semaphore, #tpu.memory_space<semaphore_mem>>) {add = true}
        %mul3A_240 = arith.constant 8 : i32
        %mul3A_241 = arith.muli %scan3A_210, %mul3A_240 : i32
        %add3A_242 = arith.constant 3 : i32
        %add3A_243 = arith.addi %mul3A_241, %add3A_242 : i32
        %dma_start3A_244 = arith.constant 0 : i32
        %dma_start3A_245 = tpu.memref_slice %run_scoped3A[%add3A_243, %dma_start3A_244] : memref<8x128xi32, #tpu.memory_space<vmem>> -> memref<1x128xi32, #tpu.memory_space<vmem>>
        %dma_start3A_246 = tpu.memref_squeeze %dma_start3A_245 : memref<1x128xi32, #tpu.memory_space<vmem>> -> memref<128xi32, #tpu.memory_space<vmem>>
        %dma_start3A_247 = arith.constant 0 : i32
        %dma_start3A_248 = arith.constant 0 : i32
        %dma_start3A_249 = tpu.memref_slice %arg5[%dma_start3A_247, %dma_start3A_248] : memref<10112x16xf32, #tpu.memory_space<vmem_shared>> -> memref<10112x16xf32, #tpu.memory_space<vmem_shared>>
        tpu.enqueue_indirect_dma source(%run_scoped3A_0 : memref<128x16xf32, #tpu.memory_space<vmem>>) target(%dma_start3A_249 : memref<10112x16xf32, #tpu.memory_space<vmem_shared>>) offsets(%dma_start3A_246 : memref<128xi32, #tpu.memory_space<vmem>>) semaphore(%arg9 : memref<!tpu.dma_semaphore, #tpu.memory_space<semaphore_mem>>) {add = true}
        %mul3A_250 = arith.constant 8 : i32
        %mul3A_251 = arith.muli %scan3A_210, %mul3A_250 : i32
        %add3A_252 = arith.constant 4 : i32
        %add3A_253 = arith.addi %mul3A_251, %add3A_252 : i32
        %dma_start3A_254 = arith.constant 0 : i32
        %dma_start3A_255 = tpu.memref_slice %run_scoped3A[%add3A_253, %dma_start3A_254] : memref<8x128xi32, #tpu.memory_space<vmem>> -> memref<1x128xi32, #tpu.memory_space<vmem>>
        %dma_start3A_256 = tpu.memref_squeeze %dma_start3A_255 : memref<1x128xi32, #tpu.memory_space<vmem>> -> memref<128xi32, #tpu.memory_space<vmem>>
        %dma_start3A_257 = arith.constant 0 : i32
        %dma_start3A_258 = arith.constant 0 : i32
        %dma_start3A_259 = tpu.memref_slice %arg5[%dma_start3A_257, %dma_start3A_258] : memref<10112x16xf32, #tpu.memory_space<vmem_shared>> -> memref<10112x16xf32, #tpu.memory_space<vmem_shared>>
        tpu.enqueue_indirect_dma source(%run_scoped3A_0 : memref<128x16xf32, #tpu.memory_space<vmem>>) target(%dma_start3A_259 : memref<10112x16xf32, #tpu.memory_space<vmem_shared>>) offsets(%dma_start3A_256 : memref<128xi32, #tpu.memory_space<vmem>>) semaphore(%arg10 : memref<!tpu.dma_semaphore, #tpu.memory_space<semaphore_mem>>) {add = true}
        %mul3A_260 = arith.constant 8 : i32
        %mul3A_261 = arith.muli %scan3A_210, %mul3A_260 : i32
        %add3A_262 = arith.constant 5 : i32
        %add3A_263 = arith.addi %mul3A_261, %add3A_262 : i32
        %dma_start3A_264 = arith.constant 0 : i32
        %dma_start3A_265 = tpu.memref_slice %run_scoped3A[%add3A_263, %dma_start3A_264] : memref<8x128xi32, #tpu.memory_space<vmem>> -> memref<1x128xi32, #tpu.memory_space<vmem>>
        %dma_start3A_266 = tpu.memref_squeeze %dma_start3A_265 : memref<1x128xi32, #tpu.memory_space<vmem>> -> memref<128xi32, #tpu.memory_space<vmem>>
        %dma_start3A_267 = arith.constant 0 : i32
        %dma_start3A_268 = arith.constant 0 : i32
        %dma_start3A_269 = tpu.memref_slice %arg5[%dma_start3A_267, %dma_start3A_268] : memref<10112x16xf32, #tpu.memory_space<vmem_shared>> -> memref<10112x16xf32, #tpu.memory_space<vmem_shared>>
        tpu.enqueue_indirect_dma source(%run_scoped3A_0 : memref<128x16xf32, #tpu.memory_space<vmem>>) target(%dma_start3A_269 : memref<10112x16xf32, #tpu.memory_space<vmem_shared>>) offsets(%dma_start3A_266 : memref<128xi32, #tpu.memory_space<vmem>>) semaphore(%arg11 : memref<!tpu.dma_semaphore, #tpu.memory_space<semaphore_mem>>) {add = true}
        %mul3A_270 = arith.constant 8 : i32
        %mul3A_271 = arith.muli %scan3A_210, %mul3A_270 : i32
        %add3A_272 = arith.constant 6 : i32
        %add3A_273 = arith.addi %mul3A_271, %add3A_272 : i32
        %dma_start3A_274 = arith.constant 0 : i32
        %dma_start3A_275 = tpu.memref_slice %run_scoped3A[%add3A_273, %dma_start3A_274] : memref<8x128xi32, #tpu.memory_space<vmem>> -> memref<1x128xi32, #tpu.memory_space<vmem>>
        %dma_start3A_276 = tpu.memref_squeeze %dma_start3A_275 : memref<1x128xi32, #tpu.memory_space<vmem>> -> memref<128xi32, #tpu.memory_space<vmem>>
        %dma_start3A_277 = arith.constant 0 : i32
        %dma_start3A_278 = arith.constant 0 : i32
        %dma_start3A_279 = tpu.memref_slice %arg5[%dma_start3A_277, %dma_start3A_278] : memref<10112x16xf32, #tpu.memory_space<vmem_shared>> -> memref<10112x16xf32, #tpu.memory_space<vmem_shared>>
        tpu.enqueue_indirect_dma source(%run_scoped3A_0 : memref<128x16xf32, #tpu.memory_space<vmem>>) target(%dma_start3A_279 : memref<10112x16xf32, #tpu.memory_space<vmem_shared>>) offsets(%dma_start3A_276 : memref<128xi32, #tpu.memory_space<vmem>>) semaphore(%arg12 : memref<!tpu.dma_semaphore, #tpu.memory_space<semaphore_mem>>) {add = true}
        %mul3A_280 = arith.constant 8 : i32
        %mul3A_281 = arith.muli %scan3A_210, %mul3A_280 : i32
        %add3A_282 = arith.constant 7 : i32
        %add3A_283 = arith.addi %mul3A_281, %add3A_282 : i32
        %dma_start3A_284 = arith.constant 0 : i32
        %dma_start3A_285 = tpu.memref_slice %run_scoped3A[%add3A_283, %dma_start3A_284] : memref<8x128xi32, #tpu.memory_space<vmem>> -> memref<1x128xi32, #tpu.memory_space<vmem>>
        %dma_start3A_286 = tpu.memref_squeeze %dma_start3A_285 : memref<1x128xi32, #tpu.memory_space<vmem>> -> memref<128xi32, #tpu.memory_space<vmem>>
        %dma_start3A_287 = arith.constant 0 : i32
        %dma_start3A_288 = arith.constant 0 : i32
        %dma_start3A_289 = tpu.memref_slice %arg5[%dma_start3A_287, %dma_start3A_288] : memref<10112x16xf32, #tpu.memory_space<vmem_shared>> -> memref<10112x16xf32, #tpu.memory_space<vmem_shared>>
        tpu.enqueue_indirect_dma source(%run_scoped3A_0 : memref<128x16xf32, #tpu.memory_space<vmem>>) target(%dma_start3A_289 : memref<10112x16xf32, #tpu.memory_space<vmem_shared>>) offsets(%dma_start3A_286 : memref<128xi32, #tpu.memory_space<vmem>>) semaphore(%arg13 : memref<!tpu.dma_semaphore, #tpu.memory_space<semaphore_mem>>) {add = true}
        %mul3A_290 = arith.constant 8 : i32
        %mul3A_291 = arith.muli %scan3A_210, %mul3A_290 : i32
        %add3A_292 = arith.constant 0 : i32
        %add3A_293 = arith.addi %mul3A_291, %add3A_292 : i32
        %dma_wait3A = arith.constant 0 : i32
        %dma_wait3A_294 = tpu.memref_slice %run_scoped3A[%add3A_293, %dma_wait3A] : memref<8x128xi32, #tpu.memory_space<vmem>> -> memref<1x128xi32, #tpu.memory_space<vmem>>
        %dma_wait3A_295 = tpu.memref_squeeze %dma_wait3A_294 : memref<1x128xi32, #tpu.memory_space<vmem>> -> memref<128xi32, #tpu.memory_space<vmem>>
        %dma_wait3A_296 = arith.constant 0 : i32
        %dma_wait3A_297 = arith.constant 0 : i32
        %dma_wait3A_298 = tpu.memref_slice %arg5[%dma_wait3A_296, %dma_wait3A_297] : memref<10112x16xf32, #tpu.memory_space<vmem_shared>> -> memref<10112x16xf32, #tpu.memory_space<vmem_shared>>
        tpu.wait_indirect_dma semaphore(%arg6 : memref<!tpu.dma_semaphore, #tpu.memory_space<semaphore_mem>>) src(%run_scoped3A_0 : memref<128x16xf32, #tpu.memory_space<vmem>>) dst(%dma_wait3A_298 : memref<10112x16xf32, #tpu.memory_space<vmem_shared>>)
        %mul3A_299 = arith.constant 8 : i32
        %mul3A_300 = arith.muli %scan3A_210, %mul3A_299 : i32
        %add3A_301 = arith.constant 1 : i32
        %add3A_302 = arith.addi %mul3A_300, %add3A_301 : i32
        %dma_wait3A_303 = arith.constant 0 : i32
        %dma_wait3A_304 = tpu.memref_slice %run_scoped3A[%add3A_302, %dma_wait3A_303] : memref<8x128xi32, #tpu.memory_space<vmem>> -> memref<1x128xi32, #tpu.memory_space<vmem>>
        %dma_wait3A_305 = tpu.memref_squeeze %dma_wait3A_304 : memref<1x128xi32, #tpu.memory_space<vmem>> -> memref<128xi32, #tpu.memory_space<vmem>>
        %dma_wait3A_306 = arith.constant 0 : i32
        %dma_wait3A_307 = arith.constant 0 : i32
        %dma_wait3A_308 = tpu.memref_slice %arg5[%dma_wait3A_306, %dma_wait3A_307] : memref<10112x16xf32, #tpu.memory_space<vmem_shared>> -> memref<10112x16xf32, #tpu.memory_space<vmem_shared>>
        tpu.wait_indirect_dma semaphore(%arg7 : memref<!tpu.dma_semaphore, #tpu.memory_space<semaphore_mem>>) src(%run_scoped3A_0 : memref<128x16xf32, #tpu.memory_space<vmem>>) dst(%dma_wait3A_308 : memref<10112x16xf32, #tpu.memory_space<vmem_shared>>)
        %mul3A_309 = arith.constant 8 : i32
        %mul3A_310 = arith.muli %scan3A_210, %mul3A_309 : i32
        %add3A_311 = arith.constant 2 : i32
        %add3A_312 = arith.addi %mul3A_310, %add3A_311 : i32
        %dma_wait3A_313 = arith.constant 0 : i32
        %dma_wait3A_314 = tpu.memref_slice %run_scoped3A[%add3A_312, %dma_wait3A_313] : memref<8x128xi32, #tpu.memory_space<vmem>> -> memref<1x128xi32, #tpu.memory_space<vmem>>
        %dma_wait3A_315 = tpu.memref_squeeze %dma_wait3A_314 : memref<1x128xi32, #tpu.memory_space<vmem>> -> memref<128xi32, #tpu.memory_space<vmem>>
        %dma_wait3A_316 = arith.constant 0 : i32
        %dma_wait3A_317 = arith.constant 0 : i32
        %dma_wait3A_318 = tpu.memref_slice %arg5[%dma_wait3A_316, %dma_wait3A_317] : memref<10112x16xf32, #tpu.memory_space<vmem_shared>> -> memref<10112x16xf32, #tpu.memory_space<vmem_shared>>
        tpu.wait_indirect_dma semaphore(%arg8 : memref<!tpu.dma_semaphore, #tpu.memory_space<semaphore_mem>>) src(%run_scoped3A_0 : memref<128x16xf32, #tpu.memory_space<vmem>>) dst(%dma_wait3A_318 : memref<10112x16xf32, #tpu.memory_space<vmem_shared>>)
        %mul3A_319 = arith.constant 8 : i32
        %mul3A_320 = arith.muli %scan3A_210, %mul3A_319 : i32
        %add3A_321 = arith.constant 3 : i32
        %add3A_322 = arith.addi %mul3A_320, %add3A_321 : i32
        %dma_wait3A_323 = arith.constant 0 : i32
        %dma_wait3A_324 = tpu.memref_slice %run_scoped3A[%add3A_322, %dma_wait3A_323] : memref<8x128xi32, #tpu.memory_space<vmem>> -> memref<1x128xi32, #tpu.memory_space<vmem>>
        %dma_wait3A_325 = tpu.memref_squeeze %dma_wait3A_324 : memref<1x128xi32, #tpu.memory_space<vmem>> -> memref<128xi32, #tpu.memory_space<vmem>>
        %dma_wait3A_326 = arith.constant 0 : i32
        %dma_wait3A_327 = arith.constant 0 : i32
        %dma_wait3A_328 = tpu.memref_slice %arg5[%dma_wait3A_326, %dma_wait3A_327] : memref<10112x16xf32, #tpu.memory_space<vmem_shared>> -> memref<10112x16xf32, #tpu.memory_space<vmem_shared>>
        tpu.wait_indirect_dma semaphore(%arg9 : memref<!tpu.dma_semaphore, #tpu.memory_space<semaphore_mem>>) src(%run_scoped3A_0 : memref<128x16xf32, #tpu.memory_space<vmem>>) dst(%dma_wait3A_328 : memref<10112x16xf32, #tpu.memory_space<vmem_shared>>)
        %mul3A_329 = arith.constant 8 : i32
        %mul3A_330 = arith.muli %scan3A_210, %mul3A_329 : i32
        %add3A_331 = arith.constant 4 : i32
        %add3A_332 = arith.addi %mul3A_330, %add3A_331 : i32
        %dma_wait3A_333 = arith.constant 0 : i32
        %dma_wait3A_334 = tpu.memref_slice %run_scoped3A[%add3A_332, %dma_wait3A_333] : memref<8x128xi32, #tpu.memory_space<vmem>> -> memref<1x128xi32, #tpu.memory_space<vmem>>
        %dma_wait3A_335 = tpu.memref_squeeze %dma_wait3A_334 : memref<1x128xi32, #tpu.memory_space<vmem>> -> memref<128xi32, #tpu.memory_space<vmem>>
        %dma_wait3A_336 = arith.constant 0 : i32
        %dma_wait3A_337 = arith.constant 0 : i32
        %dma_wait3A_338 = tpu.memref_slice %arg5[%dma_wait3A_336, %dma_wait3A_337] : memref<10112x16xf32, #tpu.memory_space<vmem_shared>> -> memref<10112x16xf32, #tpu.memory_space<vmem_shared>>
        tpu.wait_indirect_dma semaphore(%arg10 : memref<!tpu.dma_semaphore, #tpu.memory_space<semaphore_mem>>) src(%run_scoped3A_0 : memref<128x16xf32, #tpu.memory_space<vmem>>) dst(%dma_wait3A_338 : memref<10112x16xf32, #tpu.memory_space<vmem_shared>>)
        %mul3A_339 = arith.constant 8 : i32
        %mul3A_340 = arith.muli %scan3A_210, %mul3A_339 : i32
        %add3A_341 = arith.constant 5 : i32
        %add3A_342 = arith.addi %mul3A_340, %add3A_341 : i32
        %dma_wait3A_343 = arith.constant 0 : i32
        %dma_wait3A_344 = tpu.memref_slice %run_scoped3A[%add3A_342, %dma_wait3A_343] : memref<8x128xi32, #tpu.memory_space<vmem>> -> memref<1x128xi32, #tpu.memory_space<vmem>>
        %dma_wait3A_345 = tpu.memref_squeeze %dma_wait3A_344 : memref<1x128xi32, #tpu.memory_space<vmem>> -> memref<128xi32, #tpu.memory_space<vmem>>
        %dma_wait3A_346 = arith.constant 0 : i32
        %dma_wait3A_347 = arith.constant 0 : i32
        %dma_wait3A_348 = tpu.memref_slice %arg5[%dma_wait3A_346, %dma_wait3A_347] : memref<10112x16xf32, #tpu.memory_space<vmem_shared>> -> memref<10112x16xf32, #tpu.memory_space<vmem_shared>>
        tpu.wait_indirect_dma semaphore(%arg11 : memref<!tpu.dma_semaphore, #tpu.memory_space<semaphore_mem>>) src(%run_scoped3A_0 : memref<128x16xf32, #tpu.memory_space<vmem>>) dst(%dma_wait3A_348 : memref<10112x16xf32, #tpu.memory_space<vmem_shared>>)
        %mul3A_349 = arith.constant 8 : i32
        %mul3A_350 = arith.muli %scan3A_210, %mul3A_349 : i32
        %add3A_351 = arith.constant 6 : i32
        %add3A_352 = arith.addi %mul3A_350, %add3A_351 : i32
        %dma_wait3A_353 = arith.constant 0 : i32
        %dma_wait3A_354 = tpu.memref_slice %run_scoped3A[%add3A_352, %dma_wait3A_353] : memref<8x128xi32, #tpu.memory_space<vmem>> -> memref<1x128xi32, #tpu.memory_space<vmem>>
        %dma_wait3A_355 = tpu.memref_squeeze %dma_wait3A_354 : memref<1x128xi32, #tpu.memory_space<vmem>> -> memref<128xi32, #tpu.memory_space<vmem>>
        %dma_wait3A_356 = arith.constant 0 : i32
        %dma_wait3A_357 = arith.constant 0 : i32
        %dma_wait3A_358 = tpu.memref_slice %arg5[%dma_wait3A_356, %dma_wait3A_357] : memref<10112x16xf32, #tpu.memory_space<vmem_shared>> -> memref<10112x16xf32, #tpu.memory_space<vmem_shared>>
        tpu.wait_indirect_dma semaphore(%arg12 : memref<!tpu.dma_semaphore, #tpu.memory_space<semaphore_mem>>) src(%run_scoped3A_0 : memref<128x16xf32, #tpu.memory_space<vmem>>) dst(%dma_wait3A_358 : memref<10112x16xf32, #tpu.memory_space<vmem_shared>>)
        %mul3A_359 = arith.constant 8 : i32
        %mul3A_360 = arith.muli %scan3A_210, %mul3A_359 : i32
        %add3A_361 = arith.constant 7 : i32
        %add3A_362 = arith.addi %mul3A_360, %add3A_361 : i32
        %dma_wait3A_363 = arith.constant 0 : i32
        %dma_wait3A_364 = tpu.memref_slice %run_scoped3A[%add3A_362, %dma_wait3A_363] : memref<8x128xi32, #tpu.memory_space<vmem>> -> memref<1x128xi32, #tpu.memory_space<vmem>>
        %dma_wait3A_365 = tpu.memref_squeeze %dma_wait3A_364 : memref<1x128xi32, #tpu.memory_space<vmem>> -> memref<128xi32, #tpu.memory_space<vmem>>
        %dma_wait3A_366 = arith.constant 0 : i32
        %dma_wait3A_367 = arith.constant 0 : i32
        %dma_wait3A_368 = tpu.memref_slice %arg5[%dma_wait3A_366, %dma_wait3A_367] : memref<10112x16xf32, #tpu.memory_space<vmem_shared>> -> memref<10112x16xf32, #tpu.memory_space<vmem_shared>>
        tpu.wait_indirect_dma semaphore(%arg13 : memref<!tpu.dma_semaphore, #tpu.memory_space<semaphore_mem>>) src(%run_scoped3A_0 : memref<128x16xf32, #tpu.memory_space<vmem>>) dst(%dma_wait3A_368 : memref<10112x16xf32, #tpu.memory_space<vmem_shared>>)
        %scan3A_369 = arith.constant 1 : i32
      }
      %scan3A_93 = arith.constant 10 : i32
      %barrier3A_94 = arith.constant 0 : index
      tpu.barrier barrier_id(%barrier3A_94)
      %mul3A_95 = arith.constant 632 : i32
      %mul3A_96 = arith.muli %arg1, %mul3A_95 : i32
      %add3A_97 = arith.constant 0 : i32
      %add3A_98 = arith.addi %mul3A_96, %add3A_97 : i32
      %mul3A_99 = arith.constant 10112 : i32
      %mul3A_100 = arith.muli %arg0, %mul3A_99 : i32
      %mul3A_101 = arith.constant 632 : i32
      %mul3A_102 = arith.muli %arg1, %mul3A_101 : i32
      %add3A_103 = arith.addi %mul3A_100, %mul3A_102 : i32
      %add3A_104 = arith.constant 0 : i32
      %add3A_105 = arith.addi %add3A_103, %add3A_104 : i32
      "tpu.region"() ({
        %run_scoped3A_205 = tpu.sem_alloc : memref<!tpu.dma_semaphore, #tpu.memory_space<semaphore_mem>>
        %dma_start3A = arith.constant 0 : i32
        %dma_start3A_206 = tpu.memref_slice %arg4[%add3A_105, %dma_start3A] : memref<20224x16xf32, #tpu.memory_space<hbm>> -> memref<64x16xf32, #tpu.memory_space<hbm>>
        %dma_start3A_207 = arith.constant 0 : i32
        %dma_start3A_208 = tpu.memref_slice %arg5[%add3A_98, %dma_start3A_207] : memref<10112x16xf32, #tpu.memory_space<vmem_shared>> -> memref<64x16xf32, #tpu.memory_space<vmem_shared>>
        tpu.enqueue_dma source(%dma_start3A_208 : memref<64x16xf32, #tpu.memory_space<vmem_shared>>) target(%dma_start3A_206 : memref<64x16xf32, #tpu.memory_space<hbm>>) target_semaphore(%run_scoped3A_205 : memref<!tpu.dma_semaphore, #tpu.memory_space<semaphore_mem>>)
        %dma_wait3A = arith.constant 0 : i32
        %dma_wait3A_209 = tpu.memref_slice %arg4[%add3A_105, %dma_wait3A] : memref<20224x16xf32, #tpu.memory_space<hbm>> -> memref<64x16xf32, #tpu.memory_space<hbm>>
        %dma_wait3A_210 = arith.constant 0 : i32
        %dma_wait3A_211 = tpu.memref_slice %arg5[%add3A_98, %dma_wait3A_210] : memref<10112x16xf32, #tpu.memory_space<vmem_shared>> -> memref<64x16xf32, #tpu.memory_space<vmem_shared>>
        tpu.wait_dma2 semaphore(%run_scoped3A_205 : memref<!tpu.dma_semaphore, #tpu.memory_space<semaphore_mem>>) src(%dma_wait3A_211 : memref<64x16xf32, #tpu.memory_space<vmem_shared>>) dst(%dma_wait3A_209 : memref<64x16xf32, #tpu.memory_space<hbm>>)
        tpu.yield
      }) : () -> ()
      %mul3A_106 = arith.constant 632 : i32
      %mul3A_107 = arith.muli %arg1, %mul3A_106 : i32
      %add3A_108 = arith.constant 64 : i32
      %add3A_109 = arith.addi %mul3A_107, %add3A_108 : i32
      %mul3A_110 = arith.constant 10112 : i32
      %mul3A_111 = arith.muli %arg0, %mul3A_110 : i32
      %mul3A_112 = arith.constant 632 : i32
      %mul3A_113 = arith.muli %arg1, %mul3A_112 : i32
      %add3A_114 = arith.addi %mul3A_111, %mul3A_113 : i32
      %add3A_115 = arith.constant 64 : i32
      %add3A_116 = arith.addi %add3A_114, %add3A_115 : i32
      "tpu.region"() ({
        %run_scoped3A_205 = tpu.sem_alloc : memref<!tpu.dma_semaphore, #tpu.memory_space<semaphore_mem>>
        %dma_start3A = arith.constant 0 : i32
        %dma_start3A_206 = tpu.memref_slice %arg4[%add3A_116, %dma_start3A] : memref<20224x16xf32, #tpu.memory_space<hbm>> -> memref<64x16xf32, #tpu.memory_space<hbm>>
        %dma_start3A_207 = arith.constant 0 : i32
        %dma_start3A_208 = tpu.memref_slice %arg5[%add3A_109, %dma_start3A_207] : memref<10112x16xf32, #tpu.memory_space<vmem_shared>> -> memref<64x16xf32, #tpu.memory_space<vmem_shared>>
        tpu.enqueue_dma source(%dma_start3A_208 : memref<64x16xf32, #tpu.memory_space<vmem_shared>>) target(%dma_start3A_206 : memref<64x16xf32, #tpu.memory_space<hbm>>) target_semaphore(%run_scoped3A_205 : memref<!tpu.dma_semaphore, #tpu.memory_space<semaphore_mem>>)
        %dma_wait3A = arith.constant 0 : i32
        %dma_wait3A_209 = tpu.memref_slice %arg4[%add3A_116, %dma_wait3A] : memref<20224x16xf32, #tpu.memory_space<hbm>> -> memref<64x16xf32, #tpu.memory_space<hbm>>
        %dma_wait3A_210 = arith.constant 0 : i32
        %dma_wait3A_211 = tpu.memref_slice %arg5[%add3A_109, %dma_wait3A_210] : memref<10112x16xf32, #tpu.memory_space<vmem_shared>> -> memref<64x16xf32, #tpu.memory_space<vmem_shared>>
        tpu.wait_dma2 semaphore(%run_scoped3A_205 : memref<!tpu.dma_semaphore, #tpu.memory_space<semaphore_mem>>) src(%dma_wait3A_211 : memref<64x16xf32, #tpu.memory_space<vmem_shared>>) dst(%dma_wait3A_209 : memref<64x16xf32, #tpu.memory_space<hbm>>)
        tpu.yield
      }) : () -> ()
      %mul3A_117 = arith.constant 632 : i32
      %mul3A_118 = arith.muli %arg1, %mul3A_117 : i32
      %add3A_119 = arith.constant 128 : i32
      %add3A_120 = arith.addi %mul3A_118, %add3A_119 : i32
      %mul3A_121 = arith.constant 10112 : i32
      %mul3A_122 = arith.muli %arg0, %mul3A_121 : i32
      %mul3A_123 = arith.constant 632 : i32
      %mul3A_124 = arith.muli %arg1, %mul3A_123 : i32
      %add3A_125 = arith.addi %mul3A_122, %mul3A_124 : i32
      %add3A_126 = arith.constant 128 : i32
      %add3A_127 = arith.addi %add3A_125, %add3A_126 : i32
      "tpu.region"() ({
        %run_scoped3A_205 = tpu.sem_alloc : memref<!tpu.dma_semaphore, #tpu.memory_space<semaphore_mem>>
        %dma_start3A = arith.constant 0 : i32
        %dma_start3A_206 = tpu.memref_slice %arg4[%add3A_127, %dma_start3A] : memref<20224x16xf32, #tpu.memory_space<hbm>> -> memref<64x16xf32, #tpu.memory_space<hbm>>
        %dma_start3A_207 = arith.constant 0 : i32
        %dma_start3A_208 = tpu.memref_slice %arg5[%add3A_120, %dma_start3A_207] : memref<10112x16xf32, #tpu.memory_space<vmem_shared>> -> memref<64x16xf32, #tpu.memory_space<vmem_shared>>
        tpu.enqueue_dma source(%dma_start3A_208 : memref<64x16xf32, #tpu.memory_space<vmem_shared>>) target(%dma_start3A_206 : memref<64x16xf32, #tpu.memory_space<hbm>>) target_semaphore(%run_scoped3A_205 : memref<!tpu.dma_semaphore, #tpu.memory_space<semaphore_mem>>)
        %dma_wait3A = arith.constant 0 : i32
        %dma_wait3A_209 = tpu.memref_slice %arg4[%add3A_127, %dma_wait3A] : memref<20224x16xf32, #tpu.memory_space<hbm>> -> memref<64x16xf32, #tpu.memory_space<hbm>>
        %dma_wait3A_210 = arith.constant 0 : i32
        %dma_wait3A_211 = tpu.memref_slice %arg5[%add3A_120, %dma_wait3A_210] : memref<10112x16xf32, #tpu.memory_space<vmem_shared>> -> memref<64x16xf32, #tpu.memory_space<vmem_shared>>
        tpu.wait_dma2 semaphore(%run_scoped3A_205 : memref<!tpu.dma_semaphore, #tpu.memory_space<semaphore_mem>>) src(%dma_wait3A_211 : memref<64x16xf32, #tpu.memory_space<vmem_shared>>) dst(%dma_wait3A_209 : memref<64x16xf32, #tpu.memory_space<hbm>>)
        tpu.yield
      }) : () -> ()
      %mul3A_128 = arith.constant 632 : i32
      %mul3A_129 = arith.muli %arg1, %mul3A_128 : i32
      %add3A_130 = arith.constant 192 : i32
      %add3A_131 = arith.addi %mul3A_129, %add3A_130 : i32
      %mul3A_132 = arith.constant 10112 : i32
      %mul3A_133 = arith.muli %arg0, %mul3A_132 : i32
      %mul3A_134 = arith.constant 632 : i32
      %mul3A_135 = arith.muli %arg1, %mul3A_134 : i32
      %add3A_136 = arith.addi %mul3A_133, %mul3A_135 : i32
      %add3A_137 = arith.constant 192 : i32
      %add3A_138 = arith.addi %add3A_136, %add3A_137 : i32
      "tpu.region"() ({
        %run_scoped3A_205 = tpu.sem_alloc : memref<!tpu.dma_semaphore, #tpu.memory_space<semaphore_mem>>
        %dma_start3A = arith.constant 0 : i32
        %dma_start3A_206 = tpu.memref_slice %arg4[%add3A_138, %dma_start3A] : memref<20224x16xf32, #tpu.memory_space<hbm>> -> memref<64x16xf32, #tpu.memory_space<hbm>>
        %dma_start3A_207 = arith.constant 0 : i32
        %dma_start3A_208 = tpu.memref_slice %arg5[%add3A_131, %dma_start3A_207] : memref<10112x16xf32, #tpu.memory_space<vmem_shared>> -> memref<64x16xf32, #tpu.memory_space<vmem_shared>>
        tpu.enqueue_dma source(%dma_start3A_208 : memref<64x16xf32, #tpu.memory_space<vmem_shared>>) target(%dma_start3A_206 : memref<64x16xf32, #tpu.memory_space<hbm>>) target_semaphore(%run_scoped3A_205 : memref<!tpu.dma_semaphore, #tpu.memory_space<semaphore_mem>>)
        %dma_wait3A = arith.constant 0 : i32
        %dma_wait3A_209 = tpu.memref_slice %arg4[%add3A_138, %dma_wait3A] : memref<20224x16xf32, #tpu.memory_space<hbm>> -> memref<64x16xf32, #tpu.memory_space<hbm>>
        %dma_wait3A_210 = arith.constant 0 : i32
        %dma_wait3A_211 = tpu.memref_slice %arg5[%add3A_131, %dma_wait3A_210] : memref<10112x16xf32, #tpu.memory_space<vmem_shared>> -> memref<64x16xf32, #tpu.memory_space<vmem_shared>>
        tpu.wait_dma2 semaphore(%run_scoped3A_205 : memref<!tpu.dma_semaphore, #tpu.memory_space<semaphore_mem>>) src(%dma_wait3A_211 : memref<64x16xf32, #tpu.memory_space<vmem_shared>>) dst(%dma_wait3A_209 : memref<64x16xf32, #tpu.memory_space<hbm>>)
        tpu.yield
      }) : () -> ()
      %mul3A_139 = arith.constant 632 : i32
      %mul3A_140 = arith.muli %arg1, %mul3A_139 : i32
      %add3A_141 = arith.constant 256 : i32
      %add3A_142 = arith.addi %mul3A_140, %add3A_141 : i32
      %mul3A_143 = arith.constant 10112 : i32
      %mul3A_144 = arith.muli %arg0, %mul3A_143 : i32
      %mul3A_145 = arith.constant 632 : i32
      %mul3A_146 = arith.muli %arg1, %mul3A_145 : i32
      %add3A_147 = arith.addi %mul3A_144, %mul3A_146 : i32
      %add3A_148 = arith.constant 256 : i32
      %add3A_149 = arith.addi %add3A_147, %add3A_148 : i32
      "tpu.region"() ({
        %run_scoped3A_205 = tpu.sem_alloc : memref<!tpu.dma_semaphore, #tpu.memory_space<semaphore_mem>>
        %dma_start3A = arith.constant 0 : i32
        %dma_start3A_206 = tpu.memref_slice %arg4[%add3A_149, %dma_start3A] : memref<20224x16xf32, #tpu.memory_space<hbm>> -> memref<64x16xf32, #tpu.memory_space<hbm>>
        %dma_start3A_207 = arith.constant 0 : i32
        %dma_start3A_208 = tpu.memref_slice %arg5[%add3A_142, %dma_start3A_207] : memref<10112x16xf32, #tpu.memory_space<vmem_shared>> -> memref<64x16xf32, #tpu.memory_space<vmem_shared>>
        tpu.enqueue_dma source(%dma_start3A_208 : memref<64x16xf32, #tpu.memory_space<vmem_shared>>) target(%dma_start3A_206 : memref<64x16xf32, #tpu.memory_space<hbm>>) target_semaphore(%run_scoped3A_205 : memref<!tpu.dma_semaphore, #tpu.memory_space<semaphore_mem>>)
        %dma_wait3A = arith.constant 0 : i32
        %dma_wait3A_209 = tpu.memref_slice %arg4[%add3A_149, %dma_wait3A] : memref<20224x16xf32, #tpu.memory_space<hbm>> -> memref<64x16xf32, #tpu.memory_space<hbm>>
        %dma_wait3A_210 = arith.constant 0 : i32
        %dma_wait3A_211 = tpu.memref_slice %arg5[%add3A_142, %dma_wait3A_210] : memref<10112x16xf32, #tpu.memory_space<vmem_shared>> -> memref<64x16xf32, #tpu.memory_space<vmem_shared>>
        tpu.wait_dma2 semaphore(%run_scoped3A_205 : memref<!tpu.dma_semaphore, #tpu.memory_space<semaphore_mem>>) src(%dma_wait3A_211 : memref<64x16xf32, #tpu.memory_space<vmem_shared>>) dst(%dma_wait3A_209 : memref<64x16xf32, #tpu.memory_space<hbm>>)
        tpu.yield
      }) : () -> ()
      %mul3A_150 = arith.constant 632 : i32
      %mul3A_151 = arith.muli %arg1, %mul3A_150 : i32
      %add3A_152 = arith.constant 320 : i32
      %add3A_153 = arith.addi %mul3A_151, %add3A_152 : i32
      %mul3A_154 = arith.constant 10112 : i32
      %mul3A_155 = arith.muli %arg0, %mul3A_154 : i32
      %mul3A_156 = arith.constant 632 : i32
      %mul3A_157 = arith.muli %arg1, %mul3A_156 : i32
      %add3A_158 = arith.addi %mul3A_155, %mul3A_157 : i32
      %add3A_159 = arith.constant 320 : i32
      %add3A_160 = arith.addi %add3A_158, %add3A_159 : i32
      "tpu.region"() ({
        %run_scoped3A_205 = tpu.sem_alloc : memref<!tpu.dma_semaphore, #tpu.memory_space<semaphore_mem>>
        %dma_start3A = arith.constant 0 : i32
        %dma_start3A_206 = tpu.memref_slice %arg4[%add3A_160, %dma_start3A] : memref<20224x16xf32, #tpu.memory_space<hbm>> -> memref<64x16xf32, #tpu.memory_space<hbm>>
        %dma_start3A_207 = arith.constant 0 : i32
        %dma_start3A_208 = tpu.memref_slice %arg5[%add3A_153, %dma_start3A_207] : memref<10112x16xf32, #tpu.memory_space<vmem_shared>> -> memref<64x16xf32, #tpu.memory_space<vmem_shared>>
        tpu.enqueue_dma source(%dma_start3A_208 : memref<64x16xf32, #tpu.memory_space<vmem_shared>>) target(%dma_start3A_206 : memref<64x16xf32, #tpu.memory_space<hbm>>) target_semaphore(%run_scoped3A_205 : memref<!tpu.dma_semaphore, #tpu.memory_space<semaphore_mem>>)
        %dma_wait3A = arith.constant 0 : i32
        %dma_wait3A_209 = tpu.memref_slice %arg4[%add3A_160, %dma_wait3A] : memref<20224x16xf32, #tpu.memory_space<hbm>> -> memref<64x16xf32, #tpu.memory_space<hbm>>
        %dma_wait3A_210 = arith.constant 0 : i32
        %dma_wait3A_211 = tpu.memref_slice %arg5[%add3A_153, %dma_wait3A_210] : memref<10112x16xf32, #tpu.memory_space<vmem_shared>> -> memref<64x16xf32, #tpu.memory_space<vmem_shared>>
        tpu.wait_dma2 semaphore(%run_scoped3A_205 : memref<!tpu.dma_semaphore, #tpu.memory_space<semaphore_mem>>) src(%dma_wait3A_211 : memref<64x16xf32, #tpu.memory_space<vmem_shared>>) dst(%dma_wait3A_209 : memref<64x16xf32, #tpu.memory_space<hbm>>)
        tpu.yield
      }) : () -> ()
      %mul3A_161 = arith.constant 632 : i32
      %mul3A_162 = arith.muli %arg1, %mul3A_161 : i32
      %add3A_163 = arith.constant 384 : i32
      %add3A_164 = arith.addi %mul3A_162, %add3A_163 : i32
      %mul3A_165 = arith.constant 10112 : i32
      %mul3A_166 = arith.muli %arg0, %mul3A_165 : i32
      %mul3A_167 = arith.constant 632 : i32
      %mul3A_168 = arith.muli %arg1, %mul3A_167 : i32
      %add3A_169 = arith.addi %mul3A_166, %mul3A_168 : i32
      %add3A_170 = arith.constant 384 : i32
      %add3A_171 = arith.addi %add3A_169, %add3A_170 : i32
      "tpu.region"() ({
        %run_scoped3A_205 = tpu.sem_alloc : memref<!tpu.dma_semaphore, #tpu.memory_space<semaphore_mem>>
        %dma_start3A = arith.constant 0 : i32
        %dma_start3A_206 = tpu.memref_slice %arg4[%add3A_171, %dma_start3A] : memref<20224x16xf32, #tpu.memory_space<hbm>> -> memref<64x16xf32, #tpu.memory_space<hbm>>
        %dma_start3A_207 = arith.constant 0 : i32
        %dma_start3A_208 = tpu.memref_slice %arg5[%add3A_164, %dma_start3A_207] : memref<10112x16xf32, #tpu.memory_space<vmem_shared>> -> memref<64x16xf32, #tpu.memory_space<vmem_shared>>
        tpu.enqueue_dma source(%dma_start3A_208 : memref<64x16xf32, #tpu.memory_space<vmem_shared>>) target(%dma_start3A_206 : memref<64x16xf32, #tpu.memory_space<hbm>>) target_semaphore(%run_scoped3A_205 : memref<!tpu.dma_semaphore, #tpu.memory_space<semaphore_mem>>)
        %dma_wait3A = arith.constant 0 : i32
        %dma_wait3A_209 = tpu.memref_slice %arg4[%add3A_171, %dma_wait3A] : memref<20224x16xf32, #tpu.memory_space<hbm>> -> memref<64x16xf32, #tpu.memory_space<hbm>>
        %dma_wait3A_210 = arith.constant 0 : i32
        %dma_wait3A_211 = tpu.memref_slice %arg5[%add3A_164, %dma_wait3A_210] : memref<10112x16xf32, #tpu.memory_space<vmem_shared>> -> memref<64x16xf32, #tpu.memory_space<vmem_shared>>
        tpu.wait_dma2 semaphore(%run_scoped3A_205 : memref<!tpu.dma_semaphore, #tpu.memory_space<semaphore_mem>>) src(%dma_wait3A_211 : memref<64x16xf32, #tpu.memory_space<vmem_shared>>) dst(%dma_wait3A_209 : memref<64x16xf32, #tpu.memory_space<hbm>>)
        tpu.yield
      }) : () -> ()
      %mul3A_172 = arith.constant 632 : i32
      %mul3A_173 = arith.muli %arg1, %mul3A_172 : i32
      %add3A_174 = arith.constant 448 : i32
      %add3A_175 = arith.addi %mul3A_173, %add3A_174 : i32
      %mul3A_176 = arith.constant 10112 : i32
      %mul3A_177 = arith.muli %arg0, %mul3A_176 : i32
      %mul3A_178 = arith.constant 632 : i32
      %mul3A_179 = arith.muli %arg1, %mul3A_178 : i32
      %add3A_180 = arith.addi %mul3A_177, %mul3A_179 : i32
      %add3A_181 = arith.constant 448 : i32
      %add3A_182 = arith.addi %add3A_180, %add3A_181 : i32
      "tpu.region"() ({
        %run_scoped3A_205 = tpu.sem_alloc : memref<!tpu.dma_semaphore, #tpu.memory_space<semaphore_mem>>
        %dma_start3A = arith.constant 0 : i32
        %dma_start3A_206 = tpu.memref_slice %arg4[%add3A_182, %dma_start3A] : memref<20224x16xf32, #tpu.memory_space<hbm>> -> memref<64x16xf32, #tpu.memory_space<hbm>>
        %dma_start3A_207 = arith.constant 0 : i32
        %dma_start3A_208 = tpu.memref_slice %arg5[%add3A_175, %dma_start3A_207] : memref<10112x16xf32, #tpu.memory_space<vmem_shared>> -> memref<64x16xf32, #tpu.memory_space<vmem_shared>>
        tpu.enqueue_dma source(%dma_start3A_208 : memref<64x16xf32, #tpu.memory_space<vmem_shared>>) target(%dma_start3A_206 : memref<64x16xf32, #tpu.memory_space<hbm>>) target_semaphore(%run_scoped3A_205 : memref<!tpu.dma_semaphore, #tpu.memory_space<semaphore_mem>>)
        %dma_wait3A = arith.constant 0 : i32
        %dma_wait3A_209 = tpu.memref_slice %arg4[%add3A_182, %dma_wait3A] : memref<20224x16xf32, #tpu.memory_space<hbm>> -> memref<64x16xf32, #tpu.memory_space<hbm>>
        %dma_wait3A_210 = arith.constant 0 : i32
        %dma_wait3A_211 = tpu.memref_slice %arg5[%add3A_175, %dma_wait3A_210] : memref<10112x16xf32, #tpu.memory_space<vmem_shared>> -> memref<64x16xf32, #tpu.memory_space<vmem_shared>>
        tpu.wait_dma2 semaphore(%run_scoped3A_205 : memref<!tpu.dma_semaphore, #tpu.memory_space<semaphore_mem>>) src(%dma_wait3A_211 : memref<64x16xf32, #tpu.memory_space<vmem_shared>>) dst(%dma_wait3A_209 : memref<64x16xf32, #tpu.memory_space<hbm>>)
        tpu.yield
      }) : () -> ()
      %mul3A_183 = arith.constant 632 : i32
      %mul3A_184 = arith.muli %arg1, %mul3A_183 : i32
      %add3A_185 = arith.constant 512 : i32
      %add3A_186 = arith.addi %mul3A_184, %add3A_185 : i32
      %mul3A_187 = arith.constant 10112 : i32
      %mul3A_188 = arith.muli %arg0, %mul3A_187 : i32
      %mul3A_189 = arith.constant 632 : i32
      %mul3A_190 = arith.muli %arg1, %mul3A_189 : i32
      %add3A_191 = arith.addi %mul3A_188, %mul3A_190 : i32
      %add3A_192 = arith.constant 512 : i32
      %add3A_193 = arith.addi %add3A_191, %add3A_192 : i32
      "tpu.region"() ({
        %run_scoped3A_205 = tpu.sem_alloc : memref<!tpu.dma_semaphore, #tpu.memory_space<semaphore_mem>>
        %dma_start3A = arith.constant 0 : i32
        %dma_start3A_206 = tpu.memref_slice %arg4[%add3A_193, %dma_start3A] : memref<20224x16xf32, #tpu.memory_space<hbm>> -> memref<64x16xf32, #tpu.memory_space<hbm>>
        %dma_start3A_207 = arith.constant 0 : i32
        %dma_start3A_208 = tpu.memref_slice %arg5[%add3A_186, %dma_start3A_207] : memref<10112x16xf32, #tpu.memory_space<vmem_shared>> -> memref<64x16xf32, #tpu.memory_space<vmem_shared>>
        tpu.enqueue_dma source(%dma_start3A_208 : memref<64x16xf32, #tpu.memory_space<vmem_shared>>) target(%dma_start3A_206 : memref<64x16xf32, #tpu.memory_space<hbm>>) target_semaphore(%run_scoped3A_205 : memref<!tpu.dma_semaphore, #tpu.memory_space<semaphore_mem>>)
        %dma_wait3A = arith.constant 0 : i32
        %dma_wait3A_209 = tpu.memref_slice %arg4[%add3A_193, %dma_wait3A] : memref<20224x16xf32, #tpu.memory_space<hbm>> -> memref<64x16xf32, #tpu.memory_space<hbm>>
        %dma_wait3A_210 = arith.constant 0 : i32
        %dma_wait3A_211 = tpu.memref_slice %arg5[%add3A_186, %dma_wait3A_210] : memref<10112x16xf32, #tpu.memory_space<vmem_shared>> -> memref<64x16xf32, #tpu.memory_space<vmem_shared>>
        tpu.wait_dma2 semaphore(%run_scoped3A_205 : memref<!tpu.dma_semaphore, #tpu.memory_space<semaphore_mem>>) src(%dma_wait3A_211 : memref<64x16xf32, #tpu.memory_space<vmem_shared>>) dst(%dma_wait3A_209 : memref<64x16xf32, #tpu.memory_space<hbm>>)
        tpu.yield
      }) : () -> ()
      %mul3A_194 = arith.constant 632 : i32
      %mul3A_195 = arith.muli %arg1, %mul3A_194 : i32
      %add3A_196 = arith.constant 576 : i32
      %add3A_197 = arith.addi %mul3A_195, %add3A_196 : i32
      %mul3A_198 = arith.constant 10112 : i32
      %mul3A_199 = arith.muli %arg0, %mul3A_198 : i32
      %mul3A_200 = arith.constant 632 : i32
      %mul3A_201 = arith.muli %arg1, %mul3A_200 : i32
      %add3A_202 = arith.addi %mul3A_199, %mul3A_201 : i32
      %add3A_203 = arith.constant 576 : i32
      %add3A_204 = arith.addi %add3A_202, %add3A_203 : i32
      "tpu.region"() ({
        %run_scoped3A_205 = tpu.sem_alloc : memref<!tpu.dma_semaphore, #tpu.memory_space<semaphore_mem>>
        %dma_start3A = arith.constant 0 : i32
        %dma_start3A_206 = tpu.memref_slice %arg4[%add3A_204, %dma_start3A] : memref<20224x16xf32, #tpu.memory_space<hbm>> -> memref<56x16xf32, #tpu.memory_space<hbm>>
        %dma_start3A_207 = arith.constant 0 : i32
        %dma_start3A_208 = tpu.memref_slice %arg5[%add3A_197, %dma_start3A_207] : memref<10112x16xf32, #tpu.memory_space<vmem_shared>> -> memref<56x16xf32, #tpu.memory_space<vmem_shared>>
        tpu.enqueue_dma source(%dma_start3A_208 : memref<56x16xf32, #tpu.memory_space<vmem_shared>>) target(%dma_start3A_206 : memref<56x16xf32, #tpu.memory_space<hbm>>) target_semaphore(%run_scoped3A_205 : memref<!tpu.dma_semaphore, #tpu.memory_space<semaphore_mem>>)
        %dma_wait3A = arith.constant 0 : i32
        %dma_wait3A_209 = tpu.memref_slice %arg4[%add3A_204, %dma_wait3A] : memref<20224x16xf32, #tpu.memory_space<hbm>> -> memref<56x16xf32, #tpu.memory_space<hbm>>
        %dma_wait3A_210 = arith.constant 0 : i32
        %dma_wait3A_211 = tpu.memref_slice %arg5[%add3A_197, %dma_wait3A_210] : memref<10112x16xf32, #tpu.memory_space<vmem_shared>> -> memref<56x16xf32, #tpu.memory_space<vmem_shared>>
        tpu.wait_dma2 semaphore(%run_scoped3A_205 : memref<!tpu.dma_semaphore, #tpu.memory_space<semaphore_mem>>) src(%dma_wait3A_211 : memref<56x16xf32, #tpu.memory_space<vmem_shared>>) dst(%dma_wait3A_209 : memref<56x16xf32, #tpu.memory_space<hbm>>)
        tpu.yield
      }) : () -> ()
      tpu.yield
    }) : () -> ()
    return
  }
}

#map = affine_map<(d0, d1) -> (0, 0)>
#map1 = affine_map<(d0, d1) -> (0, 0, 0)>
module attributes {stable_mosaic.version = 14 : i64} {
  func.func @body(%arg0: i32, %arg1: i32, %arg2: memref<10000x128xf32, #tpu.memory_space<hbm>>, %arg3: memref<320x8x128xi32, #tpu.memory_space<hbm>>, %arg4: memref<320x8x128xi32, #tpu.memory_space<hbm>>, %arg5: memref<10112x128xf32, #tpu.memory_space<hbm>>, %arg6: memref<20224x128xf32, #tpu.memory_space<hbm>>, %arg7: memref<10112x128xf32, #tpu.memory_space<vmem_shared>>, %arg8: memref<!tpu.dma_semaphore, #tpu.memory_space<semaphore_mem>>, %arg9: memref<!tpu.dma_semaphore, #tpu.memory_space<semaphore_mem>>, %arg10: memref<!tpu.dma_semaphore, #tpu.memory_space<semaphore_mem>>, %arg11: memref<!tpu.dma_semaphore, #tpu.memory_space<semaphore_mem>>) attributes {dimension_semantics = [#tpu.dimension_semantics<core_parallel>, #tpu.dimension_semantics<subcore_parallel>], iteration_bounds = array<i64: 2, 16>, scalar_prefetch = 0 : i64, scratch_operands = 5 : i64, tpu.core_type = #tpu.core_type<sc_vector_subcore>, window_params = [{transform_indices = #map}, {transform_indices = #map1}, {transform_indices = #map1}, {transform_indices = #map}, {transform_indices = #map}]} {
    "tpu.region"() ({
      %run_scoped3A = memref.alloca() : memref<8x128xi32, #tpu.memory_space<vmem>>
      %run_scoped3A_0 = memref.alloca() : memref<8x128xi32, #tpu.memory_space<vmem>>
      %run_scoped3A_1 = memref.alloca() : memref<128x128xf32, #tpu.memory_space<vmem>>
      %run_scoped3A_2 = memref.alloca() : memref<128x128xf32, #tpu.memory_space<vmem>>
      %mul3A = arith.constant 2 : i32
      %mul3A_3 = arith.muli %arg1, %mul3A : i32
      %add3A = arith.addi %mul3A_3, %arg0 : i32
      %mul3A_4 = arith.constant 632 : i32
      %mul3A_5 = arith.muli %arg1, %mul3A_4 : i32
      %add3A_6 = arith.constant 0 : i32
      %add3A_7 = arith.addi %mul3A_5, %add3A_6 : i32
      %mul3A_8 = arith.constant 632 : i32
      %mul3A_9 = arith.muli %arg1, %mul3A_8 : i32
      %add3A_10 = arith.constant 0 : i32
      %add3A_11 = arith.addi %mul3A_9, %add3A_10 : i32
      "tpu.region"() ({
        %run_scoped3A_200 = tpu.sem_alloc : memref<!tpu.dma_semaphore, #tpu.memory_space<semaphore_mem>>
        %dma_start3A = arith.constant 0 : i32
        %dma_start3A_201 = tpu.memref_slice %arg7[%add3A_11, %dma_start3A] : memref<10112x128xf32, #tpu.memory_space<vmem_shared>> -> memref<64x128xf32, #tpu.memory_space<vmem_shared>>
        %dma_start3A_202 = arith.constant 0 : i32
        %dma_start3A_203 = tpu.memref_slice %arg5[%add3A_7, %dma_start3A_202] : memref<10112x128xf32, #tpu.memory_space<hbm>> -> memref<64x128xf32, #tpu.memory_space<hbm>>
        tpu.enqueue_dma source(%dma_start3A_203 : memref<64x128xf32, #tpu.memory_space<hbm>>) target(%dma_start3A_201 : memref<64x128xf32, #tpu.memory_space<vmem_shared>>) target_semaphore(%run_scoped3A_200 : memref<!tpu.dma_semaphore, #tpu.memory_space<semaphore_mem>>)
        %dma_wait3A = arith.constant 0 : i32
        %dma_wait3A_204 = tpu.memref_slice %arg7[%add3A_11, %dma_wait3A] : memref<10112x128xf32, #tpu.memory_space<vmem_shared>> -> memref<64x128xf32, #tpu.memory_space<vmem_shared>>
        %dma_wait3A_205 = arith.constant 0 : i32
        %dma_wait3A_206 = tpu.memref_slice %arg5[%add3A_7, %dma_wait3A_205] : memref<10112x128xf32, #tpu.memory_space<hbm>> -> memref<64x128xf32, #tpu.memory_space<hbm>>
        tpu.wait_dma2 semaphore(%run_scoped3A_200 : memref<!tpu.dma_semaphore, #tpu.memory_space<semaphore_mem>>) src(%dma_wait3A_206 : memref<64x128xf32, #tpu.memory_space<hbm>>) dst(%dma_wait3A_204 : memref<64x128xf32, #tpu.memory_space<vmem_shared>>)
        tpu.yield
      }) : () -> ()
      %mul3A_12 = arith.constant 632 : i32
      %mul3A_13 = arith.muli %arg1, %mul3A_12 : i32
      %add3A_14 = arith.constant 64 : i32
      %add3A_15 = arith.addi %mul3A_13, %add3A_14 : i32
      %mul3A_16 = arith.constant 632 : i32
      %mul3A_17 = arith.muli %arg1, %mul3A_16 : i32
      %add3A_18 = arith.constant 64 : i32
      %add3A_19 = arith.addi %mul3A_17, %add3A_18 : i32
      "tpu.region"() ({
        %run_scoped3A_200 = tpu.sem_alloc : memref<!tpu.dma_semaphore, #tpu.memory_space<semaphore_mem>>
        %dma_start3A = arith.constant 0 : i32
        %dma_start3A_201 = tpu.memref_slice %arg7[%add3A_19, %dma_start3A] : memref<10112x128xf32, #tpu.memory_space<vmem_shared>> -> memref<64x128xf32, #tpu.memory_space<vmem_shared>>
        %dma_start3A_202 = arith.constant 0 : i32
        %dma_start3A_203 = tpu.memref_slice %arg5[%add3A_15, %dma_start3A_202] : memref<10112x128xf32, #tpu.memory_space<hbm>> -> memref<64x128xf32, #tpu.memory_space<hbm>>
        tpu.enqueue_dma source(%dma_start3A_203 : memref<64x128xf32, #tpu.memory_space<hbm>>) target(%dma_start3A_201 : memref<64x128xf32, #tpu.memory_space<vmem_shared>>) target_semaphore(%run_scoped3A_200 : memref<!tpu.dma_semaphore, #tpu.memory_space<semaphore_mem>>)
        %dma_wait3A = arith.constant 0 : i32
        %dma_wait3A_204 = tpu.memref_slice %arg7[%add3A_19, %dma_wait3A] : memref<10112x128xf32, #tpu.memory_space<vmem_shared>> -> memref<64x128xf32, #tpu.memory_space<vmem_shared>>
        %dma_wait3A_205 = arith.constant 0 : i32
        %dma_wait3A_206 = tpu.memref_slice %arg5[%add3A_15, %dma_wait3A_205] : memref<10112x128xf32, #tpu.memory_space<hbm>> -> memref<64x128xf32, #tpu.memory_space<hbm>>
        tpu.wait_dma2 semaphore(%run_scoped3A_200 : memref<!tpu.dma_semaphore, #tpu.memory_space<semaphore_mem>>) src(%dma_wait3A_206 : memref<64x128xf32, #tpu.memory_space<hbm>>) dst(%dma_wait3A_204 : memref<64x128xf32, #tpu.memory_space<vmem_shared>>)
        tpu.yield
      }) : () -> ()
      %mul3A_20 = arith.constant 632 : i32
      %mul3A_21 = arith.muli %arg1, %mul3A_20 : i32
      %add3A_22 = arith.constant 128 : i32
      %add3A_23 = arith.addi %mul3A_21, %add3A_22 : i32
      %mul3A_24 = arith.constant 632 : i32
      %mul3A_25 = arith.muli %arg1, %mul3A_24 : i32
      %add3A_26 = arith.constant 128 : i32
      %add3A_27 = arith.addi %mul3A_25, %add3A_26 : i32
      "tpu.region"() ({
        %run_scoped3A_200 = tpu.sem_alloc : memref<!tpu.dma_semaphore, #tpu.memory_space<semaphore_mem>>
        %dma_start3A = arith.constant 0 : i32
        %dma_start3A_201 = tpu.memref_slice %arg7[%add3A_27, %dma_start3A] : memref<10112x128xf32, #tpu.memory_space<vmem_shared>> -> memref<64x128xf32, #tpu.memory_space<vmem_shared>>
        %dma_start3A_202 = arith.constant 0 : i32
        %dma_start3A_203 = tpu.memref_slice %arg5[%add3A_23, %dma_start3A_202] : memref<10112x128xf32, #tpu.memory_space<hbm>> -> memref<64x128xf32, #tpu.memory_space<hbm>>
        tpu.enqueue_dma source(%dma_start3A_203 : memref<64x128xf32, #tpu.memory_space<hbm>>) target(%dma_start3A_201 : memref<64x128xf32, #tpu.memory_space<vmem_shared>>) target_semaphore(%run_scoped3A_200 : memref<!tpu.dma_semaphore, #tpu.memory_space<semaphore_mem>>)
        %dma_wait3A = arith.constant 0 : i32
        %dma_wait3A_204 = tpu.memref_slice %arg7[%add3A_27, %dma_wait3A] : memref<10112x128xf32, #tpu.memory_space<vmem_shared>> -> memref<64x128xf32, #tpu.memory_space<vmem_shared>>
        %dma_wait3A_205 = arith.constant 0 : i32
        %dma_wait3A_206 = tpu.memref_slice %arg5[%add3A_23, %dma_wait3A_205] : memref<10112x128xf32, #tpu.memory_space<hbm>> -> memref<64x128xf32, #tpu.memory_space<hbm>>
        tpu.wait_dma2 semaphore(%run_scoped3A_200 : memref<!tpu.dma_semaphore, #tpu.memory_space<semaphore_mem>>) src(%dma_wait3A_206 : memref<64x128xf32, #tpu.memory_space<hbm>>) dst(%dma_wait3A_204 : memref<64x128xf32, #tpu.memory_space<vmem_shared>>)
        tpu.yield
      }) : () -> ()
      %mul3A_28 = arith.constant 632 : i32
      %mul3A_29 = arith.muli %arg1, %mul3A_28 : i32
      %add3A_30 = arith.constant 192 : i32
      %add3A_31 = arith.addi %mul3A_29, %add3A_30 : i32
      %mul3A_32 = arith.constant 632 : i32
      %mul3A_33 = arith.muli %arg1, %mul3A_32 : i32
      %add3A_34 = arith.constant 192 : i32
      %add3A_35 = arith.addi %mul3A_33, %add3A_34 : i32
      "tpu.region"() ({
        %run_scoped3A_200 = tpu.sem_alloc : memref<!tpu.dma_semaphore, #tpu.memory_space<semaphore_mem>>
        %dma_start3A = arith.constant 0 : i32
        %dma_start3A_201 = tpu.memref_slice %arg7[%add3A_35, %dma_start3A] : memref<10112x128xf32, #tpu.memory_space<vmem_shared>> -> memref<64x128xf32, #tpu.memory_space<vmem_shared>>
        %dma_start3A_202 = arith.constant 0 : i32
        %dma_start3A_203 = tpu.memref_slice %arg5[%add3A_31, %dma_start3A_202] : memref<10112x128xf32, #tpu.memory_space<hbm>> -> memref<64x128xf32, #tpu.memory_space<hbm>>
        tpu.enqueue_dma source(%dma_start3A_203 : memref<64x128xf32, #tpu.memory_space<hbm>>) target(%dma_start3A_201 : memref<64x128xf32, #tpu.memory_space<vmem_shared>>) target_semaphore(%run_scoped3A_200 : memref<!tpu.dma_semaphore, #tpu.memory_space<semaphore_mem>>)
        %dma_wait3A = arith.constant 0 : i32
        %dma_wait3A_204 = tpu.memref_slice %arg7[%add3A_35, %dma_wait3A] : memref<10112x128xf32, #tpu.memory_space<vmem_shared>> -> memref<64x128xf32, #tpu.memory_space<vmem_shared>>
        %dma_wait3A_205 = arith.constant 0 : i32
        %dma_wait3A_206 = tpu.memref_slice %arg5[%add3A_31, %dma_wait3A_205] : memref<10112x128xf32, #tpu.memory_space<hbm>> -> memref<64x128xf32, #tpu.memory_space<hbm>>
        tpu.wait_dma2 semaphore(%run_scoped3A_200 : memref<!tpu.dma_semaphore, #tpu.memory_space<semaphore_mem>>) src(%dma_wait3A_206 : memref<64x128xf32, #tpu.memory_space<hbm>>) dst(%dma_wait3A_204 : memref<64x128xf32, #tpu.memory_space<vmem_shared>>)
        tpu.yield
      }) : () -> ()
      %mul3A_36 = arith.constant 632 : i32
      %mul3A_37 = arith.muli %arg1, %mul3A_36 : i32
      %add3A_38 = arith.constant 256 : i32
      %add3A_39 = arith.addi %mul3A_37, %add3A_38 : i32
      %mul3A_40 = arith.constant 632 : i32
      %mul3A_41 = arith.muli %arg1, %mul3A_40 : i32
      %add3A_42 = arith.constant 256 : i32
      %add3A_43 = arith.addi %mul3A_41, %add3A_42 : i32
      "tpu.region"() ({
        %run_scoped3A_200 = tpu.sem_alloc : memref<!tpu.dma_semaphore, #tpu.memory_space<semaphore_mem>>
        %dma_start3A = arith.constant 0 : i32
        %dma_start3A_201 = tpu.memref_slice %arg7[%add3A_43, %dma_start3A] : memref<10112x128xf32, #tpu.memory_space<vmem_shared>> -> memref<64x128xf32, #tpu.memory_space<vmem_shared>>
        %dma_start3A_202 = arith.constant 0 : i32
        %dma_start3A_203 = tpu.memref_slice %arg5[%add3A_39, %dma_start3A_202] : memref<10112x128xf32, #tpu.memory_space<hbm>> -> memref<64x128xf32, #tpu.memory_space<hbm>>
        tpu.enqueue_dma source(%dma_start3A_203 : memref<64x128xf32, #tpu.memory_space<hbm>>) target(%dma_start3A_201 : memref<64x128xf32, #tpu.memory_space<vmem_shared>>) target_semaphore(%run_scoped3A_200 : memref<!tpu.dma_semaphore, #tpu.memory_space<semaphore_mem>>)
        %dma_wait3A = arith.constant 0 : i32
        %dma_wait3A_204 = tpu.memref_slice %arg7[%add3A_43, %dma_wait3A] : memref<10112x128xf32, #tpu.memory_space<vmem_shared>> -> memref<64x128xf32, #tpu.memory_space<vmem_shared>>
        %dma_wait3A_205 = arith.constant 0 : i32
        %dma_wait3A_206 = tpu.memref_slice %arg5[%add3A_39, %dma_wait3A_205] : memref<10112x128xf32, #tpu.memory_space<hbm>> -> memref<64x128xf32, #tpu.memory_space<hbm>>
        tpu.wait_dma2 semaphore(%run_scoped3A_200 : memref<!tpu.dma_semaphore, #tpu.memory_space<semaphore_mem>>) src(%dma_wait3A_206 : memref<64x128xf32, #tpu.memory_space<hbm>>) dst(%dma_wait3A_204 : memref<64x128xf32, #tpu.memory_space<vmem_shared>>)
        tpu.yield
      }) : () -> ()
      %mul3A_44 = arith.constant 632 : i32
      %mul3A_45 = arith.muli %arg1, %mul3A_44 : i32
      %add3A_46 = arith.constant 320 : i32
      %add3A_47 = arith.addi %mul3A_45, %add3A_46 : i32
      %mul3A_48 = arith.constant 632 : i32
      %mul3A_49 = arith.muli %arg1, %mul3A_48 : i32
      %add3A_50 = arith.constant 320 : i32
      %add3A_51 = arith.addi %mul3A_49, %add3A_50 : i32
      "tpu.region"() ({
        %run_scoped3A_200 = tpu.sem_alloc : memref<!tpu.dma_semaphore, #tpu.memory_space<semaphore_mem>>
        %dma_start3A = arith.constant 0 : i32
        %dma_start3A_201 = tpu.memref_slice %arg7[%add3A_51, %dma_start3A] : memref<10112x128xf32, #tpu.memory_space<vmem_shared>> -> memref<64x128xf32, #tpu.memory_space<vmem_shared>>
        %dma_start3A_202 = arith.constant 0 : i32
        %dma_start3A_203 = tpu.memref_slice %arg5[%add3A_47, %dma_start3A_202] : memref<10112x128xf32, #tpu.memory_space<hbm>> -> memref<64x128xf32, #tpu.memory_space<hbm>>
        tpu.enqueue_dma source(%dma_start3A_203 : memref<64x128xf32, #tpu.memory_space<hbm>>) target(%dma_start3A_201 : memref<64x128xf32, #tpu.memory_space<vmem_shared>>) target_semaphore(%run_scoped3A_200 : memref<!tpu.dma_semaphore, #tpu.memory_space<semaphore_mem>>)
        %dma_wait3A = arith.constant 0 : i32
        %dma_wait3A_204 = tpu.memref_slice %arg7[%add3A_51, %dma_wait3A] : memref<10112x128xf32, #tpu.memory_space<vmem_shared>> -> memref<64x128xf32, #tpu.memory_space<vmem_shared>>
        %dma_wait3A_205 = arith.constant 0 : i32
        %dma_wait3A_206 = tpu.memref_slice %arg5[%add3A_47, %dma_wait3A_205] : memref<10112x128xf32, #tpu.memory_space<hbm>> -> memref<64x128xf32, #tpu.memory_space<hbm>>
        tpu.wait_dma2 semaphore(%run_scoped3A_200 : memref<!tpu.dma_semaphore, #tpu.memory_space<semaphore_mem>>) src(%dma_wait3A_206 : memref<64x128xf32, #tpu.memory_space<hbm>>) dst(%dma_wait3A_204 : memref<64x128xf32, #tpu.memory_space<vmem_shared>>)
        tpu.yield
      }) : () -> ()
      %mul3A_52 = arith.constant 632 : i32
      %mul3A_53 = arith.muli %arg1, %mul3A_52 : i32
      %add3A_54 = arith.constant 384 : i32
      %add3A_55 = arith.addi %mul3A_53, %add3A_54 : i32
      %mul3A_56 = arith.constant 632 : i32
      %mul3A_57 = arith.muli %arg1, %mul3A_56 : i32
      %add3A_58 = arith.constant 384 : i32
      %add3A_59 = arith.addi %mul3A_57, %add3A_58 : i32
      "tpu.region"() ({
        %run_scoped3A_200 = tpu.sem_alloc : memref<!tpu.dma_semaphore, #tpu.memory_space<semaphore_mem>>
        %dma_start3A = arith.constant 0 : i32
        %dma_start3A_201 = tpu.memref_slice %arg7[%add3A_59, %dma_start3A] : memref<10112x128xf32, #tpu.memory_space<vmem_shared>> -> memref<64x128xf32, #tpu.memory_space<vmem_shared>>
        %dma_start3A_202 = arith.constant 0 : i32
        %dma_start3A_203 = tpu.memref_slice %arg5[%add3A_55, %dma_start3A_202] : memref<10112x128xf32, #tpu.memory_space<hbm>> -> memref<64x128xf32, #tpu.memory_space<hbm>>
        tpu.enqueue_dma source(%dma_start3A_203 : memref<64x128xf32, #tpu.memory_space<hbm>>) target(%dma_start3A_201 : memref<64x128xf32, #tpu.memory_space<vmem_shared>>) target_semaphore(%run_scoped3A_200 : memref<!tpu.dma_semaphore, #tpu.memory_space<semaphore_mem>>)
        %dma_wait3A = arith.constant 0 : i32
        %dma_wait3A_204 = tpu.memref_slice %arg7[%add3A_59, %dma_wait3A] : memref<10112x128xf32, #tpu.memory_space<vmem_shared>> -> memref<64x128xf32, #tpu.memory_space<vmem_shared>>
        %dma_wait3A_205 = arith.constant 0 : i32
        %dma_wait3A_206 = tpu.memref_slice %arg5[%add3A_55, %dma_wait3A_205] : memref<10112x128xf32, #tpu.memory_space<hbm>> -> memref<64x128xf32, #tpu.memory_space<hbm>>
        tpu.wait_dma2 semaphore(%run_scoped3A_200 : memref<!tpu.dma_semaphore, #tpu.memory_space<semaphore_mem>>) src(%dma_wait3A_206 : memref<64x128xf32, #tpu.memory_space<hbm>>) dst(%dma_wait3A_204 : memref<64x128xf32, #tpu.memory_space<vmem_shared>>)
        tpu.yield
      }) : () -> ()
      %mul3A_60 = arith.constant 632 : i32
      %mul3A_61 = arith.muli %arg1, %mul3A_60 : i32
      %add3A_62 = arith.constant 448 : i32
      %add3A_63 = arith.addi %mul3A_61, %add3A_62 : i32
      %mul3A_64 = arith.constant 632 : i32
      %mul3A_65 = arith.muli %arg1, %mul3A_64 : i32
      %add3A_66 = arith.constant 448 : i32
      %add3A_67 = arith.addi %mul3A_65, %add3A_66 : i32
      "tpu.region"() ({
        %run_scoped3A_200 = tpu.sem_alloc : memref<!tpu.dma_semaphore, #tpu.memory_space<semaphore_mem>>
        %dma_start3A = arith.constant 0 : i32
        %dma_start3A_201 = tpu.memref_slice %arg7[%add3A_67, %dma_start3A] : memref<10112x128xf32, #tpu.memory_space<vmem_shared>> -> memref<64x128xf32, #tpu.memory_space<vmem_shared>>
        %dma_start3A_202 = arith.constant 0 : i32
        %dma_start3A_203 = tpu.memref_slice %arg5[%add3A_63, %dma_start3A_202] : memref<10112x128xf32, #tpu.memory_space<hbm>> -> memref<64x128xf32, #tpu.memory_space<hbm>>
        tpu.enqueue_dma source(%dma_start3A_203 : memref<64x128xf32, #tpu.memory_space<hbm>>) target(%dma_start3A_201 : memref<64x128xf32, #tpu.memory_space<vmem_shared>>) target_semaphore(%run_scoped3A_200 : memref<!tpu.dma_semaphore, #tpu.memory_space<semaphore_mem>>)
        %dma_wait3A = arith.constant 0 : i32
        %dma_wait3A_204 = tpu.memref_slice %arg7[%add3A_67, %dma_wait3A] : memref<10112x128xf32, #tpu.memory_space<vmem_shared>> -> memref<64x128xf32, #tpu.memory_space<vmem_shared>>
        %dma_wait3A_205 = arith.constant 0 : i32
        %dma_wait3A_206 = tpu.memref_slice %arg5[%add3A_63, %dma_wait3A_205] : memref<10112x128xf32, #tpu.memory_space<hbm>> -> memref<64x128xf32, #tpu.memory_space<hbm>>
        tpu.wait_dma2 semaphore(%run_scoped3A_200 : memref<!tpu.dma_semaphore, #tpu.memory_space<semaphore_mem>>) src(%dma_wait3A_206 : memref<64x128xf32, #tpu.memory_space<hbm>>) dst(%dma_wait3A_204 : memref<64x128xf32, #tpu.memory_space<vmem_shared>>)
        tpu.yield
      }) : () -> ()
      %mul3A_68 = arith.constant 632 : i32
      %mul3A_69 = arith.muli %arg1, %mul3A_68 : i32
      %add3A_70 = arith.constant 512 : i32
      %add3A_71 = arith.addi %mul3A_69, %add3A_70 : i32
      %mul3A_72 = arith.constant 632 : i32
      %mul3A_73 = arith.muli %arg1, %mul3A_72 : i32
      %add3A_74 = arith.constant 512 : i32
      %add3A_75 = arith.addi %mul3A_73, %add3A_74 : i32
      "tpu.region"() ({
        %run_scoped3A_200 = tpu.sem_alloc : memref<!tpu.dma_semaphore, #tpu.memory_space<semaphore_mem>>
        %dma_start3A = arith.constant 0 : i32
        %dma_start3A_201 = tpu.memref_slice %arg7[%add3A_75, %dma_start3A] : memref<10112x128xf32, #tpu.memory_space<vmem_shared>> -> memref<64x128xf32, #tpu.memory_space<vmem_shared>>
        %dma_start3A_202 = arith.constant 0 : i32
        %dma_start3A_203 = tpu.memref_slice %arg5[%add3A_71, %dma_start3A_202] : memref<10112x128xf32, #tpu.memory_space<hbm>> -> memref<64x128xf32, #tpu.memory_space<hbm>>
        tpu.enqueue_dma source(%dma_start3A_203 : memref<64x128xf32, #tpu.memory_space<hbm>>) target(%dma_start3A_201 : memref<64x128xf32, #tpu.memory_space<vmem_shared>>) target_semaphore(%run_scoped3A_200 : memref<!tpu.dma_semaphore, #tpu.memory_space<semaphore_mem>>)
        %dma_wait3A = arith.constant 0 : i32
        %dma_wait3A_204 = tpu.memref_slice %arg7[%add3A_75, %dma_wait3A] : memref<10112x128xf32, #tpu.memory_space<vmem_shared>> -> memref<64x128xf32, #tpu.memory_space<vmem_shared>>
        %dma_wait3A_205 = arith.constant 0 : i32
        %dma_wait3A_206 = tpu.memref_slice %arg5[%add3A_71, %dma_wait3A_205] : memref<10112x128xf32, #tpu.memory_space<hbm>> -> memref<64x128xf32, #tpu.memory_space<hbm>>
        tpu.wait_dma2 semaphore(%run_scoped3A_200 : memref<!tpu.dma_semaphore, #tpu.memory_space<semaphore_mem>>) src(%dma_wait3A_206 : memref<64x128xf32, #tpu.memory_space<hbm>>) dst(%dma_wait3A_204 : memref<64x128xf32, #tpu.memory_space<vmem_shared>>)
        tpu.yield
      }) : () -> ()
      %mul3A_76 = arith.constant 632 : i32
      %mul3A_77 = arith.muli %arg1, %mul3A_76 : i32
      %add3A_78 = arith.constant 576 : i32
      %add3A_79 = arith.addi %mul3A_77, %add3A_78 : i32
      %mul3A_80 = arith.constant 632 : i32
      %mul3A_81 = arith.muli %arg1, %mul3A_80 : i32
      %add3A_82 = arith.constant 576 : i32
      %add3A_83 = arith.addi %mul3A_81, %add3A_82 : i32
      "tpu.region"() ({
        %run_scoped3A_200 = tpu.sem_alloc : memref<!tpu.dma_semaphore, #tpu.memory_space<semaphore_mem>>
        %dma_start3A = arith.constant 0 : i32
        %dma_start3A_201 = tpu.memref_slice %arg7[%add3A_83, %dma_start3A] : memref<10112x128xf32, #tpu.memory_space<vmem_shared>> -> memref<56x128xf32, #tpu.memory_space<vmem_shared>>
        %dma_start3A_202 = arith.constant 0 : i32
        %dma_start3A_203 = tpu.memref_slice %arg5[%add3A_79, %dma_start3A_202] : memref<10112x128xf32, #tpu.memory_space<hbm>> -> memref<56x128xf32, #tpu.memory_space<hbm>>
        tpu.enqueue_dma source(%dma_start3A_203 : memref<56x128xf32, #tpu.memory_space<hbm>>) target(%dma_start3A_201 : memref<56x128xf32, #tpu.memory_space<vmem_shared>>) target_semaphore(%run_scoped3A_200 : memref<!tpu.dma_semaphore, #tpu.memory_space<semaphore_mem>>)
        %dma_wait3A = arith.constant 0 : i32
        %dma_wait3A_204 = tpu.memref_slice %arg7[%add3A_83, %dma_wait3A] : memref<10112x128xf32, #tpu.memory_space<vmem_shared>> -> memref<56x128xf32, #tpu.memory_space<vmem_shared>>
        %dma_wait3A_205 = arith.constant 0 : i32
        %dma_wait3A_206 = tpu.memref_slice %arg5[%add3A_79, %dma_wait3A_205] : memref<10112x128xf32, #tpu.memory_space<hbm>> -> memref<56x128xf32, #tpu.memory_space<hbm>>
        tpu.wait_dma2 semaphore(%run_scoped3A_200 : memref<!tpu.dma_semaphore, #tpu.memory_space<semaphore_mem>>) src(%dma_wait3A_206 : memref<56x128xf32, #tpu.memory_space<hbm>>) dst(%dma_wait3A_204 : memref<56x128xf32, #tpu.memory_space<vmem_shared>>)
        tpu.yield
      }) : () -> ()
      %barrier3A = arith.constant 0 : index
      tpu.barrier barrier_id(%barrier3A)
      %scan3A = arith.constant 0 : i32
      %scan3A_84 = arith.constant 0 : i32
      %scan3A_85 = arith.constant 10 : i32
      %scan3A_86 = arith.addi %scan3A_84, %scan3A_85 : i32
      %scan3A_87 = arith.constant 1 : i32
      scf.for %scan3A_200 = %scan3A_84 to %scan3A_86 step %scan3A_87  : i32 {
        %mul3A_201 = arith.constant 10 : i32
        %mul3A_202 = arith.muli %add3A, %mul3A_201 : i32
        %add3A_203 = arith.addi %mul3A_202, %scan3A_200 : i32
        "tpu.region"() ({
          %run_scoped3A_213 = tpu.sem_alloc : memref<!tpu.dma_semaphore, #tpu.memory_space<semaphore_mem>>
          %dma_start3A = arith.constant 0 : i32
          %dma_start3A_214 = arith.constant 0 : i32
          %dma_start3A_215 = tpu.memref_slice %arg3[%add3A_203, %dma_start3A, %dma_start3A_214] : memref<320x8x128xi32, #tpu.memory_space<hbm>> -> memref<1x8x128xi32, #tpu.memory_space<hbm>>
          %dma_start3A_216 = tpu.memref_squeeze %dma_start3A_215 : memref<1x8x128xi32, #tpu.memory_space<hbm>> -> memref<8x128xi32, #tpu.memory_space<hbm>>
          %dma_start3A_217 = arith.constant 0 : i32
          %dma_start3A_218 = arith.constant 0 : i32
          %dma_start3A_219 = tpu.memref_slice %arg3[%add3A_203, %dma_start3A_217, %dma_start3A_218] : memref<320x8x128xi32, #tpu.memory_space<hbm>> -> memref<1x8x128xi32, #tpu.memory_space<hbm>>
          %dma_start3A_220 = tpu.memref_squeeze %dma_start3A_219 : memref<1x8x128xi32, #tpu.memory_space<hbm>> -> memref<8x128xi32, #tpu.memory_space<hbm>>
          tpu.enqueue_dma source(%dma_start3A_220 : memref<8x128xi32, #tpu.memory_space<hbm>>) target(%run_scoped3A : memref<8x128xi32, #tpu.memory_space<vmem>>) target_semaphore(%run_scoped3A_213 : memref<!tpu.dma_semaphore, #tpu.memory_space<semaphore_mem>>)
          %dma_wait3A = arith.constant 0 : i32
          %dma_wait3A_221 = arith.constant 0 : i32
          %dma_wait3A_222 = tpu.memref_slice %arg3[%add3A_203, %dma_wait3A, %dma_wait3A_221] : memref<320x8x128xi32, #tpu.memory_space<hbm>> -> memref<1x8x128xi32, #tpu.memory_space<hbm>>
          %dma_wait3A_223 = tpu.memref_squeeze %dma_wait3A_222 : memref<1x8x128xi32, #tpu.memory_space<hbm>> -> memref<8x128xi32, #tpu.memory_space<hbm>>
          %dma_wait3A_224 = arith.constant 0 : i32
          %dma_wait3A_225 = arith.constant 0 : i32
          %dma_wait3A_226 = tpu.memref_slice %arg3[%add3A_203, %dma_wait3A_224, %dma_wait3A_225] : memref<320x8x128xi32, #tpu.memory_space<hbm>> -> memref<1x8x128xi32, #tpu.memory_space<hbm>>
          %dma_wait3A_227 = tpu.memref_squeeze %dma_wait3A_226 : memref<1x8x128xi32, #tpu.memory_space<hbm>> -> memref<8x128xi32, #tpu.memory_space<hbm>>
          tpu.wait_dma2 semaphore(%run_scoped3A_213 : memref<!tpu.dma_semaphore, #tpu.memory_space<semaphore_mem>>) src(%dma_wait3A_227 : memref<8x128xi32, #tpu.memory_space<hbm>>) dst(%run_scoped3A : memref<8x128xi32, #tpu.memory_space<vmem>>)
          tpu.yield
        }) : () -> ()
        %mul3A_204 = arith.constant 10 : i32
        %mul3A_205 = arith.muli %add3A, %mul3A_204 : i32
        %add3A_206 = arith.addi %mul3A_205, %scan3A_200 : i32
        "tpu.region"() ({
          %run_scoped3A_213 = tpu.sem_alloc : memref<!tpu.dma_semaphore, #tpu.memory_space<semaphore_mem>>
          %dma_start3A = arith.constant 0 : i32
          %dma_start3A_214 = arith.constant 0 : i32
          %dma_start3A_215 = tpu.memref_slice %arg4[%add3A_206, %dma_start3A, %dma_start3A_214] : memref<320x8x128xi32, #tpu.memory_space<hbm>> -> memref<1x8x128xi32, #tpu.memory_space<hbm>>
          %dma_start3A_216 = tpu.memref_squeeze %dma_start3A_215 : memref<1x8x128xi32, #tpu.memory_space<hbm>> -> memref<8x128xi32, #tpu.memory_space<hbm>>
          %dma_start3A_217 = arith.constant 0 : i32
          %dma_start3A_218 = arith.constant 0 : i32
          %dma_start3A_219 = tpu.memref_slice %arg4[%add3A_206, %dma_start3A_217, %dma_start3A_218] : memref<320x8x128xi32, #tpu.memory_space<hbm>> -> memref<1x8x128xi32, #tpu.memory_space<hbm>>
          %dma_start3A_220 = tpu.memref_squeeze %dma_start3A_219 : memref<1x8x128xi32, #tpu.memory_space<hbm>> -> memref<8x128xi32, #tpu.memory_space<hbm>>
          tpu.enqueue_dma source(%dma_start3A_220 : memref<8x128xi32, #tpu.memory_space<hbm>>) target(%run_scoped3A_0 : memref<8x128xi32, #tpu.memory_space<vmem>>) target_semaphore(%run_scoped3A_213 : memref<!tpu.dma_semaphore, #tpu.memory_space<semaphore_mem>>)
          %dma_wait3A = arith.constant 0 : i32
          %dma_wait3A_221 = arith.constant 0 : i32
          %dma_wait3A_222 = tpu.memref_slice %arg4[%add3A_206, %dma_wait3A, %dma_wait3A_221] : memref<320x8x128xi32, #tpu.memory_space<hbm>> -> memref<1x8x128xi32, #tpu.memory_space<hbm>>
          %dma_wait3A_223 = tpu.memref_squeeze %dma_wait3A_222 : memref<1x8x128xi32, #tpu.memory_space<hbm>> -> memref<8x128xi32, #tpu.memory_space<hbm>>
          %dma_wait3A_224 = arith.constant 0 : i32
          %dma_wait3A_225 = arith.constant 0 : i32
          %dma_wait3A_226 = tpu.memref_slice %arg4[%add3A_206, %dma_wait3A_224, %dma_wait3A_225] : memref<320x8x128xi32, #tpu.memory_space<hbm>> -> memref<1x8x128xi32, #tpu.memory_space<hbm>>
          %dma_wait3A_227 = tpu.memref_squeeze %dma_wait3A_226 : memref<1x8x128xi32, #tpu.memory_space<hbm>> -> memref<8x128xi32, #tpu.memory_space<hbm>>
          tpu.wait_dma2 semaphore(%run_scoped3A_213 : memref<!tpu.dma_semaphore, #tpu.memory_space<semaphore_mem>>) src(%dma_wait3A_227 : memref<8x128xi32, #tpu.memory_space<hbm>>) dst(%run_scoped3A_0 : memref<8x128xi32, #tpu.memory_space<vmem>>)
          tpu.yield
        }) : () -> ()
        %scan3A_207 = arith.constant 0 : i32
        %scan3A_208 = arith.constant 0 : i32
        %scan3A_209 = arith.constant 4 : i32
        %scan3A_210 = arith.addi %scan3A_208, %scan3A_209 : i32
        %scan3A_211 = arith.constant 1 : i32
        scf.for %scan3A_213 = %scan3A_208 to %scan3A_210 step %scan3A_211  : i32 {
          %mul3A_214 = arith.constant 2 : i32
          %mul3A_215 = arith.muli %scan3A_213, %mul3A_214 : i32
          %add3A_216 = arith.constant 0 : i32
          %add3A_217 = arith.addi %mul3A_215, %add3A_216 : i32
          %dma_start3A = arith.constant 0 : i32
          %dma_start3A_218 = tpu.memref_slice %run_scoped3A[%add3A_217, %dma_start3A] : memref<8x128xi32, #tpu.memory_space<vmem>> -> memref<1x128xi32, #tpu.memory_space<vmem>>
          %dma_start3A_219 = tpu.memref_squeeze %dma_start3A_218 : memref<1x128xi32, #tpu.memory_space<vmem>> -> memref<128xi32, #tpu.memory_space<vmem>>
          %dma_start3A_220 = arith.constant 0 : i32
          %dma_start3A_221 = arith.constant 0 : i32
          %dma_start3A_222 = tpu.memref_slice %arg2[%dma_start3A_220, %dma_start3A_221] : memref<10000x128xf32, #tpu.memory_space<hbm>> -> memref<10000x128xf32, #tpu.memory_space<hbm>>
          tpu.enqueue_indirect_dma source(%dma_start3A_222 : memref<10000x128xf32, #tpu.memory_space<hbm>>) target(%run_scoped3A_1 : memref<128x128xf32, #tpu.memory_space<vmem>>) offsets(%dma_start3A_219 : memref<128xi32, #tpu.memory_space<vmem>>) semaphore(%arg8 : memref<!tpu.dma_semaphore, #tpu.memory_space<semaphore_mem>>)
          %mul3A_223 = arith.constant 2 : i32
          %mul3A_224 = arith.muli %scan3A_213, %mul3A_223 : i32
          %add3A_225 = arith.constant 1 : i32
          %add3A_226 = arith.addi %mul3A_224, %add3A_225 : i32
          %dma_start3A_227 = arith.constant 0 : i32
          %dma_start3A_228 = tpu.memref_slice %run_scoped3A[%add3A_226, %dma_start3A_227] : memref<8x128xi32, #tpu.memory_space<vmem>> -> memref<1x128xi32, #tpu.memory_space<vmem>>
          %dma_start3A_229 = tpu.memref_squeeze %dma_start3A_228 : memref<1x128xi32, #tpu.memory_space<vmem>> -> memref<128xi32, #tpu.memory_space<vmem>>
          %dma_start3A_230 = arith.constant 0 : i32
          %dma_start3A_231 = arith.constant 0 : i32
          %dma_start3A_232 = tpu.memref_slice %arg2[%dma_start3A_230, %dma_start3A_231] : memref<10000x128xf32, #tpu.memory_space<hbm>> -> memref<10000x128xf32, #tpu.memory_space<hbm>>
          tpu.enqueue_indirect_dma source(%dma_start3A_232 : memref<10000x128xf32, #tpu.memory_space<hbm>>) target(%run_scoped3A_2 : memref<128x128xf32, #tpu.memory_space<vmem>>) offsets(%dma_start3A_229 : memref<128xi32, #tpu.memory_space<vmem>>) semaphore(%arg9 : memref<!tpu.dma_semaphore, #tpu.memory_space<semaphore_mem>>)
          %mul3A_233 = arith.constant 2 : i32
          %mul3A_234 = arith.muli %scan3A_213, %mul3A_233 : i32
          %add3A_235 = arith.constant 0 : i32
          %add3A_236 = arith.addi %mul3A_234, %add3A_235 : i32
          %dma_wait3A = arith.constant 0 : i32
          %dma_wait3A_237 = arith.constant 0 : i32
          %dma_wait3A_238 = tpu.memref_slice %arg5[%dma_wait3A, %dma_wait3A_237] : memref<10112x128xf32, #tpu.memory_space<hbm>> -> memref<128x128xf32, #tpu.memory_space<hbm>>
          %dma_wait3A_239 = arith.constant 0 : i32
          %dma_wait3A_240 = arith.constant 0 : i32
          %dma_wait3A_241 = tpu.memref_slice %arg5[%dma_wait3A_239, %dma_wait3A_240] : memref<10112x128xf32, #tpu.memory_space<hbm>> -> memref<128x128xf32, #tpu.memory_space<hbm>>
          tpu.wait_dma2 semaphore(%arg8 : memref<!tpu.dma_semaphore, #tpu.memory_space<semaphore_mem>>) src(%dma_wait3A_241 : memref<128x128xf32, #tpu.memory_space<hbm>>) dst(%run_scoped3A_1 : memref<128x128xf32, #tpu.memory_space<vmem>>)
          %dma_start3A_242 = arith.constant 0 : i32
          %dma_start3A_243 = tpu.memref_slice %run_scoped3A_0[%add3A_236, %dma_start3A_242] : memref<8x128xi32, #tpu.memory_space<vmem>> -> memref<1x128xi32, #tpu.memory_space<vmem>>
          %dma_start3A_244 = tpu.memref_squeeze %dma_start3A_243 : memref<1x128xi32, #tpu.memory_space<vmem>> -> memref<128xi32, #tpu.memory_space<vmem>>
          %dma_start3A_245 = arith.constant 0 : i32
          %dma_start3A_246 = arith.constant 0 : i32
          %dma_start3A_247 = tpu.memref_slice %arg7[%dma_start3A_245, %dma_start3A_246] : memref<10112x128xf32, #tpu.memory_space<vmem_shared>> -> memref<10112x128xf32, #tpu.memory_space<vmem_shared>>
          tpu.enqueue_indirect_dma source(%run_scoped3A_1 : memref<128x128xf32, #tpu.memory_space<vmem>>) target(%dma_start3A_247 : memref<10112x128xf32, #tpu.memory_space<vmem_shared>>) offsets(%dma_start3A_244 : memref<128xi32, #tpu.memory_space<vmem>>) semaphore(%arg10 : memref<!tpu.dma_semaphore, #tpu.memory_space<semaphore_mem>>) {add = true}
          %mul3A_248 = arith.constant 2 : i32
          %mul3A_249 = arith.muli %scan3A_213, %mul3A_248 : i32
          %add3A_250 = arith.constant 1 : i32
          %add3A_251 = arith.addi %mul3A_249, %add3A_250 : i32
          %dma_wait3A_252 = arith.constant 0 : i32
          %dma_wait3A_253 = arith.constant 0 : i32
          %dma_wait3A_254 = tpu.memref_slice %arg5[%dma_wait3A_252, %dma_wait3A_253] : memref<10112x128xf32, #tpu.memory_space<hbm>> -> memref<128x128xf32, #tpu.memory_space<hbm>>
          %dma_wait3A_255 = arith.constant 0 : i32
          %dma_wait3A_256 = arith.constant 0 : i32
          %dma_wait3A_257 = tpu.memref_slice %arg5[%dma_wait3A_255, %dma_wait3A_256] : memref<10112x128xf32, #tpu.memory_space<hbm>> -> memref<128x128xf32, #tpu.memory_space<hbm>>
          tpu.wait_dma2 semaphore(%arg9 : memref<!tpu.dma_semaphore, #tpu.memory_space<semaphore_mem>>) src(%dma_wait3A_257 : memref<128x128xf32, #tpu.memory_space<hbm>>) dst(%run_scoped3A_2 : memref<128x128xf32, #tpu.memory_space<vmem>>)
          %dma_start3A_258 = arith.constant 0 : i32
          %dma_start3A_259 = tpu.memref_slice %run_scoped3A_0[%add3A_251, %dma_start3A_258] : memref<8x128xi32, #tpu.memory_space<vmem>> -> memref<1x128xi32, #tpu.memory_space<vmem>>
          %dma_start3A_260 = tpu.memref_squeeze %dma_start3A_259 : memref<1x128xi32, #tpu.memory_space<vmem>> -> memref<128xi32, #tpu.memory_space<vmem>>
          %dma_start3A_261 = arith.constant 0 : i32
          %dma_start3A_262 = arith.constant 0 : i32
          %dma_start3A_263 = tpu.memref_slice %arg7[%dma_start3A_261, %dma_start3A_262] : memref<10112x128xf32, #tpu.memory_space<vmem_shared>> -> memref<10112x128xf32, #tpu.memory_space<vmem_shared>>
          tpu.enqueue_indirect_dma source(%run_scoped3A_2 : memref<128x128xf32, #tpu.memory_space<vmem>>) target(%dma_start3A_263 : memref<10112x128xf32, #tpu.memory_space<vmem_shared>>) offsets(%dma_start3A_260 : memref<128xi32, #tpu.memory_space<vmem>>) semaphore(%arg11 : memref<!tpu.dma_semaphore, #tpu.memory_space<semaphore_mem>>) {add = true}
          %mul3A_264 = arith.constant 2 : i32
          %mul3A_265 = arith.muli %scan3A_213, %mul3A_264 : i32
          %add3A_266 = arith.constant 0 : i32
          %add3A_267 = arith.addi %mul3A_265, %add3A_266 : i32
          %dma_wait3A_268 = arith.constant 0 : i32
          %dma_wait3A_269 = tpu.memref_slice %run_scoped3A_0[%add3A_267, %dma_wait3A_268] : memref<8x128xi32, #tpu.memory_space<vmem>> -> memref<1x128xi32, #tpu.memory_space<vmem>>
          %dma_wait3A_270 = tpu.memref_squeeze %dma_wait3A_269 : memref<1x128xi32, #tpu.memory_space<vmem>> -> memref<128xi32, #tpu.memory_space<vmem>>
          %dma_wait3A_271 = arith.constant 0 : i32
          %dma_wait3A_272 = arith.constant 0 : i32
          %dma_wait3A_273 = tpu.memref_slice %arg7[%dma_wait3A_271, %dma_wait3A_272] : memref<10112x128xf32, #tpu.memory_space<vmem_shared>> -> memref<10112x128xf32, #tpu.memory_space<vmem_shared>>
          tpu.wait_indirect_dma semaphore(%arg10 : memref<!tpu.dma_semaphore, #tpu.memory_space<semaphore_mem>>) src(%run_scoped3A_1 : memref<128x128xf32, #tpu.memory_space<vmem>>) dst(%dma_wait3A_273 : memref<10112x128xf32, #tpu.memory_space<vmem_shared>>)
          %mul3A_274 = arith.constant 2 : i32
          %mul3A_275 = arith.muli %scan3A_213, %mul3A_274 : i32
          %add3A_276 = arith.constant 1 : i32
          %add3A_277 = arith.addi %mul3A_275, %add3A_276 : i32
          %dma_wait3A_278 = arith.constant 0 : i32
          %dma_wait3A_279 = tpu.memref_slice %run_scoped3A_0[%add3A_277, %dma_wait3A_278] : memref<8x128xi32, #tpu.memory_space<vmem>> -> memref<1x128xi32, #tpu.memory_space<vmem>>
          %dma_wait3A_280 = tpu.memref_squeeze %dma_wait3A_279 : memref<1x128xi32, #tpu.memory_space<vmem>> -> memref<128xi32, #tpu.memory_space<vmem>>
          %dma_wait3A_281 = arith.constant 0 : i32
          %dma_wait3A_282 = arith.constant 0 : i32
          %dma_wait3A_283 = tpu.memref_slice %arg7[%dma_wait3A_281, %dma_wait3A_282] : memref<10112x128xf32, #tpu.memory_space<vmem_shared>> -> memref<10112x128xf32, #tpu.memory_space<vmem_shared>>
          tpu.wait_indirect_dma semaphore(%arg11 : memref<!tpu.dma_semaphore, #tpu.memory_space<semaphore_mem>>) src(%run_scoped3A_2 : memref<128x128xf32, #tpu.memory_space<vmem>>) dst(%dma_wait3A_283 : memref<10112x128xf32, #tpu.memory_space<vmem_shared>>)
        }
        %scan3A_212 = arith.constant 4 : i32
      }
      %scan3A_88 = arith.constant 10 : i32
      %barrier3A_89 = arith.constant 0 : index
      tpu.barrier barrier_id(%barrier3A_89)
      %mul3A_90 = arith.constant 632 : i32
      %mul3A_91 = arith.muli %arg1, %mul3A_90 : i32
      %add3A_92 = arith.constant 0 : i32
      %add3A_93 = arith.addi %mul3A_91, %add3A_92 : i32
      %mul3A_94 = arith.constant 10112 : i32
      %mul3A_95 = arith.muli %arg0, %mul3A_94 : i32
      %mul3A_96 = arith.constant 632 : i32
      %mul3A_97 = arith.muli %arg1, %mul3A_96 : i32
      %add3A_98 = arith.addi %mul3A_95, %mul3A_97 : i32
      %add3A_99 = arith.constant 0 : i32
      %add3A_100 = arith.addi %add3A_98, %add3A_99 : i32
      "tpu.region"() ({
        %run_scoped3A_200 = tpu.sem_alloc : memref<!tpu.dma_semaphore, #tpu.memory_space<semaphore_mem>>
        %dma_start3A = arith.constant 0 : i32
        %dma_start3A_201 = tpu.memref_slice %arg6[%add3A_100, %dma_start3A] : memref<20224x128xf32, #tpu.memory_space<hbm>> -> memref<64x128xf32, #tpu.memory_space<hbm>>
        %dma_start3A_202 = arith.constant 0 : i32
        %dma_start3A_203 = tpu.memref_slice %arg7[%add3A_93, %dma_start3A_202] : memref<10112x128xf32, #tpu.memory_space<vmem_shared>> -> memref<64x128xf32, #tpu.memory_space<vmem_shared>>
        tpu.enqueue_dma source(%dma_start3A_203 : memref<64x128xf32, #tpu.memory_space<vmem_shared>>) target(%dma_start3A_201 : memref<64x128xf32, #tpu.memory_space<hbm>>) target_semaphore(%run_scoped3A_200 : memref<!tpu.dma_semaphore, #tpu.memory_space<semaphore_mem>>)
        %dma_wait3A = arith.constant 0 : i32
        %dma_wait3A_204 = tpu.memref_slice %arg6[%add3A_100, %dma_wait3A] : memref<20224x128xf32, #tpu.memory_space<hbm>> -> memref<64x128xf32, #tpu.memory_space<hbm>>
        %dma_wait3A_205 = arith.constant 0 : i32
        %dma_wait3A_206 = tpu.memref_slice %arg7[%add3A_93, %dma_wait3A_205] : memref<10112x128xf32, #tpu.memory_space<vmem_shared>> -> memref<64x128xf32, #tpu.memory_space<vmem_shared>>
        tpu.wait_dma2 semaphore(%run_scoped3A_200 : memref<!tpu.dma_semaphore, #tpu.memory_space<semaphore_mem>>) src(%dma_wait3A_206 : memref<64x128xf32, #tpu.memory_space<vmem_shared>>) dst(%dma_wait3A_204 : memref<64x128xf32, #tpu.memory_space<hbm>>)
        tpu.yield
      }) : () -> ()
      %mul3A_101 = arith.constant 632 : i32
      %mul3A_102 = arith.muli %arg1, %mul3A_101 : i32
      %add3A_103 = arith.constant 64 : i32
      %add3A_104 = arith.addi %mul3A_102, %add3A_103 : i32
      %mul3A_105 = arith.constant 10112 : i32
      %mul3A_106 = arith.muli %arg0, %mul3A_105 : i32
      %mul3A_107 = arith.constant 632 : i32
      %mul3A_108 = arith.muli %arg1, %mul3A_107 : i32
      %add3A_109 = arith.addi %mul3A_106, %mul3A_108 : i32
      %add3A_110 = arith.constant 64 : i32
      %add3A_111 = arith.addi %add3A_109, %add3A_110 : i32
      "tpu.region"() ({
        %run_scoped3A_200 = tpu.sem_alloc : memref<!tpu.dma_semaphore, #tpu.memory_space<semaphore_mem>>
        %dma_start3A = arith.constant 0 : i32
        %dma_start3A_201 = tpu.memref_slice %arg6[%add3A_111, %dma_start3A] : memref<20224x128xf32, #tpu.memory_space<hbm>> -> memref<64x128xf32, #tpu.memory_space<hbm>>
        %dma_start3A_202 = arith.constant 0 : i32
        %dma_start3A_203 = tpu.memref_slice %arg7[%add3A_104, %dma_start3A_202] : memref<10112x128xf32, #tpu.memory_space<vmem_shared>> -> memref<64x128xf32, #tpu.memory_space<vmem_shared>>
        tpu.enqueue_dma source(%dma_start3A_203 : memref<64x128xf32, #tpu.memory_space<vmem_shared>>) target(%dma_start3A_201 : memref<64x128xf32, #tpu.memory_space<hbm>>) target_semaphore(%run_scoped3A_200 : memref<!tpu.dma_semaphore, #tpu.memory_space<semaphore_mem>>)
        %dma_wait3A = arith.constant 0 : i32
        %dma_wait3A_204 = tpu.memref_slice %arg6[%add3A_111, %dma_wait3A] : memref<20224x128xf32, #tpu.memory_space<hbm>> -> memref<64x128xf32, #tpu.memory_space<hbm>>
        %dma_wait3A_205 = arith.constant 0 : i32
        %dma_wait3A_206 = tpu.memref_slice %arg7[%add3A_104, %dma_wait3A_205] : memref<10112x128xf32, #tpu.memory_space<vmem_shared>> -> memref<64x128xf32, #tpu.memory_space<vmem_shared>>
        tpu.wait_dma2 semaphore(%run_scoped3A_200 : memref<!tpu.dma_semaphore, #tpu.memory_space<semaphore_mem>>) src(%dma_wait3A_206 : memref<64x128xf32, #tpu.memory_space<vmem_shared>>) dst(%dma_wait3A_204 : memref<64x128xf32, #tpu.memory_space<hbm>>)
        tpu.yield
      }) : () -> ()
      %mul3A_112 = arith.constant 632 : i32
      %mul3A_113 = arith.muli %arg1, %mul3A_112 : i32
      %add3A_114 = arith.constant 128 : i32
      %add3A_115 = arith.addi %mul3A_113, %add3A_114 : i32
      %mul3A_116 = arith.constant 10112 : i32
      %mul3A_117 = arith.muli %arg0, %mul3A_116 : i32
      %mul3A_118 = arith.constant 632 : i32
      %mul3A_119 = arith.muli %arg1, %mul3A_118 : i32
      %add3A_120 = arith.addi %mul3A_117, %mul3A_119 : i32
      %add3A_121 = arith.constant 128 : i32
      %add3A_122 = arith.addi %add3A_120, %add3A_121 : i32
      "tpu.region"() ({
        %run_scoped3A_200 = tpu.sem_alloc : memref<!tpu.dma_semaphore, #tpu.memory_space<semaphore_mem>>
        %dma_start3A = arith.constant 0 : i32
        %dma_start3A_201 = tpu.memref_slice %arg6[%add3A_122, %dma_start3A] : memref<20224x128xf32, #tpu.memory_space<hbm>> -> memref<64x128xf32, #tpu.memory_space<hbm>>
        %dma_start3A_202 = arith.constant 0 : i32
        %dma_start3A_203 = tpu.memref_slice %arg7[%add3A_115, %dma_start3A_202] : memref<10112x128xf32, #tpu.memory_space<vmem_shared>> -> memref<64x128xf32, #tpu.memory_space<vmem_shared>>
        tpu.enqueue_dma source(%dma_start3A_203 : memref<64x128xf32, #tpu.memory_space<vmem_shared>>) target(%dma_start3A_201 : memref<64x128xf32, #tpu.memory_space<hbm>>) target_semaphore(%run_scoped3A_200 : memref<!tpu.dma_semaphore, #tpu.memory_space<semaphore_mem>>)
        %dma_wait3A = arith.constant 0 : i32
        %dma_wait3A_204 = tpu.memref_slice %arg6[%add3A_122, %dma_wait3A] : memref<20224x128xf32, #tpu.memory_space<hbm>> -> memref<64x128xf32, #tpu.memory_space<hbm>>
        %dma_wait3A_205 = arith.constant 0 : i32
        %dma_wait3A_206 = tpu.memref_slice %arg7[%add3A_115, %dma_wait3A_205] : memref<10112x128xf32, #tpu.memory_space<vmem_shared>> -> memref<64x128xf32, #tpu.memory_space<vmem_shared>>
        tpu.wait_dma2 semaphore(%run_scoped3A_200 : memref<!tpu.dma_semaphore, #tpu.memory_space<semaphore_mem>>) src(%dma_wait3A_206 : memref<64x128xf32, #tpu.memory_space<vmem_shared>>) dst(%dma_wait3A_204 : memref<64x128xf32, #tpu.memory_space<hbm>>)
        tpu.yield
      }) : () -> ()
      %mul3A_123 = arith.constant 632 : i32
      %mul3A_124 = arith.muli %arg1, %mul3A_123 : i32
      %add3A_125 = arith.constant 192 : i32
      %add3A_126 = arith.addi %mul3A_124, %add3A_125 : i32
      %mul3A_127 = arith.constant 10112 : i32
      %mul3A_128 = arith.muli %arg0, %mul3A_127 : i32
      %mul3A_129 = arith.constant 632 : i32
      %mul3A_130 = arith.muli %arg1, %mul3A_129 : i32
      %add3A_131 = arith.addi %mul3A_128, %mul3A_130 : i32
      %add3A_132 = arith.constant 192 : i32
      %add3A_133 = arith.addi %add3A_131, %add3A_132 : i32
      "tpu.region"() ({
        %run_scoped3A_200 = tpu.sem_alloc : memref<!tpu.dma_semaphore, #tpu.memory_space<semaphore_mem>>
        %dma_start3A = arith.constant 0 : i32
        %dma_start3A_201 = tpu.memref_slice %arg6[%add3A_133, %dma_start3A] : memref<20224x128xf32, #tpu.memory_space<hbm>> -> memref<64x128xf32, #tpu.memory_space<hbm>>
        %dma_start3A_202 = arith.constant 0 : i32
        %dma_start3A_203 = tpu.memref_slice %arg7[%add3A_126, %dma_start3A_202] : memref<10112x128xf32, #tpu.memory_space<vmem_shared>> -> memref<64x128xf32, #tpu.memory_space<vmem_shared>>
        tpu.enqueue_dma source(%dma_start3A_203 : memref<64x128xf32, #tpu.memory_space<vmem_shared>>) target(%dma_start3A_201 : memref<64x128xf32, #tpu.memory_space<hbm>>) target_semaphore(%run_scoped3A_200 : memref<!tpu.dma_semaphore, #tpu.memory_space<semaphore_mem>>)
        %dma_wait3A = arith.constant 0 : i32
        %dma_wait3A_204 = tpu.memref_slice %arg6[%add3A_133, %dma_wait3A] : memref<20224x128xf32, #tpu.memory_space<hbm>> -> memref<64x128xf32, #tpu.memory_space<hbm>>
        %dma_wait3A_205 = arith.constant 0 : i32
        %dma_wait3A_206 = tpu.memref_slice %arg7[%add3A_126, %dma_wait3A_205] : memref<10112x128xf32, #tpu.memory_space<vmem_shared>> -> memref<64x128xf32, #tpu.memory_space<vmem_shared>>
        tpu.wait_dma2 semaphore(%run_scoped3A_200 : memref<!tpu.dma_semaphore, #tpu.memory_space<semaphore_mem>>) src(%dma_wait3A_206 : memref<64x128xf32, #tpu.memory_space<vmem_shared>>) dst(%dma_wait3A_204 : memref<64x128xf32, #tpu.memory_space<hbm>>)
        tpu.yield
      }) : () -> ()
      %mul3A_134 = arith.constant 632 : i32
      %mul3A_135 = arith.muli %arg1, %mul3A_134 : i32
      %add3A_136 = arith.constant 256 : i32
      %add3A_137 = arith.addi %mul3A_135, %add3A_136 : i32
      %mul3A_138 = arith.constant 10112 : i32
      %mul3A_139 = arith.muli %arg0, %mul3A_138 : i32
      %mul3A_140 = arith.constant 632 : i32
      %mul3A_141 = arith.muli %arg1, %mul3A_140 : i32
      %add3A_142 = arith.addi %mul3A_139, %mul3A_141 : i32
      %add3A_143 = arith.constant 256 : i32
      %add3A_144 = arith.addi %add3A_142, %add3A_143 : i32
      "tpu.region"() ({
        %run_scoped3A_200 = tpu.sem_alloc : memref<!tpu.dma_semaphore, #tpu.memory_space<semaphore_mem>>
        %dma_start3A = arith.constant 0 : i32
        %dma_start3A_201 = tpu.memref_slice %arg6[%add3A_144, %dma_start3A] : memref<20224x128xf32, #tpu.memory_space<hbm>> -> memref<64x128xf32, #tpu.memory_space<hbm>>
        %dma_start3A_202 = arith.constant 0 : i32
        %dma_start3A_203 = tpu.memref_slice %arg7[%add3A_137, %dma_start3A_202] : memref<10112x128xf32, #tpu.memory_space<vmem_shared>> -> memref<64x128xf32, #tpu.memory_space<vmem_shared>>
        tpu.enqueue_dma source(%dma_start3A_203 : memref<64x128xf32, #tpu.memory_space<vmem_shared>>) target(%dma_start3A_201 : memref<64x128xf32, #tpu.memory_space<hbm>>) target_semaphore(%run_scoped3A_200 : memref<!tpu.dma_semaphore, #tpu.memory_space<semaphore_mem>>)
        %dma_wait3A = arith.constant 0 : i32
        %dma_wait3A_204 = tpu.memref_slice %arg6[%add3A_144, %dma_wait3A] : memref<20224x128xf32, #tpu.memory_space<hbm>> -> memref<64x128xf32, #tpu.memory_space<hbm>>
        %dma_wait3A_205 = arith.constant 0 : i32
        %dma_wait3A_206 = tpu.memref_slice %arg7[%add3A_137, %dma_wait3A_205] : memref<10112x128xf32, #tpu.memory_space<vmem_shared>> -> memref<64x128xf32, #tpu.memory_space<vmem_shared>>
        tpu.wait_dma2 semaphore(%run_scoped3A_200 : memref<!tpu.dma_semaphore, #tpu.memory_space<semaphore_mem>>) src(%dma_wait3A_206 : memref<64x128xf32, #tpu.memory_space<vmem_shared>>) dst(%dma_wait3A_204 : memref<64x128xf32, #tpu.memory_space<hbm>>)
        tpu.yield
      }) : () -> ()
      %mul3A_145 = arith.constant 632 : i32
      %mul3A_146 = arith.muli %arg1, %mul3A_145 : i32
      %add3A_147 = arith.constant 320 : i32
      %add3A_148 = arith.addi %mul3A_146, %add3A_147 : i32
      %mul3A_149 = arith.constant 10112 : i32
      %mul3A_150 = arith.muli %arg0, %mul3A_149 : i32
      %mul3A_151 = arith.constant 632 : i32
      %mul3A_152 = arith.muli %arg1, %mul3A_151 : i32
      %add3A_153 = arith.addi %mul3A_150, %mul3A_152 : i32
      %add3A_154 = arith.constant 320 : i32
      %add3A_155 = arith.addi %add3A_153, %add3A_154 : i32
      "tpu.region"() ({
        %run_scoped3A_200 = tpu.sem_alloc : memref<!tpu.dma_semaphore, #tpu.memory_space<semaphore_mem>>
        %dma_start3A = arith.constant 0 : i32
        %dma_start3A_201 = tpu.memref_slice %arg6[%add3A_155, %dma_start3A] : memref<20224x128xf32, #tpu.memory_space<hbm>> -> memref<64x128xf32, #tpu.memory_space<hbm>>
        %dma_start3A_202 = arith.constant 0 : i32
        %dma_start3A_203 = tpu.memref_slice %arg7[%add3A_148, %dma_start3A_202] : memref<10112x128xf32, #tpu.memory_space<vmem_shared>> -> memref<64x128xf32, #tpu.memory_space<vmem_shared>>
        tpu.enqueue_dma source(%dma_start3A_203 : memref<64x128xf32, #tpu.memory_space<vmem_shared>>) target(%dma_start3A_201 : memref<64x128xf32, #tpu.memory_space<hbm>>) target_semaphore(%run_scoped3A_200 : memref<!tpu.dma_semaphore, #tpu.memory_space<semaphore_mem>>)
        %dma_wait3A = arith.constant 0 : i32
        %dma_wait3A_204 = tpu.memref_slice %arg6[%add3A_155, %dma_wait3A] : memref<20224x128xf32, #tpu.memory_space<hbm>> -> memref<64x128xf32, #tpu.memory_space<hbm>>
        %dma_wait3A_205 = arith.constant 0 : i32
        %dma_wait3A_206 = tpu.memref_slice %arg7[%add3A_148, %dma_wait3A_205] : memref<10112x128xf32, #tpu.memory_space<vmem_shared>> -> memref<64x128xf32, #tpu.memory_space<vmem_shared>>
        tpu.wait_dma2 semaphore(%run_scoped3A_200 : memref<!tpu.dma_semaphore, #tpu.memory_space<semaphore_mem>>) src(%dma_wait3A_206 : memref<64x128xf32, #tpu.memory_space<vmem_shared>>) dst(%dma_wait3A_204 : memref<64x128xf32, #tpu.memory_space<hbm>>)
        tpu.yield
      }) : () -> ()
      %mul3A_156 = arith.constant 632 : i32
      %mul3A_157 = arith.muli %arg1, %mul3A_156 : i32
      %add3A_158 = arith.constant 384 : i32
      %add3A_159 = arith.addi %mul3A_157, %add3A_158 : i32
      %mul3A_160 = arith.constant 10112 : i32
      %mul3A_161 = arith.muli %arg0, %mul3A_160 : i32
      %mul3A_162 = arith.constant 632 : i32
      %mul3A_163 = arith.muli %arg1, %mul3A_162 : i32
      %add3A_164 = arith.addi %mul3A_161, %mul3A_163 : i32
      %add3A_165 = arith.constant 384 : i32
      %add3A_166 = arith.addi %add3A_164, %add3A_165 : i32
      "tpu.region"() ({
        %run_scoped3A_200 = tpu.sem_alloc : memref<!tpu.dma_semaphore, #tpu.memory_space<semaphore_mem>>
        %dma_start3A = arith.constant 0 : i32
        %dma_start3A_201 = tpu.memref_slice %arg6[%add3A_166, %dma_start3A] : memref<20224x128xf32, #tpu.memory_space<hbm>> -> memref<64x128xf32, #tpu.memory_space<hbm>>
        %dma_start3A_202 = arith.constant 0 : i32
        %dma_start3A_203 = tpu.memref_slice %arg7[%add3A_159, %dma_start3A_202] : memref<10112x128xf32, #tpu.memory_space<vmem_shared>> -> memref<64x128xf32, #tpu.memory_space<vmem_shared>>
        tpu.enqueue_dma source(%dma_start3A_203 : memref<64x128xf32, #tpu.memory_space<vmem_shared>>) target(%dma_start3A_201 : memref<64x128xf32, #tpu.memory_space<hbm>>) target_semaphore(%run_scoped3A_200 : memref<!tpu.dma_semaphore, #tpu.memory_space<semaphore_mem>>)
        %dma_wait3A = arith.constant 0 : i32
        %dma_wait3A_204 = tpu.memref_slice %arg6[%add3A_166, %dma_wait3A] : memref<20224x128xf32, #tpu.memory_space<hbm>> -> memref<64x128xf32, #tpu.memory_space<hbm>>
        %dma_wait3A_205 = arith.constant 0 : i32
        %dma_wait3A_206 = tpu.memref_slice %arg7[%add3A_159, %dma_wait3A_205] : memref<10112x128xf32, #tpu.memory_space<vmem_shared>> -> memref<64x128xf32, #tpu.memory_space<vmem_shared>>
        tpu.wait_dma2 semaphore(%run_scoped3A_200 : memref<!tpu.dma_semaphore, #tpu.memory_space<semaphore_mem>>) src(%dma_wait3A_206 : memref<64x128xf32, #tpu.memory_space<vmem_shared>>) dst(%dma_wait3A_204 : memref<64x128xf32, #tpu.memory_space<hbm>>)
        tpu.yield
      }) : () -> ()
      %mul3A_167 = arith.constant 632 : i32
      %mul3A_168 = arith.muli %arg1, %mul3A_167 : i32
      %add3A_169 = arith.constant 448 : i32
      %add3A_170 = arith.addi %mul3A_168, %add3A_169 : i32
      %mul3A_171 = arith.constant 10112 : i32
      %mul3A_172 = arith.muli %arg0, %mul3A_171 : i32
      %mul3A_173 = arith.constant 632 : i32
      %mul3A_174 = arith.muli %arg1, %mul3A_173 : i32
      %add3A_175 = arith.addi %mul3A_172, %mul3A_174 : i32
      %add3A_176 = arith.constant 448 : i32
      %add3A_177 = arith.addi %add3A_175, %add3A_176 : i32
      "tpu.region"() ({
        %run_scoped3A_200 = tpu.sem_alloc : memref<!tpu.dma_semaphore, #tpu.memory_space<semaphore_mem>>
        %dma_start3A = arith.constant 0 : i32
        %dma_start3A_201 = tpu.memref_slice %arg6[%add3A_177, %dma_start3A] : memref<20224x128xf32, #tpu.memory_space<hbm>> -> memref<64x128xf32, #tpu.memory_space<hbm>>
        %dma_start3A_202 = arith.constant 0 : i32
        %dma_start3A_203 = tpu.memref_slice %arg7[%add3A_170, %dma_start3A_202] : memref<10112x128xf32, #tpu.memory_space<vmem_shared>> -> memref<64x128xf32, #tpu.memory_space<vmem_shared>>
        tpu.enqueue_dma source(%dma_start3A_203 : memref<64x128xf32, #tpu.memory_space<vmem_shared>>) target(%dma_start3A_201 : memref<64x128xf32, #tpu.memory_space<hbm>>) target_semaphore(%run_scoped3A_200 : memref<!tpu.dma_semaphore, #tpu.memory_space<semaphore_mem>>)
        %dma_wait3A = arith.constant 0 : i32
        %dma_wait3A_204 = tpu.memref_slice %arg6[%add3A_177, %dma_wait3A] : memref<20224x128xf32, #tpu.memory_space<hbm>> -> memref<64x128xf32, #tpu.memory_space<hbm>>
        %dma_wait3A_205 = arith.constant 0 : i32
        %dma_wait3A_206 = tpu.memref_slice %arg7[%add3A_170, %dma_wait3A_205] : memref<10112x128xf32, #tpu.memory_space<vmem_shared>> -> memref<64x128xf32, #tpu.memory_space<vmem_shared>>
        tpu.wait_dma2 semaphore(%run_scoped3A_200 : memref<!tpu.dma_semaphore, #tpu.memory_space<semaphore_mem>>) src(%dma_wait3A_206 : memref<64x128xf32, #tpu.memory_space<vmem_shared>>) dst(%dma_wait3A_204 : memref<64x128xf32, #tpu.memory_space<hbm>>)
        tpu.yield
      }) : () -> ()
      %mul3A_178 = arith.constant 632 : i32
      %mul3A_179 = arith.muli %arg1, %mul3A_178 : i32
      %add3A_180 = arith.constant 512 : i32
      %add3A_181 = arith.addi %mul3A_179, %add3A_180 : i32
      %mul3A_182 = arith.constant 10112 : i32
      %mul3A_183 = arith.muli %arg0, %mul3A_182 : i32
      %mul3A_184 = arith.constant 632 : i32
      %mul3A_185 = arith.muli %arg1, %mul3A_184 : i32
      %add3A_186 = arith.addi %mul3A_183, %mul3A_185 : i32
      %add3A_187 = arith.constant 512 : i32
      %add3A_188 = arith.addi %add3A_186, %add3A_187 : i32
      "tpu.region"() ({
        %run_scoped3A_200 = tpu.sem_alloc : memref<!tpu.dma_semaphore, #tpu.memory_space<semaphore_mem>>
        %dma_start3A = arith.constant 0 : i32
        %dma_start3A_201 = tpu.memref_slice %arg6[%add3A_188, %dma_start3A] : memref<20224x128xf32, #tpu.memory_space<hbm>> -> memref<64x128xf32, #tpu.memory_space<hbm>>
        %dma_start3A_202 = arith.constant 0 : i32
        %dma_start3A_203 = tpu.memref_slice %arg7[%add3A_181, %dma_start3A_202] : memref<10112x128xf32, #tpu.memory_space<vmem_shared>> -> memref<64x128xf32, #tpu.memory_space<vmem_shared>>
        tpu.enqueue_dma source(%dma_start3A_203 : memref<64x128xf32, #tpu.memory_space<vmem_shared>>) target(%dma_start3A_201 : memref<64x128xf32, #tpu.memory_space<hbm>>) target_semaphore(%run_scoped3A_200 : memref<!tpu.dma_semaphore, #tpu.memory_space<semaphore_mem>>)
        %dma_wait3A = arith.constant 0 : i32
        %dma_wait3A_204 = tpu.memref_slice %arg6[%add3A_188, %dma_wait3A] : memref<20224x128xf32, #tpu.memory_space<hbm>> -> memref<64x128xf32, #tpu.memory_space<hbm>>
        %dma_wait3A_205 = arith.constant 0 : i32
        %dma_wait3A_206 = tpu.memref_slice %arg7[%add3A_181, %dma_wait3A_205] : memref<10112x128xf32, #tpu.memory_space<vmem_shared>> -> memref<64x128xf32, #tpu.memory_space<vmem_shared>>
        tpu.wait_dma2 semaphore(%run_scoped3A_200 : memref<!tpu.dma_semaphore, #tpu.memory_space<semaphore_mem>>) src(%dma_wait3A_206 : memref<64x128xf32, #tpu.memory_space<vmem_shared>>) dst(%dma_wait3A_204 : memref<64x128xf32, #tpu.memory_space<hbm>>)
        tpu.yield
      }) : () -> ()
      %mul3A_189 = arith.constant 632 : i32
      %mul3A_190 = arith.muli %arg1, %mul3A_189 : i32
      %add3A_191 = arith.constant 576 : i32
      %add3A_192 = arith.addi %mul3A_190, %add3A_191 : i32
      %mul3A_193 = arith.constant 10112 : i32
      %mul3A_194 = arith.muli %arg0, %mul3A_193 : i32
      %mul3A_195 = arith.constant 632 : i32
      %mul3A_196 = arith.muli %arg1, %mul3A_195 : i32
      %add3A_197 = arith.addi %mul3A_194, %mul3A_196 : i32
      %add3A_198 = arith.constant 576 : i32
      %add3A_199 = arith.addi %add3A_197, %add3A_198 : i32
      "tpu.region"() ({
        %run_scoped3A_200 = tpu.sem_alloc : memref<!tpu.dma_semaphore, #tpu.memory_space<semaphore_mem>>
        %dma_start3A = arith.constant 0 : i32
        %dma_start3A_201 = tpu.memref_slice %arg6[%add3A_199, %dma_start3A] : memref<20224x128xf32, #tpu.memory_space<hbm>> -> memref<56x128xf32, #tpu.memory_space<hbm>>
        %dma_start3A_202 = arith.constant 0 : i32
        %dma_start3A_203 = tpu.memref_slice %arg7[%add3A_192, %dma_start3A_202] : memref<10112x128xf32, #tpu.memory_space<vmem_shared>> -> memref<56x128xf32, #tpu.memory_space<vmem_shared>>
        tpu.enqueue_dma source(%dma_start3A_203 : memref<56x128xf32, #tpu.memory_space<vmem_shared>>) target(%dma_start3A_201 : memref<56x128xf32, #tpu.memory_space<hbm>>) target_semaphore(%run_scoped3A_200 : memref<!tpu.dma_semaphore, #tpu.memory_space<semaphore_mem>>)
        %dma_wait3A = arith.constant 0 : i32
        %dma_wait3A_204 = tpu.memref_slice %arg6[%add3A_199, %dma_wait3A] : memref<20224x128xf32, #tpu.memory_space<hbm>> -> memref<56x128xf32, #tpu.memory_space<hbm>>
        %dma_wait3A_205 = arith.constant 0 : i32
        %dma_wait3A_206 = tpu.memref_slice %arg7[%add3A_192, %dma_wait3A_205] : memref<10112x128xf32, #tpu.memory_space<vmem_shared>> -> memref<56x128xf32, #tpu.memory_space<vmem_shared>>
        tpu.wait_dma2 semaphore(%run_scoped3A_200 : memref<!tpu.dma_semaphore, #tpu.memory_space<semaphore_mem>>) src(%dma_wait3A_206 : memref<56x128xf32, #tpu.memory_space<vmem_shared>>) dst(%dma_wait3A_204 : memref<56x128xf32, #tpu.memory_space<hbm>>)
        tpu.yield
      }) : () -> ()
      tpu.yield
    }) : () -> ()
    return
  }
}

module attributes {stable_mosaic.version = 14 : i64} {
  func.func @_tc1_body(%arg0: i32, %arg1: memref<1000x128xf32, #tpu.memory_space<vmem>>, %arg2: memref<128x128xf32, #tpu.memory_space<vmem>>, %arg3: memref<2x1000x16xf32, #tpu.memory_space<vmem>>, %arg4: memref<1000x128xf32, #tpu.memory_space<vmem>>, %arg5: memref<1000x16xf32, #tpu.memory_space<vmem>>) attributes {dimension_semantics = [#tpu.dimension_semantics<arbitrary>], iteration_bounds = array<i64: 10>, scalar_prefetch = 0 : i64, scratch_operands = 0 : i64, tpu.core_type = #tpu.core_type<tc>, window_params = [{transform_indices = @transform_0, window_bounds = array<i64: 1000, 128>}, {pipeline_mode = #tpu.pipeline_mode<synchronous>, transform_indices = @transform_1, window_bounds = array<i64: 128, 128>}, {transform_indices = @transform_2, window_bounds = array<i64: 2, 1000, 16>}, {transform_indices = @transform_3, window_bounds = array<i64: 1000, 128>}, {transform_indices = @transform_4, window_bounds = array<i64: 1000, 16>}]} {
    %get3A = arith.constant 0 : index
    %get3A_0 = arith.constant 0 : index
    %get3A_1 = arith.constant 0 : index
    %get3A_2 = vector.load %arg3[%get3A, %get3A_0, %get3A_1] : memref<2x1000x16xf32, #tpu.memory_space<vmem>>, vector<1x1000x16xf32>
    %get3A_3 = vector.shape_cast %get3A_2 : vector<1x1000x16xf32> to vector<1000x16xf32>
    %add3A = arith.constant 1.000000e+00 : f32
    %add3A_4 = vector.broadcast %add3A : f32 to vector<1000x16xf32>
    %add3A_5 = arith.addf %add3A_4, %get3A_3 : vector<1000x16xf32>
    %get3A_6 = arith.constant 1 : index
    %get3A_7 = arith.constant 0 : index
    %get3A_8 = arith.constant 0 : index
    %get3A_9 = vector.load %arg3[%get3A_6, %get3A_7, %get3A_8] : memref<2x1000x16xf32, #tpu.memory_space<vmem>>, vector<1x1000x16xf32>
    %get3A_10 = vector.shape_cast %get3A_9 : vector<1x1000x16xf32> to vector<1000x16xf32>
    %add3A_11 = arith.addf %add3A_5, %get3A_10 : vector<1000x16xf32>
    %rsqrt3A = math.rsqrt %add3A_11 : vector<1000x16xf32>
    %swap3A = arith.constant 0 : index
    %swap3A_12 = arith.constant 0 : index
    %swap3A_13 = vector.load %arg5[%swap3A, %swap3A_12] : memref<1000x16xf32, #tpu.memory_space<vmem>>, vector<1000x16xf32>
    tpu.vector_store %arg5[%swap3A, %swap3A_12], %rsqrt3A {strides = array<i32>} : memref<1000x16xf32, #tpu.memory_space<vmem>>, vector<1000x16xf32>,
    %slice3A = vector.extract_strided_slice %rsqrt3A {offsets = [0, 0], sizes = [1000, 1], strides = [1, 1]} : vector<1000x16xf32> to vector<1000x1xf32>
    %get3A_14 = arith.constant 0 : index
    %get3A_15 = arith.constant 0 : index
    %get3A_16 = vector.load %arg1[%get3A_14, %get3A_15] : memref<1000x128xf32, #tpu.memory_space<vmem>>, vector<1000x128xf32>
    %get3A_17 = arith.constant 0 : index
    %get3A_18 = arith.constant 0 : index
    %get3A_19 = vector.load %arg2[%get3A_17, %get3A_18] : memref<128x128xf32, #tpu.memory_space<vmem>>, vector<128x128xf32>
    %dot_general3A = arith.constant dense<0.000000e+00> : vector<1000x128xf32>
    %dot_general3A_20 = tpu.matmul %get3A_16, %get3A_19, %dot_general3A {dimension_numbers = #tpu.dot_dimension_numbers<[1], [0], [0], [1], [0, 0, 1, 1], [], []>, transpose_lhs_hint = false} : vector<1000x128xf32>, vector<128x128xf32>, vector<1000x128xf32> -> vector<1000x128xf32>
    %mul3A = vector.broadcast %slice3A : vector<1000x1xf32> to vector<1000x128xf32>
    %mul3A_21 = arith.mulf %mul3A, %dot_general3A_20 : vector<1000x128xf32>
    %swap3A_22 = arith.constant 0 : index
    %swap3A_23 = arith.constant 0 : index
    %swap3A_24 = vector.load %arg4[%swap3A_22, %swap3A_23] : memref<1000x128xf32, #tpu.memory_space<vmem>>, vector<1000x128xf32>
    tpu.vector_store %arg4[%swap3A_22, %swap3A_23], %mul3A_21 {strides = array<i32>} : memref<1000x128xf32, #tpu.memory_space<vmem>>, vector<1000x128xf32>,
    return
  }
  func.func @transform_0(%arg0: i32) -> (i32, i32) {
    %c0_i32 = arith.constant 0 : i32
    %c0_i32_0 = arith.constant 0 : i32
    return %arg0, %c0_i32 : i32, i32
  }
  func.func @transform_1(%arg0: i32) -> (i32, i32) {
    %c0_i32 = arith.constant 0 : i32
    %c0_i32_0 = arith.constant 0 : i32
    %c0_i32_1 = arith.constant 0 : i32
    return %c0_i32, %c0_i32_0 : i32, i32
  }
  func.func @transform_2(%arg0: i32) -> (i32, i32, i32) {
    %c0_i32 = arith.constant 0 : i32
    %c0_i32_0 = arith.constant 0 : i32
    %c0_i32_1 = arith.constant 0 : i32
    return %c0_i32, %arg0, %c0_i32_0 : i32, i32, i32
  }
  func.func @transform_3(%arg0: i32) -> (i32, i32) {
    %c0_i32 = arith.constant 0 : i32
    %c0_i32_0 = arith.constant 0 : i32
    return %arg0, %c0_i32 : i32, i32
  }
  func.func @transform_4(%arg0: i32) -> (i32, i32) {
    %c0_i32 = arith.constant 0 : i32
    %c0_i32_0 = arith.constant 0 : i32
    return %arg0, %c0_i32 : i32, i32
  }
}

module attributes {stable_mosaic.version = 14 : i64} {
  func.func @_tc2_body(%arg0: i32, %arg1: memref<2x1000x128xf32, #tpu.memory_space<vmem>>, %arg2: memref<1000x128xf32, #tpu.memory_space<vmem>>, %arg3: memref<1000x16xf32, #tpu.memory_space<vmem>>, %arg4: memref<1x128xf32, #tpu.memory_space<vmem>>, %arg5: memref<128x128xf32, #tpu.memory_space<vmem>>, %arg6: memref<1000x128xf32, #tpu.memory_space<vmem>>) attributes {dimension_semantics = [#tpu.dimension_semantics<arbitrary>], iteration_bounds = array<i64: 10>, scalar_prefetch = 0 : i64, scratch_operands = 0 : i64, tpu.core_type = #tpu.core_type<tc>, window_params = [{transform_indices = @transform_0, window_bounds = array<i64: 2, 1000, 128>}, {transform_indices = @transform_1, window_bounds = array<i64: 1000, 128>}, {transform_indices = @transform_2, window_bounds = array<i64: 1000, 16>}, {pipeline_mode = #tpu.pipeline_mode<synchronous>, transform_indices = @transform_3, window_bounds = array<i64: 1, 128>}, {pipeline_mode = #tpu.pipeline_mode<synchronous>, transform_indices = @transform_4, window_bounds = array<i64: 128, 128>}, {transform_indices = @transform_5, window_bounds = array<i64: 1000, 128>}]} {
    %get3A = arith.constant 0 : index
    %get3A_0 = arith.constant 0 : index
    %get3A_1 = vector.load %arg3[%get3A, %get3A_0] : memref<1000x16xf32, #tpu.memory_space<vmem>>, vector<1000x1xf32>
    %get3A_2 = arith.constant 0 : index
    %get3A_3 = arith.constant 0 : index
    %get3A_4 = arith.constant 0 : index
    %get3A_5 = vector.load %arg1[%get3A_2, %get3A_3, %get3A_4] : memref<2x1000x128xf32, #tpu.memory_space<vmem>>, vector<1x1000x128xf32>
    %get3A_6 = vector.shape_cast %get3A_5 : vector<1x1000x128xf32> to vector<1000x128xf32>
    %get3A_7 = arith.constant 1 : index
    %get3A_8 = arith.constant 0 : index
    %get3A_9 = arith.constant 0 : index
    %get3A_10 = vector.load %arg1[%get3A_7, %get3A_8, %get3A_9] : memref<2x1000x128xf32, #tpu.memory_space<vmem>>, vector<1x1000x128xf32>
    %get3A_11 = vector.shape_cast %get3A_10 : vector<1x1000x128xf32> to vector<1000x128xf32>
    %add3A = arith.addf %get3A_6, %get3A_11 : vector<1000x128xf32>
    %get3A_12 = arith.constant 0 : index
    %get3A_13 = arith.constant 0 : index
    %get3A_14 = vector.load %arg2[%get3A_12, %get3A_13] : memref<1000x128xf32, #tpu.memory_space<vmem>>, vector<1000x128xf32>
    %add3A_15 = arith.addf %add3A, %get3A_14 : vector<1000x128xf32>
    %mul3A = vector.broadcast %get3A_1 : vector<1000x1xf32> to vector<1000x128xf32>
    %mul3A_16 = arith.mulf %mul3A, %add3A_15 : vector<1000x128xf32>
    %get3A_17 = arith.constant 0 : index
    %get3A_18 = arith.constant 0 : index
    %get3A_19 = vector.load %arg4[%get3A_17, %get3A_18] : memref<1x128xf32, #tpu.memory_space<vmem>>, vector<1x128xf32>
    %add3A_20 = vector.broadcast %get3A_19 : vector<1x128xf32> to vector<1000x128xf32>
    %add3A_21 = arith.addf %mul3A_16, %add3A_20 : vector<1000x128xf32>
    %max3A = arith.constant 0.000000e+00 : f32
    %max3A_22 = vector.broadcast %max3A : f32 to vector<1000x128xf32>
    %max3A_23 = arith.maximumf %add3A_21, %max3A_22 : vector<1000x128xf32>
    %get3A_24 = arith.constant 0 : index
    %get3A_25 = arith.constant 0 : index
    %get3A_26 = vector.load %arg5[%get3A_24, %get3A_25] : memref<128x128xf32, #tpu.memory_space<vmem>>, vector<128x128xf32>
    %dot_general3A = arith.constant dense<0.000000e+00> : vector<1000x128xf32>
    %dot_general3A_27 = tpu.matmul %max3A_23, %get3A_26, %dot_general3A {dimension_numbers = #tpu.dot_dimension_numbers<[1], [0], [0], [1], [0, 0, 1, 1], [], []>, transpose_lhs_hint = false} : vector<1000x128xf32>, vector<128x128xf32>, vector<1000x128xf32> -> vector<1000x128xf32>
    %mul3A_28 = vector.broadcast %get3A_1 : vector<1000x1xf32> to vector<1000x128xf32>
    %mul3A_29 = arith.mulf %mul3A_28, %dot_general3A_27 : vector<1000x128xf32>
    %swap3A = arith.constant 0 : index
    %swap3A_30 = arith.constant 0 : index
    %swap3A_31 = vector.load %arg6[%swap3A, %swap3A_30] : memref<1000x128xf32, #tpu.memory_space<vmem>>, vector<1000x128xf32>
    tpu.vector_store %arg6[%swap3A, %swap3A_30], %mul3A_29 {strides = array<i32>} : memref<1000x128xf32, #tpu.memory_space<vmem>>, vector<1000x128xf32>,
    return
  }
  func.func @transform_0(%arg0: i32) -> (i32, i32, i32) {
    %c0_i32 = arith.constant 0 : i32
    %c0_i32_0 = arith.constant 0 : i32
    %c0_i32_1 = arith.constant 0 : i32
    return %c0_i32, %arg0, %c0_i32_0 : i32, i32, i32
  }
  func.func @transform_1(%arg0: i32) -> (i32, i32) {
    %c0_i32 = arith.constant 0 : i32
    %c0_i32_0 = arith.constant 0 : i32
    return %arg0, %c0_i32 : i32, i32
  }
  func.func @transform_2(%arg0: i32) -> (i32, i32) {
    %c0_i32 = arith.constant 0 : i32
    %c0_i32_0 = arith.constant 0 : i32
    return %arg0, %c0_i32 : i32, i32
  }
  func.func @transform_3(%arg0: i32) -> (i32, i32) {
    %c0_i32 = arith.constant 0 : i32
    %c0_i32_0 = arith.constant 0 : i32
    %c0_i32_1 = arith.constant 0 : i32
    return %c0_i32, %c0_i32_0 : i32, i32
  }
  func.func @transform_4(%arg0: i32) -> (i32, i32) {
    %c0_i32 = arith.constant 0 : i32
    %c0_i32_0 = arith.constant 0 : i32
    %c0_i32_1 = arith.constant 0 : i32
    return %c0_i32, %c0_i32_0 : i32, i32
  }
  func.func @transform_5(%arg0: i32) -> (i32, i32) {
    %c0_i32 = arith.constant 0 : i32
    %c0_i32_0 = arith.constant 0 : i32
    return %arg0, %c0_i32 : i32, i32
  }
}

module attributes {stable_mosaic.version = 14 : i64} {
  func.func @_tc3_body(%arg0: i32, %arg1: memref<2x1000x128xf32, #tpu.memory_space<vmem>>, %arg2: memref<1000x128xf32, #tpu.memory_space<vmem>>, %arg3: memref<1000x16xf32, #tpu.memory_space<vmem>>, %arg4: memref<2x1000x16xf32, #tpu.memory_space<vmem>>, %arg5: memref<1x128xf32, #tpu.memory_space<vmem>>, %arg6: memref<128x128xf32, #tpu.memory_space<vmem>>, %arg7: memref<1x128xf32, #tpu.memory_space<vmem>>, %arg8: memref<1x128xf32, #tpu.memory_space<vmem>>, %arg9: memref<1x128xf32, #tpu.memory_space<vmem>>) attributes {dimension_semantics = [#tpu.dimension_semantics<arbitrary>], iteration_bounds = array<i64: 10>, scalar_prefetch = 0 : i64, scratch_operands = 1 : i64, tpu.core_type = #tpu.core_type<tc>, window_params = [{transform_indices = @transform_0, window_bounds = array<i64: 2, 1000, 128>}, {transform_indices = @transform_1, window_bounds = array<i64: 1000, 128>}, {transform_indices = @transform_2, window_bounds = array<i64: 1000, 16>}, {transform_indices = @transform_3, window_bounds = array<i64: 2, 1000, 16>}, {pipeline_mode = #tpu.pipeline_mode<synchronous>, transform_indices = @transform_4, window_bounds = array<i64: 1, 128>}, {pipeline_mode = #tpu.pipeline_mode<synchronous>, transform_indices = @transform_5, window_bounds = array<i64: 128, 128>}, {pipeline_mode = #tpu.pipeline_mode<synchronous>, transform_indices = @transform_6, window_bounds = array<i64: 1, 128>}, {pipeline_mode = #tpu.pipeline_mode<synchronous>, transform_indices = @transform_7, window_bounds = array<i64: 1, 128>}]} {
    %eq3A = arith.constant 0 : i32
    %eq3A_0 = arith.cmpi eq, %arg0, %eq3A : i32
    %convert_element_type3A = arith.extui %eq3A_0 : i1 to i32
    %cond3A = arith.constant 0 : i32
    %cond3A_1 = arith.cmpi ne, %convert_element_type3A, %cond3A : i32
    scf.if %cond3A_1 {
      %broadcast_in_dim3A_54 = arith.constant 0.000000e+00 : f32
      %broadcast_in_dim3A_55 = vector.broadcast %broadcast_in_dim3A_54 : f32 to vector<1x128xf32>
      %swap3A_56 = arith.constant 0 : index
      %swap3A_57 = arith.constant 0 : index
      %swap3A_58 = vector.load %arg9[%swap3A_56, %swap3A_57] : memref<1x128xf32, #tpu.memory_space<vmem>>, vector<1x128xf32>
      tpu.vector_store %arg9[%swap3A_56, %swap3A_57], %broadcast_in_dim3A_55 {strides = array<i32>} : memref<1x128xf32, #tpu.memory_space<vmem>>, vector<1x128xf32>,
    } else {
    }
    %get3A = arith.constant 0 : index
    %get3A_2 = arith.constant 0 : index
    %get3A_3 = vector.load %arg3[%get3A, %get3A_2] : memref<1000x16xf32, #tpu.memory_space<vmem>>, vector<1000x16xf32>
    %slice3A = vector.extract_strided_slice %get3A_3 {offsets = [0, 0], sizes = [1000, 1], strides = [1, 1]} : vector<1000x16xf32> to vector<1000x1xf32>
    %get3A_4 = arith.constant 0 : index
    %get3A_5 = arith.constant 0 : index
    %get3A_6 = arith.constant 0 : index
    %get3A_7 = vector.load %arg1[%get3A_4, %get3A_5, %get3A_6] : memref<2x1000x128xf32, #tpu.memory_space<vmem>>, vector<1x1000x128xf32>
    %get3A_8 = vector.shape_cast %get3A_7 : vector<1x1000x128xf32> to vector<1000x128xf32>
    %get3A_9 = arith.constant 1 : index
    %get3A_10 = arith.constant 0 : index
    %get3A_11 = arith.constant 0 : index
    %get3A_12 = vector.load %arg1[%get3A_9, %get3A_10, %get3A_11] : memref<2x1000x128xf32, #tpu.memory_space<vmem>>, vector<1x1000x128xf32>
    %get3A_13 = vector.shape_cast %get3A_12 : vector<1x1000x128xf32> to vector<1000x128xf32>
    %add3A = arith.addf %get3A_8, %get3A_13 : vector<1000x128xf32>
    %get3A_14 = arith.constant 0 : index
    %get3A_15 = arith.constant 0 : index
    %get3A_16 = vector.load %arg2[%get3A_14, %get3A_15] : memref<1000x128xf32, #tpu.memory_space<vmem>>, vector<1000x128xf32>
    %add3A_17 = arith.addf %add3A, %get3A_16 : vector<1000x128xf32>
    %mul3A = vector.broadcast %slice3A : vector<1000x1xf32> to vector<1000x128xf32>
    %mul3A_18 = arith.mulf %mul3A, %add3A_17 : vector<1000x128xf32>
    %get3A_19 = arith.constant 0 : index
    %get3A_20 = arith.constant 0 : index
    %get3A_21 = vector.load %arg5[%get3A_19, %get3A_20] : memref<1x128xf32, #tpu.memory_space<vmem>>, vector<1x128xf32>
    %add3A_22 = vector.broadcast %get3A_21 : vector<1x128xf32> to vector<1000x128xf32>
    %add3A_23 = arith.addf %mul3A_18, %add3A_22 : vector<1000x128xf32>
    %max3A = arith.constant 0.000000e+00 : f32
    %max3A_24 = vector.broadcast %max3A : f32 to vector<1000x128xf32>
    %max3A_25 = arith.maximumf %add3A_23, %max3A_24 : vector<1000x128xf32>
    %get3A_26 = arith.constant 0 : index
    %get3A_27 = arith.constant 0 : index
    %get3A_28 = arith.constant 0 : index
    %get3A_29 = vector.load %arg4[%get3A_26, %get3A_27, %get3A_28] : memref<2x1000x16xf32, #tpu.memory_space<vmem>>, vector<1x1000x16xf32>
    %get3A_30 = vector.shape_cast %get3A_29 : vector<1x1000x16xf32> to vector<1000x16xf32>
    %add3A_31 = arith.addf %get3A_3, %get3A_30 : vector<1000x16xf32>
    %get3A_32 = arith.constant 1 : index
    %get3A_33 = arith.constant 0 : index
    %get3A_34 = arith.constant 0 : index
    %get3A_35 = vector.load %arg4[%get3A_32, %get3A_33, %get3A_34] : memref<2x1000x16xf32, #tpu.memory_space<vmem>>, vector<1x1000x16xf32>
    %get3A_36 = vector.shape_cast %get3A_35 : vector<1x1000x16xf32> to vector<1000x16xf32>
    %add3A_37 = arith.addf %add3A_31, %get3A_36 : vector<1000x16xf32>
    %mul3A_38 = arith.mulf %get3A_3, %add3A_37 : vector<1000x16xf32>
    %get3A_39 = arith.constant 0 : index
    %get3A_40 = arith.constant 0 : index
    %get3A_41 = vector.load %arg9[%get3A_39, %get3A_40] : memref<1x128xf32, #tpu.memory_space<vmem>>, vector<1x128xf32>
    %slice3A_42 = vector.extract_strided_slice %mul3A_38 {offsets = [0, 0], sizes = [1000, 1], strides = [1, 1]} : vector<1000x16xf32> to vector<1000x1xf32>
    %mul3A_43 = vector.broadcast %slice3A_42 : vector<1000x1xf32> to vector<1000x128xf32>
    %mul3A_44 = arith.mulf %mul3A_43, %max3A_25 : vector<1000x128xf32>
    %reduce_sum3A = arith.constant dense<0.000000e+00> : vector<128xf32>
    %reduce_sum3A_45 = vector.multi_reduction <add>, %mul3A_44, %reduce_sum3A [0] : vector<1000x128xf32> to vector<128xf32>
    %broadcast_in_dim3A = vector.shape_cast %reduce_sum3A_45 : vector<128xf32> to vector<1x128xf32>
    %add3A_46 = arith.addf %get3A_41, %broadcast_in_dim3A : vector<1x128xf32>
    %swap3A = arith.constant 0 : index
    %swap3A_47 = arith.constant 0 : index
    %swap3A_48 = vector.load %arg9[%swap3A, %swap3A_47] : memref<1x128xf32, #tpu.memory_space<vmem>>, vector<1x128xf32>
    tpu.vector_store %arg9[%swap3A, %swap3A_47], %add3A_46 {strides = array<i32>} : memref<1x128xf32, #tpu.memory_space<vmem>>, vector<1x128xf32>,
    %eq3A_49 = arith.constant 9 : i32
    %eq3A_50 = arith.cmpi eq, %arg0, %eq3A_49 : i32
    %convert_element_type3A_51 = arith.extui %eq3A_50 : i1 to i32
    %cond3A_52 = arith.constant 0 : i32
    %cond3A_53 = arith.cmpi ne, %convert_element_type3A_51, %cond3A_52 : i32
    scf.if %cond3A_53 {
      %get3A_54 = arith.constant 0 : index
      %get3A_55 = arith.constant 0 : index
      %get3A_56 = vector.load %arg9[%get3A_54, %get3A_55] : memref<1x128xf32, #tpu.memory_space<vmem>>, vector<1x128xf32>
      %get3A_57 = arith.constant 0 : index
      %get3A_58 = arith.constant 0 : index
      %get3A_59 = vector.load %arg6[%get3A_57, %get3A_58] : memref<128x128xf32, #tpu.memory_space<vmem>>, vector<128x128xf32>
      %dot_general3A = arith.constant dense<0.000000e+00> : vector<1x128xf32>
      %dot_general3A_60 = tpu.matmul %get3A_56, %get3A_59, %dot_general3A {dimension_numbers = #tpu.dot_dimension_numbers<[1], [0], [0], [1], [0, 0, 1, 1], [], []>, transpose_lhs_hint = false} : vector<1x128xf32>, vector<128x128xf32>, vector<1x128xf32> -> vector<1x128xf32>
      %mul3A_61 = arith.constant 9.99999974E-5 : f32
      %mul3A_62 = vector.broadcast %mul3A_61 : f32 to vector<1x128xf32>
      %mul3A_63 = arith.mulf %dot_general3A_60, %mul3A_62 : vector<1x128xf32>
      %get3A_64 = arith.constant 0 : index
      %get3A_65 = arith.constant 0 : index
      %get3A_66 = vector.load %arg7[%get3A_64, %get3A_65] : memref<1x128xf32, #tpu.memory_space<vmem>>, vector<1x128xf32>
      %add3A_67 = arith.addf %mul3A_63, %get3A_66 : vector<1x128xf32>
      %swap3A_68 = arith.constant 0 : index
      %swap3A_69 = arith.constant 0 : index
      %swap3A_70 = vector.load %arg8[%swap3A_68, %swap3A_69] : memref<1x128xf32, #tpu.memory_space<vmem>>, vector<1x128xf32>
      tpu.vector_store %arg8[%swap3A_68, %swap3A_69], %add3A_67 {strides = array<i32>} : memref<1x128xf32, #tpu.memory_space<vmem>>, vector<1x128xf32>,
    } else {
    }
    return
  }
  func.func @transform_0(%arg0: i32) -> (i32, i32, i32) {
    %c0_i32 = arith.constant 0 : i32
    %c0_i32_0 = arith.constant 0 : i32
    %c0_i32_1 = arith.constant 0 : i32
    return %c0_i32, %arg0, %c0_i32_0 : i32, i32, i32
  }
  func.func @transform_1(%arg0: i32) -> (i32, i32) {
    %c0_i32 = arith.constant 0 : i32
    %c0_i32_0 = arith.constant 0 : i32
    return %arg0, %c0_i32 : i32, i32
  }
  func.func @transform_2(%arg0: i32) -> (i32, i32) {
    %c0_i32 = arith.constant 0 : i32
    %c0_i32_0 = arith.constant 0 : i32
    return %arg0, %c0_i32 : i32, i32
  }
  func.func @transform_3(%arg0: i32) -> (i32, i32, i32) {
    %c0_i32 = arith.constant 0 : i32
    %c0_i32_0 = arith.constant 0 : i32
    %c0_i32_1 = arith.constant 0 : i32
    return %c0_i32, %arg0, %c0_i32_0 : i32, i32, i32
  }
  func.func @transform_4(%arg0: i32) -> (i32, i32) {
    %c0_i32 = arith.constant 0 : i32
    %c0_i32_0 = arith.constant 0 : i32
    %c0_i32_1 = arith.constant 0 : i32
    return %c0_i32, %c0_i32_0 : i32, i32
  }
  func.func @transform_5(%arg0: i32) -> (i32, i32) {
    %c0_i32 = arith.constant 0 : i32
    %c0_i32_0 = arith.constant 0 : i32
    %c0_i32_1 = arith.constant 0 : i32
    return %c0_i32, %c0_i32_0 : i32, i32
  }
  func.func @transform_6(%arg0: i32) -> (i32, i32) {
    %c0_i32 = arith.constant 0 : i32
    %c0_i32_0 = arith.constant 0 : i32
    %c0_i32_1 = arith.constant 0 : i32
    return %c0_i32, %c0_i32_0 : i32, i32
  }
  func.func @transform_7(%arg0: i32) -> (i32, i32) {
    %c0_i32 = arith.constant 0 : i32
    %c0_i32_0 = arith.constant 0 : i32
    %c0_i32_1 = arith.constant 0 : i32
    return %c0_i32, %c0_i32_0 : i32, i32
  }
}

</mosaic_0001>

<sc_bundles>
// kernel: kernel.11.cloned.1.call-start
scs
__scs_entry_jumppad:
0x0: {  	(pc) =	sbr.rel $0x88, $3  }
0x1: {  	(tag) =	ssettag $0x0;
	lr =	simm.s32 $0x1  }
0x2: {  	[smem:$0x3F99] =	sst lr;
	_ =	strace $0xD0000000  }
0x3: {  	_ = 	snop  }
0x4: {  	_ = 	snop  }
0x5: {  	_ = 	snop  }
0x6: {  	_ = 	snop  }
0x7: {  	_ = 	snop  }
__scs_overlays_trampoline_lowered:
0x8: {  	[smem:$0x3FA8] =	sst s0  }
0x9: {  	[smem:$0x3FA9] =	sst s1  }
0xa: {  	[smem:$0x3FAA] =	sst s2  }
0xb: {  	[smem:$0x3FAB] =	sst s3  }
0xc: {  	[smem:$0x3FAC] =	sst s4  }
0xd: {  	[smem:$0x3FAD] =	sst s5  }
0xe: {  	[smem:$0x3FAE] =	sst s6  }
0xf: {  	[smem:$0x3FAF] =	sst s7  }
0x10: {  	[smem:$0x3FB0] =	sst s8  }
0x11: {  	[smem:$0x3FB1] =	sst s9;
	s0 =	simm.s32 @!p0 $0x0  }
0x12: {  	s1 =	sld [smem:$0x3F97];
	s0 =	simm.s32 @p0 $0x1  }
0x13: {  	[smem:$0x3FB2] =	sst s0;
	s0 =	simm.s32 @!p1 $0x0  }
0x14: {  	s2 =	sld [smem:$0x3F96];
	s0 =	simm.s32 @p1 $0x1  }
0x15: {  	[smem:$0x3FB3] =	sst s0;
	s0 =	simm.s32 @!p2 $0x0  }
0x16: {  	s3 =	sld [smem:$0x3FDB];
	s0 =	simm.s32 @p2 $0x1  }
0x17: {  	s4 =	simm.s32 $0x1BF5;
	[smem:$0x3FB5] =	sst s0  }
0x18: {  	s0 =	sld [smem:$0x3F98];
	_ =	swait.ge [sflag:s4], $0x0  }
0x19: {  	s7 =	sld [smem:$0x3F99]  }
0x1a: {  	s8 =	sadd.s32 $0xFFFFE003, lr  }
0x1b: {  	s9 =	sadd.s32 $0xFFFFFEF7, lr;
	s5 =	simm.s32 $0xFFFFFFFF;
	p2 =	slt.u32 s8, $0xFFFFF086  }
0x1c: {  	p1 =	slt.u32 s9, $0xF7A;
	s5 =	simm.s32 @!p2 $0x0  }
0x1d: {  	s5 =	simm.s32 @p1 $0x1;
	p0 =	seq.s32 s7, s2  }
0x1e: {  	s7 =	smul.u32 @!p0 $0xF7A, s2;
	p2 =	seq.s32 @!p0 s5, $0x0  }
0x1f: {  	s9 =	smul.u32 $0xF7A, s1;
	s8 =	simm.s32 @!p0 $0x1BF5;
	p2 =	por !p2, p0  }
0x20: {  	[sflag:s8] =	ssyncset.s32 @!p0 $0xFFFFF086;
	s6 =	sadd.s32 @!p0 s3, s7;
	s7 =	simm.s32 @!p0 $0x108  }
0x21: {  	s3 =	sadd.s32 s3, s9;
	s6 =	sadd.s32 @!p0 $0x88, s6;
	s7 =	simm.s32 @p2 $0x1082  }
0x22: {  	[simem:s7], [sflag:s8] =	dma.local @!p0 [hbm:s6], $0xF7A  }
0x23: {  	s9 =	sor.u32 $0xD0000000, s2;
	s6 =	simm.s32 $0x108;
	_ =	swait.ge @!p0 [sflag:s8], $0x0  }
0x24: {  	s3 =	sadd.s32 $0x88, s3;
	s6 =	simm.s32 @!p1 $0x1082;
	[sflag:s4] =	ssyncset.s32 $0xFFFFF086  }
0x25: {  	[simem:s6], [sflag:s4] =	dma.local [hbm:s3], $0xF7A  }
0x26: {  	[smem:$0x3F99] =	sst s1;
	(tag) =	ssettag s2;
	_ =	strace s9  }
0x27: {  	s1 =	sld [smem:$0x3FA9]  }
0x28: {  	s2 =	sld [smem:$0x3FAA]  }
0x29: {  	s4 =	sld [smem:$0x3FAC]  }
0x2a: {  	p0 =	seq.s32 s5, $0x0;
	s5 =	sld [smem:$0x3FAD]  }
0x2b: {  	s6 =	sld [smem:$0x3FAE]  }
0x2c: {  	s7 =	sld [smem:$0x3FAF]  }
0x2d: {  	s3 =	simm.s32 $0x108;
	s8 =	sld [smem:$0x3FB0]  }
0x2e: {  	s3 =	simm.s32 @!p0 $0x1082;
	s9 =	sld [smem:$0x3FB1]  }
0x2f: {  	lr =	sadd.s32 s0, s3;
	s0 =	sld [smem:$0x3FA8]  }
0x30: {  	s3 =	sld [smem:$0x3FAB]  }
0x31: {  	[smem:$0x3FB4] =	sst s10  }
0x32: {  	s10 =	sld [smem:$0x3FB2];
	_ =	sdelay $0x3  }
0x33: {  	p0 =	seq.s32 s10, $0x1;
	s10 =	sld [smem:$0x3FB4];
	_ =	sdelay $0x3  }
0x34: {  	[smem:$0x3FB4] =	sst s10  }
0x35: {  	s10 =	sld [smem:$0x3FB3];
	_ =	sdelay $0x3  }
0x36: {  	p1 =	seq.s32 s10, $0x1;
	s10 =	sld [smem:$0x3FB4];
	_ =	sdelay $0x3  }
0x37: {  	[smem:$0x3FB4] =	sst s10  }
0x38: {  	s10 =	sld [smem:$0x3FB5]  }
0x39: {  	_ = 	snop;
	(pc) =	sbr.ind lr, $3  }
0x3a: {  	_ = 	snop  }
0x3b: {  	_ = 	snop  }
0x3c: {  	p2 =	seq.s32 s10, $0x1;
	s10 =	sld [smem:$0x3FB4]  }
0x3d: {  	_ =	shalt  }
0x3e: {  	_ =	shalt  }
0x3f: {  	_ =	shalt  }
0x40: {  	_ =	shalt  }
0x41: {  	_ =	shalt  }
0x42: {  	_ =	shalt  }
0x43: {  	_ =	shalt  }
0x44: {  	_ =	shalt  }
0x45: {  	_ =	shalt  }
0x46: {  	_ =	shalt  }
0x47: {  	_ =	shalt  }
0x48: {  	_ =	shalt  }
0x49: {  	_ =	shalt  }
0x4a: {  	_ =	shalt  }
0x4b: {  	_ =	shalt  }
0x4c: {  	_ =	shalt  }
0x4d: {  	_ =	shalt  }
0x4e: {  	_ =	shalt  }
0x4f: {  	_ =	shalt  }
0x50: {  	_ =	shalt  }
0x51: {  	_ =	shalt  }
0x52: {  	_ =	shalt  }
0x53: {  	_ =	shalt  }
0x54: {  	_ =	shalt  }
0x55: {  	_ =	shalt  }
0x56: {  	_ =	shalt  }
0x57: {  	_ =	shalt  }
0x58: {  	_ =	shalt  }
0x59: {  	_ =	shalt  }
0x5a: {  	_ =	shalt  }
0x5b: {  	_ =	shalt  }
0x5c: {  	_ =	shalt  }
0x5d: {  	_ =	shalt  }
0x5e: {  	_ =	shalt  }
0x5f: {  	_ =	shalt  }
0x60: {  	_ =	shalt  }
0x61: {  	_ =	shalt  }
0x62: {  	_ =	shalt  }
0x63: {  	_ =	shalt  }
0x64: {  	_ =	shalt  }
0x65: {  	_ =	shalt  }
0x66: {  	_ =	shalt  }
0x67: {  	_ =	shalt  }
0x68: {  	_ =	shalt  }
0x69: {  	_ =	shalt  }
0x6a: {  	_ =	shalt  }
0x6b: {  	_ =	shalt  }
0x6c: {  	_ =	shalt  }
0x6d: {  	_ =	shalt  }
0x6e: {  	_ =	shalt  }
0x6f: {  	_ =	shalt  }
0x70: {  	_ =	shalt  }
0x71: {  	_ =	shalt  }
0x72: {  	_ =	shalt  }
0x73: {  	_ =	shalt  }
0x74: {  	_ =	shalt  }
0x75: {  	_ =	shalt  }
0x76: {  	_ =	shalt  }
0x77: {  	_ =	shalt  }
0x78: {  	_ =	shalt  }
0x79: {  	_ =	shalt  }
0x7a: {  	_ =	shalt  }
0x7b: {  	_ =	shalt  }
0x7c: {  	_ =	shalt  }
0x7d: {  	_ =	shalt  }
0x7e: {  	_ =	shalt  }
0x7f: {  	_ =	shalt  }
0x80: {  	_ =	shalt  }
0x81: {  	_ =	shalt  }
0x82: {  	_ =	shalt  }
0x83: {  	_ =	shalt  }
0x84: {  	_ =	shalt  }
0x85: {  	_ =	shalt  }
0x86: {  	_ =	shalt  }
0x87: {  	_ =	shalt  }
.Lfunc_end0:
.L_simem_size_0:
called_computation.1_lowered:
.L_overlay_start_0:
0x88: {  	s2 =	sld [smem:$0x3FD9]  }
0x89: {  	s3 =	sld [smem:$0x3FFE];
	_ =	sdelay $0x1  }
0x8a: {  	s1 =	srdreg.scid  }
0x8b: {  	s0 =	sand.u32 $0x1, s1  }
0x8c: {  	s16 =	sshll.u32 s0, $0xA;
	s2 =	sadd.s32 s3, s2  }
0x8d: {  	s2 =	sadd.s32 s2, s16  }
0x8e: {  	[smem:$0x3FC0] =	sst s2  }
0x8f: {  	_ = 	snop  }
0x90: {  	(tm) =	ssettm $0x1  }
0x91: {  	s17 =	sld [smem:$0x3FFB];
	_ =	sdelay $0x3  }
0x92: {  	_ =	strace s17  }
0x93: {  	s2 =	sld [smem:$0x3FFC];
	_ =	sdelay $0x3  }
0x94: {  	_ =	strace s2  }
0x95: {  	s2 =	sld [smem:$0x3FFD];
	_ =	sdelay $0x3  }
0x96: {  	_ =	strace s2  }
0x97: {  	_ =	strace $0x8FFFFFFF  }
0x98: {  	s18 =	sld [smem:$0x3FDB];
	_ =	sdelay $0x1  }
0x99: {  	s19 =	simm.s32 $_scs_section_size  }
0x9a: {  	s4 =	simm.s32 $_size__tile_overlayer_lowered;
	s5 =	simm.s32 $_tile_overlayer_lowered  }
0x9b: {  	s22 =	simm.s32 $0x1BFF;
	s21 =	sshll.u32 s5, $0x1;
	s2 =	sadd.s32 s19, s18  }
0x9c: {  	s6 =	simm.s32 $0x0;
	s20 =	sshll.u32 s4, $0x1;
	s4 =	sadd.s32 s21, s2  }
0x9d: {  	[timem:s6], [sflag:s22] =	dma.local [hbm:s4], s20  }
0x9e: {  	_ =	swait.ge [sflag:s22], s20  }
0x9f: {  	s3 =	ssub.s32 $0x0, s20;
	[sflag:s22] =	ssyncset.done $0x0  }
0xa0: {  	[sflag:s22] =	ssyncadd.s32 s3;
	_ =	sdelay $0x1  }
0xa1: {  	s23 =	simm.s32 $0x1B8B  }
0xa2: {  	_ =	swait.ge [sflag:s23], $0x1  }
0xa3: {  	[sflag:s23] =	ssyncset.done $0x0  }
0xa4: {  	s25 =	simm.s32 $0x1B8E;
	s24 =	sld [smem:$0x3FFE];
	[sflag:s23] =	ssyncadd.s32 $0xFFFFFFFF  }
0xa5: {  	s26 =	simm.s32 $execute0_lowered;
	[smem:$0x3FD2] =	sst s25  }
0xa6: {  	s4 =	sshll.u32 s26, $0x1;
	_ =	strace $0x80000049;
	[dreg:$0x1] =	wrdreg $0xFFFFFFFF  }
0xa7: {  	s28 =	simm.s32 $_size_execute0_lowered;
	s2 =	sadd.s32 s2, s4;
	[dreg:$0x0] =	wrdreg $0x0  }
0xa8: {  	s4 =	sshll.u32 s28, $0x1;
	[dreg:$0x2] =	wrdreg s2  }
0xa9: {  	[dreg:$0x3] =	wrdreg s4  }
0xaa: {  	[dreg:$0x4] =	wrdreg $0xC0  }
0xab: {  	_ =	task [dreg:s6], $0x5FFFF  }
0xac: {  	[dreg:$0x1] =	wrdreg $0xFFFFFFFF  }
0xad: {  	[dreg:$0x0] =	wrdreg $0x60  }
0xae: {  	[dreg:$0x2] =	wrdreg s24  }
0xaf: {  	[dreg:$0x3] =	wrdreg $0x0  }
0xb0: {  	[dreg:$0x4] =	wrdreg $0x13C000  }
0xb1: {  	[dreg:$0x5] =	wrdreg $0x9  }
0xb2: {  	_ =	task.clear_ibuf [dreg:s6], $0x6FFFF;
	_ =	strace $0x90000049  }
0xb3: {  	s29 =	simm.s32 $0x9;
	_ =	strace $0x8000004B  }
0xb4: {  	_ =	swait.ge [sflag:s29], $0x1  }
0xb5: {  	[sflag:s29] =	ssyncadd.s32 $0xFFFFFFFF  }
0xb6: {  	_ =	strace $0x9000004B  }
0xb7: {  	_ =	sfence  }
0xb8: {  	s30 =	sld [smem:$0x0];
	_ =	sdelay $0x2  }
0xb9: {  	s31 =	sshll.u32 s1, $0xD;
	s1 =	sshrl.u32 s1, $0x2  }
0xba: {  	s3 =	sand.u32 $0x4000, s31;
	s1 =	sadd.s32 s1, s30  }
0xbb: {  	s0 =	sor.u32 s3, s0;
	s1 =	sshll.u32 s1, $0x11  }
0xbc: {  	s0 =	sor.u32 s1, s0  }
0xbd: {  	s0 =	sadd.s32 $0x8F2B, s0  }
0xbe: {  	[sflag:s0] =	ssyncadd.remote.s32 $0x1  }
0xbf: {  	_ =	sfence.sel $0xFFFF  }
0xc0: {  	[dreg:$0x0] =	wrdreg $0xFFFFFFFF;
	(pc) =	sbr.abs _section_cstart, $3  }
0xc1: {  	[dreg:$0x1] =	wrdreg $0xFFFFFFFF  }
0xc2: {  	_ =	task.clear_ibuf [dreg:s6], $0x2FFFF;
	_ =	strace $0x9FFFFFFF  }
0xc3: {  	(tm) =	ssettm $0x7FFFFFFF  }
tec
execute0_lowered:
.L_overlay_start_1:
0x0: {  	(tag) =	ssettag $0x1  }
0x1: {  	s1 =	rddreg [dreg:$0x0]  }
0x2: {  	s2 =	rddreg [dreg:$0x1]  }
0x3: {  	s3 =	rddreg [dreg:$0x2]  }
0x4: {  	s4 =	simm.s32 $0x0;
	s30 =	stileid.u32;
	s0 =	srdreg.scid  }
0x5: {  	s16 =	simm.s32 $0x16400;
	s18 =	simm.s32 $0x1EC00;
	s19 =	simm.s32 $0x16480  }
0x6: {  	s20 =	simm.s32 $0x16500;
	s21 =	simm.s32 $0x1EC80;
	[smem:$0x7FF] =	sst s4  }
0x7: {  	s22 =	simm.s32 $0x1ED00;
	_ =	strace $0x8000004A;
	[dreg:$0x7] =	wrdreg s16  }
0x8: {  	s29 =	simm.s32 $0x16680;
	s31 =	simm.s32 $0x3;
	[dreg:$0x8] =	wrdreg s18  }
0x9: {  	s5 =	smul.u32 $0xA00, s30;
	s7 =	sand.u32 $0x1, s0;
	[dreg:$0x9] =	wrdreg s19  }
0xa: {  	s8 =	smul.u32 $0x278, s30;
	s17 =	sadd.s32 $0x21A00, s1;
	[dreg:$0xa] =	wrdreg s20  }
0xb: {  	s0 =	ssub.s32 $0x2, s7;
	s12 =	smul.u32 $0x500, s7;
	[dreg:$0xb] =	wrdreg s21  }
0xc: {  	[dreg:$0xc] =	wrdreg s22;
	s7 =	smul.u32 $0x2780, s7;
	s19 =	simm.s32 $0x16600  }
0xd: {  	s20 =	simm.s32 $0x1ED80;
	s22 =	simm.s32 $0x1EE00;
	[dreg:$0x11] =	wrdreg s29  }
0xe: {  	s29 =	simm.s32 $0x2;
	s11 =	sadd.s32 s5, s1;
	[dreg:$0xe] =	wrdreg s19  }
0xf: {  	s6 =	sshrl.u32 s0, $0x1;
	s5 =	smul.u32 $0x2780, s30;
	[dreg:$0xf] =	wrdreg s20  }
0x10: {  	s16 =	sadd.s32 $0x180, s8;
	[dreg:$0x10] =	wrdreg s22;
	s12 =	sadd.s32 s12, s11  }
0x11: {  	s0 =	ssub.s32 s0, s6;
	s6 =	sadd.s32 $0x40, s8;
	s26 =	sadd.s32 $0x3A00, s12  }
0x12: {  	s7 =	sadd.s32 s8, s7;
	s14 =	sadd.s32 $0x17A00, s12;
	[dreg:$0x4] =	wrdreg s26  }
0x13: {  	s9 =	sshrl.u32 s5, $0x3;
	s12 =	sadd.s32 $0xDA00, s12;
	[dreg:$0x5] =	wrdreg s14  }
0x14: {  	s10 =	sshll.u32 s6, $0x1;
	s5 =	sadd.s32 s5, s3;
	[dreg:$0x6] =	wrdreg s12  }
0x15: {  	s21 =	sshll.u32 s7, $0x4;
	s0 =	smax.u32 s0, $0x1;
	[smem:$0x7E0] =	sst s5  }
0x16: {  	s19 =	sadd.s32 $0xC0, s7;
	s9 =	sadd.s32 s17, s9;
	[smem:$0x7FC] =	sst s0  }
0x17: {  	s23 =	sadd.s32 s17, s10;
	s10 =	sadd.s32 $0xC0, s8;
	[dreg:$0x15] =	wrdreg s9  }
0x18: {  	s12 =	sadd.s32 $0x140, s8;
	[dreg:$0x16] =	wrdreg s23;
	s9 =	sadd.s32 $0x80, s8  }
0x19: {  	s25 =	sshll.u32 s10, $0x1;
	s14 =	sshll.u32 s12, $0x1;
	s23 =	simm.s32 $0x16580  }
0x1a: {  	s13 =	sshll.u32 s9, $0x1;
	s11 =	sadd.s32 s17, s25;
	s14 =	sadd.s32 s17, s14  }
0x1b: {  	s24 =	sadd.s32 s17, s13;
	[dreg:$0x18] =	wrdreg s11;
	s11 =	sadd.s32 $0x100, s8  }
0x1c: {  	[dreg:$0x1a] =	wrdreg s14;
	s14 =	sadd.s32 $0x1C0, s8;
	s15 =	sshll.u32 s11, $0x1  }
0x1d: {  	[dreg:$0x17] =	wrdreg s24;
	s13 =	sadd.s32 s17, s15;
	s15 =	sshll.u32 s16, $0x1  }
0x1e: {  	s24 =	sshll.u32 s14, $0x1;
	[dreg:$0x19] =	wrdreg s13;
	s15 =	sadd.s32 s17, s15  }
0x1f: {  	s13 =	sadd.s32 $0x200, s8;
	[dreg:$0x1b] =	wrdreg s15;
	s15 =	sadd.s32 s17, s24  }
0x20: {  	s18 =	sshll.u32 s13, $0x1;
	[dreg:$0x1c] =	wrdreg s15;
	s15 =	sadd.s32 $0x240, s8  }
0x21: {  	[dreg:$0xd] =	wrdreg s23;
	s25 =	sadd.s32 s17, s18;
	s26 =	sshll.u32 s15, $0x1  }
0x22: {  	s8 =	sadd.s32 $0x7A400, s1;
	s18 =	sadd.s32 $0x40, s7;
	s17 =	sadd.s32 s17, s26  }
0x23: {  	s23 =	sshll.u32 s18, $0x4;
	[dreg:$0x1e] =	wrdreg s17;
	s17 =	sadd.s32 s8, s21  }
0x24: {  	s22 =	sadd.s32 $0x100, s7;
	[dreg:$0x1f] =	wrdreg s17;
	s17 =	sadd.s32 s8, s23  }
0x25: {  	s21 =	sshll.u32 s19, $0x4;
	[smem:$0x7CB] =	sst s17;
	s17 =	sadd.s32 $0x80, s7  }
0x26: {  	[dreg:$0x1d] =	wrdreg s25;
	s24 =	sadd.s32 s8, s21;
	s20 =	sshll.u32 s17, $0x4  }
0x27: {  	s25 =	sshll.u32 s22, $0x4;
	[smem:$0x7CD] =	sst s24;
	s20 =	sadd.s32 s8, s20  }
0x28: {  	s21 =	sadd.s32 $0x180, s7;
	[smem:$0x7CC] =	sst s20;
	s20 =	sadd.s32 s8, s25  }
0x29: {  	s24 =	sshll.u32 s21, $0x4;
	[smem:$0x7CE] =	sst s20;
	s20 =	sadd.s32 $0x140, s7  }
0x2a: {  	s26 =	sadd.s32 s8, s24;
	s25 =	sadd.s32 $0x1C0, s7;
	s23 =	sshll.u32 s20, $0x4  }
0x2b: {  	[smem:$0x7D0] =	sst s26;
	s24 =	sshll.u32 s25, $0x4;
	s23 =	sadd.s32 s8, s23  }
0x2c: {  	s0 =	simm.s32 $0x7;
	[smem:$0x7CF] =	sst s23;
	s23 =	sadd.s32 s8, s24  }
0x2d: {  	s24 =	sadd.s32 $0x240, s7;
	[smem:$0x7D1] =	sst s23;
	s23 =	sadd.s32 $0x200, s7  }
0x2e: {  	s20 =	sshll.u32 s20, $0x1;
	s28 =	sshll.u32 s24, $0x4;
	s26 =	sshll.u32 s23, $0x4  }
0x2f: {  	s7 =	sshll.u32 s7, $0x1;
	s26 =	sadd.s32 s8, s26;
	s8 =	sadd.s32 s8, s28  }
0x30: {  	[smem:$0x7D2] =	sst s26;
	s26 =	sshll.u32 s18, $0x1;
	s18 =	sadd.s32 $0xC9400, s1  }
0x31: {  	[smem:$0x7D3] =	sst s8;
	s7 =	sadd.s32 s18, s7;
	s8 =	sadd.s32 s18, s26  }
0x32: {  	s26 =	sshll.u32 s17, $0x1;
	s17 =	sshll.u32 s22, $0x1;
	[smem:$0x7D4] =	sst s7  }
0x33: {  	s22 =	sshll.u32 s21, $0x1;
	s21 =	simm.s32 $0x16700;
	[smem:$0x7D5] =	sst s8  }
0x34: {  	s28 =	simm.s32 $0x5;
	s7 =	sadd.s32 s18, s26;
	[dreg:$0x12] =	wrdreg s21  }
0x35: {  	s8 =	sshll.u32 s19, $0x1;
	s19 =	sadd.s32 s18, s17;
	[smem:$0x7D6] =	sst s7  }
0x36: {  	s26 =	sshll.u32 s25, $0x1;
	s7 =	sadd.s32 s18, s8;
	[smem:$0x7D8] =	sst s19  }
0x37: {  	s17 =	sadd.s32 s18, s26;
	s19 =	sshll.u32 s23, $0x1;
	[smem:$0x7D7] =	sst s7  }
0x38: {  	s23 =	smul.u32 $0x13C00, s30;
	s7 =	sadd.s32 s18, s20;
	[smem:$0x7DB] =	sst s17  }
0x39: {  	s20 =	sshll.u32 s24, $0x1;
	s24 =	simm.s32 $0x1EF00;
	[smem:$0x7D9] =	sst s7  }
0x3a: {  	s8 =	sadd.s32 $0x4DC00, s1;
	s7 =	sadd.s32 s18, s22;
	[dreg:$0x14] =	wrdreg s24  }
0x3b: {  	s26 =	sshll.u32 s30, $0x6;
	s22 =	simm.s32 $0x1EE80;
	[smem:$0x7DA] =	sst s7  }
0x3c: {  	s30 =	simm.s32 $0x6;
	s17 =	sadd.s32 s23, s2;
	[dreg:$0x13] =	wrdreg s22  }
0x3d: {  	s25 =	sshrl.u32 s23, $0x3;
	s7 =	sadd.s32 s18, s19;
	[smem:$0x7DE] =	sst s17  }
0x3e: {  	s23 =	sshll.u32 s9, $0x4;
	s17 =	sor.u32 $0x1C09, s26;
	[smem:$0x7DC] =	sst s7  }
0x3f: {  	s24 =	sshll.u32 s10, $0x7;
	s7 =	sadd.s32 s18, s20;
	[smem:$0x7FD] =	sst s17  }
0x40: {  	s22 =	sshll.u32 s9, $0x7;
	s20 =	sshll.u32 s6, $0x7;
	[smem:$0x7DD] =	sst s7  }
0x41: {  	s7 =	sadd.s32 $0x26A00, s1;
	s1 =	sadd.s32 $0x52C00, s1;
	s5 =	sadd.s32 s20, s2  }
0x42: {  	s6 =	sshll.u32 s6, $0x4;
	s18 =	sadd.s32 s1, s25;
	[smem:$0x7E1] =	sst s5  }
0x43: {  	s19 =	sshll.u32 s11, $0x7;
	s21 =	sadd.s32 s1, s6;
	[smem:$0x7DF] =	sst s18  }
0x44: {  	s9 =	simm.s32 $0x16900;
	s6 =	sadd.s32 s6, s3;
	[smem:$0x7E2] =	sst s21  }
0x45: {  	s20 =	sshll.u32 s11, $0x4;
	s5 =	sadd.s32 s22, s2;
	[smem:$0x7E3] =	sst s6  }
0x46: {  	s25 =	sshll.u32 s10, $0x4;
	s26 =	sadd.s32 s1, s23;
	[smem:$0x7E4] =	sst s5  }
0x47: {  	s22 =	sshll.u32 s12, $0x7;
	[smem:$0x7E5] =	sst s26;
	s5 =	sadd.s32 s23, s3  }
0x48: {  	s6 =	sadd.s32 s24, s2;
	s10 =	sadd.s32 s1, s25;
	[smem:$0x7E6] =	sst s5  }
0x49: {  	s18 =	sadd.s32 s25, s3;
	s21 =	sadd.s32 s1, s20;
	[smem:$0x7E7] =	sst s6  }
0x4a: {  	s23 =	sshll.u32 s12, $0x4;
	s24 =	sshll.u32 s16, $0x7;
	[smem:$0x7E8] =	sst s10  }
0x4b: {  	s25 =	sshll.u32 s16, $0x4;
	s16 =	sshll.u32 s14, $0x7;
	[smem:$0x7E9] =	sst s18  }
0x4c: {  	s5 =	sadd.s32 s19, s2;
	[smem:$0x7EB] =	sst s21;
	s6 =	sadd.s32 s20, s3  }
0x4d: {  	s26 =	sadd.s32 s1, s23;
	s10 =	sadd.s32 s24, s2;
	[smem:$0x7EA] =	sst s5  }
0x4e: {  	s11 =	sadd.s32 s1, s25;
	s12 =	sadd.s32 s25, s3;
	[smem:$0x7EC] =	sst s6  }
0x4f: {  	s18 =	sshll.u32 s14, $0x4;
	s20 =	sshll.u32 s13, $0x7;
	[smem:$0x7EE] =	sst s26  }
0x50: {  	s21 =	sshll.u32 s13, $0x4;
	s13 =	simm.s32 $0x16A80;
	[smem:$0x7F0] =	sst s10  }
0x51: {  	s14 =	simm.s32 $0x16B00;
	s5 =	sadd.s32 s22, s2;
	[smem:$0x7F1] =	sst s11  }
0x52: {  	[smem:$0x7F2] =	sst s12;
	s19 =	sadd.s32 s1, s18;
	s6 =	sadd.s32 s18, s3  }
0x53: {  	s22 =	sshll.u32 s15, $0x7;
	s24 =	sadd.s32 s1, s21;
	[smem:$0x7ED] =	sst s5  }
0x54: {  	s18 =	simm.s32 $0x16780;
	s10 =	simm.s32 $0x16980;
	[smem:$0x7F4] =	sst s19  }
0x55: {  	s12 =	simm.s32 $0x16A00;
	s5 =	sadd.s32 s23, s3;
	[smem:$0x7F5] =	sst s6  }
0x56: {  	s23 =	sshll.u32 s15, $0x4;
	[smem:$0x7F7] =	sst s24;
	s25 =	sadd.s32 s22, s2  }
0x57: {  	s22 =	simm.s32 $0x1EF80;
	s6 =	simm.s32 $0x16880;
	s15 =	simm.s32 $0x0  }
0x58: {  	s24 =	simm.s32 $0x16380;
	[smem:$0x7EF] =	sst s5;
	s5 =	sadd.s32 s16, s2  }
0x59: {  	[smem:$0x7F9] =	sst s25;
	s1 =	sadd.s32 s1, s23;
	s26 =	sadd.s32 s23, s3  }
0x5a: {  	s16 =	simm.s32 $0x9;
	s23 =	simm.s32 $0x1AB80;
	[smem:$0x7F3] =	sst s5  }
0x5b: {  	s25 =	simm.s32 $0x1F780;
	s5 =	sadd.s32 s20, s2;
	[smem:$0x7FA] =	sst s1  }
0x5c: {  	[smem:$0x7FB] =	sst s26;
	s20 =	simm.s32 $0x80;
	s26 =	simm.s32 $0x1  }
0x5d: {  	s1 =	simm.s32 $0x4;
	[smem:$0x7F6] =	sst s5;
	s5 =	sadd.s32 s21, s3  }
0x5e: {  	s21 =	simm.s32 $0x16B80;
	[smem:$0x7F8] =	sst s5;
	s5 =	simm.s32 $0x8  }
.LBB2_1:
0x5f: {  	s11 =	sld [smem:$0x7DE];
	_ =	sdelay $0x1  }
0x60: {  	s19 =	sld [smem:$0x7DF]  }
0x61: {  	[smem:$0x7B6] =	sst s15;
	s11 =	sshrl.u32 s11, $0x3  }
0x62: {  	[smem:$0x7B7] =	sst s11  }
0x63: {  	[spmem:s11], [sflag:s17] =	dma.local [hbm:s19], $0x400  }
0x64: {  	_ =	swait.ge [sflag:s16], $0x400  }
0x65: {  	s19 =	sld [smem:$0x7E0];
	_ =	sdelay $0x2  }
0x66: {  	[sflag:s16] =	ssyncset.done $0x0;
	s11 =	sshrl.u32 s19, $0x3;
	s19 =	rddreg [dreg:$0x15]  }
0x67: {  	[sflag:s16] =	ssyncadd.s32 $0xFFFFFC00;
	[smem:$0x7B8] =	sst s11  }
0x68: {  	[spmem:s11], [sflag:s17] =	dma.local [hbm:s19], $0x80  }
0x69: {  	_ =	swait.ge [sflag:s16], $0x80  }
0x6a: {  	s19 =	sld [smem:$0x7E1];
	_ =	sdelay $0x2  }
0x6b: {  	s11 =	sshrl.u32 s19, $0x3;
	s19 =	sld [smem:$0x7E2]  }
0x6c: {  	[sflag:s16] =	ssyncset.done $0x0  }
0x6d: {  	[sflag:s16] =	ssyncadd.s32 $0xFFFFFF80;
	[smem:$0x7B9] =	sst s11  }
0x6e: {  	[spmem:s11], [sflag:s17] =	dma.local [hbm:s19], $0x400  }
0x6f: {  	_ =	swait.ge [sflag:s16], $0x400  }
0x70: {  	s19 =	sld [smem:$0x7E3];
	_ =	sdelay $0x2  }
0x71: {  	[sflag:s16] =	ssyncset.done $0x0;
	s11 =	sshrl.u32 s19, $0x3;
	s19 =	rddreg [dreg:$0x16]  }
0x72: {  	[sflag:s16] =	ssyncadd.s32 $0xFFFFFC00;
	[smem:$0x7BA] =	sst s11  }
0x73: {  	[spmem:s11], [sflag:s17] =	dma.local [hbm:s19], $0x80  }
0x74: {  	_ =	swait.ge [sflag:s16], $0x80  }
0x75: {  	s19 =	sld [smem:$0x7E4];
	_ =	sdelay $0x2  }
0x76: {  	s11 =	sshrl.u32 s19, $0x3;
	s19 =	sld [smem:$0x7E5]  }
0x77: {  	[sflag:s16] =	ssyncset.done $0x0  }
0x78: {  	[sflag:s16] =	ssyncadd.s32 $0xFFFFFF80;
	[smem:$0x7BB] =	sst s11  }
0x79: {  	[spmem:s11], [sflag:s17] =	dma.local [hbm:s19], $0x400  }
0x7a: {  	_ =	swait.ge [sflag:s16], $0x400  }
0x7b: {  	s19 =	sld [smem:$0x7E6];
	_ =	sdelay $0x2  }
0x7c: {  	[sflag:s16] =	ssyncset.done $0x0;
	s11 =	sshrl.u32 s19, $0x3;
	s19 =	rddreg [dreg:$0x17]  }
0x7d: {  	[sflag:s16] =	ssyncadd.s32 $0xFFFFFC00;
	[smem:$0x7BC] =	sst s11  }
0x7e: {  	[spmem:s11], [sflag:s17] =	dma.local [hbm:s19], $0x80  }
0x7f: {  	_ =	swait.ge [sflag:s16], $0x80  }
0x80: {  	s19 =	sld [smem:$0x7E7];
	_ =	sdelay $0x2  }
0x81: {  	s11 =	sshrl.u32 s19, $0x3;
	s19 =	sld [smem:$0x7E8]  }
0x82: {  	[sflag:s16] =	ssyncset.done $0x0  }
0x83: {  	[sflag:s16] =	ssyncadd.s32 $0xFFFFFF80;
	[smem:$0x7BD] =	sst s11  }
0x84: {  	[spmem:s11], [sflag:s17] =	dma.local [hbm:s19], $0x400  }
0x85: {  	_ =	swait.ge [sflag:s16], $0x400  }
0x86: {  	s19 =	sld [smem:$0x7E9];
	_ =	sdelay $0x2  }
0x87: {  	[sflag:s16] =	ssyncset.done $0x0;
	s11 =	sshrl.u32 s19, $0x3;
	s19 =	rddreg [dreg:$0x18]  }
0x88: {  	[sflag:s16] =	ssyncadd.s32 $0xFFFFFC00;
	[smem:$0x7BE] =	sst s11  }
0x89: {  	[spmem:s11], [sflag:s17] =	dma.local [hbm:s19], $0x80  }
0x8a: {  	_ =	swait.ge [sflag:s16], $0x80  }
0x8b: {  	s19 =	sld [smem:$0x7EA];
	_ =	sdelay $0x2  }
0x8c: {  	s11 =	sshrl.u32 s19, $0x3;
	s19 =	sld [smem:$0x7EB]  }
0x8d: {  	[sflag:s16] =	ssyncset.done $0x0  }
0x8e: {  	[sflag:s16] =	ssyncadd.s32 $0xFFFFFF80;
	[smem:$0x7BF] =	sst s11  }
0x8f: {  	[spmem:s11], [sflag:s17] =	dma.local [hbm:s19], $0x400  }
0x90: {  	_ =	swait.ge [sflag:s16], $0x400  }
0x91: {  	s19 =	sld [smem:$0x7EC];
	_ =	sdelay $0x2  }
0x92: {  	[sflag:s16] =	ssyncset.done $0x0;
	s11 =	sshrl.u32 s19, $0x3;
	s19 =	rddreg [dreg:$0x19]  }
0x93: {  	[sflag:s16] =	ssyncadd.s32 $0xFFFFFC00;
	[smem:$0x7C0] =	sst s11  }
0x94: {  	[spmem:s11], [sflag:s17] =	dma.local [hbm:s19], $0x80  }
0x95: {  	_ =	swait.ge [sflag:s16], $0x80  }
0x96: {  	s19 =	sld [smem:$0x7ED];
	_ =	sdelay $0x2  }
0x97: {  	s11 =	sshrl.u32 s19, $0x3;
	s19 =	sld [smem:$0x7EE]  }
0x98: {  	[sflag:s16] =	ssyncset.done $0x0  }
0x99: {  	[sflag:s16] =	ssyncadd.s32 $0xFFFFFF80;
	[smem:$0x7C1] =	sst s11  }
0x9a: {  	[spmem:s11], [sflag:s17] =	dma.local [hbm:s19], $0x400  }
0x9b: {  	_ =	swait.ge [sflag:s16], $0x400  }
0x9c: {  	s19 =	sld [smem:$0x7EF];
	_ =	sdelay $0x2  }
0x9d: {  	[sflag:s16] =	ssyncset.done $0x0;
	s11 =	sshrl.u32 s19, $0x3;
	s19 =	rddreg [dreg:$0x1a]  }
0x9e: {  	[sflag:s16] =	ssyncadd.s32 $0xFFFFFC00;
	[smem:$0x7C2] =	sst s11  }
0x9f: {  	[spmem:s11], [sflag:s17] =	dma.local [hbm:s19], $0x80  }
0xa0: {  	_ =	swait.ge [sflag:s16], $0x80  }
0xa1: {  	s19 =	sld [smem:$0x7F0];
	_ =	sdelay $0x2  }
0xa2: {  	s11 =	sshrl.u32 s19, $0x3;
	s19 =	sld [smem:$0x7F1]  }
0xa3: {  	[sflag:s16] =	ssyncset.done $0x0  }
0xa4: {  	[sflag:s16] =	ssyncadd.s32 $0xFFFFFF80;
	[smem:$0x7C3] =	sst s11  }
0xa5: {  	[spmem:s11], [sflag:s17] =	dma.local [hbm:s19], $0x400  }
0xa6: {  	_ =	swait.ge [sflag:s16], $0x400  }
0xa7: {  	s19 =	sld [smem:$0x7F2];
	_ =	sdelay $0x2  }
0xa8: {  	[sflag:s16] =	ssyncset.done $0x0;
	s11 =	sshrl.u32 s19, $0x3;
	s19 =	rddreg [dreg:$0x1b]  }
0xa9: {  	[sflag:s16] =	ssyncadd.s32 $0xFFFFFC00;
	[smem:$0x7C4] =	sst s11  }
0xaa: {  	[spmem:s11], [sflag:s17] =	dma.local [hbm:s19], $0x80  }
0xab: {  	_ =	swait.ge [sflag:s16], $0x80  }
0xac: {  	s19 =	sld [smem:$0x7F3];
	_ =	sdelay $0x2  }
0xad: {  	s11 =	sshrl.u32 s19, $0x3;
	s19 =	sld [smem:$0x7F4]  }
0xae: {  	[sflag:s16] =	ssyncset.done $0x0  }
0xaf: {  	[sflag:s16] =	ssyncadd.s32 $0xFFFFFF80;
	[smem:$0x7C5] =	sst s11  }
0xb0: {  	[spmem:s11], [sflag:s17] =	dma.local [hbm:s19], $0x400  }
0xb1: {  	_ =	swait.ge [sflag:s16], $0x400  }
0xb2: {  	s19 =	sld [smem:$0x7F5];
	_ =	sdelay $0x2  }
0xb3: {  	[sflag:s16] =	ssyncset.done $0x0;
	s11 =	sshrl.u32 s19, $0x3;
	s19 =	rddreg [dreg:$0x1c]  }
0xb4: {  	[sflag:s16] =	ssyncadd.s32 $0xFFFFFC00;
	[smem:$0x7C6] =	sst s11  }
0xb5: {  	[spmem:s11], [sflag:s17] =	dma.local [hbm:s19], $0x80  }
0xb6: {  	_ =	swait.ge [sflag:s16], $0x80  }
0xb7: {  	s19 =	sld [smem:$0x7F6];
	_ =	sdelay $0x2  }
0xb8: {  	s11 =	sshrl.u32 s19, $0x3;
	s19 =	sld [smem:$0x7F7]  }
0xb9: {  	[sflag:s16] =	ssyncset.done $0x0  }
0xba: {  	[sflag:s16] =	ssyncadd.s32 $0xFFFFFF80;
	[smem:$0x7C7] =	sst s11  }
0xbb: {  	[spmem:s11], [sflag:s17] =	dma.local [hbm:s19], $0x400  }
0xbc: {  	_ =	swait.ge [sflag:s16], $0x400  }
0xbd: {  	s19 =	sld [smem:$0x7F8];
	_ =	sdelay $0x2  }
0xbe: {  	[sflag:s16] =	ssyncset.done $0x0;
	s11 =	sshrl.u32 s19, $0x3;
	s19 =	rddreg [dreg:$0x1d]  }
0xbf: {  	[sflag:s16] =	ssyncadd.s32 $0xFFFFFC00;
	[smem:$0x7C8] =	sst s11  }
0xc0: {  	[spmem:s11], [sflag:s17] =	dma.local [hbm:s19], $0x80  }
0xc1: {  	_ =	swait.ge [sflag:s16], $0x80  }
0xc2: {  	s19 =	sld [smem:$0x7F9];
	_ =	sdelay $0x2  }
0xc3: {  	s11 =	sshrl.u32 s19, $0x3;
	s19 =	sld [smem:$0x7FA]  }
0xc4: {  	[sflag:s16] =	ssyncset.done $0x0  }
0xc5: {  	[sflag:s16] =	ssyncadd.s32 $0xFFFFFF80;
	[smem:$0x7C9] =	sst s11  }
0xc6: {  	[spmem:s11], [sflag:s17] =	dma.local [hbm:s19], $0x380  }
0xc7: {  	_ =	swait.ge [sflag:s16], $0x380  }
0xc8: {  	s19 =	sld [smem:$0x7FB];
	_ =	sdelay $0x2  }
0xc9: {  	[sflag:s16] =	ssyncset.done $0x0;
	s11 =	sshrl.u32 s19, $0x3;
	s19 =	rddreg [dreg:$0x1e]  }
0xca: {  	[sflag:s16] =	ssyncadd.s32 $0xFFFFFC80;
	[smem:$0x7CA] =	sst s11  }
0xcb: {  	[spmem:s11], [sflag:s17] =	dma.local [hbm:s19], $0x70  }
0xcc: {  	_ =	swait.ge [sflag:s16], $0x70  }
0xcd: {  	[sflag:s16] =	ssyncset.done $0x0  }
0xce: {  	[sflag:s16] =	ssyncadd.s32 $0xFFFFFF90  }
0xcf: {  	[bflag:$0x0] =	sbarrier.arrive $0xFFFF  }
0xd0: {  	s17 =	rddreg [dreg:$0x6]  }
0xd1: {  	s15 =	simm.s32 $0x16380;
	s11 =	sadd.s32 $0x0, s17  }
0xd2: {  	[tilespmem:s15], [sflag:$0x9] =	stream.linear.gather [hbm4b:s11+s4], $0x400, $0x38;
	[tilespmem:$0x1FF80] =	vst v63  }
0xd3: {  	_ =	swait.ge [sflag:s16], $0x400  }
0xd4: {  	s19 =	rddreg [dreg:$0x5];
	[sflag:s16] =	ssyncset.done $0x0  }
0xd5: {  	[sflag:s16] =	ssyncadd.s32 $0xFFFFFC00;
	s11 =	sadd.s32 $0x0, s19  }
0xd6: {  	[tilespmem:s18], [sflag:$0x9] =	stream.linear.gather [hbm4b:s11+s4], $0x400, $0x38;
	[tilespmem:$0x1FF80] =	vst v63  }
0xd7: {  	_ =	swait.ge [sflag:s16], $0x400  }
0xd8: {  	s17 =	rddreg [dreg:$0x4];
	[sflag:s16] =	ssyncset.done $0x0  }
0xd9: {  	[sflag:s16] =	ssyncadd.s32 $0xFFFFFC00;
	s11 =	sadd.s32 $0x0, s17;
	s17 =	simm.s32 $0x1EB80  }
0xda: {  	[tilespmem:s17], [sflag:$0x9] =	stream.linear.gather [hbm4b:s11+s4], $0x400, $0x38;
	[tilespmem:$0x1FF80] =	vst v63  }
0xdb: {  	_ =	swait.ge [sflag:s16], $0x400  }
0xdc: {  	[sflag:s16] =	ssyncset.done $0x0  }
0xdd: {  	[sflag:s16] =	ssyncadd.s32 $0xFFFFFC00  }
0xde: {  	[tilespmem:s21], [sflag:$0x1] =	stream.indirect.gather [hbm4b:s7+s20], $0x80, s15, s20, $0xb8;
	[tilespmem:$0x1FF80] =	vst v63  }
0xdf: {  	_ = 	snop  }
0xe0: {  	[tilespmem:s22], [sflag:$0x5] =	stream.indirect.gather [hbm4b:s8+s20], $0x10, s18, s20, $0xb8;
	[tilespmem:$0x1FF80] =	vst v63  }
0xe1: {  	s19 =	rddreg [dreg:$0x7]  }
0xe2: {  	[tilespmem:s23], [sflag:$0x2] =	stream.indirect.gather [hbm4b:s7+s20], $0x80, s19, s20, $0xb8;
	[tilespmem:$0x1FF80] =	vst v63  }
0xe3: {  	s15 =	simm.s32 $0x16800  }
0xe4: {  	[tilespmem:s25], [sflag:$0x6] =	stream.indirect.gather [hbm4b:s8+s20], $0x10, s15, s20, $0xb8;
	[tilespmem:$0x1FF80] =	vst v63  }
0xe5: {  	_ =	swait.ge [sflag:s26], $0x4000  }
0xe6: {  	[sflag:s26] =	ssyncset.done $0x0  }
0xe7: {  	[sflag:s26] =	ssyncadd.s32 $0xFFFFC000  }
0xe8: {  	[spmem:s2] =	stream.indirect.scatter.add.f32 [tilespmem:s21], [sflag:$0x3], $0x80, s18, s20, $0xb8;
	[tilespmem:$0x1FF80] =	vst v63  }
0xe9: {  	_ =	swait.ge [sflag:s28], $0x800  }
0xea: {  	[sflag:s28] =	ssyncset.done $0x0  }
0xeb: {  	[sflag:s28] =	ssyncadd.s32 $0xFFFFF800  }
0xec: {  	[spmem:s3] =	stream.indirect.scatter.add.f32 [tilespmem:s22], [sflag:$0x7], $0x10, s17, s20, $0xb8;
	[tilespmem:$0x1FF80] =	vst v63  }
0xed: {  	_ =	swait.ge [sflag:s29], $0x4000  }
0xee: {  	[sflag:s29] =	ssyncset.done $0x0  }
0xef: {  	[sflag:s29] =	ssyncadd.s32 $0xFFFFC000  }
0xf0: {  	[spmem:s2] =	stream.indirect.scatter.add.f32 [tilespmem:s23], [sflag:$0x4], $0x80, s15, s20, $0xb8;
	[tilespmem:$0x1FF80] =	vst v63  }
0xf1: {  	_ =	swait.ge [sflag:s30], $0x800  }
0xf2: {  	[sflag:s30] =	ssyncset.done $0x0  }
0xf3: {  	s19 =	rddreg [dreg:$0x8];
	[sflag:s30] =	ssyncadd.s32 $0xFFFFF800  }
0xf4: {  	[spmem:s3] =	stream.indirect.scatter.add.f32 [tilespmem:s25], [sflag:$0x8], $0x10, s19, s20, $0xb8;
	[tilespmem:$0x1FF80] =	vst v63  }
0xf5: {  	_ =	swait.ge [sflag:s31], $0x4000  }
0xf6: {  	[sflag:s31] =	ssyncset.done $0x0  }
0xf7: {  	[sflag:s31] =	ssyncadd.s32 $0xFFFFC000  }
0xf8: {  	_ =	swait.ge [sflag:s0], $0x800  }
0xf9: {  	[sflag:s0] =	ssyncset.done $0x0  }
0xfa: {  	[sflag:s0] =	ssyncadd.s32 $0xFFFFF800  }
0xfb: {  	_ =	swait.ge [sflag:s1], $0x4000  }
0xfc: {  	[sflag:s1] =	ssyncset.done $0x0  }
0xfd: {  	[sflag:s1] =	ssyncadd.s32 $0xFFFFC000  }
0xfe: {  	_ =	swait.ge [sflag:s5], $0x800  }
0xff: {  	[sflag:s5] =	ssyncset.done $0x0  }
0x100: {  	s15 =	rddreg [dreg:$0x9];
	[sflag:s5] =	ssyncadd.s32 $0xFFFFF800  }
0x101: {  	[tilespmem:s21], [sflag:$0x1] =	stream.indirect.gather [hbm4b:s7+s20], $0x80, s15, s20, $0xb8;
	[tilespmem:$0x1FF80] =	vst v63  }
0x102: {  	_ = 	snop  }
0x103: {  	[tilespmem:s22], [sflag:$0x5] =	stream.indirect.gather [hbm4b:s8+s20], $0x10, s6, s20, $0xb8;
	[tilespmem:$0x1FF80] =	vst v63  }
0x104: {  	s17 =	rddreg [dreg:$0xa]  }
0x105: {  	[tilespmem:s23], [sflag:$0x2] =	stream.indirect.gather [hbm4b:s7+s20], $0x80, s17, s20, $0xb8;
	[tilespmem:$0x1FF80] =	vst v63  }
0x106: {  	_ = 	snop  }
0x107: {  	[tilespmem:s25], [sflag:$0x6] =	stream.indirect.gather [hbm4b:s8+s20], $0x10, s9, s20, $0xb8;
	[tilespmem:$0x1FF80] =	vst v63  }
0x108: {  	_ =	swait.ge [sflag:s26], $0x4000  }
0x109: {  	[sflag:s26] =	ssyncset.done $0x0  }
0x10a: {  	[sflag:s26] =	ssyncadd.s32 $0xFFFFC000  }
0x10b: {  	[spmem:s2] =	stream.indirect.scatter.add.f32 [tilespmem:s21], [sflag:$0x3], $0x80, s6, s20, $0xb8;
	[tilespmem:$0x1FF80] =	vst v63  }
0x10c: {  	_ =	swait.ge [sflag:s28], $0x800  }
0x10d: {  	[sflag:s28] =	ssyncset.done $0x0  }
0x10e: {  	s19 =	rddreg [dreg:$0xb];
	[sflag:s28] =	ssyncadd.s32 $0xFFFFF800  }
0x10f: {  	[spmem:s3] =	stream.indirect.scatter.add.f32 [tilespmem:s22], [sflag:$0x7], $0x10, s19, s20, $0xb8;
	[tilespmem:$0x1FF80] =	vst v63  }
0x110: {  	_ =	swait.ge [sflag:s29], $0x4000  }
0x111: {  	[sflag:s29] =	ssyncset.done $0x0  }
0x112: {  	[sflag:s29] =	ssyncadd.s32 $0xFFFFC000  }
0x113: {  	[spmem:s2] =	stream.indirect.scatter.add.f32 [tilespmem:s23], [sflag:$0x4], $0x80, s9, s20, $0xb8;
	[tilespmem:$0x1FF80] =	vst v63  }
0x114: {  	_ =	swait.ge [sflag:s30], $0x800  }
0x115: {  	[sflag:s30] =	ssyncset.done $0x0  }
0x116: {  	s15 =	rddreg [dreg:$0xc];
	[sflag:s30] =	ssyncadd.s32 $0xFFFFF800  }
0x117: {  	[spmem:s3] =	stream.indirect.scatter.add.f32 [tilespmem:s25], [sflag:$0x8], $0x10, s15, s20, $0xb8;
	[tilespmem:$0x1FF80] =	vst v63  }
0x118: {  	_ =	swait.ge [sflag:s31], $0x4000  }
0x119: {  	[sflag:s31] =	ssyncset.done $0x0  }
0x11a: {  	[sflag:s31] =	ssyncadd.s32 $0xFFFFC000  }
0x11b: {  	_ =	swait.ge [sflag:s0], $0x800  }
0x11c: {  	[sflag:s0] =	ssyncset.done $0x0  }
0x11d: {  	[sflag:s0] =	ssyncadd.s32 $0xFFFFF800  }
0x11e: {  	_ =	swait.ge [sflag:s1], $0x4000  }
0x11f: {  	[sflag:s1] =	ssyncset.done $0x0  }
0x120: {  	[sflag:s1] =	ssyncadd.s32 $0xFFFFC000  }
0x121: {  	_ =	swait.ge [sflag:s5], $0x800  }
0x122: {  	[sflag:s5] =	ssyncset.done $0x0  }
0x123: {  	s17 =	rddreg [dreg:$0xd];
	[sflag:s5] =	ssyncadd.s32 $0xFFFFF800  }
0x124: {  	[tilespmem:s21], [sflag:$0x1] =	stream.indirect.gather [hbm4b:s7+s20], $0x80, s17, s20, $0xb8;
	[tilespmem:$0x1FF80] =	vst v63  }
0x125: {  	_ = 	snop  }
0x126: {  	[tilespmem:s22], [sflag:$0x5] =	stream.indirect.gather [hbm4b:s8+s20], $0x10, s10, s20, $0xb8;
	[tilespmem:$0x1FF80] =	vst v63  }
0x127: {  	s19 =	rddreg [dreg:$0xe]  }
0x128: {  	[tilespmem:s23], [sflag:$0x2] =	stream.indirect.gather [hbm4b:s7+s20], $0x80, s19, s20, $0xb8;
	[tilespmem:$0x1FF80] =	vst v63  }
0x129: {  	_ = 	snop  }
0x12a: {  	[tilespmem:s25], [sflag:$0x6] =	stream.indirect.gather [hbm4b:s8+s20], $0x10, s12, s20, $0xb8;
	[tilespmem:$0x1FF80] =	vst v63  }
0x12b: {  	_ =	swait.ge [sflag:s26], $0x4000  }
0x12c: {  	[sflag:s26] =	ssyncset.done $0x0  }
0x12d: {  	[sflag:s26] =	ssyncadd.s32 $0xFFFFC000  }
0x12e: {  	[spmem:s2] =	stream.indirect.scatter.add.f32 [tilespmem:s21], [sflag:$0x3], $0x80, s10, s20, $0xb8;
	[tilespmem:$0x1FF80] =	vst v63  }
0x12f: {  	_ =	swait.ge [sflag:s28], $0x800  }
0x130: {  	[sflag:s28] =	ssyncset.done $0x0  }
0x131: {  	s15 =	rddreg [dreg:$0xf];
	[sflag:s28] =	ssyncadd.s32 $0xFFFFF800  }
0x132: {  	[spmem:s3] =	stream.indirect.scatter.add.f32 [tilespmem:s22], [sflag:$0x7], $0x10, s15, s20, $0xb8;
	[tilespmem:$0x1FF80] =	vst v63  }
0x133: {  	_ =	swait.ge [sflag:s29], $0x4000  }
0x134: {  	[sflag:s29] =	ssyncset.done $0x0  }
0x135: {  	[sflag:s29] =	ssyncadd.s32 $0xFFFFC000  }
0x136: {  	[spmem:s2] =	stream.indirect.scatter.add.f32 [tilespmem:s23], [sflag:$0x4], $0x80, s12, s20, $0xb8;
	[tilespmem:$0x1FF80] =	vst v63  }
0x137: {  	_ =	swait.ge [sflag:s30], $0x800  }
0x138: {  	[sflag:s30] =	ssyncset.done $0x0  }
0x139: {  	s17 =	rddreg [dreg:$0x10];
	[sflag:s30] =	ssyncadd.s32 $0xFFFFF800  }
0x13a: {  	[spmem:s3] =	stream.indirect.scatter.add.f32 [tilespmem:s25], [sflag:$0x8], $0x10, s17, s20, $0xb8;
	[tilespmem:$0x1FF80] =	vst v63  }
0x13b: {  	_ =	swait.ge [sflag:s31], $0x4000  }
0x13c: {  	[sflag:s31] =	ssyncset.done $0x0  }
0x13d: {  	[sflag:s31] =	ssyncadd.s32 $0xFFFFC000  }
0x13e: {  	_ =	swait.ge [sflag:s0], $0x800  }
0x13f: {  	[sflag:s0] =	ssyncset.done $0x0  }
0x140: {  	[sflag:s0] =	ssyncadd.s32 $0xFFFFF800  }
0x141: {  	_ =	swait.ge [sflag:s1], $0x4000  }
0x142: {  	[sflag:s1] =	ssyncset.done $0x0  }
0x143: {  	[sflag:s1] =	ssyncadd.s32 $0xFFFFC000  }
0x144: {  	_ =	swait.ge [sflag:s5], $0x800  }
0x145: {  	[sflag:s5] =	ssyncset.done $0x0  }
0x146: {  	s19 =	rddreg [dreg:$0x11];
	[sflag:s5] =	ssyncadd.s32 $0xFFFFF800  }
0x147: {  	[tilespmem:s21], [sflag:$0x1] =	stream.indirect.gather [hbm4b:s7+s20], $0x80, s19, s20, $0xb8;
	[tilespmem:$0x1FF80] =	vst v63  }
0x148: {  	_ = 	snop  }
0x149: {  	[tilespmem:s22], [sflag:$0x5] =	stream.indirect.gather [hbm4b:s8+s20], $0x10, s13, s20, $0xb8;
	[tilespmem:$0x1FF80] =	vst v63  }
0x14a: {  	s15 =	rddreg [dreg:$0x12]  }
0x14b: {  	[tilespmem:s23], [sflag:$0x2] =	stream.indirect.gather [hbm4b:s7+s20], $0x80, s15, s20, $0xb8;
	[tilespmem:$0x1FF80] =	vst v63  }
0x14c: {  	_ = 	snop  }
0x14d: {  	[tilespmem:s25], [sflag:$0x6] =	stream.indirect.gather [hbm4b:s8+s20], $0x10, s14, s20, $0xb8;
	[tilespmem:$0x1FF80] =	vst v63  }
0x14e: {  	_ =	swait.ge [sflag:s26], $0x4000  }
0x14f: {  	[sflag:s26] =	ssyncset.done $0x0  }
0x150: {  	[sflag:s26] =	ssyncadd.s32 $0xFFFFC000  }
0x151: {  	[spmem:s2] =	stream.indirect.scatter.add.f32 [tilespmem:s21], [sflag:$0x3], $0x80, s13, s20, $0xb8;
	[tilespmem:$0x1FF80] =	vst v63  }
0x152: {  	_ =	swait.ge [sflag:s28], $0x800  }
0x153: {  	[sflag:s28] =	ssyncset.done $0x0  }
0x154: {  	s17 =	rddreg [dreg:$0x13];
	[sflag:s28] =	ssyncadd.s32 $0xFFFFF800  }
0x155: {  	[spmem:s3] =	stream.indirect.scatter.add.f32 [tilespmem:s22], [sflag:$0x7], $0x10, s17, s20, $0xb8;
	[tilespmem:$0x1FF80] =	vst v63  }
0x156: {  	_ =	swait.ge [sflag:s29], $0x4000  }
0x157: {  	[sflag:s29] =	ssyncset.done $0x0  }
0x158: {  	[sflag:s29] =	ssyncadd.s32 $0xFFFFC000  }
0x159: {  	[spmem:s2] =	stream.indirect.scatter.add.f32 [tilespmem:s23], [sflag:$0x4], $0x80, s14, s20, $0xb8;
	[tilespmem:$0x1FF80] =	vst v63  }
0x15a: {  	_ =	swait.ge [sflag:s30], $0x800  }
0x15b: {  	[sflag:s30] =	ssyncset.done $0x0  }
0x15c: {  	s19 =	rddreg [dreg:$0x14];
	[sflag:s30] =	ssyncadd.s32 $0xFFFFF800  }
0x15d: {  	[spmem:s3] =	stream.indirect.scatter.add.f32 [tilespmem:s25], [sflag:$0x8], $0x10, s19, s20, $0xb8;
	[tilespmem:$0x1FF80] =	vst v63  }
0x15e: {  	_ =	swait.ge [sflag:s31], $0x4000  }
0x15f: {  	[sflag:s31] =	ssyncset.done $0x0  }
0x160: {  	[sflag:s31] =	ssyncadd.s32 $0xFFFFC000  }
0x161: {  	_ =	swait.ge [sflag:s0], $0x800  }
0x162: {  	[sflag:s0] =	ssyncset.done $0x0  }
0x163: {  	[sflag:s0] =	ssyncadd.s32 $0xFFFFF800  }
0x164: {  	_ =	swait.ge [sflag:s1], $0x4000  }
0x165: {  	[sflag:s1] =	ssyncset.done $0x0  }
0x166: {  	[sflag:s1] =	ssyncadd.s32 $0xFFFFC000  }
0x167: {  	s11 =	simm.s32 $0x100;
	_ =	swait.ge [sflag:s5], $0x800  }
0x168: {  	s15 =	simm.s32 $0x80;
	s17 =	rddreg [dreg:$0x6];
	[sflag:s5] =	ssyncset.done $0x0  }
.LBB2_2:
0x169: {  	[sflag:s5] =	ssyncadd.s32 $0xFFFFF800;
	s17 =	sadd.s32 s15, s17  }
0x16a: {  	[tilespmem:s24], [sflag:$0x9] =	stream.linear.gather [hbm4b:s17+s4], $0x400, $0x38;
	[tilespmem:$0x1FF80] =	vst v63  }
0x16b: {  	_ =	swait.ge [sflag:s16], $0x400  }
0x16c: {  	s17 =	rddreg [dreg:$0x5];
	[sflag:s16] =	ssyncset.done $0x0  }
0x16d: {  	[sflag:s16] =	ssyncadd.s32 $0xFFFFFC00;
	s17 =	sadd.s32 s15, s17  }
0x16e: {  	[tilespmem:s18], [sflag:$0x9] =	stream.linear.gather [hbm4b:s17+s4], $0x400, $0x38;
	[tilespmem:$0x1FF80] =	vst v63  }
0x16f: {  	_ =	swait.ge [sflag:s16], $0x400  }
0x170: {  	[sflag:s16] =	ssyncset.done $0x0  }
0x171: {  	s19 =	smov.u32 s11;
	s17 =	rddreg [dreg:$0x4];
	[sflag:s16] =	ssyncadd.s32 $0xFFFFFC00  }
0x172: {  	s17 =	sadd.s32 s15, s17;
	s15 =	smov.u32 s19;
	s19 =	simm.s32 $0x1EB80  }
0x173: {  	[tilespmem:s19], [sflag:$0x9] =	stream.linear.gather [hbm4b:s17+s4], $0x400, $0x38;
	[tilespmem:$0x1FF80] =	vst v63  }
0x174: {  	_ =	swait.ge [sflag:s16], $0x400  }
0x175: {  	[sflag:s16] =	ssyncset.done $0x0  }
0x176: {  	[sflag:s16] =	ssyncadd.s32 $0xFFFFFC00  }
0x177: {  	[tilespmem:s21], [sflag:$0x1] =	stream.indirect.gather [hbm4b:s7+s20], $0x80, s24, s20, $0xb8;
	[tilespmem:$0x1FF80] =	vst v63  }
0x178: {  	_ = 	snop  }
0x179: {  	[tilespmem:s22], [sflag:$0x5] =	stream.indirect.gather [hbm4b:s8+s20], $0x10, s18, s20, $0xb8;
	[tilespmem:$0x1FF80] =	vst v63  }
0x17a: {  	s17 =	rddreg [dreg:$0x7]  }
0x17b: {  	[tilespmem:s23], [sflag:$0x2] =	stream.indirect.gather [hbm4b:s7+s20], $0x80, s17, s20, $0xb8;
	[tilespmem:$0x1FF80] =	vst v63  }
0x17c: {  	s17 =	simm.s32 $0x16800  }
0x17d: {  	[tilespmem:s25], [sflag:$0x6] =	stream.indirect.gather [hbm4b:s8+s20], $0x10, s17, s20, $0xb8;
	[tilespmem:$0x1FF80] =	vst v63  }
0x17e: {  	_ =	swait.ge [sflag:s26], $0x4000  }
0x17f: {  	[sflag:s26] =	ssyncset.done $0x0  }
0x180: {  	[sflag:s26] =	ssyncadd.s32 $0xFFFFC000  }
0x181: {  	[spmem:s2] =	stream.indirect.scatter.add.f32 [tilespmem:s21], [sflag:$0x3], $0x80, s18, s20, $0xb8;
	[tilespmem:$0x1FF80] =	vst v63  }
0x182: {  	_ =	swait.ge [sflag:s28], $0x800  }
0x183: {  	[sflag:s28] =	ssyncset.done $0x0  }
0x184: {  	[sflag:s28] =	ssyncadd.s32 $0xFFFFF800  }
0x185: {  	[spmem:s3] =	stream.indirect.scatter.add.f32 [tilespmem:s22], [sflag:$0x7], $0x10, s19, s20, $0xb8;
	[tilespmem:$0x1FF80] =	vst v63  }
0x186: {  	_ =	swait.ge [sflag:s29], $0x4000  }
0x187: {  	[sflag:s29] =	ssyncset.done $0x0  }
0x188: {  	[sflag:s29] =	ssyncadd.s32 $0xFFFFC000  }
0x189: {  	[spmem:s2] =	stream.indirect.scatter.add.f32 [tilespmem:s23], [sflag:$0x4], $0x80, s17, s20, $0xb8;
	[tilespmem:$0x1FF80] =	vst v63  }
0x18a: {  	_ =	swait.ge [sflag:s30], $0x800  }
0x18b: {  	[sflag:s30] =	ssyncset.done $0x0  }
0x18c: {  	s19 =	rddreg [dreg:$0x8];
	[sflag:s30] =	ssyncadd.s32 $0xFFFFF800  }
0x18d: {  	[spmem:s3] =	stream.indirect.scatter.add.f32 [tilespmem:s25], [sflag:$0x8], $0x10, s19, s20, $0xb8;
	[tilespmem:$0x1FF80] =	vst v63  }
0x18e: {  	_ =	swait.ge [sflag:s31], $0x4000  }
0x18f: {  	[sflag:s31] =	ssyncset.done $0x0  }
0x190: {  	[sflag:s31] =	ssyncadd.s32 $0xFFFFC000  }
0x191: {  	_ =	swait.ge [sflag:s0], $0x800  }
0x192: {  	[sflag:s0] =	ssyncset.done $0x0  }
0x193: {  	[sflag:s0] =	ssyncadd.s32 $0xFFFFF800  }
0x194: {  	_ =	swait.ge [sflag:s1], $0x4000  }
0x195: {  	[sflag:s1] =	ssyncset.done $0x0  }
0x196: {  	[sflag:s1] =	ssyncadd.s32 $0xFFFFC000  }
0x197: {  	_ =	swait.ge [sflag:s5], $0x800  }
0x198: {  	[sflag:s5] =	ssyncset.done $0x0  }
0x199: {  	s19 =	rddreg [dreg:$0x9];
	[sflag:s5] =	ssyncadd.s32 $0xFFFFF800  }
0x19a: {  	[tilespmem:s21], [sflag:$0x1] =	stream.indirect.gather [hbm4b:s7+s20], $0x80, s19, s20, $0xb8;
	[tilespmem:$0x1FF80] =	vst v63  }
0x19b: {  	_ = 	snop  }
0x19c: {  	[tilespmem:s22], [sflag:$0x5] =	stream.indirect.gather [hbm4b:s8+s20], $0x10, s6, s20, $0xb8;
	[tilespmem:$0x1FF80] =	vst v63  }
0x19d: {  	s19 =	rddreg [dreg:$0xa]  }
0x19e: {  	[tilespmem:s23], [sflag:$0x2] =	stream.indirect.gather [hbm4b:s7+s20], $0x80, s19, s20, $0xb8;
	[tilespmem:$0x1FF80] =	vst v63  }
0x19f: {  	_ = 	snop  }
0x1a0: {  	[tilespmem:s25], [sflag:$0x6] =	stream.indirect.gather [hbm4b:s8+s20], $0x10, s9, s20, $0xb8;
	[tilespmem:$0x1FF80] =	vst v63  }
0x1a1: {  	_ =	swait.ge [sflag:s26], $0x4000  }
0x1a2: {  	[sflag:s26] =	ssyncset.done $0x0  }
0x1a3: {  	[sflag:s26] =	ssyncadd.s32 $0xFFFFC000  }
0x1a4: {  	[spmem:s2] =	stream.indirect.scatter.add.f32 [tilespmem:s21], [sflag:$0x3], $0x80, s6, s20, $0xb8;
	[tilespmem:$0x1FF80] =	vst v63  }
0x1a5: {  	_ =	swait.ge [sflag:s28], $0x800  }
0x1a6: {  	[sflag:s28] =	ssyncset.done $0x0  }
0x1a7: {  	s19 =	rddreg [dreg:$0xb];
	[sflag:s28] =	ssyncadd.s32 $0xFFFFF800  }
0x1a8: {  	[spmem:s3] =	stream.indirect.scatter.add.f32 [tilespmem:s22], [sflag:$0x7], $0x10, s19, s20, $0xb8;
	[tilespmem:$0x1FF80] =	vst v63  }
0x1a9: {  	_ =	swait.ge [sflag:s29], $0x4000  }
0x1aa: {  	[sflag:s29] =	ssyncset.done $0x0  }
0x1ab: {  	[sflag:s29] =	ssyncadd.s32 $0xFFFFC000  }
0x1ac: {  	[spmem:s2] =	stream.indirect.scatter.add.f32 [tilespmem:s23], [sflag:$0x4], $0x80, s9, s20, $0xb8;
	[tilespmem:$0x1FF80] =	vst v63  }
0x1ad: {  	_ =	swait.ge [sflag:s30], $0x800  }
0x1ae: {  	[sflag:s30] =	ssyncset.done $0x0  }
0x1af: {  	s19 =	rddreg [dreg:$0xc];
	[sflag:s30] =	ssyncadd.s32 $0xFFFFF800  }
0x1b0: {  	[spmem:s3] =	stream.indirect.scatter.add.f32 [tilespmem:s25], [sflag:$0x8], $0x10, s19, s20, $0xb8;
	[tilespmem:$0x1FF80] =	vst v63  }
0x1b1: {  	_ =	swait.ge [sflag:s31], $0x4000  }
0x1b2: {  	[sflag:s31] =	ssyncset.done $0x0  }
0x1b3: {  	[sflag:s31] =	ssyncadd.s32 $0xFFFFC000  }
0x1b4: {  	_ =	swait.ge [sflag:s0], $0x800  }
0x1b5: {  	[sflag:s0] =	ssyncset.done $0x0  }
0x1b6: {  	[sflag:s0] =	ssyncadd.s32 $0xFFFFF800  }
0x1b7: {  	_ =	swait.ge [sflag:s1], $0x4000  }
0x1b8: {  	[sflag:s1] =	ssyncset.done $0x0  }
0x1b9: {  	[sflag:s1] =	ssyncadd.s32 $0xFFFFC000  }
0x1ba: {  	_ =	swait.ge [sflag:s5], $0x800  }
0x1bb: {  	[sflag:s5] =	ssyncset.done $0x0  }
0x1bc: {  	s19 =	rddreg [dreg:$0xd];
	[sflag:s5] =	ssyncadd.s32 $0xFFFFF800  }
0x1bd: {  	[tilespmem:s21], [sflag:$0x1] =	stream.indirect.gather [hbm4b:s7+s20], $0x80, s19, s20, $0xb8;
	[tilespmem:$0x1FF80] =	vst v63  }
0x1be: {  	_ = 	snop  }
0x1bf: {  	[tilespmem:s22], [sflag:$0x5] =	stream.indirect.gather [hbm4b:s8+s20], $0x10, s10, s20, $0xb8;
	[tilespmem:$0x1FF80] =	vst v63  }
0x1c0: {  	s19 =	rddreg [dreg:$0xe]  }
0x1c1: {  	[tilespmem:s23], [sflag:$0x2] =	stream.indirect.gather [hbm4b:s7+s20], $0x80, s19, s20, $0xb8;
	[tilespmem:$0x1FF80] =	vst v63  }
0x1c2: {  	_ = 	snop  }
0x1c3: {  	[tilespmem:s25], [sflag:$0x6] =	stream.indirect.gather [hbm4b:s8+s20], $0x10, s12, s20, $0xb8;
	[tilespmem:$0x1FF80] =	vst v63  }
0x1c4: {  	_ =	swait.ge [sflag:s26], $0x4000  }
0x1c5: {  	[sflag:s26] =	ssyncset.done $0x0  }
0x1c6: {  	[sflag:s26] =	ssyncadd.s32 $0xFFFFC000  }
0x1c7: {  	[spmem:s2] =	stream.indirect.scatter.add.f32 [tilespmem:s21], [sflag:$0x3], $0x80, s10, s20, $0xb8;
	[tilespmem:$0x1FF80] =	vst v63  }
0x1c8: {  	_ =	swait.ge [sflag:s28], $0x800  }
0x1c9: {  	[sflag:s28] =	ssyncset.done $0x0  }
0x1ca: {  	s19 =	rddreg [dreg:$0xf];
	[sflag:s28] =	ssyncadd.s32 $0xFFFFF800  }
0x1cb: {  	[spmem:s3] =	stream.indirect.scatter.add.f32 [tilespmem:s22], [sflag:$0x7], $0x10, s19, s20, $0xb8;
	[tilespmem:$0x1FF80] =	vst v63  }
0x1cc: {  	_ =	swait.ge [sflag:s29], $0x4000  }
0x1cd: {  	[sflag:s29] =	ssyncset.done $0x0  }
0x1ce: {  	[sflag:s29] =	ssyncadd.s32 $0xFFFFC000  }
0x1cf: {  	[spmem:s2] =	stream.indirect.scatter.add.f32 [tilespmem:s23], [sflag:$0x4], $0x80, s12, s20, $0xb8;
	[tilespmem:$0x1FF80] =	vst v63  }
0x1d0: {  	_ =	swait.ge [sflag:s30], $0x800  }
0x1d1: {  	[sflag:s30] =	ssyncset.done $0x0  }
0x1d2: {  	s19 =	rddreg [dreg:$0x10];
	[sflag:s30] =	ssyncadd.s32 $0xFFFFF800  }
0x1d3: {  	[spmem:s3] =	stream.indirect.scatter.add.f32 [tilespmem:s25], [sflag:$0x8], $0x10, s19, s20, $0xb8;
	[tilespmem:$0x1FF80] =	vst v63  }
0x1d4: {  	_ =	swait.ge [sflag:s31], $0x4000  }
0x1d5: {  	[sflag:s31] =	ssyncset.done $0x0  }
0x1d6: {  	[sflag:s31] =	ssyncadd.s32 $0xFFFFC000  }
0x1d7: {  	_ =	swait.ge [sflag:s0], $0x800  }
0x1d8: {  	[sflag:s0] =	ssyncset.done $0x0  }
0x1d9: {  	[sflag:s0] =	ssyncadd.s32 $0xFFFFF800  }
0x1da: {  	_ =	swait.ge [sflag:s1], $0x4000  }
0x1db: {  	[sflag:s1] =	ssyncset.done $0x0  }
0x1dc: {  	[sflag:s1] =	ssyncadd.s32 $0xFFFFC000  }
0x1dd: {  	_ =	swait.ge [sflag:s5], $0x800  }
0x1de: {  	[sflag:s5] =	ssyncset.done $0x0  }
0x1df: {  	s19 =	rddreg [dreg:$0x11];
	[sflag:s5] =	ssyncadd.s32 $0xFFFFF800  }
0x1e0: {  	[tilespmem:s21], [sflag:$0x1] =	stream.indirect.gather [hbm4b:s7+s20], $0x80, s19, s20, $0xb8;
	[tilespmem:$0x1FF80] =	vst v63  }
0x1e1: {  	_ = 	snop  }
0x1e2: {  	[tilespmem:s22], [sflag:$0x5] =	stream.indirect.gather [hbm4b:s8+s20], $0x10, s13, s20, $0xb8;
	[tilespmem:$0x1FF80] =	vst v63  }
0x1e3: {  	s19 =	rddreg [dreg:$0x12]  }
0x1e4: {  	[tilespmem:s23], [sflag:$0x2] =	stream.indirect.gather [hbm4b:s7+s20], $0x80, s19, s20, $0xb8;
	[tilespmem:$0x1FF80] =	vst v63  }
0x1e5: {  	_ = 	snop  }
0x1e6: {  	[tilespmem:s25], [sflag:$0x6] =	stream.indirect.gather [hbm4b:s8+s20], $0x10, s14, s20, $0xb8;
	[tilespmem:$0x1FF80] =	vst v63  }
0x1e7: {  	_ =	swait.ge [sflag:s26], $0x4000  }
0x1e8: {  	[sflag:s26] =	ssyncset.done $0x0  }
0x1e9: {  	[sflag:s26] =	ssyncadd.s32 $0xFFFFC000  }
0x1ea: {  	[spmem:s2] =	stream.indirect.scatter.add.f32 [tilespmem:s21], [sflag:$0x3], $0x80, s13, s20, $0xb8;
	[tilespmem:$0x1FF80] =	vst v63  }
0x1eb: {  	_ =	swait.ge [sflag:s28], $0x800  }
0x1ec: {  	[sflag:s28] =	ssyncset.done $0x0  }
0x1ed: {  	s19 =	rddreg [dreg:$0x13];
	[sflag:s28] =	ssyncadd.s32 $0xFFFFF800  }
0x1ee: {  	[spmem:s3] =	stream.indirect.scatter.add.f32 [tilespmem:s22], [sflag:$0x7], $0x10, s19, s20, $0xb8;
	[tilespmem:$0x1FF80] =	vst v63  }
0x1ef: {  	_ =	swait.ge [sflag:s29], $0x4000  }
0x1f0: {  	[sflag:s29] =	ssyncset.done $0x0  }
0x1f1: {  	[sflag:s29] =	ssyncadd.s32 $0xFFFFC000  }
0x1f2: {  	[spmem:s2] =	stream.indirect.scatter.add.f32 [tilespmem:s23], [sflag:$0x4], $0x80, s14, s20, $0xb8;
	[tilespmem:$0x1FF80] =	vst v63  }
0x1f3: {  	_ =	swait.ge [sflag:s30], $0x800  }
0x1f4: {  	[sflag:s30] =	ssyncset.done $0x0  }
0x1f5: {  	s19 =	rddreg [dreg:$0x14];
	[sflag:s30] =	ssyncadd.s32 $0xFFFFF800  }
0x1f6: {  	[spmem:s3] =	stream.indirect.scatter.add.f32 [tilespmem:s25], [sflag:$0x8], $0x10, s19, s20, $0xb8;
	[tilespmem:$0x1FF80] =	vst v63  }
0x1f7: {  	_ =	swait.ge [sflag:s31], $0x4000  }
0x1f8: {  	[sflag:s31] =	ssyncset.done $0x0  }
0x1f9: {  	[sflag:s31] =	ssyncadd.s32 $0xFFFFC000  }
0x1fa: {  	_ =	swait.ge [sflag:s0], $0x800  }
0x1fb: {  	[sflag:s0] =	ssyncset.done $0x0  }
0x1fc: {  	p0 =	sne.s32 s11, $0x480;
	[sflag:s0] =	ssyncadd.s32 $0xFFFFF800  }
.Ltmp0:
0x1fd: {  	_ =	swait.ge [sflag:s1], $0x4000;
	(pc) =	sbr.rel @p0 .LBB2_2-.Ltmp0, $4  }
0x1fe: {  	[sflag:s1] =	ssyncset.done $0x0  }
0x1ff: {  	[sflag:s1] =	ssyncadd.s32 $0xFFFFC000  }
0x200: {  	_ =	swait.ge [sflag:s5], $0x800  }
0x201: {  	s11 =	sadd.s32 $0x80, s11;
	s17 =	rddreg [dreg:$0x6];
	[sflag:s5] =	ssyncset.done $0x0  }
0x202: {  	[sflag:s5] =	ssyncadd.s32 $0xFFFFF800;
	s11 =	sadd.s32 s15, s17;
	s17 =	simm.s32 $0x16380  }
0x203: {  	[tilespmem:s17], [sflag:$0x9] =	stream.linear.gather [hbm4b:s11+s4], $0x400, $0x38;
	[tilespmem:$0x1FF80] =	vst v63  }
0x204: {  	_ =	swait.ge [sflag:s16], $0x400  }
0x205: {  	s19 =	rddreg [dreg:$0x5];
	[sflag:s16] =	ssyncset.done $0x0  }
0x206: {  	[sflag:s16] =	ssyncadd.s32 $0xFFFFFC00;
	s11 =	sadd.s32 s15, s19  }
0x207: {  	[tilespmem:s18], [sflag:$0x9] =	stream.linear.gather [hbm4b:s11+s4], $0x400, $0x38;
	[tilespmem:$0x1FF80] =	vst v63  }
0x208: {  	_ =	swait.ge [sflag:s16], $0x400  }
0x209: {  	s19 =	rddreg [dreg:$0x4];
	[sflag:s16] =	ssyncset.done $0x0  }
0x20a: {  	s11 =	sadd.s32 s15, s19;
	[sflag:s16] =	ssyncadd.s32 $0xFFFFFC00;
	s15 =	simm.s32 $0x1EB80  }
0x20b: {  	[tilespmem:s15], [sflag:$0x9] =	stream.linear.gather [hbm4b:s11+s4], $0x400, $0x38;
	[tilespmem:$0x1FF80] =	vst v63  }
0x20c: {  	_ =	swait.ge [sflag:s16], $0x400  }
0x20d: {  	[sflag:s16] =	ssyncset.done $0x0  }
0x20e: {  	[sflag:s16] =	ssyncadd.s32 $0xFFFFFC00  }
0x20f: {  	[tilespmem:s21], [sflag:$0x1] =	stream.indirect.gather [hbm4b:s7+s20], $0x80, s17, s20, $0xb8;
	[tilespmem:$0x1FF80] =	vst v63  }
0x210: {  	_ = 	snop  }
0x211: {  	[tilespmem:s22], [sflag:$0x5] =	stream.indirect.gather [hbm4b:s8+s20], $0x10, s18, s20, $0xb8;
	[tilespmem:$0x1FF80] =	vst v63  }
0x212: {  	s19 =	rddreg [dreg:$0x7]  }
0x213: {  	[tilespmem:s23], [sflag:$0x2] =	stream.indirect.gather [hbm4b:s7+s20], $0x80, s19, s20, $0xb8;
	[tilespmem:$0x1FF80] =	vst v63  }
0x214: {  	s17 =	simm.s32 $0x16800  }
0x215: {  	[tilespmem:s25], [sflag:$0x6] =	stream.indirect.gather [hbm4b:s8+s20], $0x10, s17, s20, $0xb8;
	[tilespmem:$0x1FF80] =	vst v63  }
0x216: {  	_ =	swait.ge [sflag:s26], $0x4000  }
0x217: {  	[sflag:s26] =	ssyncset.done $0x0  }
0x218: {  	[sflag:s26] =	ssyncadd.s32 $0xFFFFC000  }
0x219: {  	[spmem:s2] =	stream.indirect.scatter.add.f32 [tilespmem:s21], [sflag:$0x3], $0x80, s18, s20, $0xb8;
	[tilespmem:$0x1FF80] =	vst v63  }
0x21a: {  	_ =	swait.ge [sflag:s28], $0x800  }
0x21b: {  	[sflag:s28] =	ssyncset.done $0x0  }
0x21c: {  	[sflag:s28] =	ssyncadd.s32 $0xFFFFF800  }
0x21d: {  	[spmem:s3] =	stream.indirect.scatter.add.f32 [tilespmem:s22], [sflag:$0x7], $0x10, s15, s20, $0xb8;
	[tilespmem:$0x1FF80] =	vst v63  }
0x21e: {  	_ =	swait.ge [sflag:s29], $0x4000  }
0x21f: {  	[sflag:s29] =	ssyncset.done $0x0  }
0x220: {  	[sflag:s29] =	ssyncadd.s32 $0xFFFFC000  }
0x221: {  	[spmem:s2] =	stream.indirect.scatter.add.f32 [tilespmem:s23], [sflag:$0x4], $0x80, s17, s20, $0xb8;
	[tilespmem:$0x1FF80] =	vst v63  }
0x222: {  	_ =	swait.ge [sflag:s30], $0x800  }
0x223: {  	[sflag:s30] =	ssyncset.done $0x0  }
0x224: {  	s19 =	rddreg [dreg:$0x8];
	[sflag:s30] =	ssyncadd.s32 $0xFFFFF800  }
0x225: {  	[spmem:s3] =	stream.indirect.scatter.add.f32 [tilespmem:s25], [sflag:$0x8], $0x10, s19, s20, $0xb8;
	[tilespmem:$0x1FF80] =	vst v63  }
0x226: {  	_ =	swait.ge [sflag:s31], $0x4000  }
0x227: {  	[sflag:s31] =	ssyncset.done $0x0  }
0x228: {  	[sflag:s31] =	ssyncadd.s32 $0xFFFFC000  }
0x229: {  	_ =	swait.ge [sflag:s0], $0x800  }
0x22a: {  	[sflag:s0] =	ssyncset.done $0x0  }
0x22b: {  	[sflag:s0] =	ssyncadd.s32 $0xFFFFF800  }
0x22c: {  	_ =	swait.ge [sflag:s1], $0x4000  }
0x22d: {  	[sflag:s1] =	ssyncset.done $0x0  }
0x22e: {  	[sflag:s1] =	ssyncadd.s32 $0xFFFFC000  }
0x22f: {  	_ =	swait.ge [sflag:s5], $0x800  }
0x230: {  	[sflag:s5] =	ssyncset.done $0x0  }
0x231: {  	s15 =	rddreg [dreg:$0x9];
	[sflag:s5] =	ssyncadd.s32 $0xFFFFF800  }
0x232: {  	[tilespmem:s21], [sflag:$0x1] =	stream.indirect.gather [hbm4b:s7+s20], $0x80, s15, s20, $0xb8;
	[tilespmem:$0x1FF80] =	vst v63  }
0x233: {  	_ = 	snop  }
0x234: {  	[tilespmem:s22], [sflag:$0x5] =	stream.indirect.gather [hbm4b:s8+s20], $0x10, s6, s20, $0xb8;
	[tilespmem:$0x1FF80] =	vst v63  }
0x235: {  	s17 =	rddreg [dreg:$0xa]  }
0x236: {  	[tilespmem:s23], [sflag:$0x2] =	stream.indirect.gather [hbm4b:s7+s20], $0x80, s17, s20, $0xb8;
	[tilespmem:$0x1FF80] =	vst v63  }
0x237: {  	_ = 	snop  }
0x238: {  	[tilespmem:s25], [sflag:$0x6] =	stream.indirect.gather [hbm4b:s8+s20], $0x10, s9, s20, $0xb8;
	[tilespmem:$0x1FF80] =	vst v63  }
0x239: {  	_ =	swait.ge [sflag:s26], $0x4000  }
0x23a: {  	[sflag:s26] =	ssyncset.done $0x0  }
0x23b: {  	[sflag:s26] =	ssyncadd.s32 $0xFFFFC000  }
0x23c: {  	[spmem:s2] =	stream.indirect.scatter.add.f32 [tilespmem:s21], [sflag:$0x3], $0x80, s6, s20, $0xb8;
	[tilespmem:$0x1FF80] =	vst v63  }
0x23d: {  	_ =	swait.ge [sflag:s28], $0x800  }
0x23e: {  	[sflag:s28] =	ssyncset.done $0x0  }
0x23f: {  	s19 =	rddreg [dreg:$0xb];
	[sflag:s28] =	ssyncadd.s32 $0xFFFFF800  }
0x240: {  	[spmem:s3] =	stream.indirect.scatter.add.f32 [tilespmem:s22], [sflag:$0x7], $0x10, s19, s20, $0xb8;
	[tilespmem:$0x1FF80] =	vst v63  }
0x241: {  	_ =	swait.ge [sflag:s29], $0x4000  }
0x242: {  	[sflag:s29] =	ssyncset.done $0x0  }
0x243: {  	[sflag:s29] =	ssyncadd.s32 $0xFFFFC000  }
0x244: {  	[spmem:s2] =	stream.indirect.scatter.add.f32 [tilespmem:s23], [sflag:$0x4], $0x80, s9, s20, $0xb8;
	[tilespmem:$0x1FF80] =	vst v63  }
0x245: {  	_ =	swait.ge [sflag:s30], $0x800  }
0x246: {  	[sflag:s30] =	ssyncset.done $0x0  }
0x247: {  	s15 =	rddreg [dreg:$0xc];
	[sflag:s30] =	ssyncadd.s32 $0xFFFFF800  }
0x248: {  	[spmem:s3] =	stream.indirect.scatter.add.f32 [tilespmem:s25], [sflag:$0x8], $0x10, s15, s20, $0xb8;
	[tilespmem:$0x1FF80] =	vst v63  }
0x249: {  	_ =	swait.ge [sflag:s31], $0x4000  }
0x24a: {  	[sflag:s31] =	ssyncset.done $0x0  }
0x24b: {  	[sflag:s31] =	ssyncadd.s32 $0xFFFFC000  }
0x24c: {  	_ =	swait.ge [sflag:s0], $0x800  }
0x24d: {  	[sflag:s0] =	ssyncset.done $0x0  }
0x24e: {  	[sflag:s0] =	ssyncadd.s32 $0xFFFFF800  }
0x24f: {  	_ =	swait.ge [sflag:s1], $0x4000  }
0x250: {  	[sflag:s1] =	ssyncset.done $0x0  }
0x251: {  	[sflag:s1] =	ssyncadd.s32 $0xFFFFC000  }
0x252: {  	_ =	swait.ge [sflag:s5], $0x800  }
0x253: {  	[sflag:s5] =	ssyncset.done $0x0  }
0x254: {  	s17 =	rddreg [dreg:$0xd];
	[sflag:s5] =	ssyncadd.s32 $0xFFFFF800  }
0x255: {  	[tilespmem:s21], [sflag:$0x1] =	stream.indirect.gather [hbm4b:s7+s20], $0x80, s17, s20, $0xb8;
	[tilespmem:$0x1FF80] =	vst v63  }
0x256: {  	_ = 	snop  }
0x257: {  	[tilespmem:s22], [sflag:$0x5] =	stream.indirect.gather [hbm4b:s8+s20], $0x10, s10, s20, $0xb8;
	[tilespmem:$0x1FF80] =	vst v63  }
0x258: {  	s19 =	rddreg [dreg:$0xe]  }
0x259: {  	[tilespmem:s23], [sflag:$0x2] =	stream.indirect.gather [hbm4b:s7+s20], $0x80, s19, s20, $0xb8;
	[tilespmem:$0x1FF80] =	vst v63  }
0x25a: {  	_ = 	snop  }
0x25b: {  	[tilespmem:s25], [sflag:$0x6] =	stream.indirect.gather [hbm4b:s8+s20], $0x10, s12, s20, $0xb8;
	[tilespmem:$0x1FF80] =	vst v63  }
0x25c: {  	_ =	swait.ge [sflag:s26], $0x4000  }
0x25d: {  	[sflag:s26] =	ssyncset.done $0x0  }
0x25e: {  	[sflag:s26] =	ssyncadd.s32 $0xFFFFC000  }
0x25f: {  	[spmem:s2] =	stream.indirect.scatter.add.f32 [tilespmem:s21], [sflag:$0x3], $0x80, s10, s20, $0xb8;
	[tilespmem:$0x1FF80] =	vst v63  }
0x260: {  	_ =	swait.ge [sflag:s28], $0x800  }
0x261: {  	[sflag:s28] =	ssyncset.done $0x0  }
0x262: {  	s15 =	rddreg [dreg:$0xf];
	[sflag:s28] =	ssyncadd.s32 $0xFFFFF800  }
0x263: {  	[spmem:s3] =	stream.indirect.scatter.add.f32 [tilespmem:s22], [sflag:$0x7], $0x10, s15, s20, $0xb8;
	[tilespmem:$0x1FF80] =	vst v63  }
0x264: {  	_ =	swait.ge [sflag:s29], $0x4000  }
0x265: {  	[sflag:s29] =	ssyncset.done $0x0  }
0x266: {  	[sflag:s29] =	ssyncadd.s32 $0xFFFFC000  }
0x267: {  	[spmem:s2] =	stream.indirect.scatter.add.f32 [tilespmem:s23], [sflag:$0x4], $0x80, s12, s20, $0xb8;
	[tilespmem:$0x1FF80] =	vst v63  }
0x268: {  	_ =	swait.ge [sflag:s30], $0x800  }
0x269: {  	[sflag:s30] =	ssyncset.done $0x0  }
0x26a: {  	s17 =	rddreg [dreg:$0x10];
	[sflag:s30] =	ssyncadd.s32 $0xFFFFF800  }
0x26b: {  	[spmem:s3] =	stream.indirect.scatter.add.f32 [tilespmem:s25], [sflag:$0x8], $0x10, s17, s20, $0xb8;
	[tilespmem:$0x1FF80] =	vst v63  }
0x26c: {  	_ =	swait.ge [sflag:s31], $0x4000  }
0x26d: {  	[sflag:s31] =	ssyncset.done $0x0  }
0x26e: {  	[sflag:s31] =	ssyncadd.s32 $0xFFFFC000  }
0x26f: {  	_ =	swait.ge [sflag:s0], $0x800  }
0x270: {  	[sflag:s0] =	ssyncset.done $0x0  }
0x271: {  	[sflag:s0] =	ssyncadd.s32 $0xFFFFF800  }
0x272: {  	_ =	swait.ge [sflag:s1], $0x4000  }
0x273: {  	[sflag:s1] =	ssyncset.done $0x0  }
0x274: {  	[sflag:s1] =	ssyncadd.s32 $0xFFFFC000  }
0x275: {  	_ =	swait.ge [sflag:s5], $0x800  }
0x276: {  	[sflag:s5] =	ssyncset.done $0x0  }
0x277: {  	s19 =	rddreg [dreg:$0x11];
	[sflag:s5] =	ssyncadd.s32 $0xFFFFF800  }
0x278: {  	[tilespmem:s21], [sflag:$0x1] =	stream.indirect.gather [hbm4b:s7+s20], $0x80, s19, s20, $0xb8;
	[tilespmem:$0x1FF80] =	vst v63  }
0x279: {  	_ = 	snop  }
0x27a: {  	[tilespmem:s22], [sflag:$0x5] =	stream.indirect.gather [hbm4b:s8+s20], $0x10, s13, s20, $0xb8;
	[tilespmem:$0x1FF80] =	vst v63  }
0x27b: {  	s15 =	rddreg [dreg:$0x12]  }
0x27c: {  	[tilespmem:s23], [sflag:$0x2] =	stream.indirect.gather [hbm4b:s7+s20], $0x80, s15, s20, $0xb8;
	[tilespmem:$0x1FF80] =	vst v63  }
0x27d: {  	_ = 	snop  }
0x27e: {  	[tilespmem:s25], [sflag:$0x6] =	stream.indirect.gather [hbm4b:s8+s20], $0x10, s14, s20, $0xb8;
	[tilespmem:$0x1FF80] =	vst v63  }
0x27f: {  	_ =	swait.ge [sflag:s26], $0x4000  }
0x280: {  	[sflag:s26] =	ssyncset.done $0x0  }
0x281: {  	[sflag:s26] =	ssyncadd.s32 $0xFFFFC000  }
0x282: {  	[spmem:s2] =	stream.indirect.scatter.add.f32 [tilespmem:s21], [sflag:$0x3], $0x80, s13, s20, $0xb8;
	[tilespmem:$0x1FF80] =	vst v63  }
0x283: {  	_ =	swait.ge [sflag:s28], $0x800  }
0x284: {  	[sflag:s28] =	ssyncset.done $0x0  }
0x285: {  	s17 =	rddreg [dreg:$0x13];
	[sflag:s28] =	ssyncadd.s32 $0xFFFFF800  }
0x286: {  	[spmem:s3] =	stream.indirect.scatter.add.f32 [tilespmem:s22], [sflag:$0x7], $0x10, s17, s20, $0xb8;
	[tilespmem:$0x1FF80] =	vst v63  }
0x287: {  	_ =	swait.ge [sflag:s29], $0x4000  }
0x288: {  	[sflag:s29] =	ssyncset.done $0x0  }
0x289: {  	[sflag:s29] =	ssyncadd.s32 $0xFFFFC000  }
0x28a: {  	[spmem:s2] =	stream.indirect.scatter.add.f32 [tilespmem:s23], [sflag:$0x4], $0x80, s14, s20, $0xb8;
	[tilespmem:$0x1FF80] =	vst v63  }
0x28b: {  	_ =	swait.ge [sflag:s30], $0x800  }
0x28c: {  	[sflag:s30] =	ssyncset.done $0x0  }
0x28d: {  	s19 =	rddreg [dreg:$0x14];
	[sflag:s30] =	ssyncadd.s32 $0xFFFFF800  }
0x28e: {  	[spmem:s3] =	stream.indirect.scatter.add.f32 [tilespmem:s25], [sflag:$0x8], $0x10, s19, s20, $0xb8;
	[tilespmem:$0x1FF80] =	vst v63  }
0x28f: {  	_ =	swait.ge [sflag:s31], $0x4000  }
0x290: {  	[sflag:s31] =	ssyncset.done $0x0  }
0x291: {  	[sflag:s31] =	ssyncadd.s32 $0xFFFFC000  }
0x292: {  	_ =	swait.ge [sflag:s0], $0x800  }
0x293: {  	[sflag:s0] =	ssyncset.done $0x0  }
0x294: {  	[sflag:s0] =	ssyncadd.s32 $0xFFFFF800  }
0x295: {  	_ =	swait.ge [sflag:s1], $0x4000  }
0x296: {  	[sflag:s1] =	ssyncset.done $0x0  }
0x297: {  	[sflag:s1] =	ssyncadd.s32 $0xFFFFC000  }
0x298: {  	_ =	swait.ge [sflag:s5], $0x800  }
0x299: {  	[sflag:s5] =	ssyncset.done $0x0  }
0x29a: {  	[sflag:s5] =	ssyncadd.s32 $0xFFFFF800  }
0x29b: {  	[bflag:$0x0] =	sbarrier.arrive $0xFFFF  }
0x29c: {  	s17 =	sld [smem:$0x7FD]  }
0x29d: {  	s19 =	sld [smem:$0x7B7];
	_ =	sdelay $0x1  }
0x29e: {  	s15 =	rddreg [dreg:$0x1f]  }
0x29f: {  	[hbm:s15], [sflag:s17] =	dma.local [spmem:s19], $0x400  }
0x2a0: {  	_ =	swait.ge [sflag:s16], $0x400  }
0x2a1: {  	s15 =	sld [smem:$0x7D4]  }
0x2a2: {  	s19 =	sld [smem:$0x7B8]  }
0x2a3: {  	[sflag:s16] =	ssyncset.done $0x0  }
0x2a4: {  	[sflag:s16] =	ssyncadd.s32 $0xFFFFFC00  }
0x2a5: {  	[hbm:s15], [sflag:s17] =	dma.local [spmem:s19], $0x80  }
0x2a6: {  	_ =	swait.ge [sflag:s16], $0x80  }
0x2a7: {  	s15 =	sld [smem:$0x7CB]  }
0x2a8: {  	s19 =	sld [smem:$0x7B9]  }
0x2a9: {  	[sflag:s16] =	ssyncset.done $0x0  }
0x2aa: {  	[sflag:s16] =	ssyncadd.s32 $0xFFFFFF80  }
0x2ab: {  	[hbm:s15], [sflag:s17] =	dma.local [spmem:s19], $0x400  }
0x2ac: {  	_ =	swait.ge [sflag:s16], $0x400  }
0x2ad: {  	s15 =	sld [smem:$0x7D5]  }
0x2ae: {  	s19 =	sld [smem:$0x7BA]  }
0x2af: {  	[sflag:s16] =	ssyncset.done $0x0  }
0x2b0: {  	[sflag:s16] =	ssyncadd.s32 $0xFFFFFC00  }
0x2b1: {  	[hbm:s15], [sflag:s17] =	dma.local [spmem:s19], $0x80  }
0x2b2: {  	_ =	swait.ge [sflag:s16], $0x80  }
0x2b3: {  	s15 =	sld [smem:$0x7CC]  }
0x2b4: {  	s19 =	sld [smem:$0x7BB]  }
0x2b5: {  	[sflag:s16] =	ssyncset.done $0x0  }
0x2b6: {  	[sflag:s16] =	ssyncadd.s32 $0xFFFFFF80  }
0x2b7: {  	[hbm:s15], [sflag:s17] =	dma.local [spmem:s19], $0x400  }
0x2b8: {  	_ =	swait.ge [sflag:s16], $0x400  }
0x2b9: {  	s15 =	sld [smem:$0x7D6]  }
0x2ba: {  	s19 =	sld [smem:$0x7BC]  }
0x2bb: {  	[sflag:s16] =	ssyncset.done $0x0  }
0x2bc: {  	[sflag:s16] =	ssyncadd.s32 $0xFFFFFC00  }
0x2bd: {  	[hbm:s15], [sflag:s17] =	dma.local [spmem:s19], $0x80  }
0x2be: {  	_ =	swait.ge [sflag:s16], $0x80  }
0x2bf: {  	s15 =	sld [smem:$0x7CD]  }
0x2c0: {  	s19 =	sld [smem:$0x7BD]  }
0x2c1: {  	[sflag:s16] =	ssyncset.done $0x0  }
0x2c2: {  	[sflag:s16] =	ssyncadd.s32 $0xFFFFFF80  }
0x2c3: {  	[hbm:s15], [sflag:s17] =	dma.local [spmem:s19], $0x400  }
0x2c4: {  	_ =	swait.ge [sflag:s16], $0x400  }
0x2c5: {  	s15 =	sld [smem:$0x7D7]  }
0x2c6: {  	s19 =	sld [smem:$0x7BE]  }
0x2c7: {  	[sflag:s16] =	ssyncset.done $0x0  }
0x2c8: {  	[sflag:s16] =	ssyncadd.s32 $0xFFFFFC00  }
0x2c9: {  	[hbm:s15], [sflag:s17] =	dma.local [spmem:s19], $0x80  }
0x2ca: {  	_ =	swait.ge [sflag:s16], $0x80  }
0x2cb: {  	s15 =	sld [smem:$0x7CE]  }
0x2cc: {  	s19 =	sld [smem:$0x7BF]  }
0x2cd: {  	[sflag:s16] =	ssyncset.done $0x0  }
0x2ce: {  	[sflag:s16] =	ssyncadd.s32 $0xFFFFFF80  }
0x2cf: {  	[hbm:s15], [sflag:s17] =	dma.local [spmem:s19], $0x400  }
0x2d0: {  	_ =	swait.ge [sflag:s16], $0x400  }
0x2d1: {  	s15 =	sld [smem:$0x7D8]  }
0x2d2: {  	s19 =	sld [smem:$0x7C0]  }
0x2d3: {  	[sflag:s16] =	ssyncset.done $0x0  }
0x2d4: {  	[sflag:s16] =	ssyncadd.s32 $0xFFFFFC00  }
0x2d5: {  	[hbm:s15], [sflag:s17] =	dma.local [spmem:s19], $0x80  }
0x2d6: {  	_ =	swait.ge [sflag:s16], $0x80  }
0x2d7: {  	s15 =	sld [smem:$0x7CF]  }
0x2d8: {  	s19 =	sld [smem:$0x7C1]  }
0x2d9: {  	[sflag:s16] =	ssyncset.done $0x0  }
0x2da: {  	[sflag:s16] =	ssyncadd.s32 $0xFFFFFF80  }
0x2db: {  	[hbm:s15], [sflag:s17] =	dma.local [spmem:s19], $0x400  }
0x2dc: {  	_ =	swait.ge [sflag:s16], $0x400  }
0x2dd: {  	s15 =	sld [smem:$0x7D9]  }
0x2de: {  	s19 =	sld [smem:$0x7C2]  }
0x2df: {  	[sflag:s16] =	ssyncset.done $0x0  }
0x2e0: {  	[sflag:s16] =	ssyncadd.s32 $0xFFFFFC00  }
0x2e1: {  	[hbm:s15], [sflag:s17] =	dma.local [spmem:s19], $0x80  }
0x2e2: {  	_ =	swait.ge [sflag:s16], $0x80  }
0x2e3: {  	s15 =	sld [smem:$0x7D0]  }
0x2e4: {  	s19 =	sld [smem:$0x7C3]  }
0x2e5: {  	[sflag:s16] =	ssyncset.done $0x0  }
0x2e6: {  	[sflag:s16] =	ssyncadd.s32 $0xFFFFFF80  }
0x2e7: {  	[hbm:s15], [sflag:s17] =	dma.local [spmem:s19], $0x400  }
0x2e8: {  	_ =	swait.ge [sflag:s16], $0x400  }
0x2e9: {  	s15 =	sld [smem:$0x7DA]  }
0x2ea: {  	s19 =	sld [smem:$0x7C4]  }
0x2eb: {  	[sflag:s16] =	ssyncset.done $0x0  }
0x2ec: {  	[sflag:s16] =	ssyncadd.s32 $0xFFFFFC00  }
0x2ed: {  	[hbm:s15], [sflag:s17] =	dma.local [spmem:s19], $0x80  }
0x2ee: {  	_ =	swait.ge [sflag:s16], $0x80  }
0x2ef: {  	s15 =	sld [smem:$0x7D1]  }
0x2f0: {  	s19 =	sld [smem:$0x7C5]  }
0x2f1: {  	[sflag:s16] =	ssyncset.done $0x0  }
0x2f2: {  	[sflag:s16] =	ssyncadd.s32 $0xFFFFFF80  }
0x2f3: {  	[hbm:s15], [sflag:s17] =	dma.local [spmem:s19], $0x400  }
0x2f4: {  	_ =	swait.ge [sflag:s16], $0x400  }
0x2f5: {  	s15 =	sld [smem:$0x7DB]  }
0x2f6: {  	s19 =	sld [smem:$0x7C6]  }
0x2f7: {  	[sflag:s16] =	ssyncset.done $0x0  }
0x2f8: {  	[sflag:s16] =	ssyncadd.s32 $0xFFFFFC00  }
0x2f9: {  	[hbm:s15], [sflag:s17] =	dma.local [spmem:s19], $0x80  }
0x2fa: {  	_ =	swait.ge [sflag:s16], $0x80  }
0x2fb: {  	s15 =	sld [smem:$0x7D2]  }
0x2fc: {  	s19 =	sld [smem:$0x7C7]  }
0x2fd: {  	[sflag:s16] =	ssyncset.done $0x0  }
0x2fe: {  	[sflag:s16] =	ssyncadd.s32 $0xFFFFFF80  }
0x2ff: {  	[hbm:s15], [sflag:s17] =	dma.local [spmem:s19], $0x400  }
0x300: {  	_ =	swait.ge [sflag:s16], $0x400  }
0x301: {  	s15 =	sld [smem:$0x7DC]  }
0x302: {  	s19 =	sld [smem:$0x7C8]  }
0x303: {  	[sflag:s16] =	ssyncset.done $0x0  }
0x304: {  	[sflag:s16] =	ssyncadd.s32 $0xFFFFFC00  }
0x305: {  	[hbm:s15], [sflag:s17] =	dma.local [spmem:s19], $0x80  }
0x306: {  	_ =	swait.ge [sflag:s16], $0x80  }
0x307: {  	s15 =	sld [smem:$0x7D3]  }
0x308: {  	s19 =	sld [smem:$0x7C9]  }
0x309: {  	[sflag:s16] =	ssyncset.done $0x0  }
0x30a: {  	[sflag:s16] =	ssyncadd.s32 $0xFFFFFF80  }
0x30b: {  	[hbm:s15], [sflag:s17] =	dma.local [spmem:s19], $0x380  }
0x30c: {  	_ =	swait.ge [sflag:s16], $0x380  }
0x30d: {  	s15 =	sld [smem:$0x7DD]  }
0x30e: {  	s19 =	sld [smem:$0x7CA]  }
0x30f: {  	[sflag:s16] =	ssyncset.done $0x0  }
0x310: {  	[sflag:s16] =	ssyncadd.s32 $0xFFFFFC80  }
0x311: {  	[hbm:s15], [sflag:s17] =	dma.local [spmem:s19], $0x70  }
0x312: {  	_ =	swait.ge [sflag:s16], $0x70  }
0x313: {  	s11 =	sld [smem:$0x7B6]  }
0x314: {  	s19 =	sld [smem:$0x7FC];
	_ =	sdelay $0x1  }
0x315: {  	s15 =	sadd.s32 $0x1, s11  }
0x316: {  	p0 =	sne.s32 s15, s19  }
.Ltmp1:
0x317: {  	_ = 	snop;
	(pc) =	sbr.rel @p0 .LBB2_1-.Ltmp1, $3  }
0x318: {  	_ =	sdelay $0x1  }
0x319: {  	[sflag:s16] =	ssyncset.done $0x0  }
0x31a: {  	[sflag:s16] =	ssyncadd.s32 $0xFFFFFF90  }
0x31b: {  	_ =	sfence.sel $0x180000  }
0x31c: {  	[bflag:$0x0] =	sbarrier.arrive $0xFFFF  }
0x31d: {  	_ =	strace $0x9000004A  }
0x31e: {  	s0 =	stileid.u32;
	[bflag:$0x2] =	sbarrier.arrive $0xFFFF  }
0x31f: {  	p0 =	sne.s32 s0, $0x0;
	s0 =	rddreg [dreg:$0x3]  }
0x320: {  	s0 =	sadd.s32 @!p0 $0x100000, s0  }
0x321: {  	[sflag:s0] =	ssyncadd.tile.s32 @!p0 $0x1;
	_ =	shalt  }
.Lfunc_end2:
_tile_overlayer_lowered:
.L_overlay_start_2:
0x322: {  	(tag) =	ssettag $0x2  }
0x323: {  	s0 =	rddreg [dreg:$0x0];
	s2 =	stileid.u32  }
0x324: {  	s1 =	rddreg [dreg:$0x1];
	p0 =	sne.s32 s2, $0x0  }
0x325: {  	s3 =	rddreg [dreg:$0x2];
	[bflag:$0x3] =	sbarrier.arrive $0xFFFF;
	s2 =	simm.s32 @!p0 $0x1C09  }
0x326: {  	[timem:s3], [sflag:s2] =	dma.local @!p0 [hbm:s0], s1  }
0x327: {  	s0 =	simm.s32 @!p0 $0x9  }
0x328: {  	_ =	swait.ge @!p0 [sflag:s0], s1  }
0x329: {  	s1 =	ssub.s32 @!p0 $0x0, s1;
	[sflag:s0] =	ssyncset.done @!p0 $0x0  }
0x32a: {  	[sflag:s0] =	ssyncadd.s32 @!p0 s1  }
0x32b: {  	[bflag:$0x3] =	sbarrier.arrive $0xFFFF  }
0x32c: {  	_ =	shalt  }

// kernel: kernel.14.cloned.1.call-start
scs
__scs_entry_jumppad:
0x0: {  	(pc) =	sbr.rel $0x88, $3  }
0x1: {  	(tag) =	ssettag $0x0;
	lr =	simm.s32 $0x1  }
0x2: {  	[smem:$0x3F99] =	sst lr;
	_ =	strace $0xD0000000  }
0x3: {  	_ = 	snop  }
0x4: {  	_ = 	snop  }
0x5: {  	_ = 	snop  }
0x6: {  	_ = 	snop  }
0x7: {  	_ = 	snop  }
__scs_overlays_trampoline_lowered:
0x8: {  	[smem:$0x3FA8] =	sst s0  }
0x9: {  	[smem:$0x3FA9] =	sst s1  }
0xa: {  	[smem:$0x3FAA] =	sst s2  }
0xb: {  	[smem:$0x3FAB] =	sst s3  }
0xc: {  	[smem:$0x3FAC] =	sst s4  }
0xd: {  	[smem:$0x3FAD] =	sst s5  }
0xe: {  	[smem:$0x3FAE] =	sst s6  }
0xf: {  	[smem:$0x3FAF] =	sst s7  }
0x10: {  	[smem:$0x3FB0] =	sst s8  }
0x11: {  	[smem:$0x3FB1] =	sst s9;
	s0 =	simm.s32 @!p0 $0x0  }
0x12: {  	s1 =	sld [smem:$0x3F97];
	s0 =	simm.s32 @p0 $0x1  }
0x13: {  	[smem:$0x3FB2] =	sst s0;
	s0 =	simm.s32 @!p1 $0x0  }
0x14: {  	s2 =	sld [smem:$0x3F96];
	s0 =	simm.s32 @p1 $0x1  }
0x15: {  	[smem:$0x3FB3] =	sst s0;
	s0 =	simm.s32 @!p2 $0x0  }
0x16: {  	s3 =	sld [smem:$0x3FDB];
	s0 =	simm.s32 @p2 $0x1  }
0x17: {  	s4 =	simm.s32 $0x1BF5;
	[smem:$0x3FB5] =	sst s0  }
0x18: {  	s0 =	sld [smem:$0x3F98];
	_ =	swait.ge [sflag:s4], $0x0  }
0x19: {  	s7 =	sld [smem:$0x3F99]  }
0x1a: {  	s8 =	sadd.s32 $0xFFFFE003, lr  }
0x1b: {  	s9 =	sadd.s32 $0xFFFFFEF7, lr;
	s5 =	simm.s32 $0xFFFFFFFF;
	p2 =	slt.u32 s8, $0xFFFFF086  }
0x1c: {  	p1 =	slt.u32 s9, $0xF7A;
	s5 =	simm.s32 @!p2 $0x0  }
0x1d: {  	s5 =	simm.s32 @p1 $0x1;
	p0 =	seq.s32 s7, s2  }
0x1e: {  	s7 =	smul.u32 @!p0 $0xF7A, s2;
	p2 =	seq.s32 @!p0 s5, $0x0  }
0x1f: {  	s9 =	smul.u32 $0xF7A, s1;
	s8 =	simm.s32 @!p0 $0x1BF5;
	p2 =	por !p2, p0  }
0x20: {  	[sflag:s8] =	ssyncset.s32 @!p0 $0xFFFFF086;
	s6 =	sadd.s32 @!p0 s3, s7;
	s7 =	simm.s32 @!p0 $0x108  }
0x21: {  	s3 =	sadd.s32 s3, s9;
	s6 =	sadd.s32 @!p0 $0x88, s6;
	s7 =	simm.s32 @p2 $0x1082  }
0x22: {  	[simem:s7], [sflag:s8] =	dma.local @!p0 [hbm:s6], $0xF7A  }
0x23: {  	s9 =	sor.u32 $0xD0000000, s2;
	s6 =	simm.s32 $0x108;
	_ =	swait.ge @!p0 [sflag:s8], $0x0  }
0x24: {  	s3 =	sadd.s32 $0x88, s3;
	s6 =	simm.s32 @!p1 $0x1082;
	[sflag:s4] =	ssyncset.s32 $0xFFFFF086  }
0x25: {  	[simem:s6], [sflag:s4] =	dma.local [hbm:s3], $0xF7A  }
0x26: {  	[smem:$0x3F99] =	sst s1;
	(tag) =	ssettag s2;
	_ =	strace s9  }
0x27: {  	s1 =	sld [smem:$0x3FA9]  }
0x28: {  	s2 =	sld [smem:$0x3FAA]  }
0x29: {  	s4 =	sld [smem:$0x3FAC]  }
0x2a: {  	p0 =	seq.s32 s5, $0x0;
	s5 =	sld [smem:$0x3FAD]  }
0x2b: {  	s6 =	sld [smem:$0x3FAE]  }
0x2c: {  	s7 =	sld [smem:$0x3FAF]  }
0x2d: {  	s3 =	simm.s32 $0x108;
	s8 =	sld [smem:$0x3FB0]  }
0x2e: {  	s3 =	simm.s32 @!p0 $0x1082;
	s9 =	sld [smem:$0x3FB1]  }
0x2f: {  	lr =	sadd.s32 s0, s3;
	s0 =	sld [smem:$0x3FA8]  }
0x30: {  	s3 =	sld [smem:$0x3FAB]  }
0x31: {  	[smem:$0x3FB4] =	sst s10  }
0x32: {  	s10 =	sld [smem:$0x3FB2];
	_ =	sdelay $0x3  }
0x33: {  	p0 =	seq.s32 s10, $0x1;
	s10 =	sld [smem:$0x3FB4];
	_ =	sdelay $0x3  }
0x34: {  	[smem:$0x3FB4] =	sst s10  }
0x35: {  	s10 =	sld [smem:$0x3FB3];
	_ =	sdelay $0x3  }
0x36: {  	p1 =	seq.s32 s10, $0x1;
	s10 =	sld [smem:$0x3FB4];
	_ =	sdelay $0x3  }
0x37: {  	[smem:$0x3FB4] =	sst s10  }
0x38: {  	s10 =	sld [smem:$0x3FB5]  }
0x39: {  	_ = 	snop;
	(pc) =	sbr.ind lr, $3  }
0x3a: {  	_ = 	snop  }
0x3b: {  	_ = 	snop  }
0x3c: {  	p2 =	seq.s32 s10, $0x1;
	s10 =	sld [smem:$0x3FB4]  }
0x3d: {  	_ =	shalt  }
0x3e: {  	_ =	shalt  }
0x3f: {  	_ =	shalt  }
0x40: {  	_ =	shalt  }
0x41: {  	_ =	shalt  }
0x42: {  	_ =	shalt  }
0x43: {  	_ =	shalt  }
0x44: {  	_ =	shalt  }
0x45: {  	_ =	shalt  }
0x46: {  	_ =	shalt  }
0x47: {  	_ =	shalt  }
0x48: {  	_ =	shalt  }
0x49: {  	_ =	shalt  }
0x4a: {  	_ =	shalt  }
0x4b: {  	_ =	shalt  }
0x4c: {  	_ =	shalt  }
0x4d: {  	_ =	shalt  }
0x4e: {  	_ =	shalt  }
0x4f: {  	_ =	shalt  }
0x50: {  	_ =	shalt  }
0x51: {  	_ =	shalt  }
0x52: {  	_ =	shalt  }
0x53: {  	_ =	shalt  }
0x54: {  	_ =	shalt  }
0x55: {  	_ =	shalt  }
0x56: {  	_ =	shalt  }
0x57: {  	_ =	shalt  }
0x58: {  	_ =	shalt  }
0x59: {  	_ =	shalt  }
0x5a: {  	_ =	shalt  }
0x5b: {  	_ =	shalt  }
0x5c: {  	_ =	shalt  }
0x5d: {  	_ =	shalt  }
0x5e: {  	_ =	shalt  }
0x5f: {  	_ =	shalt  }
0x60: {  	_ =	shalt  }
0x61: {  	_ =	shalt  }
0x62: {  	_ =	shalt  }
0x63: {  	_ =	shalt  }
0x64: {  	_ =	shalt  }
0x65: {  	_ =	shalt  }
0x66: {  	_ =	shalt  }
0x67: {  	_ =	shalt  }
0x68: {  	_ =	shalt  }
0x69: {  	_ =	shalt  }
0x6a: {  	_ =	shalt  }
0x6b: {  	_ =	shalt  }
0x6c: {  	_ =	shalt  }
0x6d: {  	_ =	shalt  }
0x6e: {  	_ =	shalt  }
0x6f: {  	_ =	shalt  }
0x70: {  	_ =	shalt  }
0x71: {  	_ =	shalt  }
0x72: {  	_ =	shalt  }
0x73: {  	_ =	shalt  }
0x74: {  	_ =	shalt  }
0x75: {  	_ =	shalt  }
0x76: {  	_ =	shalt  }
0x77: {  	_ =	shalt  }
0x78: {  	_ =	shalt  }
0x79: {  	_ =	shalt  }
0x7a: {  	_ =	shalt  }
0x7b: {  	_ =	shalt  }
0x7c: {  	_ =	shalt  }
0x7d: {  	_ =	shalt  }
0x7e: {  	_ =	shalt  }
0x7f: {  	_ =	shalt  }
0x80: {  	_ =	shalt  }
0x81: {  	_ =	shalt  }
0x82: {  	_ =	shalt  }
0x83: {  	_ =	shalt  }
0x84: {  	_ =	shalt  }
0x85: {  	_ =	shalt  }
0x86: {  	_ =	shalt  }
0x87: {  	_ =	shalt  }
.Lfunc_end0:
.L_simem_size_0:
called_computation.2_lowered:
.L_overlay_start_0:
0x88: {  	s2 =	sld [smem:$0x3FD9]  }
0x89: {  	s3 =	sld [smem:$0x3FFE];
	_ =	sdelay $0x1  }
0x8a: {  	s1 =	srdreg.scid  }
0x8b: {  	s0 =	sand.u32 $0x1, s1  }
0x8c: {  	s16 =	sshll.u32 s0, $0xA;
	s2 =	sadd.s32 s3, s2  }
0x8d: {  	s2 =	sadd.s32 s2, s16  }
0x8e: {  	[smem:$0x3FC0] =	sst s2  }
0x8f: {  	_ = 	snop  }
0x90: {  	(tm) =	ssettm $0x1  }
0x91: {  	s17 =	sld [smem:$0x3FFB];
	_ =	sdelay $0x3  }
0x92: {  	_ =	strace s17  }
0x93: {  	s2 =	sld [smem:$0x3FFC];
	_ =	sdelay $0x3  }
0x94: {  	_ =	strace s2  }
0x95: {  	s2 =	sld [smem:$0x3FFD];
	_ =	sdelay $0x3  }
0x96: {  	_ =	strace s2  }
0x97: {  	_ =	strace $0x8FFFFFFF  }
0x98: {  	s18 =	sld [smem:$0x3FDB];
	_ =	sdelay $0x1  }
0x99: {  	s19 =	simm.s32 $_scs_section_size  }
0x9a: {  	s4 =	simm.s32 $_size__tile_overlayer_lowered;
	s5 =	simm.s32 $_tile_overlayer_lowered  }
0x9b: {  	s22 =	simm.s32 $0x1BFF;
	s21 =	sshll.u32 s5, $0x1;
	s2 =	sadd.s32 s19, s18  }
0x9c: {  	s6 =	simm.s32 $0x0;
	s20 =	sshll.u32 s4, $0x1;
	s4 =	sadd.s32 s21, s2  }
0x9d: {  	[timem:s6], [sflag:s22] =	dma.local [hbm:s4], s20  }
0x9e: {  	_ =	swait.ge [sflag:s22], s20  }
0x9f: {  	s3 =	ssub.s32 $0x0, s20;
	[sflag:s22] =	ssyncset.done $0x0  }
0xa0: {  	[sflag:s22] =	ssyncadd.s32 s3;
	_ =	sdelay $0x1  }
0xa1: {  	s23 =	simm.s32 $0x1B8B  }
0xa2: {  	_ =	swait.ge [sflag:s23], $0x1  }
0xa3: {  	[sflag:s23] =	ssyncset.done $0x0  }
0xa4: {  	s25 =	simm.s32 $0x1B8E;
	s24 =	sld [smem:$0x3FFE];
	[sflag:s23] =	ssyncadd.s32 $0xFFFFFFFF  }
0xa5: {  	s26 =	simm.s32 $execute0_lowered;
	[smem:$0x3FD2] =	sst s25  }
0xa6: {  	s4 =	sshll.u32 s26, $0x1;
	_ =	strace $0x8000004C;
	[dreg:$0x1] =	wrdreg $0xFFFFFFFF  }
0xa7: {  	s28 =	simm.s32 $_size_execute0_lowered;
	s2 =	sadd.s32 s2, s4;
	[dreg:$0x0] =	wrdreg $0x0  }
0xa8: {  	s4 =	sshll.u32 s28, $0x1;
	[dreg:$0x2] =	wrdreg s2  }
0xa9: {  	[dreg:$0x3] =	wrdreg s4  }
0xaa: {  	[dreg:$0x4] =	wrdreg $0xC0  }
0xab: {  	_ =	task [dreg:s6], $0x5FFFF  }
0xac: {  	[dreg:$0x1] =	wrdreg $0xFFFFFFFF  }
0xad: {  	[dreg:$0x0] =	wrdreg $0x60  }
0xae: {  	[dreg:$0x2] =	wrdreg s24  }
0xaf: {  	[dreg:$0x3] =	wrdreg $0x0  }
0xb0: {  	[dreg:$0x4] =	wrdreg $0x9  }
0xb1: {  	_ =	task.clear_ibuf [dreg:s6], $0x5FFFF;
	_ =	strace $0x9000004C  }
0xb2: {  	s29 =	simm.s32 $0x9;
	_ =	strace $0x8000004E  }
0xb3: {  	_ =	swait.ge [sflag:s29], $0x1  }
0xb4: {  	[sflag:s29] =	ssyncadd.s32 $0xFFFFFFFF  }
0xb5: {  	_ =	strace $0x9000004E  }
0xb6: {  	_ =	sfence  }
0xb7: {  	s30 =	sld [smem:$0x0];
	_ =	sdelay $0x2  }
0xb8: {  	s31 =	sshll.u32 s1, $0xD;
	s1 =	sshrl.u32 s1, $0x2  }
0xb9: {  	s3 =	sand.u32 $0x4000, s31;
	s1 =	sadd.s32 s1, s30  }
0xba: {  	s0 =	sor.u32 s3, s0;
	s1 =	sshll.u32 s1, $0x11  }
0xbb: {  	s0 =	sor.u32 s1, s0  }
0xbc: {  	s0 =	sadd.s32 $0x8F2B, s0  }
0xbd: {  	[sflag:s0] =	ssyncadd.remote.s32 $0x1  }
0xbe: {  	_ =	sfence.sel $0xFFFF  }
0xbf: {  	[dreg:$0x0] =	wrdreg $0xFFFFFFFF;
	(pc) =	sbr.abs _section_cstart, $3  }
0xc0: {  	[dreg:$0x1] =	wrdreg $0xFFFFFFFF  }
0xc1: {  	_ =	task.clear_ibuf [dreg:s6], $0x2FFFF;
	_ =	strace $0x9FFFFFFF  }
0xc2: {  	(tm) =	ssettm $0x7FFFFFFF  }
0xc3: {  	_ =	shalt  }
tec
execute0_lowered:
.L_overlay_start_1:
0x0: {  	(tag) =	ssettag $0x1  }
0x1: {  	s20 =	stileid.u32  }
0x2: {  	s1 =	srdreg.scid;
	s0 =	smul.u32 $0xA00, s20  }
0x3: {  	s3 =	rddreg [dreg:$0x0];
	s2 =	simm.s32 $0x0;
	s5 =	smul.u32 $0x278, s20  }
0x4: {  	s4 =	sand.u32 $0x1, s1;
	s1 =	rddreg [dreg:$0x1];
	s8 =	smul.u32 $0x13C00, s20  }
0x5: {  	[smem:$0x7FF] =	sst s2;
	s6 =	smul.u32 $0x2780, s4  }
0x6: {  	s10 =	sadd.s32 $0x52C00, s3;
	s7 =	ssub.s32 $0x2, s4;
	s4 =	smul.u32 $0x500, s4  }
0x7: {  	s9 =	sadd.s32 s0, s3;
	s13 =	sshrl.u32 s7, $0x1;
	s14 =	sshrl.u32 s8, $0x3  }
0x8: {  	s12 =	sadd.s32 $0x4000, s8;
	s5 =	sadd.s32 s5, s6;
	s0 =	ssub.s32 s7, s13  }
0x9: {  	s6 =	sadd.s32 $0x2000, s8;
	s7 =	sadd.s32 s10, s14;
	s16 =	sshrl.u32 s12, $0x3  }
0xa: {  	s11 =	sshrl.u32 s6, $0x3;
	[dreg:$0x5] =	wrdreg s7;
	s7 =	sadd.s32 s10, s16  }
0xb: {  	s15 =	sadd.s32 s10, s11;
	[dreg:$0x7] =	wrdreg s7;
	s7 =	sadd.s32 $0x6000, s8  }
0xc: {  	s11 =	sadd.s32 $0x8000, s8;
	[dreg:$0x6] =	wrdreg s15;
	s13 =	sshrl.u32 s7, $0x3  }
0xd: {  	s14 =	sshrl.u32 s11, $0x3;
	s15 =	sadd.s32 $0xA000, s8;
	s13 =	sadd.s32 s10, s13  }
0xe: {  	s17 =	sadd.s32 s10, s14;
	s18 =	sshrl.u32 s15, $0x3;
	[dreg:$0x8] =	wrdreg s13  }
0xf: {  	s4 =	sadd.s32 s4, s9;
	[dreg:$0x9] =	wrdreg s17;
	s13 =	sadd.s32 s10, s18  }
0x10: {  	s17 =	sadd.s32 $0xE000, s8;
	s18 =	sadd.s32 $0x10000, s8;
	[dreg:$0xa] =	wrdreg s13  }
0x11: {  	s13 =	sadd.s32 $0xC000, s8;
	s16 =	sshrl.u32 s17, $0x3;
	s22 =	sshrl.u32 s18, $0x3  }
0x12: {  	s19 =	sshrl.u32 s13, $0x3;
	s21 =	sadd.s32 s10, s16;
	s9 =	sadd.s32 s10, s22  }
0x13: {  	s14 =	sadd.s32 s10, s19;
	[dreg:$0xc] =	wrdreg s21;
	s19 =	sadd.s32 $0x12000, s8  }
0x14: {  	[dreg:$0xd] =	wrdreg s9;
	s23 =	sshrl.u32 s19, $0x3  }
0x15: {  	[dreg:$0xb] =	wrdreg s14;
	s9 =	sadd.s32 s10, s23  }
0x16: {  	s24 =	sadd.s32 $0x17A00, s4;
	[dreg:$0xe] =	wrdreg s9  }
0x17: {  	s4 =	sadd.s32 $0xDA00, s4;
	_ =	strace $0x8000004D;
	[dreg:$0x3] =	wrdreg s24  }
0x18: {  	s26 =	sadd.s32 s8, s1;
	[dreg:$0x4] =	wrdreg s4  }
0x19: {  	s6 =	sadd.s32 s6, s1;
	[dreg:$0xf] =	wrdreg s26  }
0x1a: {  	s8 =	sadd.s32 s12, s1;
	[dreg:$0x11] =	wrdreg s6  }
0x1b: {  	s9 =	sadd.s32 s7, s1;
	[dreg:$0x12] =	wrdreg s8  }
0x1c: {  	s28 =	simm.s32 $0x13E80;
	s10 =	sadd.s32 s11, s1;
	[dreg:$0x13] =	wrdreg s9  }
0x1d: {  	s29 =	simm.s32 $0x14200;
	s11 =	sadd.s32 s15, s1;
	[dreg:$0x14] =	wrdreg s10  }
0x1e: {  	s30 =	simm.s32 $0x14280;
	s12 =	sadd.s32 s13, s1;
	[dreg:$0x15] =	wrdreg s11  }
0x1f: {  	s31 =	simm.s32 $0x13F00;
	s13 =	sadd.s32 s17, s1;
	[dreg:$0x16] =	wrdreg s12  }
0x20: {  	s25 =	sshll.u32 s20, $0x6;
	s15 =	sadd.s32 s18, s1;
	[dreg:$0x17] =	wrdreg s13  }
0x21: {  	s5 =	sshll.u32 s5, $0x4;
	s16 =	sadd.s32 s19, s1;
	[dreg:$0x18] =	wrdreg s15  }
0x22: {  	s0 =	smax.u32 s0, $0x1;
	s14 =	sadd.s32 $0x21A00, s3;
	[dreg:$0x19] =	wrdreg s16  }
0x23: {  	s4 =	sadd.s32 s5, s3;
	s5 =	sor.u32 $0x1C05, s25;
	[smem:$0x7FD] =	sst s0  }
0x24: {  	s7 =	simm.s32 $0x5;
	s17 =	sadd.s32 $0x7A400, s4;
	[dreg:$0x10] =	wrdreg s5  }
0x25: {  	s8 =	simm.s32 $0x13C00;
	s18 =	sadd.s32 $0x7A800, s4;
	[dreg:$0x1a] =	wrdreg s17  }
0x26: {  	s9 =	simm.s32 $0x14000;
	s19 =	sadd.s32 $0x7AC00, s4;
	[dreg:$0x1b] =	wrdreg s18  }
0x27: {  	s11 =	simm.s32 $0x80;
	s20 =	sadd.s32 $0x7B000, s4;
	[dreg:$0x1c] =	wrdreg s19  }
0x28: {  	s12 =	simm.s32 $0x14400;
	s21 =	sadd.s32 $0x7B400, s4;
	[dreg:$0x1d] =	wrdreg s20  }
0x29: {  	s13 =	simm.s32 $0x13C80;
	s22 =	sadd.s32 $0x7B800, s4;
	[dreg:$0x1e] =	wrdreg s21  }
0x2a: {  	s15 =	simm.s32 $0x18400;
	s23 =	sadd.s32 $0x7BC00, s4;
	[dreg:$0x1f] =	wrdreg s22  }
0x2b: {  	s10 =	simm.s32 $0x13F80;
	s24 =	sadd.s32 $0x7C000, s4;
	[smem:$0x7F9] =	sst s23  }
0x2c: {  	s0 =	simm.s32 $0x14300;
	s25 =	sadd.s32 $0x7C400, s4;
	[smem:$0x7FA] =	sst s24  }
0x2d: {  	s3 =	simm.s32 $0x14380;
	s26 =	sadd.s32 $0x7C800, s4;
	[smem:$0x7FB] =	sst s25  }
0x2e: {  	s6 =	simm.s32 $0x0;
	[smem:$0x7FC] =	sst s26;
	s17 =	simm.s32 $0x1  }
0x2f: {  	s18 =	simm.s32 $0x2;
	s19 =	simm.s32 $0x14080;
	s20 =	simm.s32 $0x3  }
0x30: {  	s21 =	simm.s32 $0x4;
	s22 =	simm.s32 $0x13D00;
	s23 =	simm.s32 $0x13D80  }
0x31: {  	s24 =	simm.s32 $0x14100;
	s25 =	simm.s32 $0x14180;
	s26 =	simm.s32 $0x13E00  }
.LBB2_1:
0x32: {  	[smem:$0x7EE] =	sst s6  }
0x33: {  	s4 =	rddreg [dreg:$0xf]  }
0x34: {  	s16 =	rddreg [dreg:$0x5];
	s4 =	sshrl.u32 s4, $0x3  }
0x35: {  	[smem:$0x7EF] =	sst s4  }
0x36: {  	[spmem:s4], [sflag:s5] =	dma.local [hbm:s16], $0x400  }
0x37: {  	_ =	swait.ge [sflag:s7], $0x400  }
0x38: {  	s16 =	rddreg [dreg:$0x11]  }
0x39: {  	[sflag:s7] =	ssyncset.done $0x0;
	s4 =	sshrl.u32 s16, $0x3;
	s16 =	rddreg [dreg:$0x6]  }
0x3a: {  	[sflag:s7] =	ssyncadd.s32 $0xFFFFFC00;
	[smem:$0x7F0] =	sst s4  }
0x3b: {  	[spmem:s4], [sflag:s5] =	dma.local [hbm:s16], $0x400  }
0x3c: {  	_ =	swait.ge [sflag:s7], $0x400  }
0x3d: {  	s16 =	rddreg [dreg:$0x12]  }
0x3e: {  	[sflag:s7] =	ssyncset.done $0x0;
	s4 =	sshrl.u32 s16, $0x3;
	s16 =	rddreg [dreg:$0x7]  }
0x3f: {  	[sflag:s7] =	ssyncadd.s32 $0xFFFFFC00;
	[smem:$0x7F1] =	sst s4  }
0x40: {  	[spmem:s4], [sflag:s5] =	dma.local [hbm:s16], $0x400  }
0x41: {  	_ =	swait.ge [sflag:s7], $0x400  }
0x42: {  	s16 =	rddreg [dreg:$0x13]  }
0x43: {  	[sflag:s7] =	ssyncset.done $0x0;
	s4 =	sshrl.u32 s16, $0x3;
	s16 =	rddreg [dreg:$0x8]  }
0x44: {  	[sflag:s7] =	ssyncadd.s32 $0xFFFFFC00;
	[smem:$0x7F2] =	sst s4  }
0x45: {  	[spmem:s4], [sflag:s5] =	dma.local [hbm:s16], $0x400  }
0x46: {  	_ =	swait.ge [sflag:s7], $0x400  }
0x47: {  	s16 =	rddreg [dreg:$0x14]  }
0x48: {  	[sflag:s7] =	ssyncset.done $0x0;
	s4 =	sshrl.u32 s16, $0x3;
	s16 =	rddreg [dreg:$0x9]  }
0x49: {  	[sflag:s7] =	ssyncadd.s32 $0xFFFFFC00;
	[smem:$0x7F3] =	sst s4  }
0x4a: {  	[spmem:s4], [sflag:s5] =	dma.local [hbm:s16], $0x400  }
0x4b: {  	_ =	swait.ge [sflag:s7], $0x400  }
0x4c: {  	s16 =	rddreg [dreg:$0x15]  }
0x4d: {  	[sflag:s7] =	ssyncset.done $0x0;
	s4 =	sshrl.u32 s16, $0x3;
	s16 =	rddreg [dreg:$0xa]  }
0x4e: {  	[sflag:s7] =	ssyncadd.s32 $0xFFFFFC00;
	[smem:$0x7F4] =	sst s4  }
0x4f: {  	[spmem:s4], [sflag:s5] =	dma.local [hbm:s16], $0x400  }
0x50: {  	_ =	swait.ge [sflag:s7], $0x400  }
0x51: {  	s16 =	rddreg [dreg:$0x16]  }
0x52: {  	[sflag:s7] =	ssyncset.done $0x0;
	s4 =	sshrl.u32 s16, $0x3;
	s16 =	rddreg [dreg:$0xb]  }
0x53: {  	[sflag:s7] =	ssyncadd.s32 $0xFFFFFC00;
	[smem:$0x7F5] =	sst s4  }
0x54: {  	[spmem:s4], [sflag:s5] =	dma.local [hbm:s16], $0x400  }
0x55: {  	_ =	swait.ge [sflag:s7], $0x400  }
0x56: {  	s16 =	rddreg [dreg:$0x17]  }
0x57: {  	[sflag:s7] =	ssyncset.done $0x0;
	s4 =	sshrl.u32 s16, $0x3;
	s16 =	rddreg [dreg:$0xc]  }
0x58: {  	[sflag:s7] =	ssyncadd.s32 $0xFFFFFC00;
	[smem:$0x7F6] =	sst s4  }
0x59: {  	[spmem:s4], [sflag:s5] =	dma.local [hbm:s16], $0x400  }
0x5a: {  	_ =	swait.ge [sflag:s7], $0x400  }
0x5b: {  	s16 =	rddreg [dreg:$0x18]  }
0x5c: {  	[sflag:s7] =	ssyncset.done $0x0;
	s4 =	sshrl.u32 s16, $0x3;
	s16 =	rddreg [dreg:$0xd]  }
0x5d: {  	[sflag:s7] =	ssyncadd.s32 $0xFFFFFC00;
	[smem:$0x7F7] =	sst s4  }
0x5e: {  	[spmem:s4], [sflag:s5] =	dma.local [hbm:s16], $0x400  }
0x5f: {  	_ =	swait.ge [sflag:s7], $0x400  }
0x60: {  	s16 =	rddreg [dreg:$0x19]  }
0x61: {  	[sflag:s7] =	ssyncset.done $0x0;
	s4 =	sshrl.u32 s16, $0x3;
	s16 =	rddreg [dreg:$0xe]  }
0x62: {  	[sflag:s7] =	ssyncadd.s32 $0xFFFFFC00;
	[smem:$0x7F8] =	sst s4  }
0x63: {  	[spmem:s4], [sflag:s5] =	dma.local [hbm:s16], $0x380  }
0x64: {  	_ =	swait.ge [sflag:s7], $0x380  }
0x65: {  	[sflag:s7] =	ssyncset.done $0x0  }
0x66: {  	[sflag:s7] =	ssyncadd.s32 $0xFFFFFC80  }
0x67: {  	[bflag:$0x0] =	sbarrier.arrive $0xFFFF  }
0x68: {  	s6 =	rddreg [dreg:$0x4]  }
0x69: {  	s5 =	sadd.s32 $0x0, s6  }
0x6a: {  	[tilespmem:s8], [sflag:$0x5] =	stream.linear.gather [hbm4b:s5+s2], $0x400, $0x38;
	[tilespmem:$0x1C400] =	vst v63  }
0x6b: {  	_ =	swait.ge [sflag:s7], $0x400  }
0x6c: {  	s16 =	rddreg [dreg:$0x3];
	[sflag:s7] =	ssyncset.done $0x0  }
0x6d: {  	[sflag:s7] =	ssyncadd.s32 $0xFFFFFC00;
	s5 =	sadd.s32 $0x0, s16  }
0x6e: {  	[tilespmem:s9], [sflag:$0x5] =	stream.linear.gather [hbm4b:s5+s2], $0x400, $0x38;
	[tilespmem:$0x1C400] =	vst v63  }
0x6f: {  	_ =	swait.ge [sflag:s7], $0x400  }
0x70: {  	[sflag:s7] =	ssyncset.done $0x0  }
0x71: {  	[sflag:s7] =	ssyncadd.s32 $0xFFFFFC00  }
0x72: {  	[tilespmem:s12], [sflag:$0x1] =	stream.indirect.gather [hbm4b:s14+s11], $0x80, s8, s11, $0xb8;
	[tilespmem:$0x1C400] =	vst v63  }
0x73: {  	_ = 	snop  }
0x74: {  	[tilespmem:s15], [sflag:$0x2] =	stream.indirect.gather [hbm4b:s14+s11], $0x80, s13, s11, $0xb8;
	[tilespmem:$0x1C400] =	vst v63  }
0x75: {  	_ =	swait.ge [sflag:s17], $0x4000  }
0x76: {  	[sflag:s17] =	ssyncset.done $0x0  }
0x77: {  	[sflag:s17] =	ssyncadd.s32 $0xFFFFC000  }
0x78: {  	[spmem:s1] =	stream.indirect.scatter.add.f32 [tilespmem:s12], [sflag:$0x3], $0x80, s9, s11, $0xb8;
	[tilespmem:$0x1C400] =	vst v63  }
0x79: {  	_ =	swait.ge [sflag:s18], $0x4000  }
0x7a: {  	[sflag:s18] =	ssyncset.done $0x0  }
0x7b: {  	[sflag:s18] =	ssyncadd.s32 $0xFFFFC000  }
0x7c: {  	[spmem:s1] =	stream.indirect.scatter.add.f32 [tilespmem:s15], [sflag:$0x4], $0x80, s19, s11, $0xb8;
	[tilespmem:$0x1C400] =	vst v63  }
0x7d: {  	_ =	swait.ge [sflag:s20], $0x4000  }
0x7e: {  	[sflag:s20] =	ssyncset.done $0x0  }
0x7f: {  	[sflag:s20] =	ssyncadd.s32 $0xFFFFC000  }
0x80: {  	_ =	swait.ge [sflag:s21], $0x4000  }
0x81: {  	[sflag:s21] =	ssyncset.done $0x0  }
0x82: {  	[sflag:s21] =	ssyncadd.s32 $0xFFFFC000  }
0x83: {  	[tilespmem:s12], [sflag:$0x1] =	stream.indirect.gather [hbm4b:s14+s11], $0x80, s22, s11, $0xb8;
	[tilespmem:$0x1C400] =	vst v63  }
0x84: {  	_ = 	snop  }
0x85: {  	[tilespmem:s15], [sflag:$0x2] =	stream.indirect.gather [hbm4b:s14+s11], $0x80, s23, s11, $0xb8;
	[tilespmem:$0x1C400] =	vst v63  }
0x86: {  	_ =	swait.ge [sflag:s17], $0x4000  }
0x87: {  	[sflag:s17] =	ssyncset.done $0x0  }
0x88: {  	[sflag:s17] =	ssyncadd.s32 $0xFFFFC000  }
0x89: {  	[spmem:s1] =	stream.indirect.scatter.add.f32 [tilespmem:s12], [sflag:$0x3], $0x80, s24, s11, $0xb8;
	[tilespmem:$0x1C400] =	vst v63  }
0x8a: {  	_ =	swait.ge [sflag:s18], $0x4000  }
0x8b: {  	[sflag:s18] =	ssyncset.done $0x0  }
0x8c: {  	[sflag:s18] =	ssyncadd.s32 $0xFFFFC000  }
0x8d: {  	[spmem:s1] =	stream.indirect.scatter.add.f32 [tilespmem:s15], [sflag:$0x4], $0x80, s25, s11, $0xb8;
	[tilespmem:$0x1C400] =	vst v63  }
0x8e: {  	_ =	swait.ge [sflag:s20], $0x4000  }
0x8f: {  	[sflag:s20] =	ssyncset.done $0x0  }
0x90: {  	[sflag:s20] =	ssyncadd.s32 $0xFFFFC000  }
0x91: {  	_ =	swait.ge [sflag:s21], $0x4000  }
0x92: {  	[sflag:s21] =	ssyncset.done $0x0  }
0x93: {  	[sflag:s21] =	ssyncadd.s32 $0xFFFFC000  }
0x94: {  	[tilespmem:s12], [sflag:$0x1] =	stream.indirect.gather [hbm4b:s14+s11], $0x80, s26, s11, $0xb8;
	[tilespmem:$0x1C400] =	vst v63  }
0x95: {  	_ = 	snop  }
0x96: {  	[tilespmem:s15], [sflag:$0x2] =	stream.indirect.gather [hbm4b:s14+s11], $0x80, s28, s11, $0xb8;
	[tilespmem:$0x1C400] =	vst v63  }
0x97: {  	_ =	swait.ge [sflag:s17], $0x4000  }
0x98: {  	[sflag:s17] =	ssyncset.done $0x0  }
0x99: {  	[sflag:s17] =	ssyncadd.s32 $0xFFFFC000  }
0x9a: {  	[spmem:s1] =	stream.indirect.scatter.add.f32 [tilespmem:s12], [sflag:$0x3], $0x80, s29, s11, $0xb8;
	[tilespmem:$0x1C400] =	vst v63  }
0x9b: {  	_ =	swait.ge [sflag:s18], $0x4000  }
0x9c: {  	[sflag:s18] =	ssyncset.done $0x0  }
0x9d: {  	[sflag:s18] =	ssyncadd.s32 $0xFFFFC000  }
0x9e: {  	[spmem:s1] =	stream.indirect.scatter.add.f32 [tilespmem:s15], [sflag:$0x4], $0x80, s30, s11, $0xb8;
	[tilespmem:$0x1C400] =	vst v63  }
0x9f: {  	_ =	swait.ge [sflag:s20], $0x4000  }
0xa0: {  	[sflag:s20] =	ssyncset.done $0x0  }
0xa1: {  	[sflag:s20] =	ssyncadd.s32 $0xFFFFC000  }
0xa2: {  	_ =	swait.ge [sflag:s21], $0x4000  }
0xa3: {  	[sflag:s21] =	ssyncset.done $0x0  }
0xa4: {  	[sflag:s21] =	ssyncadd.s32 $0xFFFFC000  }
0xa5: {  	[tilespmem:s12], [sflag:$0x1] =	stream.indirect.gather [hbm4b:s14+s11], $0x80, s31, s11, $0xb8;
	[tilespmem:$0x1C400] =	vst v63  }
0xa6: {  	_ = 	snop  }
0xa7: {  	[tilespmem:s15], [sflag:$0x2] =	stream.indirect.gather [hbm4b:s14+s11], $0x80, s10, s11, $0xb8;
	[tilespmem:$0x1C400] =	vst v63  }
0xa8: {  	_ =	swait.ge [sflag:s17], $0x4000  }
0xa9: {  	[sflag:s17] =	ssyncset.done $0x0  }
0xaa: {  	[sflag:s17] =	ssyncadd.s32 $0xFFFFC000  }
0xab: {  	[spmem:s1] =	stream.indirect.scatter.add.f32 [tilespmem:s12], [sflag:$0x3], $0x80, s0, s11, $0xb8;
	[tilespmem:$0x1C400] =	vst v63  }
0xac: {  	_ =	swait.ge [sflag:s18], $0x4000  }
0xad: {  	[sflag:s18] =	ssyncset.done $0x0  }
0xae: {  	[sflag:s18] =	ssyncadd.s32 $0xFFFFC000  }
0xaf: {  	[spmem:s1] =	stream.indirect.scatter.add.f32 [tilespmem:s15], [sflag:$0x4], $0x80, s3, s11, $0xb8;
	[tilespmem:$0x1C400] =	vst v63  }
0xb0: {  	_ =	swait.ge [sflag:s20], $0x4000  }
0xb1: {  	[sflag:s20] =	ssyncset.done $0x0  }
0xb2: {  	[sflag:s20] =	ssyncadd.s32 $0xFFFFC000  }
0xb3: {  	_ =	swait.ge [sflag:s21], $0x4000  }
0xb4: {  	s6 =	simm.s32 $0x100;
	s5 =	simm.s32 $0x80;
	[sflag:s21] =	ssyncset.done $0x0  }
.LBB2_2:
0xb5: {  	s4 =	rddreg [dreg:$0x4]  }
0xb6: {  	[sflag:s21] =	ssyncadd.s32 $0xFFFFC000;
	s4 =	sadd.s32 s5, s4  }
0xb7: {  	[tilespmem:s8], [sflag:$0x5] =	stream.linear.gather [hbm4b:s4+s2], $0x400, $0x38;
	[tilespmem:$0x1C400] =	vst v63  }
0xb8: {  	_ =	swait.ge [sflag:s7], $0x400  }
0xb9: {  	s4 =	rddreg [dreg:$0x3];
	[sflag:s7] =	ssyncset.done $0x0  }
0xba: {  	[sflag:s7] =	ssyncadd.s32 $0xFFFFFC00;
	s4 =	sadd.s32 s5, s4  }
0xbb: {  	[tilespmem:s9], [sflag:$0x5] =	stream.linear.gather [hbm4b:s4+s2], $0x400, $0x38;
	[tilespmem:$0x1C400] =	vst v63  }
0xbc: {  	_ =	swait.ge [sflag:s7], $0x400  }
0xbd: {  	[sflag:s7] =	ssyncset.done $0x0  }
0xbe: {  	[sflag:s7] =	ssyncadd.s32 $0xFFFFFC00  }
0xbf: {  	[tilespmem:s12], [sflag:$0x1] =	stream.indirect.gather [hbm4b:s14+s11], $0x80, s8, s11, $0xb8;
	[tilespmem:$0x1C400] =	vst v63  }
0xc0: {  	_ = 	snop  }
0xc1: {  	[tilespmem:s15], [sflag:$0x2] =	stream.indirect.gather [hbm4b:s14+s11], $0x80, s13, s11, $0xb8;
	[tilespmem:$0x1C400] =	vst v63  }
0xc2: {  	_ =	swait.ge [sflag:s17], $0x4000  }
0xc3: {  	[sflag:s17] =	ssyncset.done $0x0  }
0xc4: {  	[sflag:s17] =	ssyncadd.s32 $0xFFFFC000  }
0xc5: {  	[spmem:s1] =	stream.indirect.scatter.add.f32 [tilespmem:s12], [sflag:$0x3], $0x80, s9, s11, $0xb8;
	[tilespmem:$0x1C400] =	vst v63  }
0xc6: {  	_ =	swait.ge [sflag:s18], $0x4000  }
0xc7: {  	[sflag:s18] =	ssyncset.done $0x0  }
0xc8: {  	[sflag:s18] =	ssyncadd.s32 $0xFFFFC000  }
0xc9: {  	[spmem:s1] =	stream.indirect.scatter.add.f32 [tilespmem:s15], [sflag:$0x4], $0x80, s19, s11, $0xb8;
	[tilespmem:$0x1C400] =	vst v63  }
0xca: {  	_ =	swait.ge [sflag:s20], $0x4000  }
0xcb: {  	[sflag:s20] =	ssyncset.done $0x0  }
0xcc: {  	[sflag:s20] =	ssyncadd.s32 $0xFFFFC000  }
0xcd: {  	_ =	swait.ge [sflag:s21], $0x4000  }
0xce: {  	[sflag:s21] =	ssyncset.done $0x0  }
0xcf: {  	[sflag:s21] =	ssyncadd.s32 $0xFFFFC000  }
0xd0: {  	[tilespmem:s12], [sflag:$0x1] =	stream.indirect.gather [hbm4b:s14+s11], $0x80, s22, s11, $0xb8;
	[tilespmem:$0x1C400] =	vst v63  }
0xd1: {  	_ = 	snop  }
0xd2: {  	[tilespmem:s15], [sflag:$0x2] =	stream.indirect.gather [hbm4b:s14+s11], $0x80, s23, s11, $0xb8;
	[tilespmem:$0x1C400] =	vst v63  }
0xd3: {  	_ =	swait.ge [sflag:s17], $0x4000  }
0xd4: {  	[sflag:s17] =	ssyncset.done $0x0  }
0xd5: {  	[sflag:s17] =	ssyncadd.s32 $0xFFFFC000  }
0xd6: {  	[spmem:s1] =	stream.indirect.scatter.add.f32 [tilespmem:s12], [sflag:$0x3], $0x80, s24, s11, $0xb8;
	[tilespmem:$0x1C400] =	vst v63  }
0xd7: {  	_ =	swait.ge [sflag:s18], $0x4000  }
0xd8: {  	[sflag:s18] =	ssyncset.done $0x0  }
0xd9: {  	[sflag:s18] =	ssyncadd.s32 $0xFFFFC000  }
0xda: {  	[spmem:s1] =	stream.indirect.scatter.add.f32 [tilespmem:s15], [sflag:$0x4], $0x80, s25, s11, $0xb8;
	[tilespmem:$0x1C400] =	vst v63  }
0xdb: {  	_ =	swait.ge [sflag:s20], $0x4000  }
0xdc: {  	[sflag:s20] =	ssyncset.done $0x0  }
0xdd: {  	[sflag:s20] =	ssyncadd.s32 $0xFFFFC000  }
0xde: {  	_ =	swait.ge [sflag:s21], $0x4000  }
0xdf: {  	[sflag:s21] =	ssyncset.done $0x0  }
0xe0: {  	[sflag:s21] =	ssyncadd.s32 $0xFFFFC000  }
0xe1: {  	[tilespmem:s12], [sflag:$0x1] =	stream.indirect.gather [hbm4b:s14+s11], $0x80, s26, s11, $0xb8;
	[tilespmem:$0x1C400] =	vst v63  }
0xe2: {  	_ = 	snop  }
0xe3: {  	[tilespmem:s15], [sflag:$0x2] =	stream.indirect.gather [hbm4b:s14+s11], $0x80, s28, s11, $0xb8;
	[tilespmem:$0x1C400] =	vst v63  }
0xe4: {  	_ =	swait.ge [sflag:s17], $0x4000  }
0xe5: {  	[sflag:s17] =	ssyncset.done $0x0  }
0xe6: {  	[sflag:s17] =	ssyncadd.s32 $0xFFFFC000  }
0xe7: {  	[spmem:s1] =	stream.indirect.scatter.add.f32 [tilespmem:s12], [sflag:$0x3], $0x80, s29, s11, $0xb8;
	[tilespmem:$0x1C400] =	vst v63  }
0xe8: {  	_ =	swait.ge [sflag:s18], $0x4000  }
0xe9: {  	[sflag:s18] =	ssyncset.done $0x0  }
0xea: {  	[sflag:s18] =	ssyncadd.s32 $0xFFFFC000  }
0xeb: {  	[spmem:s1] =	stream.indirect.scatter.add.f32 [tilespmem:s15], [sflag:$0x4], $0x80, s30, s11, $0xb8;
	[tilespmem:$0x1C400] =	vst v63  }
0xec: {  	_ =	swait.ge [sflag:s20], $0x4000  }
0xed: {  	[sflag:s20] =	ssyncset.done $0x0  }
0xee: {  	[sflag:s20] =	ssyncadd.s32 $0xFFFFC000  }
0xef: {  	_ =	swait.ge [sflag:s21], $0x4000  }
0xf0: {  	[sflag:s21] =	ssyncset.done $0x0  }
0xf1: {  	[sflag:s21] =	ssyncadd.s32 $0xFFFFC000  }
0xf2: {  	[tilespmem:s12], [sflag:$0x1] =	stream.indirect.gather [hbm4b:s14+s11], $0x80, s31, s11, $0xb8;
	[tilespmem:$0x1C400] =	vst v63  }
0xf3: {  	_ = 	snop  }
0xf4: {  	[tilespmem:s15], [sflag:$0x2] =	stream.indirect.gather [hbm4b:s14+s11], $0x80, s10, s11, $0xb8;
	[tilespmem:$0x1C400] =	vst v63  }
0xf5: {  	_ =	swait.ge [sflag:s17], $0x4000  }
0xf6: {  	[sflag:s17] =	ssyncset.done $0x0  }
0xf7: {  	[sflag:s17] =	ssyncadd.s32 $0xFFFFC000  }
0xf8: {  	[spmem:s1] =	stream.indirect.scatter.add.f32 [tilespmem:s12], [sflag:$0x3], $0x80, s0, s11, $0xb8;
	[tilespmem:$0x1C400] =	vst v63  }
0xf9: {  	_ =	swait.ge [sflag:s18], $0x4000  }
0xfa: {  	[sflag:s18] =	ssyncset.done $0x0  }
0xfb: {  	p0 =	sne.s32 s6, $0x480;
	[sflag:s18] =	ssyncadd.s32 $0xFFFFC000  }
0xfc: {  	[spmem:s1] =	stream.indirect.scatter.add.f32 [tilespmem:s15], [sflag:$0x4], $0x80, s3, s11, $0xb8;
	[tilespmem:$0x1C400] =	vst v63  }
.Ltmp0:
0xfd: {  	_ =	swait.ge [sflag:s20], $0x4000;
	(pc) =	sbr.rel @p0 .LBB2_2-.Ltmp0, $4  }
0xfe: {  	[sflag:s20] =	ssyncset.done $0x0  }
0xff: {  	[sflag:s20] =	ssyncadd.s32 $0xFFFFC000  }
0x100: {  	s16 =	smov.u32 s6;
	_ =	swait.ge [sflag:s21], $0x4000  }
0x101: {  	s6 =	sadd.s32 $0x80, s6;
	s5 =	smov.u32 s16;
	[sflag:s21] =	ssyncset.done $0x0  }
0x102: {  	s4 =	rddreg [dreg:$0x4]  }
0x103: {  	[sflag:s21] =	ssyncadd.s32 $0xFFFFC000;
	s4 =	sadd.s32 s5, s4  }
0x104: {  	[tilespmem:s8], [sflag:$0x5] =	stream.linear.gather [hbm4b:s4+s2], $0x400, $0x38;
	[tilespmem:$0x1C400] =	vst v63  }
0x105: {  	_ =	swait.ge [sflag:s7], $0x400  }
0x106: {  	s6 =	rddreg [dreg:$0x3];
	[sflag:s7] =	ssyncset.done $0x0  }
0x107: {  	s4 =	sadd.s32 s5, s6;
	[sflag:s7] =	ssyncadd.s32 $0xFFFFFC00  }
0x108: {  	[tilespmem:s9], [sflag:$0x5] =	stream.linear.gather [hbm4b:s4+s2], $0x400, $0x38;
	[tilespmem:$0x1C400] =	vst v63  }
0x109: {  	_ =	swait.ge [sflag:s7], $0x400  }
0x10a: {  	[sflag:s7] =	ssyncset.done $0x0  }
0x10b: {  	[sflag:s7] =	ssyncadd.s32 $0xFFFFFC00  }
0x10c: {  	[tilespmem:s12], [sflag:$0x1] =	stream.indirect.gather [hbm4b:s14+s11], $0x80, s8, s11, $0xb8;
	[tilespmem:$0x1C400] =	vst v63  }
0x10d: {  	_ = 	snop  }
0x10e: {  	[tilespmem:s15], [sflag:$0x2] =	stream.indirect.gather [hbm4b:s14+s11], $0x80, s13, s11, $0xb8;
	[tilespmem:$0x1C400] =	vst v63  }
0x10f: {  	_ =	swait.ge [sflag:s17], $0x4000  }
0x110: {  	[sflag:s17] =	ssyncset.done $0x0  }
0x111: {  	[sflag:s17] =	ssyncadd.s32 $0xFFFFC000  }
0x112: {  	[spmem:s1] =	stream.indirect.scatter.add.f32 [tilespmem:s12], [sflag:$0x3], $0x80, s9, s11, $0xb8;
	[tilespmem:$0x1C400] =	vst v63  }
0x113: {  	_ =	swait.ge [sflag:s18], $0x4000  }
0x114: {  	[sflag:s18] =	ssyncset.done $0x0  }
0x115: {  	[sflag:s18] =	ssyncadd.s32 $0xFFFFC000  }
0x116: {  	[spmem:s1] =	stream.indirect.scatter.add.f32 [tilespmem:s15], [sflag:$0x4], $0x80, s19, s11, $0xb8;
	[tilespmem:$0x1C400] =	vst v63  }
0x117: {  	_ =	swait.ge [sflag:s20], $0x4000  }
0x118: {  	[sflag:s20] =	ssyncset.done $0x0  }
0x119: {  	[sflag:s20] =	ssyncadd.s32 $0xFFFFC000  }
0x11a: {  	_ =	swait.ge [sflag:s21], $0x4000  }
0x11b: {  	[sflag:s21] =	ssyncset.done $0x0  }
0x11c: {  	[sflag:s21] =	ssyncadd.s32 $0xFFFFC000  }
0x11d: {  	[tilespmem:s12], [sflag:$0x1] =	stream.indirect.gather [hbm4b:s14+s11], $0x80, s22, s11, $0xb8;
	[tilespmem:$0x1C400] =	vst v63  }
0x11e: {  	_ = 	snop  }
0x11f: {  	[tilespmem:s15], [sflag:$0x2] =	stream.indirect.gather [hbm4b:s14+s11], $0x80, s23, s11, $0xb8;
	[tilespmem:$0x1C400] =	vst v63  }
0x120: {  	_ =	swait.ge [sflag:s17], $0x4000  }
0x121: {  	[sflag:s17] =	ssyncset.done $0x0  }
0x122: {  	[sflag:s17] =	ssyncadd.s32 $0xFFFFC000  }
0x123: {  	[spmem:s1] =	stream.indirect.scatter.add.f32 [tilespmem:s12], [sflag:$0x3], $0x80, s24, s11, $0xb8;
	[tilespmem:$0x1C400] =	vst v63  }
0x124: {  	_ =	swait.ge [sflag:s18], $0x4000  }
0x125: {  	[sflag:s18] =	ssyncset.done $0x0  }
0x126: {  	[sflag:s18] =	ssyncadd.s32 $0xFFFFC000  }
0x127: {  	[spmem:s1] =	stream.indirect.scatter.add.f32 [tilespmem:s15], [sflag:$0x4], $0x80, s25, s11, $0xb8;
	[tilespmem:$0x1C400] =	vst v63  }
0x128: {  	_ =	swait.ge [sflag:s20], $0x4000  }
0x129: {  	[sflag:s20] =	ssyncset.done $0x0  }
0x12a: {  	[sflag:s20] =	ssyncadd.s32 $0xFFFFC000  }
0x12b: {  	_ =	swait.ge [sflag:s21], $0x4000  }
0x12c: {  	[sflag:s21] =	ssyncset.done $0x0  }
0x12d: {  	[sflag:s21] =	ssyncadd.s32 $0xFFFFC000  }
0x12e: {  	[tilespmem:s12], [sflag:$0x1] =	stream.indirect.gather [hbm4b:s14+s11], $0x80, s26, s11, $0xb8;
	[tilespmem:$0x1C400] =	vst v63  }
0x12f: {  	_ = 	snop  }
0x130: {  	[tilespmem:s15], [sflag:$0x2] =	stream.indirect.gather [hbm4b:s14+s11], $0x80, s28, s11, $0xb8;
	[tilespmem:$0x1C400] =	vst v63  }
0x131: {  	_ =	swait.ge [sflag:s17], $0x4000  }
0x132: {  	[sflag:s17] =	ssyncset.done $0x0  }
0x133: {  	[sflag:s17] =	ssyncadd.s32 $0xFFFFC000  }
0x134: {  	[spmem:s1] =	stream.indirect.scatter.add.f32 [tilespmem:s12], [sflag:$0x3], $0x80, s29, s11, $0xb8;
	[tilespmem:$0x1C400] =	vst v63  }
0x135: {  	_ =	swait.ge [sflag:s18], $0x4000  }
0x136: {  	[sflag:s18] =	ssyncset.done $0x0  }
0x137: {  	[sflag:s18] =	ssyncadd.s32 $0xFFFFC000  }
0x138: {  	[spmem:s1] =	stream.indirect.scatter.add.f32 [tilespmem:s15], [sflag:$0x4], $0x80, s30, s11, $0xb8;
	[tilespmem:$0x1C400] =	vst v63  }
0x139: {  	_ =	swait.ge [sflag:s20], $0x4000  }
0x13a: {  	[sflag:s20] =	ssyncset.done $0x0  }
0x13b: {  	[sflag:s20] =	ssyncadd.s32 $0xFFFFC000  }
0x13c: {  	_ =	swait.ge [sflag:s21], $0x4000  }
0x13d: {  	[sflag:s21] =	ssyncset.done $0x0  }
0x13e: {  	[sflag:s21] =	ssyncadd.s32 $0xFFFFC000  }
0x13f: {  	[tilespmem:s12], [sflag:$0x1] =	stream.indirect.gather [hbm4b:s14+s11], $0x80, s31, s11, $0xb8;
	[tilespmem:$0x1C400] =	vst v63  }
0x140: {  	_ = 	snop  }
0x141: {  	[tilespmem:s15], [sflag:$0x2] =	stream.indirect.gather [hbm4b:s14+s11], $0x80, s10, s11, $0xb8;
	[tilespmem:$0x1C400] =	vst v63  }
0x142: {  	_ =	swait.ge [sflag:s17], $0x4000  }
0x143: {  	[sflag:s17] =	ssyncset.done $0x0  }
0x144: {  	[sflag:s17] =	ssyncadd.s32 $0xFFFFC000  }
0x145: {  	[spmem:s1] =	stream.indirect.scatter.add.f32 [tilespmem:s12], [sflag:$0x3], $0x80, s0, s11, $0xb8;
	[tilespmem:$0x1C400] =	vst v63  }
0x146: {  	_ =	swait.ge [sflag:s18], $0x4000  }
0x147: {  	[sflag:s18] =	ssyncset.done $0x0  }
0x148: {  	[sflag:s18] =	ssyncadd.s32 $0xFFFFC000  }
0x149: {  	[spmem:s1] =	stream.indirect.scatter.add.f32 [tilespmem:s15], [sflag:$0x4], $0x80, s3, s11, $0xb8;
	[tilespmem:$0x1C400] =	vst v63  }
0x14a: {  	_ =	swait.ge [sflag:s20], $0x4000  }
0x14b: {  	[sflag:s20] =	ssyncset.done $0x0  }
0x14c: {  	[sflag:s20] =	ssyncadd.s32 $0xFFFFC000  }
0x14d: {  	_ =	swait.ge [sflag:s21], $0x4000  }
0x14e: {  	[sflag:s21] =	ssyncset.done $0x0  }
0x14f: {  	[sflag:s21] =	ssyncadd.s32 $0xFFFFC000  }
0x150: {  	[bflag:$0x0] =	sbarrier.arrive $0xFFFF  }
0x151: {  	s6 =	sld [smem:$0x7EF]  }
0x152: {  	s5 =	rddreg [dreg:$0x10]  }
0x153: {  	s16 =	rddreg [dreg:$0x1a]  }
0x154: {  	[hbm:s16], [sflag:s5] =	dma.local [spmem:s6], $0x400  }
0x155: {  	_ =	swait.ge [sflag:s7], $0x400  }
0x156: {  	s16 =	sld [smem:$0x7F0]  }
0x157: {  	[sflag:s7] =	ssyncset.done $0x0  }
0x158: {  	s6 =	rddreg [dreg:$0x1b];
	[sflag:s7] =	ssyncadd.s32 $0xFFFFFC00  }
0x159: {  	[hbm:s6], [sflag:s5] =	dma.local [spmem:s16], $0x400  }
0x15a: {  	_ =	swait.ge [sflag:s7], $0x400  }
0x15b: {  	s16 =	sld [smem:$0x7F1]  }
0x15c: {  	[sflag:s7] =	ssyncset.done $0x0  }
0x15d: {  	s6 =	rddreg [dreg:$0x1c];
	[sflag:s7] =	ssyncadd.s32 $0xFFFFFC00  }
0x15e: {  	[hbm:s6], [sflag:s5] =	dma.local [spmem:s16], $0x400  }
0x15f: {  	_ =	swait.ge [sflag:s7], $0x400  }
0x160: {  	s16 =	sld [smem:$0x7F2]  }
0x161: {  	[sflag:s7] =	ssyncset.done $0x0  }
0x162: {  	s6 =	rddreg [dreg:$0x1d];
	[sflag:s7] =	ssyncadd.s32 $0xFFFFFC00  }
0x163: {  	[hbm:s6], [sflag:s5] =	dma.local [spmem:s16], $0x400  }
0x164: {  	_ =	swait.ge [sflag:s7], $0x400  }
0x165: {  	s16 =	sld [smem:$0x7F3]  }
0x166: {  	[sflag:s7] =	ssyncset.done $0x0  }
0x167: {  	s6 =	rddreg [dreg:$0x1e];
	[sflag:s7] =	ssyncadd.s32 $0xFFFFFC00  }
0x168: {  	[hbm:s6], [sflag:s5] =	dma.local [spmem:s16], $0x400  }
0x169: {  	_ =	swait.ge [sflag:s7], $0x400  }
0x16a: {  	s16 =	sld [smem:$0x7F4]  }
0x16b: {  	[sflag:s7] =	ssyncset.done $0x0  }
0x16c: {  	s6 =	rddreg [dreg:$0x1f];
	[sflag:s7] =	ssyncadd.s32 $0xFFFFFC00  }
0x16d: {  	[hbm:s6], [sflag:s5] =	dma.local [spmem:s16], $0x400  }
0x16e: {  	_ =	swait.ge [sflag:s7], $0x400  }
0x16f: {  	s6 =	sld [smem:$0x7F9]  }
0x170: {  	s16 =	sld [smem:$0x7F5]  }
0x171: {  	[sflag:s7] =	ssyncset.done $0x0  }
0x172: {  	[sflag:s7] =	ssyncadd.s32 $0xFFFFFC00  }
0x173: {  	[hbm:s6], [sflag:s5] =	dma.local [spmem:s16], $0x400  }
0x174: {  	_ =	swait.ge [sflag:s7], $0x400  }
0x175: {  	s6 =	sld [smem:$0x7FA]  }
0x176: {  	s16 =	sld [smem:$0x7F6]  }
0x177: {  	[sflag:s7] =	ssyncset.done $0x0  }
0x178: {  	[sflag:s7] =	ssyncadd.s32 $0xFFFFFC00  }
0x179: {  	[hbm:s6], [sflag:s5] =	dma.local [spmem:s16], $0x400  }
0x17a: {  	_ =	swait.ge [sflag:s7], $0x400  }
0x17b: {  	s6 =	sld [smem:$0x7FB]  }
0x17c: {  	s16 =	sld [smem:$0x7F7]  }
0x17d: {  	[sflag:s7] =	ssyncset.done $0x0  }
0x17e: {  	[sflag:s7] =	ssyncadd.s32 $0xFFFFFC00  }
0x17f: {  	[hbm:s6], [sflag:s5] =	dma.local [spmem:s16], $0x400  }
0x180: {  	_ =	swait.ge [sflag:s7], $0x400  }
0x181: {  	s6 =	sld [smem:$0x7FC]  }
0x182: {  	s16 =	sld [smem:$0x7F8]  }
0x183: {  	[sflag:s7] =	ssyncset.done $0x0  }
0x184: {  	[sflag:s7] =	ssyncadd.s32 $0xFFFFFC00  }
0x185: {  	[hbm:s6], [sflag:s5] =	dma.local [spmem:s16], $0x380  }
0x186: {  	_ =	swait.ge [sflag:s7], $0x380  }
0x187: {  	s4 =	sld [smem:$0x7EE]  }
0x188: {  	s16 =	sld [smem:$0x7FD];
	_ =	sdelay $0x1  }
0x189: {  	s6 =	sadd.s32 $0x1, s4  }
0x18a: {  	p0 =	sne.s32 s6, s16  }
.Ltmp1:
0x18b: {  	_ = 	snop;
	(pc) =	sbr.rel @p0 .LBB2_1-.Ltmp1, $3  }
0x18c: {  	_ =	sdelay $0x1  }
0x18d: {  	[sflag:s7] =	ssyncset.done $0x0  }
0x18e: {  	[sflag:s7] =	ssyncadd.s32 $0xFFFFFC80  }
0x18f: {  	_ =	sfence.sel $0x180000  }
0x190: {  	[bflag:$0x0] =	sbarrier.arrive $0xFFFF  }
0x191: {  	_ =	strace $0x9000004D  }
0x192: {  	s0 =	stileid.u32;
	[bflag:$0x2] =	sbarrier.arrive $0xFFFF  }
0x193: {  	p0 =	sne.s32 s0, $0x0;
	s0 =	rddreg [dreg:$0x2]  }
0x194: {  	s0 =	sadd.s32 @!p0 $0x100000, s0  }
0x195: {  	[sflag:s0] =	ssyncadd.tile.s32 @!p0 $0x1;
	_ =	shalt  }
.Lfunc_end2:
_tile_overlayer_lowered:
.L_overlay_start_2:
0x196: {  	(tag) =	ssettag $0x2  }
0x197: {  	s0 =	rddreg [dreg:$0x0];
	s2 =	stileid.u32  }
0x198: {  	s1 =	rddreg [dreg:$0x1];
	p0 =	sne.s32 s2, $0x0  }
0x199: {  	s3 =	rddreg [dreg:$0x2];
	[bflag:$0x3] =	sbarrier.arrive $0xFFFF;
	s2 =	simm.s32 @!p0 $0x1C05  }
0x19a: {  	[timem:s3], [sflag:s2] =	dma.local @!p0 [hbm:s0], s1  }
0x19b: {  	s0 =	simm.s32 @!p0 $0x5  }
0x19c: {  	_ =	swait.ge @!p0 [sflag:s0], s1  }
0x19d: {  	s1 =	ssub.s32 @!p0 $0x0, s1;
	[sflag:s0] =	ssyncset.done @!p0 $0x0  }
0x19e: {  	[sflag:s0] =	ssyncadd.s32 @!p0 s1  }
0x19f: {  	[bflag:$0x3] =	sbarrier.arrive $0xFFFF  }
0x1a0: {  	_ =	shalt  }

// kernel: kernel.8.cloned.1.call-start
scs
__scs_entry_jumppad:
0x0: {  	(pc) =	sbr.rel $0x88, $3  }
0x1: {  	(tag) =	ssettag $0x0;
	lr =	simm.s32 $0x1  }
0x2: {  	[smem:$0x3F99] =	sst lr;
	_ =	strace $0xD0000000  }
0x3: {  	_ = 	snop  }
0x4: {  	_ = 	snop  }
0x5: {  	_ = 	snop  }
0x6: {  	_ = 	snop  }
0x7: {  	_ = 	snop  }
__scs_overlays_trampoline_lowered:
0x8: {  	[smem:$0x3FA8] =	sst s0  }
0x9: {  	[smem:$0x3FA9] =	sst s1  }
0xa: {  	[smem:$0x3FAA] =	sst s2  }
0xb: {  	[smem:$0x3FAB] =	sst s3  }
0xc: {  	[smem:$0x3FAC] =	sst s4  }
0xd: {  	[smem:$0x3FAD] =	sst s5  }
0xe: {  	[smem:$0x3FAE] =	sst s6  }
0xf: {  	[smem:$0x3FAF] =	sst s7  }
0x10: {  	[smem:$0x3FB0] =	sst s8  }
0x11: {  	[smem:$0x3FB1] =	sst s9;
	s0 =	simm.s32 @!p0 $0x0  }
0x12: {  	s1 =	sld [smem:$0x3F97];
	s0 =	simm.s32 @p0 $0x1  }
0x13: {  	[smem:$0x3FB2] =	sst s0;
	s0 =	simm.s32 @!p1 $0x0  }
0x14: {  	s2 =	sld [smem:$0x3F96];
	s0 =	simm.s32 @p1 $0x1  }
0x15: {  	[smem:$0x3FB3] =	sst s0;
	s0 =	simm.s32 @!p2 $0x0  }
0x16: {  	s3 =	sld [smem:$0x3FDB];
	s0 =	simm.s32 @p2 $0x1  }
0x17: {  	s4 =	simm.s32 $0x1BF5;
	[smem:$0x3FB5] =	sst s0  }
0x18: {  	s0 =	sld [smem:$0x3F98];
	_ =	swait.ge [sflag:s4], $0x0  }
0x19: {  	s7 =	sld [smem:$0x3F99]  }
0x1a: {  	s8 =	sadd.s32 $0xFFFFE003, lr  }
0x1b: {  	s9 =	sadd.s32 $0xFFFFFEF7, lr;
	s5 =	simm.s32 $0xFFFFFFFF;
	p2 =	slt.u32 s8, $0xFFFFF086  }
0x1c: {  	p1 =	slt.u32 s9, $0xF7A;
	s5 =	simm.s32 @!p2 $0x0  }
0x1d: {  	s5 =	simm.s32 @p1 $0x1;
	p0 =	seq.s32 s7, s2  }
0x1e: {  	s7 =	smul.u32 @!p0 $0xF7A, s2;
	p2 =	seq.s32 @!p0 s5, $0x0  }
0x1f: {  	s9 =	smul.u32 $0xF7A, s1;
	s8 =	simm.s32 @!p0 $0x1BF5;
	p2 =	por !p2, p0  }
0x20: {  	[sflag:s8] =	ssyncset.s32 @!p0 $0xFFFFF086;
	s6 =	sadd.s32 @!p0 s3, s7;
	s7 =	simm.s32 @!p0 $0x108  }
0x21: {  	s3 =	sadd.s32 s3, s9;
	s6 =	sadd.s32 @!p0 $0x88, s6;
	s7 =	simm.s32 @p2 $0x1082  }
0x22: {  	[simem:s7], [sflag:s8] =	dma.local @!p0 [hbm:s6], $0xF7A  }
0x23: {  	s9 =	sor.u32 $0xD0000000, s2;
	s6 =	simm.s32 $0x108;
	_ =	swait.ge @!p0 [sflag:s8], $0x0  }
0x24: {  	s3 =	sadd.s32 $0x88, s3;
	s6 =	simm.s32 @!p1 $0x1082;
	[sflag:s4] =	ssyncset.s32 $0xFFFFF086  }
0x25: {  	[simem:s6], [sflag:s4] =	dma.local [hbm:s3], $0xF7A  }
0x26: {  	[smem:$0x3F99] =	sst s1;
	(tag) =	ssettag s2;
	_ =	strace s9  }
0x27: {  	s1 =	sld [smem:$0x3FA9]  }
0x28: {  	s2 =	sld [smem:$0x3FAA]  }
0x29: {  	s4 =	sld [smem:$0x3FAC]  }
0x2a: {  	p0 =	seq.s32 s5, $0x0;
	s5 =	sld [smem:$0x3FAD]  }
0x2b: {  	s6 =	sld [smem:$0x3FAE]  }
0x2c: {  	s7 =	sld [smem:$0x3FAF]  }
0x2d: {  	s3 =	simm.s32 $0x108;
	s8 =	sld [smem:$0x3FB0]  }
0x2e: {  	s3 =	simm.s32 @!p0 $0x1082;
	s9 =	sld [smem:$0x3FB1]  }
0x2f: {  	lr =	sadd.s32 s0, s3;
	s0 =	sld [smem:$0x3FA8]  }
0x30: {  	s3 =	sld [smem:$0x3FAB]  }
0x31: {  	[smem:$0x3FB4] =	sst s10  }
0x32: {  	s10 =	sld [smem:$0x3FB2];
	_ =	sdelay $0x3  }
0x33: {  	p0 =	seq.s32 s10, $0x1;
	s10 =	sld [smem:$0x3FB4];
	_ =	sdelay $0x3  }
0x34: {  	[smem:$0x3FB4] =	sst s10  }
0x35: {  	s10 =	sld [smem:$0x3FB3];
	_ =	sdelay $0x3  }
0x36: {  	p1 =	seq.s32 s10, $0x1;
	s10 =	sld [smem:$0x3FB4];
	_ =	sdelay $0x3  }
0x37: {  	[smem:$0x3FB4] =	sst s10  }
0x38: {  	s10 =	sld [smem:$0x3FB5]  }
0x39: {  	_ = 	snop;
	(pc) =	sbr.ind lr, $3  }
0x3a: {  	_ = 	snop  }
0x3b: {  	_ = 	snop  }
0x3c: {  	p2 =	seq.s32 s10, $0x1;
	s10 =	sld [smem:$0x3FB4]  }
0x3d: {  	_ =	shalt  }
0x3e: {  	_ =	shalt  }
0x3f: {  	_ =	shalt  }
0x40: {  	_ =	shalt  }
0x41: {  	_ =	shalt  }
0x42: {  	_ =	shalt  }
0x43: {  	_ =	shalt  }
0x44: {  	_ =	shalt  }
0x45: {  	_ =	shalt  }
0x46: {  	_ =	shalt  }
0x47: {  	_ =	shalt  }
0x48: {  	_ =	shalt  }
0x49: {  	_ =	shalt  }
0x4a: {  	_ =	shalt  }
0x4b: {  	_ =	shalt  }
0x4c: {  	_ =	shalt  }
0x4d: {  	_ =	shalt  }
0x4e: {  	_ =	shalt  }
0x4f: {  	_ =	shalt  }
0x50: {  	_ =	shalt  }
0x51: {  	_ =	shalt  }
0x52: {  	_ =	shalt  }
0x53: {  	_ =	shalt  }
0x54: {  	_ =	shalt  }
0x55: {  	_ =	shalt  }
0x56: {  	_ =	shalt  }
0x57: {  	_ =	shalt  }
0x58: {  	_ =	shalt  }
0x59: {  	_ =	shalt  }
0x5a: {  	_ =	shalt  }
0x5b: {  	_ =	shalt  }
0x5c: {  	_ =	shalt  }
0x5d: {  	_ =	shalt  }
0x5e: {  	_ =	shalt  }
0x5f: {  	_ =	shalt  }
0x60: {  	_ =	shalt  }
0x61: {  	_ =	shalt  }
0x62: {  	_ =	shalt  }
0x63: {  	_ =	shalt  }
0x64: {  	_ =	shalt  }
0x65: {  	_ =	shalt  }
0x66: {  	_ =	shalt  }
0x67: {  	_ =	shalt  }
0x68: {  	_ =	shalt  }
0x69: {  	_ =	shalt  }
0x6a: {  	_ =	shalt  }
0x6b: {  	_ =	shalt  }
0x6c: {  	_ =	shalt  }
0x6d: {  	_ =	shalt  }
0x6e: {  	_ =	shalt  }
0x6f: {  	_ =	shalt  }
0x70: {  	_ =	shalt  }
0x71: {  	_ =	shalt  }
0x72: {  	_ =	shalt  }
0x73: {  	_ =	shalt  }
0x74: {  	_ =	shalt  }
0x75: {  	_ =	shalt  }
0x76: {  	_ =	shalt  }
0x77: {  	_ =	shalt  }
0x78: {  	_ =	shalt  }
0x79: {  	_ =	shalt  }
0x7a: {  	_ =	shalt  }
0x7b: {  	_ =	shalt  }
0x7c: {  	_ =	shalt  }
0x7d: {  	_ =	shalt  }
0x7e: {  	_ =	shalt  }
0x7f: {  	_ =	shalt  }
0x80: {  	_ =	shalt  }
0x81: {  	_ =	shalt  }
0x82: {  	_ =	shalt  }
0x83: {  	_ =	shalt  }
0x84: {  	_ =	shalt  }
0x85: {  	_ =	shalt  }
0x86: {  	_ =	shalt  }
0x87: {  	_ =	shalt  }
.Lfunc_end0:
.L_simem_size_0:
called_computation_lowered:
.L_overlay_start_0:
0x88: {  	s2 =	sld [smem:$0x3FD9]  }
0x89: {  	s3 =	sld [smem:$0x3FFE];
	_ =	sdelay $0x1  }
0x8a: {  	s1 =	srdreg.scid  }
0x8b: {  	s0 =	sand.u32 $0x1, s1  }
0x8c: {  	s16 =	sshll.u32 s0, $0xA;
	s2 =	sadd.s32 s3, s2  }
0x8d: {  	s2 =	sadd.s32 s2, s16  }
0x8e: {  	[smem:$0x3FC0] =	sst s2  }
0x8f: {  	_ = 	snop  }
0x90: {  	(tm) =	ssettm $0x1  }
0x91: {  	s17 =	sld [smem:$0x3FFB];
	_ =	sdelay $0x3  }
0x92: {  	_ =	strace s17  }
0x93: {  	s2 =	sld [smem:$0x3FFC];
	_ =	sdelay $0x3  }
0x94: {  	_ =	strace s2  }
0x95: {  	s2 =	sld [smem:$0x3FFD];
	_ =	sdelay $0x3  }
0x96: {  	_ =	strace s2  }
0x97: {  	_ =	strace $0x8FFFFFFF  }
0x98: {  	s18 =	sld [smem:$0x3FDB];
	_ =	sdelay $0x1  }
0x99: {  	s19 =	simm.s32 $_scs_section_size  }
0x9a: {  	s4 =	simm.s32 $_size__tile_overlayer_lowered;
	s5 =	simm.s32 $_tile_overlayer_lowered  }
0x9b: {  	s22 =	simm.s32 $0x1BFF;
	s21 =	sshll.u32 s5, $0x1;
	s2 =	sadd.s32 s19, s18  }
0x9c: {  	s6 =	simm.s32 $0x0;
	s20 =	sshll.u32 s4, $0x1;
	s4 =	sadd.s32 s21, s2  }
0x9d: {  	[timem:s6], [sflag:s22] =	dma.local [hbm:s4], s20  }
0x9e: {  	_ =	swait.ge [sflag:s22], s20  }
0x9f: {  	s3 =	ssub.s32 $0x0, s20;
	[sflag:s22] =	ssyncset.done $0x0  }
0xa0: {  	[sflag:s22] =	ssyncadd.s32 s3;
	_ =	sdelay $0x1  }
0xa1: {  	s23 =	simm.s32 $0x1B8B  }
0xa2: {  	_ =	swait.ge [sflag:s23], $0x1  }
0xa3: {  	[sflag:s23] =	ssyncset.done $0x0  }
0xa4: {  	s25 =	simm.s32 $0x1B8E;
	s24 =	sld [smem:$0x3FFE];
	[sflag:s23] =	ssyncadd.s32 $0xFFFFFFFF  }
0xa5: {  	s26 =	simm.s32 $execute0_lowered;
	[smem:$0x3FD2] =	sst s25  }
0xa6: {  	s4 =	sshll.u32 s26, $0x1;
	_ =	strace $0x80000046;
	[dreg:$0x1] =	wrdreg $0xFFFFFFFF  }
0xa7: {  	s28 =	simm.s32 $_size_execute0_lowered;
	s2 =	sadd.s32 s2, s4;
	[dreg:$0x0] =	wrdreg $0x0  }
0xa8: {  	s4 =	sshll.u32 s28, $0x1;
	[dreg:$0x2] =	wrdreg s2  }
0xa9: {  	[dreg:$0x3] =	wrdreg s4  }
0xaa: {  	[dreg:$0x4] =	wrdreg $0xC0  }
0xab: {  	_ =	task [dreg:s6], $0x5FFFF  }
0xac: {  	[dreg:$0x1] =	wrdreg $0xFFFFFFFF  }
0xad: {  	[dreg:$0x0] =	wrdreg $0x60  }
0xae: {  	[dreg:$0x2] =	wrdreg s24  }
0xaf: {  	[dreg:$0x3] =	wrdreg $0x0  }
0xb0: {  	[dreg:$0x4] =	wrdreg $0x9  }
0xb1: {  	_ =	task.clear_ibuf [dreg:s6], $0x5FFFF;
	_ =	strace $0x90000046  }
0xb2: {  	s29 =	simm.s32 $0x9;
	_ =	strace $0x80000048  }
0xb3: {  	_ =	swait.ge [sflag:s29], $0x1  }
0xb4: {  	[sflag:s29] =	ssyncadd.s32 $0xFFFFFFFF  }
0xb5: {  	_ =	strace $0x90000048  }
0xb6: {  	_ =	sfence  }
0xb7: {  	s30 =	sld [smem:$0x0];
	_ =	sdelay $0x2  }
0xb8: {  	s31 =	sshll.u32 s1, $0xD;
	s1 =	sshrl.u32 s1, $0x2  }
0xb9: {  	s3 =	sand.u32 $0x4000, s31;
	s1 =	sadd.s32 s1, s30  }
0xba: {  	s0 =	sor.u32 s3, s0;
	s1 =	sshll.u32 s1, $0x11  }
0xbb: {  	s0 =	sor.u32 s1, s0  }
0xbc: {  	s0 =	sadd.s32 $0x8F2B, s0  }
0xbd: {  	[sflag:s0] =	ssyncadd.remote.s32 $0x1  }
0xbe: {  	_ =	sfence.sel $0xFFFF  }
0xbf: {  	[dreg:$0x0] =	wrdreg $0xFFFFFFFF;
	(pc) =	sbr.abs _section_cstart, $3  }
0xc0: {  	[dreg:$0x1] =	wrdreg $0xFFFFFFFF  }
0xc1: {  	_ =	task.clear_ibuf [dreg:s6], $0x2FFFF;
	_ =	strace $0x9FFFFFFF  }
0xc2: {  	(tm) =	ssettm $0x7FFFFFFF  }
0xc3: {  	_ =	shalt  }
tec
execute0_lowered:
.L_overlay_start_1:
0x0: {  	(tag) =	ssettag $0x1  }
0x1: {  	s18 =	stileid.u32  }
0x2: {  	s0 =	smul.u32 $0xA00, s18  }
0x3: {  	s1 =	srdreg.scid;
	s3 =	smul.u32 $0x278, s18  }
0x4: {  	s4 =	rddreg [dreg:$0x0];
	s2 =	sand.u32 $0x1, s1;
	s31 =	smul.u32 $0x2780, s18  }
0x5: {  	s1 =	simm.s32 $0x0;
	s6 =	sadd.s32 $0x21A00, s4;
	s5 =	smul.u32 $0x2780, s2  }
0x6: {  	[smem:$0x7FF] =	sst s1;
	s7 =	ssub.s32 $0x2, s2;
	s0 =	sadd.s32 s0, s4  }
0x7: {  	s15 =	sshrl.u32 s7, $0x1;
	s8 =	sadd.s32 $0x400, s31;
	s16 =	sshrl.u32 s31, $0x3  }
0x8: {  	s10 =	sadd.s32 $0xC00, s31;
	s11 =	sadd.s32 $0x1000, s31;
	s22 =	sadd.s32 $0x1400, s31  }
0x9: {  	s13 =	sadd.s32 $0x1800, s31;
	s14 =	sadd.s32 $0x1C00, s31;
	s3 =	sadd.s32 s3, s5  }
0xa: {  	s9 =	sshrl.u32 s8, $0x3;
	s12 =	sshrl.u32 s11, $0x3;
	s23 =	sshrl.u32 s22, $0x3  }
0xb: {  	s24 =	sshrl.u32 s13, $0x3;
	s3 =	sshll.u32 s3, $0x1;
	s17 =	sadd.s32 s6, s9  }
0xc: {  	s21 =	sadd.s32 s6, s12;
	s12 =	sadd.s32 s6, s23;
	[dreg:$0x4] =	wrdreg s17  }
0xd: {  	s3 =	sadd.s32 s3, s4;
	s4 =	ssub.s32 s7, s15;
	[dreg:$0x7] =	wrdreg s21  }
0xe: {  	s7 =	sadd.s32 s6, s16;
	[dreg:$0x8] =	wrdreg s12;
	s15 =	sshrl.u32 s14, $0x3  }
0xf: {  	s12 =	sadd.s32 s6, s24;
	s16 =	sadd.s32 $0x2000, s31;
	[dreg:$0x3] =	wrdreg s7  }
0x10: {  	[dreg:$0x9] =	wrdreg s12;
	s25 =	sadd.s32 s6, s15;
	s26 =	sshrl.u32 s16, $0x3  }
0x11: {  	s7 =	sadd.s32 $0x800, s31;
	[dreg:$0xa] =	wrdreg s25;
	s12 =	sadd.s32 s6, s26  }
0x12: {  	s20 =	sshrl.u32 s10, $0x3;
	s19 =	sshrl.u32 s7, $0x3;
	[dreg:$0xb] =	wrdreg s12  }
0x13: {  	s17 =	sadd.s32 $0x2400, s31;
	s9 =	sadd.s32 s6, s19;
	s12 =	rddreg [dreg:$0x1]  }
0x14: {  	s30 =	sshrl.u32 s17, $0x3;
	[dreg:$0x5] =	wrdreg s9;
	s9 =	sadd.s32 s6, s20  }
0x15: {  	s6 =	sadd.s32 s6, s30;
	[dreg:$0x6] =	wrdreg s9  }
0x16: {  	s31 =	sadd.s32 s31, s12;
	[dreg:$0xc] =	wrdreg s6  }
0x17: {  	s6 =	sadd.s32 s8, s12;
	_ =	strace $0x80000047;
	[dreg:$0xd] =	wrdreg s31  }
0x18: {  	s7 =	sadd.s32 s7, s12;
	[dreg:$0xe] =	wrdreg s6  }
0x19: {  	s8 =	sadd.s32 s10, s12;
	[dreg:$0xf] =	wrdreg s7  }
0x1a: {  	s10 =	sadd.s32 s11, s12;
	[dreg:$0x10] =	wrdreg s8  }
0x1b: {  	s11 =	sadd.s32 s22, s12;
	[dreg:$0x11] =	wrdreg s10  }
0x1c: {  	s13 =	sadd.s32 s13, s12;
	[dreg:$0x12] =	wrdreg s11  }
0x1d: {  	s14 =	sadd.s32 s14, s12;
	[dreg:$0x13] =	wrdreg s13  }
0x1e: {  	s16 =	sadd.s32 s16, s12;
	[dreg:$0x14] =	wrdreg s14  }
0x1f: {  	s17 =	sadd.s32 s17, s12;
	[dreg:$0x15] =	wrdreg s16  }
0x20: {  	s5 =	sshll.u32 s18, $0x6;
	s18 =	sadd.s32 $0x26A00, s3;
	[dreg:$0x16] =	wrdreg s17  }
0x21: {  	s19 =	sadd.s32 $0x26A80, s3;
	[dreg:$0x17] =	wrdreg s18  }
0x22: {  	s20 =	sadd.s32 $0x26B00, s3;
	[dreg:$0x18] =	wrdreg s19  }
0x23: {  	s21 =	sadd.s32 $0x26B80, s3;
	[dreg:$0x19] =	wrdreg s20  }
0x24: {  	s28 =	simm.s32 $0x8;
	s22 =	sadd.s32 $0x26C00, s3;
	[dreg:$0x1a] =	wrdreg s21  }
0x25: {  	s2 =	smul.u32 $0x500, s2;
	s23 =	sadd.s32 $0x26C80, s3;
	[dreg:$0x1b] =	wrdreg s22  }
0x26: {  	s29 =	simm.s32 $0x0;
	s24 =	sadd.s32 $0x26D00, s3;
	[dreg:$0x1c] =	wrdreg s23  }
0x27: {  	s0 =	sadd.s32 s2, s0;
	s25 =	sadd.s32 $0x26D80, s3;
	[dreg:$0x1d] =	wrdreg s24  }
0x28: {  	s15 =	sor.u32 $0x1C09, s5;
	s26 =	sadd.s32 $0x26E00, s3;
	[dreg:$0x1e] =	wrdreg s25  }
0x29: {  	s5 =	sadd.s32 $0x17A00, s0;
	s30 =	sadd.s32 $0x26E80, s3;
	[dreg:$0x1f] =	wrdreg s26  }
0x2a: {  	s9 =	simm.s32 $0x2B80;
	[smem:$0x7FC] =	sst s30;
	s31 =	smax.u32 s4, $0x1  }
0x2b: {  	s6 =	simm.s32 $0x9;
	s7 =	simm.s32 $0x2780;
	s8 =	simm.s32 $0x80  }
0x2c: {  	s11 =	simm.s32 $0x2800;
	s13 =	simm.s32 $0x2880;
	s14 =	simm.s32 $0x2900  }
0x2d: {  	s16 =	simm.s32 $0x2980;
	s17 =	simm.s32 $0x2A00;
	s18 =	simm.s32 $0x2A80  }
0x2e: {  	s19 =	simm.s32 $0x2B00;
	s20 =	simm.s32 $0x1;
	s21 =	simm.s32 $0x2  }
0x2f: {  	s22 =	simm.s32 $0x3;
	s23 =	simm.s32 $0x4;
	s24 =	simm.s32 $0x5  }
0x30: {  	v0 =	vimm.f32 $1.000000000e+00;
	s25 =	simm.s32 $0x6;
	s26 =	simm.s32 $0x7;
	[smem:$0x7FD] =	sst s31  }
.LBB2_1:
0x31: {  	s0 =	simm.s32 $0x40;
	s2 =	simm.s32 $0x0  }
.LBB2_2:
0x32: {  	p0 =	sne.s32 s0, $0x1FC0;
	[tilespmem:s2+$0x2B80] =	vst v0;
	s2 =	smov.u32 s0;
	s0 =	sadd.s32 $0x40, s0  }
.Ltmp0:
0x33: {  	(pc) =	sbr.rel @p0 .LBB2_2-.Ltmp0, $2  }
0x34: {  	_ =	sdelay $0x2  }
0x35: {  	s2 =	sshra.s32 s2, $0x2  }
0x36: {  	s0 =	rddreg [dreg:$0xd]  }
0x37: {  	s10 =	rddreg [dreg:$0x3];
	s4 =	sshrl.u32 s0, $0x3  }
0x38: {  	[tilespmem:s2+$0x2B80] =	vst v0;
	[smem:$0x7F5] =	sst s4  }
0x39: {  	[spmem:s4], [sflag:s15] =	dma.local [hbm:s10], $0x80  }
0x3a: {  	_ =	swait.ge [sflag:s6], $0x80  }
0x3b: {  	s3 =	rddreg [dreg:$0xe]  }
0x3c: {  	[sflag:s6] =	ssyncset.done $0x0;
	s10 =	rddreg [dreg:$0x4];
	s4 =	sshrl.u32 s3, $0x3  }
0x3d: {  	[sflag:s6] =	ssyncadd.s32 $0xFFFFFF80;
	[smem:$0x7F6] =	sst s4  }
0x3e: {  	[spmem:s4], [sflag:s15] =	dma.local [hbm:s10], $0x80  }
0x3f: {  	_ =	swait.ge [sflag:s6], $0x80  }
0x40: {  	s3 =	rddreg [dreg:$0xf]  }
0x41: {  	[sflag:s6] =	ssyncset.done $0x0;
	s10 =	rddreg [dreg:$0x5];
	s4 =	sshrl.u32 s3, $0x3  }
0x42: {  	[sflag:s6] =	ssyncadd.s32 $0xFFFFFF80;
	[smem:$0x7F7] =	sst s4  }
0x43: {  	[spmem:s4], [sflag:s15] =	dma.local [hbm:s10], $0x80  }
0x44: {  	_ =	swait.ge [sflag:s6], $0x80  }
0x45: {  	s3 =	rddreg [dreg:$0x10]  }
0x46: {  	[sflag:s6] =	ssyncset.done $0x0;
	s10 =	rddreg [dreg:$0x6];
	s4 =	sshrl.u32 s3, $0x3  }
0x47: {  	[sflag:s6] =	ssyncadd.s32 $0xFFFFFF80;
	[smem:$0x7F8] =	sst s4  }
0x48: {  	[spmem:s4], [sflag:s15] =	dma.local [hbm:s10], $0x80  }
0x49: {  	_ =	swait.ge [sflag:s6], $0x80  }
0x4a: {  	s3 =	rddreg [dreg:$0x11]  }
0x4b: {  	[sflag:s6] =	ssyncset.done $0x0;
	s10 =	rddreg [dreg:$0x7];
	s4 =	sshrl.u32 s3, $0x3  }
0x4c: {  	[sflag:s6] =	ssyncadd.s32 $0xFFFFFF80;
	[smem:$0x7F9] =	sst s4  }
0x4d: {  	[spmem:s4], [sflag:s15] =	dma.local [hbm:s10], $0x80  }
0x4e: {  	_ =	swait.ge [sflag:s6], $0x80  }
0x4f: {  	s3 =	rddreg [dreg:$0x12]  }
0x50: {  	[sflag:s6] =	ssyncset.done $0x0;
	s10 =	rddreg [dreg:$0x8];
	s4 =	sshrl.u32 s3, $0x3  }
0x51: {  	[sflag:s6] =	ssyncadd.s32 $0xFFFFFF80;
	[smem:$0x7FA] =	sst s4  }
0x52: {  	[spmem:s4], [sflag:s15] =	dma.local [hbm:s10], $0x80  }
0x53: {  	_ =	swait.ge [sflag:s6], $0x80  }
0x54: {  	s3 =	rddreg [dreg:$0x13]  }
0x55: {  	[sflag:s6] =	ssyncset.done $0x0;
	s10 =	rddreg [dreg:$0x9];
	s4 =	sshrl.u32 s3, $0x3  }
0x56: {  	[sflag:s6] =	ssyncadd.s32 $0xFFFFFF80;
	[smem:$0x7FB] =	sst s4  }
0x57: {  	[spmem:s4], [sflag:s15] =	dma.local [hbm:s10], $0x80  }
0x58: {  	_ =	swait.ge [sflag:s6], $0x80  }
0x59: {  	[sflag:s6] =	ssyncset.done $0x0;
	s2 =	rddreg [dreg:$0x14]  }
0x5a: {  	s3 =	rddreg [dreg:$0xa];
	[sflag:s6] =	ssyncadd.s32 $0xFFFFFF80;
	s30 =	sshrl.u32 s2, $0x3  }
0x5b: {  	[spmem:s30], [sflag:s15] =	dma.local [hbm:s3], $0x80  }
0x5c: {  	_ =	swait.ge [sflag:s6], $0x80  }
0x5d: {  	[sflag:s6] =	ssyncset.done $0x0;
	s4 =	rddreg [dreg:$0x15]  }
0x5e: {  	s10 =	rddreg [dreg:$0xb];
	[sflag:s6] =	ssyncadd.s32 $0xFFFFFF80;
	s31 =	sshrl.u32 s4, $0x3  }
0x5f: {  	[spmem:s31], [sflag:s15] =	dma.local [hbm:s10], $0x80  }
0x60: {  	_ =	swait.ge [sflag:s6], $0x80  }
0x61: {  	[sflag:s6] =	ssyncset.done $0x0;
	s2 =	rddreg [dreg:$0x16]  }
0x62: {  	s3 =	rddreg [dreg:$0xc];
	[sflag:s6] =	ssyncadd.s32 $0xFFFFFF80;
	s10 =	sshrl.u32 s2, $0x3  }
0x63: {  	[spmem:s10], [sflag:s15] =	dma.local [hbm:s3], $0x70  }
0x64: {  	_ =	swait.ge [sflag:s6], $0x70  }
0x65: {  	[sflag:s6] =	ssyncset.done $0x0  }
0x66: {  	[sflag:s6] =	ssyncadd.s32 $0xFFFFFF90  }
0x67: {  	s4 =	sadd.s32 $0x0, s5;
	[bflag:$0x0] =	sbarrier.arrive $0xFFFF  }
0x68: {  	[tilespmem:s7], [sflag:$0x9] =	stream.linear.gather [hbm4b:s4+s1], $0x400, $0x38;
	[tilespmem:$0x3380] =	vst v63  }
0x69: {  	_ =	swait.ge [sflag:s6], $0x400  }
0x6a: {  	[sflag:s6] =	ssyncset.done $0x0  }
0x6b: {  	[sflag:s6] =	ssyncadd.s32 $0xFFFFFC00  }
0x6c: {  	[spmem:s12] =	stream.indirect.scatter.add.f32 [tilespmem:s9], [sflag:$0x1], $0x10, s7, s8, $0xb8;
	[tilespmem:$0x3380] =	vst v63  }
0x6d: {  	_ = 	snop  }
0x6e: {  	[spmem:s12] =	stream.indirect.scatter.add.f32 [tilespmem:s9], [sflag:$0x2], $0x10, s11, s8, $0xb8;
	[tilespmem:$0x3380] =	vst v63  }
0x6f: {  	_ = 	snop  }
0x70: {  	[spmem:s12] =	stream.indirect.scatter.add.f32 [tilespmem:s9], [sflag:$0x3], $0x10, s13, s8, $0xb8;
	[tilespmem:$0x3380] =	vst v63  }
0x71: {  	_ = 	snop  }
0x72: {  	[spmem:s12] =	stream.indirect.scatter.add.f32 [tilespmem:s9], [sflag:$0x4], $0x10, s14, s8, $0xb8;
	[tilespmem:$0x3380] =	vst v63  }
0x73: {  	_ = 	snop  }
0x74: {  	[spmem:s12] =	stream.indirect.scatter.add.f32 [tilespmem:s9], [sflag:$0x5], $0x10, s16, s8, $0xb8;
	[tilespmem:$0x3380] =	vst v63  }
0x75: {  	_ = 	snop  }
0x76: {  	[spmem:s12] =	stream.indirect.scatter.add.f32 [tilespmem:s9], [sflag:$0x6], $0x10, s17, s8, $0xb8;
	[tilespmem:$0x3380] =	vst v63  }
0x77: {  	_ = 	snop  }
0x78: {  	[spmem:s12] =	stream.indirect.scatter.add.f32 [tilespmem:s9], [sflag:$0x7], $0x10, s18, s8, $0xb8;
	[tilespmem:$0x3380] =	vst v63  }
0x79: {  	_ = 	snop  }
0x7a: {  	[spmem:s12] =	stream.indirect.scatter.add.f32 [tilespmem:s9], [sflag:$0x8], $0x10, s19, s8, $0xb8;
	[tilespmem:$0x3380] =	vst v63  }
0x7b: {  	_ =	swait.ge [sflag:s20], $0x800  }
0x7c: {  	[sflag:s20] =	ssyncset.done $0x0  }
0x7d: {  	[sflag:s20] =	ssyncadd.s32 $0xFFFFF800  }
0x7e: {  	_ =	swait.ge [sflag:s21], $0x800  }
0x7f: {  	[sflag:s21] =	ssyncset.done $0x0  }
0x80: {  	[sflag:s21] =	ssyncadd.s32 $0xFFFFF800  }
0x81: {  	_ =	swait.ge [sflag:s22], $0x800  }
0x82: {  	[sflag:s22] =	ssyncset.done $0x0  }
0x83: {  	[sflag:s22] =	ssyncadd.s32 $0xFFFFF800  }
0x84: {  	_ =	swait.ge [sflag:s23], $0x800  }
0x85: {  	[sflag:s23] =	ssyncset.done $0x0  }
0x86: {  	[sflag:s23] =	ssyncadd.s32 $0xFFFFF800  }
0x87: {  	_ =	swait.ge [sflag:s24], $0x800  }
0x88: {  	[sflag:s24] =	ssyncset.done $0x0  }
0x89: {  	[sflag:s24] =	ssyncadd.s32 $0xFFFFF800  }
0x8a: {  	_ =	swait.ge [sflag:s25], $0x800  }
0x8b: {  	[sflag:s25] =	ssyncset.done $0x0  }
0x8c: {  	[sflag:s25] =	ssyncadd.s32 $0xFFFFF800  }
0x8d: {  	_ =	swait.ge [sflag:s26], $0x800  }
0x8e: {  	[sflag:s26] =	ssyncset.done $0x0  }
0x8f: {  	[sflag:s26] =	ssyncadd.s32 $0xFFFFF800  }
0x90: {  	_ =	swait.ge [sflag:s28], $0x800  }
0x91: {  	s0 =	simm.s32 $0x80;
	s2 =	simm.s32 $0x100;
	[sflag:s28] =	ssyncset.done $0x0  }
.LBB2_4:
0x92: {  	s4 =	sadd.s32 s0, s5  }
0x93: {  	[sflag:s28] =	ssyncadd.s32 $0xFFFFF800;
	s0 =	smov.u32 s2;
	s3 =	sadd.s32 $0x80, s2  }
0x94: {  	[tilespmem:s7], [sflag:$0x9] =	stream.linear.gather [hbm4b:s4+s1], $0x400, $0x38;
	[tilespmem:$0x3380] =	vst v63  }
0x95: {  	p0 =	sne.s32 s2, $0x480;
	_ =	swait.ge [sflag:s6], $0x400  }
0x96: {  	[sflag:s6] =	ssyncset.done $0x0  }
0x97: {  	[sflag:s6] =	ssyncadd.s32 $0xFFFFFC00  }
0x98: {  	[spmem:s12] =	stream.indirect.scatter.add.f32 [tilespmem:s9], [sflag:$0x1], $0x10, s7, s8, $0xb8;
	[tilespmem:$0x3380] =	vst v63  }
0x99: {  	_ = 	snop  }
0x9a: {  	[spmem:s12] =	stream.indirect.scatter.add.f32 [tilespmem:s9], [sflag:$0x2], $0x10, s11, s8, $0xb8;
	[tilespmem:$0x3380] =	vst v63  }
0x9b: {  	_ = 	snop  }
0x9c: {  	[spmem:s12] =	stream.indirect.scatter.add.f32 [tilespmem:s9], [sflag:$0x3], $0x10, s13, s8, $0xb8;
	[tilespmem:$0x3380] =	vst v63  }
0x9d: {  	_ = 	snop  }
0x9e: {  	[spmem:s12] =	stream.indirect.scatter.add.f32 [tilespmem:s9], [sflag:$0x4], $0x10, s14, s8, $0xb8;
	[tilespmem:$0x3380] =	vst v63  }
0x9f: {  	_ = 	snop  }
0xa0: {  	[spmem:s12] =	stream.indirect.scatter.add.f32 [tilespmem:s9], [sflag:$0x5], $0x10, s16, s8, $0xb8;
	[tilespmem:$0x3380] =	vst v63  }
0xa1: {  	_ = 	snop  }
0xa2: {  	[spmem:s12] =	stream.indirect.scatter.add.f32 [tilespmem:s9], [sflag:$0x6], $0x10, s17, s8, $0xb8;
	[tilespmem:$0x3380] =	vst v63  }
0xa3: {  	_ = 	snop  }
0xa4: {  	[spmem:s12] =	stream.indirect.scatter.add.f32 [tilespmem:s9], [sflag:$0x7], $0x10, s18, s8, $0xb8;
	[tilespmem:$0x3380] =	vst v63  }
0xa5: {  	_ = 	snop  }
0xa6: {  	[spmem:s12] =	stream.indirect.scatter.add.f32 [tilespmem:s9], [sflag:$0x8], $0x10, s19, s8, $0xb8;
	[tilespmem:$0x3380] =	vst v63  }
0xa7: {  	_ =	swait.ge [sflag:s20], $0x800  }
0xa8: {  	[sflag:s20] =	ssyncset.done $0x0  }
0xa9: {  	[sflag:s20] =	ssyncadd.s32 $0xFFFFF800  }
0xaa: {  	_ =	swait.ge [sflag:s21], $0x800  }
0xab: {  	[sflag:s21] =	ssyncset.done $0x0  }
0xac: {  	[sflag:s21] =	ssyncadd.s32 $0xFFFFF800  }
0xad: {  	_ =	swait.ge [sflag:s22], $0x800  }
0xae: {  	[sflag:s22] =	ssyncset.done $0x0  }
0xaf: {  	[sflag:s22] =	ssyncadd.s32 $0xFFFFF800  }
0xb0: {  	_ =	swait.ge [sflag:s23], $0x800  }
0xb1: {  	[sflag:s23] =	ssyncset.done $0x0  }
0xb2: {  	[sflag:s23] =	ssyncadd.s32 $0xFFFFF800  }
0xb3: {  	_ =	swait.ge [sflag:s24], $0x800  }
0xb4: {  	[sflag:s24] =	ssyncset.done $0x0  }
0xb5: {  	[sflag:s24] =	ssyncadd.s32 $0xFFFFF800  }
0xb6: {  	_ =	swait.ge [sflag:s25], $0x800  }
0xb7: {  	[sflag:s25] =	ssyncset.done $0x0  }
0xb8: {  	[sflag:s25] =	ssyncadd.s32 $0xFFFFF800  }
.Ltmp1:
0xb9: {  	_ =	swait.ge [sflag:s26], $0x800;
	(pc) =	sbr.rel @p0 .LBB2_4-.Ltmp1, $4  }
0xba: {  	[sflag:s26] =	ssyncset.done $0x0  }
0xbb: {  	[sflag:s26] =	ssyncadd.s32 $0xFFFFF800  }
0xbc: {  	_ =	swait.ge [sflag:s28], $0x800  }
0xbd: {  	s2 =	smov.u32 s3;
	[sflag:s28] =	ssyncset.done $0x0  }
0xbe: {  	s0 =	sadd.s32 s0, s5;
	[sflag:s28] =	ssyncadd.s32 $0xFFFFF800  }
0xbf: {  	[tilespmem:s7], [sflag:$0x9] =	stream.linear.gather [hbm4b:s0+s1], $0x400, $0x38;
	[tilespmem:$0x3380] =	vst v63  }
0xc0: {  	_ =	swait.ge [sflag:s6], $0x400  }
0xc1: {  	[sflag:s6] =	ssyncset.done $0x0  }
0xc2: {  	[sflag:s6] =	ssyncadd.s32 $0xFFFFFC00  }
0xc3: {  	[spmem:s12] =	stream.indirect.scatter.add.f32 [tilespmem:s9], [sflag:$0x1], $0x10, s7, s8, $0xb8;
	[tilespmem:$0x3380] =	vst v63  }
0xc4: {  	_ = 	snop  }
0xc5: {  	[spmem:s12] =	stream.indirect.scatter.add.f32 [tilespmem:s9], [sflag:$0x2], $0x10, s11, s8, $0xb8;
	[tilespmem:$0x3380] =	vst v63  }
0xc6: {  	_ = 	snop  }
0xc7: {  	[spmem:s12] =	stream.indirect.scatter.add.f32 [tilespmem:s9], [sflag:$0x3], $0x10, s13, s8, $0xb8;
	[tilespmem:$0x3380] =	vst v63  }
0xc8: {  	_ = 	snop  }
0xc9: {  	[spmem:s12] =	stream.indirect.scatter.add.f32 [tilespmem:s9], [sflag:$0x4], $0x10, s14, s8, $0xb8;
	[tilespmem:$0x3380] =	vst v63  }
0xca: {  	_ = 	snop  }
0xcb: {  	[spmem:s12] =	stream.indirect.scatter.add.f32 [tilespmem:s9], [sflag:$0x5], $0x10, s16, s8, $0xb8;
	[tilespmem:$0x3380] =	vst v63  }
0xcc: {  	_ = 	snop  }
0xcd: {  	[spmem:s12] =	stream.indirect.scatter.add.f32 [tilespmem:s9], [sflag:$0x6], $0x10, s17, s8, $0xb8;
	[tilespmem:$0x3380] =	vst v63  }
0xce: {  	_ = 	snop  }
0xcf: {  	[spmem:s12] =	stream.indirect.scatter.add.f32 [tilespmem:s9], [sflag:$0x7], $0x10, s18, s8, $0xb8;
	[tilespmem:$0x3380] =	vst v63  }
0xd0: {  	_ = 	snop  }
0xd1: {  	[spmem:s12] =	stream.indirect.scatter.add.f32 [tilespmem:s9], [sflag:$0x8], $0x10, s19, s8, $0xb8;
	[tilespmem:$0x3380] =	vst v63  }
0xd2: {  	_ =	swait.ge [sflag:s20], $0x800  }
0xd3: {  	[sflag:s20] =	ssyncset.done $0x0  }
0xd4: {  	[sflag:s20] =	ssyncadd.s32 $0xFFFFF800  }
0xd5: {  	_ =	swait.ge [sflag:s21], $0x800  }
0xd6: {  	[sflag:s21] =	ssyncset.done $0x0  }
0xd7: {  	[sflag:s21] =	ssyncadd.s32 $0xFFFFF800  }
0xd8: {  	_ =	swait.ge [sflag:s22], $0x800  }
0xd9: {  	[sflag:s22] =	ssyncset.done $0x0  }
0xda: {  	[sflag:s22] =	ssyncadd.s32 $0xFFFFF800  }
0xdb: {  	_ =	swait.ge [sflag:s23], $0x800  }
0xdc: {  	[sflag:s23] =	ssyncset.done $0x0  }
0xdd: {  	[sflag:s23] =	ssyncadd.s32 $0xFFFFF800  }
0xde: {  	_ =	swait.ge [sflag:s24], $0x800  }
0xdf: {  	[sflag:s24] =	ssyncset.done $0x0  }
0xe0: {  	[sflag:s24] =	ssyncadd.s32 $0xFFFFF800  }
0xe1: {  	_ =	swait.ge [sflag:s25], $0x800  }
0xe2: {  	[sflag:s25] =	ssyncset.done $0x0  }
0xe3: {  	[sflag:s25] =	ssyncadd.s32 $0xFFFFF800  }
0xe4: {  	_ =	swait.ge [sflag:s26], $0x800  }
0xe5: {  	[sflag:s26] =	ssyncset.done $0x0  }
0xe6: {  	[sflag:s26] =	ssyncadd.s32 $0xFFFFF800  }
0xe7: {  	_ =	swait.ge [sflag:s28], $0x800  }
0xe8: {  	[sflag:s28] =	ssyncset.done $0x0  }
0xe9: {  	[sflag:s28] =	ssyncadd.s32 $0xFFFFF800  }
0xea: {  	[bflag:$0x0] =	sbarrier.arrive $0xFFFF  }
0xeb: {  	s2 =	sld [smem:$0x7F5];
	_ =	sdelay $0x1  }
0xec: {  	s4 =	rddreg [dreg:$0x17]  }
0xed: {  	[hbm:s4], [sflag:s15] =	dma.local [spmem:s2], $0x80  }
0xee: {  	_ =	swait.ge [sflag:s6], $0x80  }
0xef: {  	s4 =	sld [smem:$0x7F6]  }
0xf0: {  	[sflag:s6] =	ssyncset.done $0x0  }
0xf1: {  	s3 =	rddreg [dreg:$0x18];
	[sflag:s6] =	ssyncadd.s32 $0xFFFFFF80  }
0xf2: {  	[hbm:s3], [sflag:s15] =	dma.local [spmem:s4], $0x80  }
0xf3: {  	_ =	swait.ge [sflag:s6], $0x80  }
0xf4: {  	s4 =	sld [smem:$0x7F7]  }
0xf5: {  	[sflag:s6] =	ssyncset.done $0x0  }
0xf6: {  	s3 =	rddreg [dreg:$0x19];
	[sflag:s6] =	ssyncadd.s32 $0xFFFFFF80  }
0xf7: {  	[hbm:s3], [sflag:s15] =	dma.local [spmem:s4], $0x80  }
0xf8: {  	_ =	swait.ge [sflag:s6], $0x80  }
0xf9: {  	s4 =	sld [smem:$0x7F8]  }
0xfa: {  	[sflag:s6] =	ssyncset.done $0x0  }
0xfb: {  	s3 =	rddreg [dreg:$0x1a];
	[sflag:s6] =	ssyncadd.s32 $0xFFFFFF80  }
0xfc: {  	[hbm:s3], [sflag:s15] =	dma.local [spmem:s4], $0x80  }
0xfd: {  	_ =	swait.ge [sflag:s6], $0x80  }
0xfe: {  	s4 =	sld [smem:$0x7F9]  }
0xff: {  	[sflag:s6] =	ssyncset.done $0x0  }
0x100: {  	s3 =	rddreg [dreg:$0x1b];
	[sflag:s6] =	ssyncadd.s32 $0xFFFFFF80  }
0x101: {  	[hbm:s3], [sflag:s15] =	dma.local [spmem:s4], $0x80  }
0x102: {  	_ =	swait.ge [sflag:s6], $0x80  }
0x103: {  	s4 =	sld [smem:$0x7FA]  }
0x104: {  	[sflag:s6] =	ssyncset.done $0x0  }
0x105: {  	s3 =	rddreg [dreg:$0x1c];
	[sflag:s6] =	ssyncadd.s32 $0xFFFFFF80  }
0x106: {  	[hbm:s3], [sflag:s15] =	dma.local [spmem:s4], $0x80  }
0x107: {  	_ =	swait.ge [sflag:s6], $0x80  }
0x108: {  	s4 =	sld [smem:$0x7FB]  }
0x109: {  	[sflag:s6] =	ssyncset.done $0x0  }
0x10a: {  	s3 =	rddreg [dreg:$0x1d];
	[sflag:s6] =	ssyncadd.s32 $0xFFFFFF80  }
0x10b: {  	[hbm:s3], [sflag:s15] =	dma.local [spmem:s4], $0x80  }
0x10c: {  	_ =	swait.ge [sflag:s6], $0x80  }
0x10d: {  	[sflag:s6] =	ssyncset.done $0x0  }
0x10e: {  	s3 =	rddreg [dreg:$0x1e];
	[sflag:s6] =	ssyncadd.s32 $0xFFFFFF80  }
0x10f: {  	[hbm:s3], [sflag:s15] =	dma.local [spmem:s30], $0x80  }
0x110: {  	_ =	swait.ge [sflag:s6], $0x80  }
0x111: {  	[sflag:s6] =	ssyncset.done $0x0  }
0x112: {  	s4 =	rddreg [dreg:$0x1f];
	[sflag:s6] =	ssyncadd.s32 $0xFFFFFF80  }
0x113: {  	[hbm:s4], [sflag:s15] =	dma.local [spmem:s31], $0x80  }
0x114: {  	_ =	swait.ge [sflag:s6], $0x80  }
0x115: {  	s30 =	sld [smem:$0x7FC]  }
0x116: {  	[sflag:s6] =	ssyncset.done $0x0  }
0x117: {  	[sflag:s6] =	ssyncadd.s32 $0xFFFFFF80  }
0x118: {  	[hbm:s30], [sflag:s15] =	dma.local [spmem:s10], $0x70  }
0x119: {  	_ =	swait.ge [sflag:s6], $0x70  }
0x11a: {  	s31 =	sld [smem:$0x7FD];
	_ =	sdelay $0x1  }
0x11b: {  	s29 =	sadd.s32 $0x1, s29  }
0x11c: {  	p0 =	sne.s32 s29, s31  }
.Ltmp2:
0x11d: {  	_ = 	snop;
	(pc) =	sbr.rel @p0 .LBB2_1-.Ltmp2, $3  }
0x11e: {  	_ =	sdelay $0x1  }
0x11f: {  	[sflag:s6] =	ssyncset.done $0x0  }
0x120: {  	[sflag:s6] =	ssyncadd.s32 $0xFFFFFF90  }
0x121: {  	_ =	sfence.sel $0x180000  }
0x122: {  	[bflag:$0x0] =	sbarrier.arrive $0xFFFF  }
0x123: {  	_ =	strace $0x90000047  }
0x124: {  	s0 =	stileid.u32;
	[bflag:$0x2] =	sbarrier.arrive $0xFFFF  }
0x125: {  	p0 =	sne.s32 s0, $0x0;
	s0 =	rddreg [dreg:$0x2]  }
0x126: {  	s0 =	sadd.s32 @!p0 $0x100000, s0  }
0x127: {  	[sflag:s0] =	ssyncadd.tile.s32 @!p0 $0x1;
	_ =	shalt  }
.Lfunc_end2:
_tile_overlayer_lowered:
.L_overlay_start_2:
0x128: {  	(tag) =	ssettag $0x2  }
0x129: {  	s0 =	rddreg [dreg:$0x0];
	s2 =	stileid.u32  }
0x12a: {  	s1 =	rddreg [dreg:$0x1];
	p0 =	sne.s32 s2, $0x0  }
0x12b: {  	s3 =	rddreg [dreg:$0x2];
	[bflag:$0x3] =	sbarrier.arrive $0xFFFF;
	s2 =	simm.s32 @!p0 $0x1C09  }
0x12c: {  	[timem:s3], [sflag:s2] =	dma.local @!p0 [hbm:s0], s1  }
0x12d: {  	s0 =	simm.s32 @!p0 $0x9  }
0x12e: {  	_ =	swait.ge @!p0 [sflag:s0], s1  }
0x12f: {  	s1 =	ssub.s32 @!p0 $0x0, s1;
	[sflag:s0] =	ssyncset.done @!p0 $0x0  }
0x130: {  	[sflag:s0] =	ssyncadd.s32 @!p0 s1  }
0x131: {  	[bflag:$0x3] =	sbarrier.arrive $0xFFFF  }
0x132: {  	_ =	shalt  }

</sc_bundles>
